<compile_context>
chip_gen: v7x
topology: tpu7x:2x2x1
jax: 0.10.2.dev20260603
libtpu: 0.0.44.dev20260713+nightly
codegen_flags: <defaults>
</compile_context>

<pallas_src>
import functools

import jax
import jax.numpy as jnp
from jax import lax
from jax.experimental import pallas as pl
from jax.experimental.pallas import tpu as pltpu
from jax.experimental.pallas import tpu_sc as plsc

N = 10000
E = 320000
D = 128
R = 8

NC = 2
NS = 16
NW = NC * NS
EPW = E // NW
CHUNK = 100
NCHUNK = EPW // CHUNK
RPT = N // NS
ZREP = RPT // CHUNK
ZREM = RPT - ZREP * CHUNK


def _table_body(x_ref, rel_ref, out_ref):
    r = pl.program_id(0)
    out_ref[...] = x_ref[...] * rel_ref[r, :][None, :]


def _build_table(x, rel_emb):
    return pl.pallas_call(
        _table_body,
        grid=(R,),
        in_specs=[
            pl.BlockSpec((N, D), lambda r: (0, 0)),
            pl.BlockSpec((R, D), lambda r: (0, 0)),
        ],
        out_specs=pl.BlockSpec((N, D), lambda r: (r, 0)),
        out_shape=jax.ShapeDtypeStruct((R * N, D), jnp.float32),
    )(x, rel_emb)


def _ci_body(src_ref, et_ref, out_ref):
    out_ref[...] = et_ref[...] * N + src_ref[...]


def _build_ci(src2, et2):
    return pl.pallas_call(
        _ci_body,
        out_shape=jax.ShapeDtypeStruct(src2.shape, jnp.int32),
    )(src2, et2)


NPH = 5
CPP = NCHUNK // NPH
NBUF = 3
NGRP = (CPP - NBUF) // NBUF


def _sc_agg_body(table_hbm, ci_hbm, dst_hbm, dum_hbm, out_hbm, ci_v, dst_v,
                 rows_v, agg_sh, gsems):
    cid = lax.axis_index("c")
    sid = lax.axis_index("s")
    wid = sid * NC + cid

    def _zrow(r, c):
        for dd in range(D // 16):
            rows_v[0, r, pl.ds(dd * 16, 16)] = jnp.zeros((16,), jnp.float32)
        return c

    lax.fori_loop(0, CHUNK, _zrow, 0)
    for j in range(ZREP):
        pltpu.sync_copy(rows_v.at[0],
                        agg_sh.at[pl.ds(sid * RPT + j * CHUNK, CHUNK)])
    if ZREM:
        pltpu.sync_copy(rows_v.at[0, pl.ds(0, ZREM)],
                        agg_sh.at[pl.ds(sid * RPT + ZREP * CHUNK, ZREM)])

    plsc.subcore_barrier()

    def _drain(b):
        pltpu.make_async_copy(dum_hbm, rows_v.at[b], gsems.at[b]).wait()

    for p in range(NPH):
        pltpu.sync_copy(ci_hbm.at[wid, p], ci_v)
        pltpu.sync_copy(dst_hbm.at[wid, p], dst_v)

        for b in range(NBUF):
            pltpu.async_copy(table_hbm.at[ci_v.at[b]], rows_v.at[b],
                             gsems.at[b])

        def _group(g, c):
            for b in range(NBUF):
                k = g * NBUF + b
                _drain(b)
                pltpu.sync_copy(rows_v.at[b], agg_sh.at[dst_v.at[k]],
                                add=True)
                pltpu.async_copy(table_hbm.at[ci_v.at[k + NBUF]],
                                 rows_v.at[b], gsems.at[b])
            return c

        lax.fori_loop(0, NGRP, _group, 0)
        for k in range(NGRP * NBUF, CPP):
            b = k % NBUF
            _drain(b)
            pltpu.sync_copy(rows_v.at[b], agg_sh.at[dst_v.at[k]], add=True)
            if k + NBUF < CPP:
                pltpu.async_copy(table_hbm.at[ci_v.at[k + NBUF]],
                                 rows_v.at[b], gsems.at[b])

    plsc.subcore_barrier()

    pltpu.sync_copy(agg_sh.at[pl.ds(sid * RPT, RPT)], out_hbm.at[cid, sid])


_sc_agg = functools.partial(
    pl.kernel,
    out_type=jax.ShapeDtypeStruct((NC, NS, RPT, D), jnp.float32),
    mesh=plsc.VectorSubcoreMesh(core_axis_name="c", subcore_axis_name="s"),
    scratch_types=[
        pltpu.VMEM((CPP, CHUNK), jnp.int32),
        pltpu.VMEM((CPP, CHUNK), jnp.int32),
        pltpu.VMEM((NBUF, CHUNK, D), jnp.float32),
        pltpu.VMEM_SHARED((N, D), jnp.float32),
        pltpu.SemaphoreType.DMA((NBUF,)),
    ],
)(_sc_agg_body)


def _out_body(agg_ref, x_ref, w_ref, ws_ref, out_ref):
    a = agg_ref[0] + agg_ref[1]
    out_ref[...] = (
        jnp.dot(a, w_ref[...], preferred_element_type=jnp.float32)
        + jnp.dot(x_ref[...], ws_ref[...], preferred_element_type=jnp.float32)
    )


def _combine(agg2, x, W, W_self):
    NB = 2000
    return pl.pallas_call(
        _out_body,
        grid=(N // NB,),
        in_specs=[
            pl.BlockSpec((NC, NB, D), lambda i: (0, i, 0)),
            pl.BlockSpec((NB, D), lambda i: (i, 0)),
            pl.BlockSpec((D, D), lambda i: (0, 0)),
            pl.BlockSpec((D, D), lambda i: (0, 0)),
        ],
        out_specs=pl.BlockSpec((NB, D), lambda i: (i, 0)),
        out_shape=jax.ShapeDtypeStruct((N, D), jnp.float32),
    )(agg2, x, W, W_self)


def kernel(x, edge_index, edge_type, rel_emb, W, W_self):
    src = edge_index[0].astype(jnp.int32)
    dst = edge_index[1].astype(jnp.int32)
    et = edge_type.astype(jnp.int32)

    table = _build_table(x, rel_emb)
    ci2 = _build_ci(src.reshape(E // D, D), et.reshape(E // D, D))

    ci_sl = ci2.reshape(NW, NPH, CPP, CHUNK)
    dst_sl = dst.reshape(NW, NPH, CPP, CHUNK)

    dum = jnp.zeros((CHUNK, D), jnp.float32)
    agg2 = _sc_agg(table, ci_sl, dst_sl, dum).reshape(NC, N, D)
    return _combine(agg2, x, W, W_self)

# --- scband reference (transcript-rebuilt; emitter-appended) ---
"""Pipeline reference for scband-relational-msg-88141318848530 (READ-ONLY COPY).

The authoritative reference and input builder live on the scoring server;
editing this copy changes nothing except your own understanding.
"""

import jax, jax.numpy as jnp
import numpy as np

N_NODES = 10000
N_EDGES = 320000
D = 128
R = 8

def setup_inputs(seed: int = 0) -> dict:
    key = jax.random.key(seed)
    k1, k2, k3, k4, k5, k6 = jax.random.split(key, 6)
    x = jax.random.normal(k1, (N_NODES, D), dtype=jnp.float32)
    edge_index = jax.random.randint(k2, (2, N_EDGES), 0, N_NODES, dtype=jnp.int64)
    edge_type = jax.random.randint(k3, (N_EDGES,), 0, R, dtype=jnp.int64)
    rel_emb = jax.random.normal(k4, (R, D), dtype=jnp.float32) * 0.1
    W = jax.random.normal(k5, (D, D), dtype=jnp.float32) * (1.0 / np.sqrt(D))
    W_self = jax.random.normal(k6, (D, D), dtype=jnp.float32) * (1.0 / np.sqrt(D))
    return {"x": x, "edge_index": edge_index, "edge_type": edge_type, "rel_emb": rel_emb, "W": W, "W_self": W_self}

def reference(x, edge_index, edge_type, rel_emb, W, W_self):
    # Relational message passing: gather source node features, modulate by
    # a per-relation embedding, scatter-add into destination nodes, then
    # apply an output projection plus a self-loop projection.
    src = edge_index[0]
    dst = edge_index[1]
    msg = jnp.take(x, src, axis=0) * jnp.take(rel_emb, edge_type, axis=0)  # [E, D]
    agg = jax.ops.segment_sum(msg, dst, num_segments=x.shape[0])  # [N, D]
    out = agg @ W + x @ W_self  # [N, D]
    return out

if __name__ == "__main__":
    import jax
    _d = setup_inputs()
    print(jax.jit(kernel)(*tuple(_d.values())))

</pallas_src>

<mosaic_0001>
#map = affine_map<(d0, d1) -> (0, 0)>
#map1 = affine_map<(d0, d1) -> (0, 0, 0, 0)>
module attributes {stable_mosaic.version = 14 : i64} {
  func.func @_sc_agg_body(%arg0: i32, %arg1: i32, %arg2: memref<80000x128xf32, #tpu.memory_space<hbm>>, %arg3: memref<32x5x20x100xi32, #tpu.memory_space<hbm>>, %arg4: memref<32x5x20x100xi32, #tpu.memory_space<hbm>>, %arg5: memref<100x128xf32, #tpu.memory_space<hbm>>, %arg6: memref<2x16x625x128xf32, #tpu.memory_space<hbm>>, %arg7: memref<20x100xi32, #tpu.memory_space<vmem>>, %arg8: memref<20x100xi32, #tpu.memory_space<vmem>>, %arg9: memref<3x100x128xf32, #tpu.memory_space<vmem>>, %arg10: memref<10000x128xf32, #tpu.memory_space<vmem_shared>>, %arg11: memref<3x!tpu.dma_semaphore, #tpu.memory_space<semaphore_mem>>) attributes {dimension_semantics = [#tpu.dimension_semantics<core_parallel>, #tpu.dimension_semantics<subcore_parallel>], iteration_bounds = array<i64: 2, 16>, scalar_prefetch = 0 : i64, scratch_operands = 5 : i64, tpu.core_type = #tpu.core_type<sc_vector_subcore>, window_params = [{transform_indices = #map}, {transform_indices = #map1}, {transform_indices = #map1}, {transform_indices = #map}, {transform_indices = #map1}]} {
    %mul3A = arith.constant 2 : i32
    %mul3A_0 = arith.muli %arg1, %mul3A : i32
    %add3A = arith.addi %mul3A_0, %arg0 : i32
    %scan3A = arith.constant 0 : i32
    %scan3A_1 = arith.constant 0 : i32
    %scan3A_2 = arith.constant 100 : i32
    %scan3A_3 = arith.addi %scan3A_1, %scan3A_2 : i32
    %scan3A_4 = arith.constant 1 : i32
    scf.for %scan3A_806 = %scan3A_1 to %scan3A_3 step %scan3A_4  : i32 {
      %broadcast_in_dim3A = arith.constant 0.000000e+00 : f32
      %broadcast_in_dim3A_807 = vector.broadcast %broadcast_in_dim3A : f32 to vector<16xf32>
      %swap3A = arith.constant 0 : i32
      %swap3A_808 = arith.index_cast %swap3A : i32 to index
      %swap3A_809 = arith.index_cast %scan3A_806 : i32 to index
      %swap3A_810 = arith.constant 0 : index
      %swap3A_811 = tpu.vector_load %arg9[%swap3A_808, %swap3A_809, %swap3A_810] {strides = array<i32>} : memref<3x100x128xf32, #tpu.memory_space<vmem>>, vector<1x1x16xf32>,
      %swap3A_812 = vector.shape_cast %swap3A_811 : vector<1x1x16xf32> to vector<16xf32>
      %swap3A_813 = vector.shape_cast %broadcast_in_dim3A_807 : vector<16xf32> to vector<1x1x16xf32>
      tpu.vector_store %arg9[%swap3A_808, %swap3A_809, %swap3A_810], %swap3A_813 {strides = array<i32>} : memref<3x100x128xf32, #tpu.memory_space<vmem>>, vector<1x1x16xf32>,
      %broadcast_in_dim3A_814 = arith.constant 0.000000e+00 : f32
      %broadcast_in_dim3A_815 = vector.broadcast %broadcast_in_dim3A_814 : f32 to vector<16xf32>
      %swap3A_816 = arith.constant 0 : i32
      %swap3A_817 = arith.index_cast %swap3A_816 : i32 to index
      %swap3A_818 = arith.index_cast %scan3A_806 : i32 to index
      %swap3A_819 = arith.constant 16 : index
      %swap3A_820 = tpu.vector_load %arg9[%swap3A_817, %swap3A_818, %swap3A_819] {strides = array<i32>} : memref<3x100x128xf32, #tpu.memory_space<vmem>>, vector<1x1x16xf32>,
      %swap3A_821 = vector.shape_cast %swap3A_820 : vector<1x1x16xf32> to vector<16xf32>
      %swap3A_822 = vector.shape_cast %broadcast_in_dim3A_815 : vector<16xf32> to vector<1x1x16xf32>
      tpu.vector_store %arg9[%swap3A_817, %swap3A_818, %swap3A_819], %swap3A_822 {strides = array<i32>} : memref<3x100x128xf32, #tpu.memory_space<vmem>>, vector<1x1x16xf32>,
      %broadcast_in_dim3A_823 = arith.constant 0.000000e+00 : f32
      %broadcast_in_dim3A_824 = vector.broadcast %broadcast_in_dim3A_823 : f32 to vector<16xf32>
      %swap3A_825 = arith.constant 0 : i32
      %swap3A_826 = arith.index_cast %swap3A_825 : i32 to index
      %swap3A_827 = arith.index_cast %scan3A_806 : i32 to index
      %swap3A_828 = arith.constant 32 : index
      %swap3A_829 = tpu.vector_load %arg9[%swap3A_826, %swap3A_827, %swap3A_828] {strides = array<i32>} : memref<3x100x128xf32, #tpu.memory_space<vmem>>, vector<1x1x16xf32>,
      %swap3A_830 = vector.shape_cast %swap3A_829 : vector<1x1x16xf32> to vector<16xf32>
      %swap3A_831 = vector.shape_cast %broadcast_in_dim3A_824 : vector<16xf32> to vector<1x1x16xf32>
      tpu.vector_store %arg9[%swap3A_826, %swap3A_827, %swap3A_828], %swap3A_831 {strides = array<i32>} : memref<3x100x128xf32, #tpu.memory_space<vmem>>, vector<1x1x16xf32>,
      %broadcast_in_dim3A_832 = arith.constant 0.000000e+00 : f32
      %broadcast_in_dim3A_833 = vector.broadcast %broadcast_in_dim3A_832 : f32 to vector<16xf32>
      %swap3A_834 = arith.constant 0 : i32
      %swap3A_835 = arith.index_cast %swap3A_834 : i32 to index
      %swap3A_836 = arith.index_cast %scan3A_806 : i32 to index
      %swap3A_837 = arith.constant 48 : index
      %swap3A_838 = tpu.vector_load %arg9[%swap3A_835, %swap3A_836, %swap3A_837] {strides = array<i32>} : memref<3x100x128xf32, #tpu.memory_space<vmem>>, vector<1x1x16xf32>,
      %swap3A_839 = vector.shape_cast %swap3A_838 : vector<1x1x16xf32> to vector<16xf32>
      %swap3A_840 = vector.shape_cast %broadcast_in_dim3A_833 : vector<16xf32> to vector<1x1x16xf32>
      tpu.vector_store %arg9[%swap3A_835, %swap3A_836, %swap3A_837], %swap3A_840 {strides = array<i32>} : memref<3x100x128xf32, #tpu.memory_space<vmem>>, vector<1x1x16xf32>,
      %broadcast_in_dim3A_841 = arith.constant 0.000000e+00 : f32
      %broadcast_in_dim3A_842 = vector.broadcast %broadcast_in_dim3A_841 : f32 to vector<16xf32>
      %swap3A_843 = arith.constant 0 : i32
      %swap3A_844 = arith.index_cast %swap3A_843 : i32 to index
      %swap3A_845 = arith.index_cast %scan3A_806 : i32 to index
      %swap3A_846 = arith.constant 64 : index
      %swap3A_847 = tpu.vector_load %arg9[%swap3A_844, %swap3A_845, %swap3A_846] {strides = array<i32>} : memref<3x100x128xf32, #tpu.memory_space<vmem>>, vector<1x1x16xf32>,
      %swap3A_848 = vector.shape_cast %swap3A_847 : vector<1x1x16xf32> to vector<16xf32>
      %swap3A_849 = vector.shape_cast %broadcast_in_dim3A_842 : vector<16xf32> to vector<1x1x16xf32>
      tpu.vector_store %arg9[%swap3A_844, %swap3A_845, %swap3A_846], %swap3A_849 {strides = array<i32>} : memref<3x100x128xf32, #tpu.memory_space<vmem>>, vector<1x1x16xf32>,
      %broadcast_in_dim3A_850 = arith.constant 0.000000e+00 : f32
      %broadcast_in_dim3A_851 = vector.broadcast %broadcast_in_dim3A_850 : f32 to vector<16xf32>
      %swap3A_852 = arith.constant 0 : i32
      %swap3A_853 = arith.index_cast %swap3A_852 : i32 to index
      %swap3A_854 = arith.index_cast %scan3A_806 : i32 to index
      %swap3A_855 = arith.constant 80 : index
      %swap3A_856 = tpu.vector_load %arg9[%swap3A_853, %swap3A_854, %swap3A_855] {strides = array<i32>} : memref<3x100x128xf32, #tpu.memory_space<vmem>>, vector<1x1x16xf32>,
      %swap3A_857 = vector.shape_cast %swap3A_856 : vector<1x1x16xf32> to vector<16xf32>
      %swap3A_858 = vector.shape_cast %broadcast_in_dim3A_851 : vector<16xf32> to vector<1x1x16xf32>
      tpu.vector_store %arg9[%swap3A_853, %swap3A_854, %swap3A_855], %swap3A_858 {strides = array<i32>} : memref<3x100x128xf32, #tpu.memory_space<vmem>>, vector<1x1x16xf32>,
      %broadcast_in_dim3A_859 = arith.constant 0.000000e+00 : f32
      %broadcast_in_dim3A_860 = vector.broadcast %broadcast_in_dim3A_859 : f32 to vector<16xf32>
      %swap3A_861 = arith.constant 0 : i32
      %swap3A_862 = arith.index_cast %swap3A_861 : i32 to index
      %swap3A_863 = arith.index_cast %scan3A_806 : i32 to index
      %swap3A_864 = arith.constant 96 : index
      %swap3A_865 = tpu.vector_load %arg9[%swap3A_862, %swap3A_863, %swap3A_864] {strides = array<i32>} : memref<3x100x128xf32, #tpu.memory_space<vmem>>, vector<1x1x16xf32>,
      %swap3A_866 = vector.shape_cast %swap3A_865 : vector<1x1x16xf32> to vector<16xf32>
      %swap3A_867 = vector.shape_cast %broadcast_in_dim3A_860 : vector<16xf32> to vector<1x1x16xf32>
      tpu.vector_store %arg9[%swap3A_862, %swap3A_863, %swap3A_864], %swap3A_867 {strides = array<i32>} : memref<3x100x128xf32, #tpu.memory_space<vmem>>, vector<1x1x16xf32>,
      %broadcast_in_dim3A_868 = arith.constant 0.000000e+00 : f32
      %broadcast_in_dim3A_869 = vector.broadcast %broadcast_in_dim3A_868 : f32 to vector<16xf32>
      %swap3A_870 = arith.constant 0 : i32
      %swap3A_871 = arith.index_cast %swap3A_870 : i32 to index
      %swap3A_872 = arith.index_cast %scan3A_806 : i32 to index
      %swap3A_873 = arith.constant 112 : index
      %swap3A_874 = tpu.vector_load %arg9[%swap3A_871, %swap3A_872, %swap3A_873] {strides = array<i32>} : memref<3x100x128xf32, #tpu.memory_space<vmem>>, vector<1x1x16xf32>,
      %swap3A_875 = vector.shape_cast %swap3A_874 : vector<1x1x16xf32> to vector<16xf32>
      %swap3A_876 = vector.shape_cast %broadcast_in_dim3A_869 : vector<16xf32> to vector<1x1x16xf32>
      tpu.vector_store %arg9[%swap3A_871, %swap3A_872, %swap3A_873], %swap3A_876 {strides = array<i32>} : memref<3x100x128xf32, #tpu.memory_space<vmem>>, vector<1x1x16xf32>,
    }
    %scan3A_5 = arith.constant 100 : i32
    %mul3A_6 = arith.constant 625 : i32
    %mul3A_7 = arith.muli %arg1, %mul3A_6 : i32
    %add3A_8 = arith.constant 0 : i32
    %add3A_9 = arith.addi %mul3A_7, %add3A_8 : i32
    %run_scoped3A = arith.constant 0 : i32
    "tpu.region"() ({
      %run_scoped3A_806 = tpu.sem_alloc : memref<!tpu.dma_semaphore, #tpu.memory_space<semaphore_mem>>
      %dma_start3A_807 = arith.constant 0 : i32
      %dma_start3A_808 = arith.constant 0 : i32
      %dma_start3A_809 = tpu.memref_slice %arg9[%run_scoped3A, %dma_start3A_807, %dma_start3A_808] : memref<3x100x128xf32, #tpu.memory_space<vmem>> -> memref<1x100x128xf32, #tpu.memory_space<vmem>>
      %dma_start3A_810 = tpu.memref_squeeze %dma_start3A_809 : memref<1x100x128xf32, #tpu.memory_space<vmem>> -> memref<100x128xf32, #tpu.memory_space<vmem>>
      %dma_start3A_811 = arith.constant 0 : i32
      %dma_start3A_812 = tpu.memref_slice %arg10[%add3A_9, %dma_start3A_811] : memref<10000x128xf32, #tpu.memory_space<vmem_shared>> -> memref<100x128xf32, #tpu.memory_space<vmem_shared>>
      %dma_start3A_813 = arith.constant 0 : i32
      %dma_start3A_814 = tpu.memref_slice %arg10[%add3A_9, %dma_start3A_813] : memref<10000x128xf32, #tpu.memory_space<vmem_shared>> -> memref<100x128xf32, #tpu.memory_space<vmem_shared>>
      %dma_start3A_815 = arith.constant 0 : i32
      %dma_start3A_816 = arith.constant 0 : i32
      %dma_start3A_817 = tpu.memref_slice %arg9[%run_scoped3A, %dma_start3A_815, %dma_start3A_816] : memref<3x100x128xf32, #tpu.memory_space<vmem>> -> memref<1x100x128xf32, #tpu.memory_space<vmem>>
      %dma_start3A_818 = tpu.memref_squeeze %dma_start3A_817 : memref<1x100x128xf32, #tpu.memory_space<vmem>> -> memref<100x128xf32, #tpu.memory_space<vmem>>
      tpu.enqueue_dma source(%dma_start3A_818 : memref<100x128xf32, #tpu.memory_space<vmem>>) target(%dma_start3A_814 : memref<100x128xf32, #tpu.memory_space<vmem_shared>>) target_semaphore(%run_scoped3A_806 : memref<!tpu.dma_semaphore, #tpu.memory_space<semaphore_mem>>)
      %dma_wait3A_819 = arith.constant 0 : i32
      %dma_wait3A_820 = arith.constant 0 : i32
      %dma_wait3A_821 = tpu.memref_slice %arg9[%run_scoped3A, %dma_wait3A_819, %dma_wait3A_820] : memref<3x100x128xf32, #tpu.memory_space<vmem>> -> memref<1x100x128xf32, #tpu.memory_space<vmem>>
      %dma_wait3A_822 = tpu.memref_squeeze %dma_wait3A_821 : memref<1x100x128xf32, #tpu.memory_space<vmem>> -> memref<100x128xf32, #tpu.memory_space<vmem>>
      %dma_wait3A_823 = arith.constant 0 : i32
      %dma_wait3A_824 = tpu.memref_slice %arg10[%add3A_9, %dma_wait3A_823] : memref<10000x128xf32, #tpu.memory_space<vmem_shared>> -> memref<100x128xf32, #tpu.memory_space<vmem_shared>>
      %dma_wait3A_825 = arith.constant 0 : i32
      %dma_wait3A_826 = tpu.memref_slice %arg10[%add3A_9, %dma_wait3A_825] : memref<10000x128xf32, #tpu.memory_space<vmem_shared>> -> memref<100x128xf32, #tpu.memory_space<vmem_shared>>
      %dma_wait3A_827 = arith.constant 0 : i32
      %dma_wait3A_828 = arith.constant 0 : i32
      %dma_wait3A_829 = tpu.memref_slice %arg9[%run_scoped3A, %dma_wait3A_827, %dma_wait3A_828] : memref<3x100x128xf32, #tpu.memory_space<vmem>> -> memref<1x100x128xf32, #tpu.memory_space<vmem>>
      %dma_wait3A_830 = tpu.memref_squeeze %dma_wait3A_829 : memref<1x100x128xf32, #tpu.memory_space<vmem>> -> memref<100x128xf32, #tpu.memory_space<vmem>>
      tpu.wait_dma2 semaphore(%run_scoped3A_806 : memref<!tpu.dma_semaphore, #tpu.memory_space<semaphore_mem>>) src(%dma_wait3A_830 : memref<100x128xf32, #tpu.memory_space<vmem>>) dst(%dma_wait3A_826 : memref<100x128xf32, #tpu.memory_space<vmem_shared>>)
      tpu.yield
    }) : () -> ()
    %mul3A_10 = arith.constant 625 : i32
    %mul3A_11 = arith.muli %arg1, %mul3A_10 : i32
    %add3A_12 = arith.constant 100 : i32
    %add3A_13 = arith.addi %mul3A_11, %add3A_12 : i32
    %run_scoped3A_14 = arith.constant 0 : i32
    "tpu.region"() ({
      %run_scoped3A_806 = tpu.sem_alloc : memref<!tpu.dma_semaphore, #tpu.memory_space<semaphore_mem>>
      %dma_start3A_807 = arith.constant 0 : i32
      %dma_start3A_808 = arith.constant 0 : i32
      %dma_start3A_809 = tpu.memref_slice %arg9[%run_scoped3A_14, %dma_start3A_807, %dma_start3A_808] : memref<3x100x128xf32, #tpu.memory_space<vmem>> -> memref<1x100x128xf32, #tpu.memory_space<vmem>>
      %dma_start3A_810 = tpu.memref_squeeze %dma_start3A_809 : memref<1x100x128xf32, #tpu.memory_space<vmem>> -> memref<100x128xf32, #tpu.memory_space<vmem>>
      %dma_start3A_811 = arith.constant 0 : i32
      %dma_start3A_812 = tpu.memref_slice %arg10[%add3A_13, %dma_start3A_811] : memref<10000x128xf32, #tpu.memory_space<vmem_shared>> -> memref<100x128xf32, #tpu.memory_space<vmem_shared>>
      %dma_start3A_813 = arith.constant 0 : i32
      %dma_start3A_814 = tpu.memref_slice %arg10[%add3A_13, %dma_start3A_813] : memref<10000x128xf32, #tpu.memory_space<vmem_shared>> -> memref<100x128xf32, #tpu.memory_space<vmem_shared>>
      %dma_start3A_815 = arith.constant 0 : i32
      %dma_start3A_816 = arith.constant 0 : i32
      %dma_start3A_817 = tpu.memref_slice %arg9[%run_scoped3A_14, %dma_start3A_815, %dma_start3A_816] : memref<3x100x128xf32, #tpu.memory_space<vmem>> -> memref<1x100x128xf32, #tpu.memory_space<vmem>>
      %dma_start3A_818 = tpu.memref_squeeze %dma_start3A_817 : memref<1x100x128xf32, #tpu.memory_space<vmem>> -> memref<100x128xf32, #tpu.memory_space<vmem>>
      tpu.enqueue_dma source(%dma_start3A_818 : memref<100x128xf32, #tpu.memory_space<vmem>>) target(%dma_start3A_814 : memref<100x128xf32, #tpu.memory_space<vmem_shared>>) target_semaphore(%run_scoped3A_806 : memref<!tpu.dma_semaphore, #tpu.memory_space<semaphore_mem>>)
      %dma_wait3A_819 = arith.constant 0 : i32
      %dma_wait3A_820 = arith.constant 0 : i32
      %dma_wait3A_821 = tpu.memref_slice %arg9[%run_scoped3A_14, %dma_wait3A_819, %dma_wait3A_820] : memref<3x100x128xf32, #tpu.memory_space<vmem>> -> memref<1x100x128xf32, #tpu.memory_space<vmem>>
      %dma_wait3A_822 = tpu.memref_squeeze %dma_wait3A_821 : memref<1x100x128xf32, #tpu.memory_space<vmem>> -> memref<100x128xf32, #tpu.memory_space<vmem>>
      %dma_wait3A_823 = arith.constant 0 : i32
      %dma_wait3A_824 = tpu.memref_slice %arg10[%add3A_13, %dma_wait3A_823] : memref<10000x128xf32, #tpu.memory_space<vmem_shared>> -> memref<100x128xf32, #tpu.memory_space<vmem_shared>>
      %dma_wait3A_825 = arith.constant 0 : i32
      %dma_wait3A_826 = tpu.memref_slice %arg10[%add3A_13, %dma_wait3A_825] : memref<10000x128xf32, #tpu.memory_space<vmem_shared>> -> memref<100x128xf32, #tpu.memory_space<vmem_shared>>
      %dma_wait3A_827 = arith.constant 0 : i32
      %dma_wait3A_828 = arith.constant 0 : i32
      %dma_wait3A_829 = tpu.memref_slice %arg9[%run_scoped3A_14, %dma_wait3A_827, %dma_wait3A_828] : memref<3x100x128xf32, #tpu.memory_space<vmem>> -> memref<1x100x128xf32, #tpu.memory_space<vmem>>
      %dma_wait3A_830 = tpu.memref_squeeze %dma_wait3A_829 : memref<1x100x128xf32, #tpu.memory_space<vmem>> -> memref<100x128xf32, #tpu.memory_space<vmem>>
      tpu.wait_dma2 semaphore(%run_scoped3A_806 : memref<!tpu.dma_semaphore, #tpu.memory_space<semaphore_mem>>) src(%dma_wait3A_830 : memref<100x128xf32, #tpu.memory_space<vmem>>) dst(%dma_wait3A_826 : memref<100x128xf32, #tpu.memory_space<vmem_shared>>)
      tpu.yield
    }) : () -> ()
    %mul3A_15 = arith.constant 625 : i32
    %mul3A_16 = arith.muli %arg1, %mul3A_15 : i32
    %add3A_17 = arith.constant 200 : i32
    %add3A_18 = arith.addi %mul3A_16, %add3A_17 : i32
    %run_scoped3A_19 = arith.constant 0 : i32
    "tpu.region"() ({
      %run_scoped3A_806 = tpu.sem_alloc : memref<!tpu.dma_semaphore, #tpu.memory_space<semaphore_mem>>
      %dma_start3A_807 = arith.constant 0 : i32
      %dma_start3A_808 = arith.constant 0 : i32
      %dma_start3A_809 = tpu.memref_slice %arg9[%run_scoped3A_19, %dma_start3A_807, %dma_start3A_808] : memref<3x100x128xf32, #tpu.memory_space<vmem>> -> memref<1x100x128xf32, #tpu.memory_space<vmem>>
      %dma_start3A_810 = tpu.memref_squeeze %dma_start3A_809 : memref<1x100x128xf32, #tpu.memory_space<vmem>> -> memref<100x128xf32, #tpu.memory_space<vmem>>
      %dma_start3A_811 = arith.constant 0 : i32
      %dma_start3A_812 = tpu.memref_slice %arg10[%add3A_18, %dma_start3A_811] : memref<10000x128xf32, #tpu.memory_space<vmem_shared>> -> memref<100x128xf32, #tpu.memory_space<vmem_shared>>
      %dma_start3A_813 = arith.constant 0 : i32
      %dma_start3A_814 = tpu.memref_slice %arg10[%add3A_18, %dma_start3A_813] : memref<10000x128xf32, #tpu.memory_space<vmem_shared>> -> memref<100x128xf32, #tpu.memory_space<vmem_shared>>
      %dma_start3A_815 = arith.constant 0 : i32
      %dma_start3A_816 = arith.constant 0 : i32
      %dma_start3A_817 = tpu.memref_slice %arg9[%run_scoped3A_19, %dma_start3A_815, %dma_start3A_816] : memref<3x100x128xf32, #tpu.memory_space<vmem>> -> memref<1x100x128xf32, #tpu.memory_space<vmem>>
      %dma_start3A_818 = tpu.memref_squeeze %dma_start3A_817 : memref<1x100x128xf32, #tpu.memory_space<vmem>> -> memref<100x128xf32, #tpu.memory_space<vmem>>
      tpu.enqueue_dma source(%dma_start3A_818 : memref<100x128xf32, #tpu.memory_space<vmem>>) target(%dma_start3A_814 : memref<100x128xf32, #tpu.memory_space<vmem_shared>>) target_semaphore(%run_scoped3A_806 : memref<!tpu.dma_semaphore, #tpu.memory_space<semaphore_mem>>)
      %dma_wait3A_819 = arith.constant 0 : i32
      %dma_wait3A_820 = arith.constant 0 : i32
      %dma_wait3A_821 = tpu.memref_slice %arg9[%run_scoped3A_19, %dma_wait3A_819, %dma_wait3A_820] : memref<3x100x128xf32, #tpu.memory_space<vmem>> -> memref<1x100x128xf32, #tpu.memory_space<vmem>>
      %dma_wait3A_822 = tpu.memref_squeeze %dma_wait3A_821 : memref<1x100x128xf32, #tpu.memory_space<vmem>> -> memref<100x128xf32, #tpu.memory_space<vmem>>
      %dma_wait3A_823 = arith.constant 0 : i32
      %dma_wait3A_824 = tpu.memref_slice %arg10[%add3A_18, %dma_wait3A_823] : memref<10000x128xf32, #tpu.memory_space<vmem_shared>> -> memref<100x128xf32, #tpu.memory_space<vmem_shared>>
      %dma_wait3A_825 = arith.constant 0 : i32
      %dma_wait3A_826 = tpu.memref_slice %arg10[%add3A_18, %dma_wait3A_825] : memref<10000x128xf32, #tpu.memory_space<vmem_shared>> -> memref<100x128xf32, #tpu.memory_space<vmem_shared>>
      %dma_wait3A_827 = arith.constant 0 : i32
      %dma_wait3A_828 = arith.constant 0 : i32
      %dma_wait3A_829 = tpu.memref_slice %arg9[%run_scoped3A_19, %dma_wait3A_827, %dma_wait3A_828] : memref<3x100x128xf32, #tpu.memory_space<vmem>> -> memref<1x100x128xf32, #tpu.memory_space<vmem>>
      %dma_wait3A_830 = tpu.memref_squeeze %dma_wait3A_829 : memref<1x100x128xf32, #tpu.memory_space<vmem>> -> memref<100x128xf32, #tpu.memory_space<vmem>>
      tpu.wait_dma2 semaphore(%run_scoped3A_806 : memref<!tpu.dma_semaphore, #tpu.memory_space<semaphore_mem>>) src(%dma_wait3A_830 : memref<100x128xf32, #tpu.memory_space<vmem>>) dst(%dma_wait3A_826 : memref<100x128xf32, #tpu.memory_space<vmem_shared>>)
      tpu.yield
    }) : () -> ()
    %mul3A_20 = arith.constant 625 : i32
    %mul3A_21 = arith.muli %arg1, %mul3A_20 : i32
    %add3A_22 = arith.constant 300 : i32
    %add3A_23 = arith.addi %mul3A_21, %add3A_22 : i32
    %run_scoped3A_24 = arith.constant 0 : i32
    "tpu.region"() ({
      %run_scoped3A_806 = tpu.sem_alloc : memref<!tpu.dma_semaphore, #tpu.memory_space<semaphore_mem>>
      %dma_start3A_807 = arith.constant 0 : i32
      %dma_start3A_808 = arith.constant 0 : i32
      %dma_start3A_809 = tpu.memref_slice %arg9[%run_scoped3A_24, %dma_start3A_807, %dma_start3A_808] : memref<3x100x128xf32, #tpu.memory_space<vmem>> -> memref<1x100x128xf32, #tpu.memory_space<vmem>>
      %dma_start3A_810 = tpu.memref_squeeze %dma_start3A_809 : memref<1x100x128xf32, #tpu.memory_space<vmem>> -> memref<100x128xf32, #tpu.memory_space<vmem>>
      %dma_start3A_811 = arith.constant 0 : i32
      %dma_start3A_812 = tpu.memref_slice %arg10[%add3A_23, %dma_start3A_811] : memref<10000x128xf32, #tpu.memory_space<vmem_shared>> -> memref<100x128xf32, #tpu.memory_space<vmem_shared>>
      %dma_start3A_813 = arith.constant 0 : i32
      %dma_start3A_814 = tpu.memref_slice %arg10[%add3A_23, %dma_start3A_813] : memref<10000x128xf32, #tpu.memory_space<vmem_shared>> -> memref<100x128xf32, #tpu.memory_space<vmem_shared>>
      %dma_start3A_815 = arith.constant 0 : i32
      %dma_start3A_816 = arith.constant 0 : i32
      %dma_start3A_817 = tpu.memref_slice %arg9[%run_scoped3A_24, %dma_start3A_815, %dma_start3A_816] : memref<3x100x128xf32, #tpu.memory_space<vmem>> -> memref<1x100x128xf32, #tpu.memory_space<vmem>>
      %dma_start3A_818 = tpu.memref_squeeze %dma_start3A_817 : memref<1x100x128xf32, #tpu.memory_space<vmem>> -> memref<100x128xf32, #tpu.memory_space<vmem>>
      tpu.enqueue_dma source(%dma_start3A_818 : memref<100x128xf32, #tpu.memory_space<vmem>>) target(%dma_start3A_814 : memref<100x128xf32, #tpu.memory_space<vmem_shared>>) target_semaphore(%run_scoped3A_806 : memref<!tpu.dma_semaphore, #tpu.memory_space<semaphore_mem>>)
      %dma_wait3A_819 = arith.constant 0 : i32
      %dma_wait3A_820 = arith.constant 0 : i32
      %dma_wait3A_821 = tpu.memref_slice %arg9[%run_scoped3A_24, %dma_wait3A_819, %dma_wait3A_820] : memref<3x100x128xf32, #tpu.memory_space<vmem>> -> memref<1x100x128xf32, #tpu.memory_space<vmem>>
      %dma_wait3A_822 = tpu.memref_squeeze %dma_wait3A_821 : memref<1x100x128xf32, #tpu.memory_space<vmem>> -> memref<100x128xf32, #tpu.memory_space<vmem>>
      %dma_wait3A_823 = arith.constant 0 : i32
      %dma_wait3A_824 = tpu.memref_slice %arg10[%add3A_23, %dma_wait3A_823] : memref<10000x128xf32, #tpu.memory_space<vmem_shared>> -> memref<100x128xf32, #tpu.memory_space<vmem_shared>>
      %dma_wait3A_825 = arith.constant 0 : i32
      %dma_wait3A_826 = tpu.memref_slice %arg10[%add3A_23, %dma_wait3A_825] : memref<10000x128xf32, #tpu.memory_space<vmem_shared>> -> memref<100x128xf32, #tpu.memory_space<vmem_shared>>
      %dma_wait3A_827 = arith.constant 0 : i32
      %dma_wait3A_828 = arith.constant 0 : i32
      %dma_wait3A_829 = tpu.memref_slice %arg9[%run_scoped3A_24, %dma_wait3A_827, %dma_wait3A_828] : memref<3x100x128xf32, #tpu.memory_space<vmem>> -> memref<1x100x128xf32, #tpu.memory_space<vmem>>
      %dma_wait3A_830 = tpu.memref_squeeze %dma_wait3A_829 : memref<1x100x128xf32, #tpu.memory_space<vmem>> -> memref<100x128xf32, #tpu.memory_space<vmem>>
      tpu.wait_dma2 semaphore(%run_scoped3A_806 : memref<!tpu.dma_semaphore, #tpu.memory_space<semaphore_mem>>) src(%dma_wait3A_830 : memref<100x128xf32, #tpu.memory_space<vmem>>) dst(%dma_wait3A_826 : memref<100x128xf32, #tpu.memory_space<vmem_shared>>)
      tpu.yield
    }) : () -> ()
    %mul3A_25 = arith.constant 625 : i32
    %mul3A_26 = arith.muli %arg1, %mul3A_25 : i32
    %add3A_27 = arith.constant 400 : i32
    %add3A_28 = arith.addi %mul3A_26, %add3A_27 : i32
    %run_scoped3A_29 = arith.constant 0 : i32
    "tpu.region"() ({
      %run_scoped3A_806 = tpu.sem_alloc : memref<!tpu.dma_semaphore, #tpu.memory_space<semaphore_mem>>
      %dma_start3A_807 = arith.constant 0 : i32
      %dma_start3A_808 = arith.constant 0 : i32
      %dma_start3A_809 = tpu.memref_slice %arg9[%run_scoped3A_29, %dma_start3A_807, %dma_start3A_808] : memref<3x100x128xf32, #tpu.memory_space<vmem>> -> memref<1x100x128xf32, #tpu.memory_space<vmem>>
      %dma_start3A_810 = tpu.memref_squeeze %dma_start3A_809 : memref<1x100x128xf32, #tpu.memory_space<vmem>> -> memref<100x128xf32, #tpu.memory_space<vmem>>
      %dma_start3A_811 = arith.constant 0 : i32
      %dma_start3A_812 = tpu.memref_slice %arg10[%add3A_28, %dma_start3A_811] : memref<10000x128xf32, #tpu.memory_space<vmem_shared>> -> memref<100x128xf32, #tpu.memory_space<vmem_shared>>
      %dma_start3A_813 = arith.constant 0 : i32
      %dma_start3A_814 = tpu.memref_slice %arg10[%add3A_28, %dma_start3A_813] : memref<10000x128xf32, #tpu.memory_space<vmem_shared>> -> memref<100x128xf32, #tpu.memory_space<vmem_shared>>
      %dma_start3A_815 = arith.constant 0 : i32
      %dma_start3A_816 = arith.constant 0 : i32
      %dma_start3A_817 = tpu.memref_slice %arg9[%run_scoped3A_29, %dma_start3A_815, %dma_start3A_816] : memref<3x100x128xf32, #tpu.memory_space<vmem>> -> memref<1x100x128xf32, #tpu.memory_space<vmem>>
      %dma_start3A_818 = tpu.memref_squeeze %dma_start3A_817 : memref<1x100x128xf32, #tpu.memory_space<vmem>> -> memref<100x128xf32, #tpu.memory_space<vmem>>
      tpu.enqueue_dma source(%dma_start3A_818 : memref<100x128xf32, #tpu.memory_space<vmem>>) target(%dma_start3A_814 : memref<100x128xf32, #tpu.memory_space<vmem_shared>>) target_semaphore(%run_scoped3A_806 : memref<!tpu.dma_semaphore, #tpu.memory_space<semaphore_mem>>)
      %dma_wait3A_819 = arith.constant 0 : i32
      %dma_wait3A_820 = arith.constant 0 : i32
      %dma_wait3A_821 = tpu.memref_slice %arg9[%run_scoped3A_29, %dma_wait3A_819, %dma_wait3A_820] : memref<3x100x128xf32, #tpu.memory_space<vmem>> -> memref<1x100x128xf32, #tpu.memory_space<vmem>>
      %dma_wait3A_822 = tpu.memref_squeeze %dma_wait3A_821 : memref<1x100x128xf32, #tpu.memory_space<vmem>> -> memref<100x128xf32, #tpu.memory_space<vmem>>
      %dma_wait3A_823 = arith.constant 0 : i32
      %dma_wait3A_824 = tpu.memref_slice %arg10[%add3A_28, %dma_wait3A_823] : memref<10000x128xf32, #tpu.memory_space<vmem_shared>> -> memref<100x128xf32, #tpu.memory_space<vmem_shared>>
      %dma_wait3A_825 = arith.constant 0 : i32
      %dma_wait3A_826 = tpu.memref_slice %arg10[%add3A_28, %dma_wait3A_825] : memref<10000x128xf32, #tpu.memory_space<vmem_shared>> -> memref<100x128xf32, #tpu.memory_space<vmem_shared>>
      %dma_wait3A_827 = arith.constant 0 : i32
      %dma_wait3A_828 = arith.constant 0 : i32
      %dma_wait3A_829 = tpu.memref_slice %arg9[%run_scoped3A_29, %dma_wait3A_827, %dma_wait3A_828] : memref<3x100x128xf32, #tpu.memory_space<vmem>> -> memref<1x100x128xf32, #tpu.memory_space<vmem>>
      %dma_wait3A_830 = tpu.memref_squeeze %dma_wait3A_829 : memref<1x100x128xf32, #tpu.memory_space<vmem>> -> memref<100x128xf32, #tpu.memory_space<vmem>>
      tpu.wait_dma2 semaphore(%run_scoped3A_806 : memref<!tpu.dma_semaphore, #tpu.memory_space<semaphore_mem>>) src(%dma_wait3A_830 : memref<100x128xf32, #tpu.memory_space<vmem>>) dst(%dma_wait3A_826 : memref<100x128xf32, #tpu.memory_space<vmem_shared>>)
      tpu.yield
    }) : () -> ()
    %mul3A_30 = arith.constant 625 : i32
    %mul3A_31 = arith.muli %arg1, %mul3A_30 : i32
    %add3A_32 = arith.constant 500 : i32
    %add3A_33 = arith.addi %mul3A_31, %add3A_32 : i32
    %run_scoped3A_34 = arith.constant 0 : i32
    "tpu.region"() ({
      %run_scoped3A_806 = tpu.sem_alloc : memref<!tpu.dma_semaphore, #tpu.memory_space<semaphore_mem>>
      %dma_start3A_807 = arith.constant 0 : i32
      %dma_start3A_808 = arith.constant 0 : i32
      %dma_start3A_809 = tpu.memref_slice %arg9[%run_scoped3A_34, %dma_start3A_807, %dma_start3A_808] : memref<3x100x128xf32, #tpu.memory_space<vmem>> -> memref<1x100x128xf32, #tpu.memory_space<vmem>>
      %dma_start3A_810 = tpu.memref_squeeze %dma_start3A_809 : memref<1x100x128xf32, #tpu.memory_space<vmem>> -> memref<100x128xf32, #tpu.memory_space<vmem>>
      %dma_start3A_811 = arith.constant 0 : i32
      %dma_start3A_812 = tpu.memref_slice %arg10[%add3A_33, %dma_start3A_811] : memref<10000x128xf32, #tpu.memory_space<vmem_shared>> -> memref<100x128xf32, #tpu.memory_space<vmem_shared>>
      %dma_start3A_813 = arith.constant 0 : i32
      %dma_start3A_814 = tpu.memref_slice %arg10[%add3A_33, %dma_start3A_813] : memref<10000x128xf32, #tpu.memory_space<vmem_shared>> -> memref<100x128xf32, #tpu.memory_space<vmem_shared>>
      %dma_start3A_815 = arith.constant 0 : i32
      %dma_start3A_816 = arith.constant 0 : i32
      %dma_start3A_817 = tpu.memref_slice %arg9[%run_scoped3A_34, %dma_start3A_815, %dma_start3A_816] : memref<3x100x128xf32, #tpu.memory_space<vmem>> -> memref<1x100x128xf32, #tpu.memory_space<vmem>>
      %dma_start3A_818 = tpu.memref_squeeze %dma_start3A_817 : memref<1x100x128xf32, #tpu.memory_space<vmem>> -> memref<100x128xf32, #tpu.memory_space<vmem>>
      tpu.enqueue_dma source(%dma_start3A_818 : memref<100x128xf32, #tpu.memory_space<vmem>>) target(%dma_start3A_814 : memref<100x128xf32, #tpu.memory_space<vmem_shared>>) target_semaphore(%run_scoped3A_806 : memref<!tpu.dma_semaphore, #tpu.memory_space<semaphore_mem>>)
      %dma_wait3A_819 = arith.constant 0 : i32
      %dma_wait3A_820 = arith.constant 0 : i32
      %dma_wait3A_821 = tpu.memref_slice %arg9[%run_scoped3A_34, %dma_wait3A_819, %dma_wait3A_820] : memref<3x100x128xf32, #tpu.memory_space<vmem>> -> memref<1x100x128xf32, #tpu.memory_space<vmem>>
      %dma_wait3A_822 = tpu.memref_squeeze %dma_wait3A_821 : memref<1x100x128xf32, #tpu.memory_space<vmem>> -> memref<100x128xf32, #tpu.memory_space<vmem>>
      %dma_wait3A_823 = arith.constant 0 : i32
      %dma_wait3A_824 = tpu.memref_slice %arg10[%add3A_33, %dma_wait3A_823] : memref<10000x128xf32, #tpu.memory_space<vmem_shared>> -> memref<100x128xf32, #tpu.memory_space<vmem_shared>>
      %dma_wait3A_825 = arith.constant 0 : i32
      %dma_wait3A_826 = tpu.memref_slice %arg10[%add3A_33, %dma_wait3A_825] : memref<10000x128xf32, #tpu.memory_space<vmem_shared>> -> memref<100x128xf32, #tpu.memory_space<vmem_shared>>
      %dma_wait3A_827 = arith.constant 0 : i32
      %dma_wait3A_828 = arith.constant 0 : i32
      %dma_wait3A_829 = tpu.memref_slice %arg9[%run_scoped3A_34, %dma_wait3A_827, %dma_wait3A_828] : memref<3x100x128xf32, #tpu.memory_space<vmem>> -> memref<1x100x128xf32, #tpu.memory_space<vmem>>
      %dma_wait3A_830 = tpu.memref_squeeze %dma_wait3A_829 : memref<1x100x128xf32, #tpu.memory_space<vmem>> -> memref<100x128xf32, #tpu.memory_space<vmem>>
      tpu.wait_dma2 semaphore(%run_scoped3A_806 : memref<!tpu.dma_semaphore, #tpu.memory_space<semaphore_mem>>) src(%dma_wait3A_830 : memref<100x128xf32, #tpu.memory_space<vmem>>) dst(%dma_wait3A_826 : memref<100x128xf32, #tpu.memory_space<vmem_shared>>)
      tpu.yield
    }) : () -> ()
    %mul3A_35 = arith.constant 625 : i32
    %mul3A_36 = arith.muli %arg1, %mul3A_35 : i32
    %add3A_37 = arith.constant 600 : i32
    %add3A_38 = arith.addi %mul3A_36, %add3A_37 : i32
    %run_scoped3A_39 = arith.constant 0 : i32
    "tpu.region"() ({
      %run_scoped3A_806 = tpu.sem_alloc : memref<!tpu.dma_semaphore, #tpu.memory_space<semaphore_mem>>
      %dma_start3A_807 = arith.constant 0 : i32
      %dma_start3A_808 = arith.constant 0 : i32
      %dma_start3A_809 = tpu.memref_slice %arg9[%run_scoped3A_39, %dma_start3A_807, %dma_start3A_808] : memref<3x100x128xf32, #tpu.memory_space<vmem>> -> memref<1x25x128xf32, #tpu.memory_space<vmem>>
      %dma_start3A_810 = tpu.memref_squeeze %dma_start3A_809 : memref<1x25x128xf32, #tpu.memory_space<vmem>> -> memref<25x128xf32, #tpu.memory_space<vmem>>
      %dma_start3A_811 = arith.constant 0 : i32
      %dma_start3A_812 = tpu.memref_slice %arg10[%add3A_38, %dma_start3A_811] : memref<10000x128xf32, #tpu.memory_space<vmem_shared>> -> memref<25x128xf32, #tpu.memory_space<vmem_shared>>
      %dma_start3A_813 = arith.constant 0 : i32
      %dma_start3A_814 = tpu.memref_slice %arg10[%add3A_38, %dma_start3A_813] : memref<10000x128xf32, #tpu.memory_space<vmem_shared>> -> memref<25x128xf32, #tpu.memory_space<vmem_shared>>
      %dma_start3A_815 = arith.constant 0 : i32
      %dma_start3A_816 = arith.constant 0 : i32
      %dma_start3A_817 = tpu.memref_slice %arg9[%run_scoped3A_39, %dma_start3A_815, %dma_start3A_816] : memref<3x100x128xf32, #tpu.memory_space<vmem>> -> memref<1x25x128xf32, #tpu.memory_space<vmem>>
      %dma_start3A_818 = tpu.memref_squeeze %dma_start3A_817 : memref<1x25x128xf32, #tpu.memory_space<vmem>> -> memref<25x128xf32, #tpu.memory_space<vmem>>
      tpu.enqueue_dma source(%dma_start3A_818 : memref<25x128xf32, #tpu.memory_space<vmem>>) target(%dma_start3A_814 : memref<25x128xf32, #tpu.memory_space<vmem_shared>>) target_semaphore(%run_scoped3A_806 : memref<!tpu.dma_semaphore, #tpu.memory_space<semaphore_mem>>)
      %dma_wait3A_819 = arith.constant 0 : i32
      %dma_wait3A_820 = arith.constant 0 : i32
      %dma_wait3A_821 = tpu.memref_slice %arg9[%run_scoped3A_39, %dma_wait3A_819, %dma_wait3A_820] : memref<3x100x128xf32, #tpu.memory_space<vmem>> -> memref<1x25x128xf32, #tpu.memory_space<vmem>>
      %dma_wait3A_822 = tpu.memref_squeeze %dma_wait3A_821 : memref<1x25x128xf32, #tpu.memory_space<vmem>> -> memref<25x128xf32, #tpu.memory_space<vmem>>
      %dma_wait3A_823 = arith.constant 0 : i32
      %dma_wait3A_824 = tpu.memref_slice %arg10[%add3A_38, %dma_wait3A_823] : memref<10000x128xf32, #tpu.memory_space<vmem_shared>> -> memref<25x128xf32, #tpu.memory_space<vmem_shared>>
      %dma_wait3A_825 = arith.constant 0 : i32
      %dma_wait3A_826 = tpu.memref_slice %arg10[%add3A_38, %dma_wait3A_825] : memref<10000x128xf32, #tpu.memory_space<vmem_shared>> -> memref<25x128xf32, #tpu.memory_space<vmem_shared>>
      %dma_wait3A_827 = arith.constant 0 : i32
      %dma_wait3A_828 = arith.constant 0 : i32
      %dma_wait3A_829 = tpu.memref_slice %arg9[%run_scoped3A_39, %dma_wait3A_827, %dma_wait3A_828] : memref<3x100x128xf32, #tpu.memory_space<vmem>> -> memref<1x25x128xf32, #tpu.memory_space<vmem>>
      %dma_wait3A_830 = tpu.memref_squeeze %dma_wait3A_829 : memref<1x25x128xf32, #tpu.memory_space<vmem>> -> memref<25x128xf32, #tpu.memory_space<vmem>>
      tpu.wait_dma2 semaphore(%run_scoped3A_806 : memref<!tpu.dma_semaphore, #tpu.memory_space<semaphore_mem>>) src(%dma_wait3A_830 : memref<25x128xf32, #tpu.memory_space<vmem>>) dst(%dma_wait3A_826 : memref<25x128xf32, #tpu.memory_space<vmem_shared>>)
      tpu.yield
    }) : () -> ()
    %barrier3A = arith.constant 0 : index
    tpu.barrier barrier_id(%barrier3A)
    %run_scoped3A_40 = arith.constant 0 : i32
    "tpu.region"() ({
      %run_scoped3A_806 = tpu.sem_alloc : memref<!tpu.dma_semaphore, #tpu.memory_space<semaphore_mem>>
      %dma_start3A_807 = arith.constant 0 : i32
      %dma_start3A_808 = arith.constant 0 : i32
      %dma_start3A_809 = tpu.memref_slice %arg3[%add3A, %run_scoped3A_40, %dma_start3A_807, %dma_start3A_808] : memref<32x5x20x100xi32, #tpu.memory_space<hbm>> -> memref<1x1x20x100xi32, #tpu.memory_space<hbm>>
      %dma_start3A_810 = tpu.memref_squeeze %dma_start3A_809 : memref<1x1x20x100xi32, #tpu.memory_space<hbm>> -> memref<20x100xi32, #tpu.memory_space<hbm>>
      %dma_start3A_811 = arith.constant 0 : i32
      %dma_start3A_812 = arith.constant 0 : i32
      %dma_start3A_813 = tpu.memref_slice %arg3[%add3A, %run_scoped3A_40, %dma_start3A_811, %dma_start3A_812] : memref<32x5x20x100xi32, #tpu.memory_space<hbm>> -> memref<1x1x20x100xi32, #tpu.memory_space<hbm>>
      %dma_start3A_814 = tpu.memref_squeeze %dma_start3A_813 : memref<1x1x20x100xi32, #tpu.memory_space<hbm>> -> memref<20x100xi32, #tpu.memory_space<hbm>>
      tpu.enqueue_dma source(%dma_start3A_814 : memref<20x100xi32, #tpu.memory_space<hbm>>) target(%arg7 : memref<20x100xi32, #tpu.memory_space<vmem>>) target_semaphore(%run_scoped3A_806 : memref<!tpu.dma_semaphore, #tpu.memory_space<semaphore_mem>>)
      %dma_wait3A_815 = arith.constant 0 : i32
      %dma_wait3A_816 = arith.constant 0 : i32
      %dma_wait3A_817 = tpu.memref_slice %arg3[%add3A, %run_scoped3A_40, %dma_wait3A_815, %dma_wait3A_816] : memref<32x5x20x100xi32, #tpu.memory_space<hbm>> -> memref<1x1x20x100xi32, #tpu.memory_space<hbm>>
      %dma_wait3A_818 = tpu.memref_squeeze %dma_wait3A_817 : memref<1x1x20x100xi32, #tpu.memory_space<hbm>> -> memref<20x100xi32, #tpu.memory_space<hbm>>
      %dma_wait3A_819 = arith.constant 0 : i32
      %dma_wait3A_820 = arith.constant 0 : i32
      %dma_wait3A_821 = tpu.memref_slice %arg3[%add3A, %run_scoped3A_40, %dma_wait3A_819, %dma_wait3A_820] : memref<32x5x20x100xi32, #tpu.memory_space<hbm>> -> memref<1x1x20x100xi32, #tpu.memory_space<hbm>>
      %dma_wait3A_822 = tpu.memref_squeeze %dma_wait3A_821 : memref<1x1x20x100xi32, #tpu.memory_space<hbm>> -> memref<20x100xi32, #tpu.memory_space<hbm>>
      tpu.wait_dma2 semaphore(%run_scoped3A_806 : memref<!tpu.dma_semaphore, #tpu.memory_space<semaphore_mem>>) src(%dma_wait3A_822 : memref<20x100xi32, #tpu.memory_space<hbm>>) dst(%arg7 : memref<20x100xi32, #tpu.memory_space<vmem>>)
      tpu.yield
    }) : () -> ()
    %run_scoped3A_41 = arith.constant 0 : i32
    "tpu.region"() ({
      %run_scoped3A_806 = tpu.sem_alloc : memref<!tpu.dma_semaphore, #tpu.memory_space<semaphore_mem>>
      %dma_start3A_807 = arith.constant 0 : i32
      %dma_start3A_808 = arith.constant 0 : i32
      %dma_start3A_809 = tpu.memref_slice %arg4[%add3A, %run_scoped3A_41, %dma_start3A_807, %dma_start3A_808] : memref<32x5x20x100xi32, #tpu.memory_space<hbm>> -> memref<1x1x20x100xi32, #tpu.memory_space<hbm>>
      %dma_start3A_810 = tpu.memref_squeeze %dma_start3A_809 : memref<1x1x20x100xi32, #tpu.memory_space<hbm>> -> memref<20x100xi32, #tpu.memory_space<hbm>>
      %dma_start3A_811 = arith.constant 0 : i32
      %dma_start3A_812 = arith.constant 0 : i32
      %dma_start3A_813 = tpu.memref_slice %arg4[%add3A, %run_scoped3A_41, %dma_start3A_811, %dma_start3A_812] : memref<32x5x20x100xi32, #tpu.memory_space<hbm>> -> memref<1x1x20x100xi32, #tpu.memory_space<hbm>>
      %dma_start3A_814 = tpu.memref_squeeze %dma_start3A_813 : memref<1x1x20x100xi32, #tpu.memory_space<hbm>> -> memref<20x100xi32, #tpu.memory_space<hbm>>
      tpu.enqueue_dma source(%dma_start3A_814 : memref<20x100xi32, #tpu.memory_space<hbm>>) target(%arg8 : memref<20x100xi32, #tpu.memory_space<vmem>>) target_semaphore(%run_scoped3A_806 : memref<!tpu.dma_semaphore, #tpu.memory_space<semaphore_mem>>)
      %dma_wait3A_815 = arith.constant 0 : i32
      %dma_wait3A_816 = arith.constant 0 : i32
      %dma_wait3A_817 = tpu.memref_slice %arg4[%add3A, %run_scoped3A_41, %dma_wait3A_815, %dma_wait3A_816] : memref<32x5x20x100xi32, #tpu.memory_space<hbm>> -> memref<1x1x20x100xi32, #tpu.memory_space<hbm>>
      %dma_wait3A_818 = tpu.memref_squeeze %dma_wait3A_817 : memref<1x1x20x100xi32, #tpu.memory_space<hbm>> -> memref<20x100xi32, #tpu.memory_space<hbm>>
      %dma_wait3A_819 = arith.constant 0 : i32
      %dma_wait3A_820 = arith.constant 0 : i32
      %dma_wait3A_821 = tpu.memref_slice %arg4[%add3A, %run_scoped3A_41, %dma_wait3A_819, %dma_wait3A_820] : memref<32x5x20x100xi32, #tpu.memory_space<hbm>> -> memref<1x1x20x100xi32, #tpu.memory_space<hbm>>
      %dma_wait3A_822 = tpu.memref_squeeze %dma_wait3A_821 : memref<1x1x20x100xi32, #tpu.memory_space<hbm>> -> memref<20x100xi32, #tpu.memory_space<hbm>>
      tpu.wait_dma2 semaphore(%run_scoped3A_806 : memref<!tpu.dma_semaphore, #tpu.memory_space<semaphore_mem>>) src(%dma_wait3A_822 : memref<20x100xi32, #tpu.memory_space<hbm>>) dst(%arg8 : memref<20x100xi32, #tpu.memory_space<vmem>>)
      tpu.yield
    }) : () -> ()
    %dma_start3A = arith.constant 0 : i32
    %dma_start3A_42 = arith.constant 0 : i32
    %dma_start3A_43 = arith.constant 0 : i32
    %dma_start3A_44 = arith.constant 0 : i32
    %dma_start3A_45 = arith.constant 0 : i32
    %dma_start3A_46 = tpu.memref_slice %arg9[%dma_start3A_42, %dma_start3A_44, %dma_start3A_45] : memref<3x100x128xf32, #tpu.memory_space<vmem>> -> memref<1x100x128xf32, #tpu.memory_space<vmem>>
    %dma_start3A_47 = tpu.memref_squeeze %dma_start3A_46 : memref<1x100x128xf32, #tpu.memory_space<vmem>> -> memref<100x128xf32, #tpu.memory_space<vmem>>
    %dma_start3A_48 = arith.constant 0 : i32
    %dma_start3A_49 = tpu.memref_slice %arg7[%dma_start3A, %dma_start3A_48] : memref<20x100xi32, #tpu.memory_space<vmem>> -> memref<1x100xi32, #tpu.memory_space<vmem>>
    %dma_start3A_50 = tpu.memref_squeeze %dma_start3A_49 : memref<1x100xi32, #tpu.memory_space<vmem>> -> memref<100xi32, #tpu.memory_space<vmem>>
    %dma_start3A_51 = arith.constant 0 : i32
    %dma_start3A_52 = arith.constant 0 : i32
    %dma_start3A_53 = tpu.memref_slice %arg2[%dma_start3A_51, %dma_start3A_52] : memref<80000x128xf32, #tpu.memory_space<hbm>> -> memref<80000x128xf32, #tpu.memory_space<hbm>>
    %dma_start3A_54 = tpu.memref_slice %arg11[%dma_start3A_43] : memref<3x!tpu.dma_semaphore, #tpu.memory_space<semaphore_mem>> -> memref<1x!tpu.dma_semaphore, #tpu.memory_space<semaphore_mem>>
    %dma_start3A_55 = tpu.memref_squeeze %dma_start3A_54 : memref<1x!tpu.dma_semaphore, #tpu.memory_space<semaphore_mem>> -> memref<!tpu.dma_semaphore, #tpu.memory_space<semaphore_mem>>
    tpu.enqueue_indirect_dma source(%dma_start3A_53 : memref<80000x128xf32, #tpu.memory_space<hbm>>) target(%dma_start3A_47 : memref<100x128xf32, #tpu.memory_space<vmem>>) offsets(%dma_start3A_50 : memref<100xi32, #tpu.memory_space<vmem>>) semaphore(%dma_start3A_55 : memref<!tpu.dma_semaphore, #tpu.memory_space<semaphore_mem>>)
    %dma_start3A_56 = arith.constant 1 : i32
    %dma_start3A_57 = arith.constant 1 : i32
    %dma_start3A_58 = arith.constant 1 : i32
    %dma_start3A_59 = arith.constant 0 : i32
    %dma_start3A_60 = arith.constant 0 : i32
    %dma_start3A_61 = tpu.memref_slice %arg9[%dma_start3A_57, %dma_start3A_59, %dma_start3A_60] : memref<3x100x128xf32, #tpu.memory_space<vmem>> -> memref<1x100x128xf32, #tpu.memory_space<vmem>>
    %dma_start3A_62 = tpu.memref_squeeze %dma_start3A_61 : memref<1x100x128xf32, #tpu.memory_space<vmem>> -> memref<100x128xf32, #tpu.memory_space<vmem>>
    %dma_start3A_63 = arith.constant 0 : i32
    %dma_start3A_64 = tpu.memref_slice %arg7[%dma_start3A_56, %dma_start3A_63] : memref<20x100xi32, #tpu.memory_space<vmem>> -> memref<1x100xi32, #tpu.memory_space<vmem>>
    %dma_start3A_65 = tpu.memref_squeeze %dma_start3A_64 : memref<1x100xi32, #tpu.memory_space<vmem>> -> memref<100xi32, #tpu.memory_space<vmem>>
    %dma_start3A_66 = arith.constant 0 : i32
    %dma_start3A_67 = arith.constant 0 : i32
    %dma_start3A_68 = tpu.memref_slice %arg2[%dma_start3A_66, %dma_start3A_67] : memref<80000x128xf32, #tpu.memory_space<hbm>> -> memref<80000x128xf32, #tpu.memory_space<hbm>>
    %dma_start3A_69 = tpu.memref_slice %arg11[%dma_start3A_58] : memref<3x!tpu.dma_semaphore, #tpu.memory_space<semaphore_mem>> -> memref<1x!tpu.dma_semaphore, #tpu.memory_space<semaphore_mem>>
    %dma_start3A_70 = tpu.memref_squeeze %dma_start3A_69 : memref<1x!tpu.dma_semaphore, #tpu.memory_space<semaphore_mem>> -> memref<!tpu.dma_semaphore, #tpu.memory_space<semaphore_mem>>
    tpu.enqueue_indirect_dma source(%dma_start3A_68 : memref<80000x128xf32, #tpu.memory_space<hbm>>) target(%dma_start3A_62 : memref<100x128xf32, #tpu.memory_space<vmem>>) offsets(%dma_start3A_65 : memref<100xi32, #tpu.memory_space<vmem>>) semaphore(%dma_start3A_70 : memref<!tpu.dma_semaphore, #tpu.memory_space<semaphore_mem>>)
    %dma_start3A_71 = arith.constant 2 : i32
    %dma_start3A_72 = arith.constant 2 : i32
    %dma_start3A_73 = arith.constant 2 : i32
    %dma_start3A_74 = arith.constant 0 : i32
    %dma_start3A_75 = arith.constant 0 : i32
    %dma_start3A_76 = tpu.memref_slice %arg9[%dma_start3A_72, %dma_start3A_74, %dma_start3A_75] : memref<3x100x128xf32, #tpu.memory_space<vmem>> -> memref<1x100x128xf32, #tpu.memory_space<vmem>>
    %dma_start3A_77 = tpu.memref_squeeze %dma_start3A_76 : memref<1x100x128xf32, #tpu.memory_space<vmem>> -> memref<100x128xf32, #tpu.memory_space<vmem>>
    %dma_start3A_78 = arith.constant 0 : i32
    %dma_start3A_79 = tpu.memref_slice %arg7[%dma_start3A_71, %dma_start3A_78] : memref<20x100xi32, #tpu.memory_space<vmem>> -> memref<1x100xi32, #tpu.memory_space<vmem>>
    %dma_start3A_80 = tpu.memref_squeeze %dma_start3A_79 : memref<1x100xi32, #tpu.memory_space<vmem>> -> memref<100xi32, #tpu.memory_space<vmem>>
    %dma_start3A_81 = arith.constant 0 : i32
    %dma_start3A_82 = arith.constant 0 : i32
    %dma_start3A_83 = tpu.memref_slice %arg2[%dma_start3A_81, %dma_start3A_82] : memref<80000x128xf32, #tpu.memory_space<hbm>> -> memref<80000x128xf32, #tpu.memory_space<hbm>>
    %dma_start3A_84 = tpu.memref_slice %arg11[%dma_start3A_73] : memref<3x!tpu.dma_semaphore, #tpu.memory_space<semaphore_mem>> -> memref<1x!tpu.dma_semaphore, #tpu.memory_space<semaphore_mem>>
    %dma_start3A_85 = tpu.memref_squeeze %dma_start3A_84 : memref<1x!tpu.dma_semaphore, #tpu.memory_space<semaphore_mem>> -> memref<!tpu.dma_semaphore, #tpu.memory_space<semaphore_mem>>
    tpu.enqueue_indirect_dma source(%dma_start3A_83 : memref<80000x128xf32, #tpu.memory_space<hbm>>) target(%dma_start3A_77 : memref<100x128xf32, #tpu.memory_space<vmem>>) offsets(%dma_start3A_80 : memref<100xi32, #tpu.memory_space<vmem>>) semaphore(%dma_start3A_85 : memref<!tpu.dma_semaphore, #tpu.memory_space<semaphore_mem>>)
    %scan3A_86 = arith.constant 0 : i32
    %scan3A_87 = arith.constant 0 : i32
    %scan3A_88 = arith.constant 5 : i32
    %scan3A_89 = arith.addi %scan3A_87, %scan3A_88 : i32
    %scan3A_90 = arith.constant 1 : i32
    scf.for %scan3A_806 = %scan3A_87 to %scan3A_89 step %scan3A_90  : i32 {
      %mul3A_807 = arith.constant 3 : i32
      %mul3A_808 = arith.muli %scan3A_806, %mul3A_807 : i32
      %add3A_809 = arith.constant 0 : i32
      %add3A_810 = arith.addi %mul3A_808, %add3A_809 : i32
      %dma_wait3A_811 = arith.constant 0 : i32
      %dma_wait3A_812 = arith.constant 0 : i32
      %dma_wait3A_813 = arith.constant 0 : i32
      %dma_wait3A_814 = arith.constant 0 : i32
      %dma_wait3A_815 = tpu.memref_slice %arg9[%dma_wait3A_811, %dma_wait3A_813, %dma_wait3A_814] : memref<3x100x128xf32, #tpu.memory_space<vmem>> -> memref<1x100x128xf32, #tpu.memory_space<vmem>>
      %dma_wait3A_816 = tpu.memref_squeeze %dma_wait3A_815 : memref<1x100x128xf32, #tpu.memory_space<vmem>> -> memref<100x128xf32, #tpu.memory_space<vmem>>
      %dma_wait3A_817 = tpu.memref_slice %arg11[%dma_wait3A_812] : memref<3x!tpu.dma_semaphore, #tpu.memory_space<semaphore_mem>> -> memref<1x!tpu.dma_semaphore, #tpu.memory_space<semaphore_mem>>
      %dma_wait3A_818 = tpu.memref_squeeze %dma_wait3A_817 : memref<1x!tpu.dma_semaphore, #tpu.memory_space<semaphore_mem>> -> memref<!tpu.dma_semaphore, #tpu.memory_space<semaphore_mem>>
      %dma_wait3A_819 = arith.constant 0 : i32
      %dma_wait3A_820 = arith.constant 0 : i32
      %dma_wait3A_821 = tpu.memref_slice %arg9[%dma_wait3A_811, %dma_wait3A_819, %dma_wait3A_820] : memref<3x100x128xf32, #tpu.memory_space<vmem>> -> memref<1x100x128xf32, #tpu.memory_space<vmem>>
      %dma_wait3A_822 = tpu.memref_squeeze %dma_wait3A_821 : memref<1x100x128xf32, #tpu.memory_space<vmem>> -> memref<100x128xf32, #tpu.memory_space<vmem>>
      tpu.wait_dma2 semaphore(%dma_wait3A_818 : memref<!tpu.dma_semaphore, #tpu.memory_space<semaphore_mem>>) src(%arg5 : memref<100x128xf32, #tpu.memory_space<hbm>>) dst(%dma_wait3A_822 : memref<100x128xf32, #tpu.memory_space<vmem>>)
      %run_scoped3A_823 = arith.constant 0 : i32
      "tpu.region"() ({
        %run_scoped3A_906 = tpu.sem_alloc : memref<!tpu.dma_semaphore, #tpu.memory_space<semaphore_mem>>
        %dma_start3A_907 = arith.constant 0 : i32
        %dma_start3A_908 = arith.constant 0 : i32
        %dma_start3A_909 = tpu.memref_slice %arg9[%run_scoped3A_823, %dma_start3A_907, %dma_start3A_908] : memref<3x100x128xf32, #tpu.memory_space<vmem>> -> memref<1x100x128xf32, #tpu.memory_space<vmem>>
        %dma_start3A_910 = tpu.memref_squeeze %dma_start3A_909 : memref<1x100x128xf32, #tpu.memory_space<vmem>> -> memref<100x128xf32, #tpu.memory_space<vmem>>
        %dma_start3A_911 = arith.constant 0 : i32
        %dma_start3A_912 = tpu.memref_slice %arg8[%add3A_810, %dma_start3A_911] : memref<20x100xi32, #tpu.memory_space<vmem>> -> memref<1x100xi32, #tpu.memory_space<vmem>>
        %dma_start3A_913 = tpu.memref_squeeze %dma_start3A_912 : memref<1x100xi32, #tpu.memory_space<vmem>> -> memref<100xi32, #tpu.memory_space<vmem>>
        %dma_start3A_914 = arith.constant 0 : i32
        %dma_start3A_915 = arith.constant 0 : i32
        %dma_start3A_916 = tpu.memref_slice %arg10[%dma_start3A_914, %dma_start3A_915] : memref<10000x128xf32, #tpu.memory_space<vmem_shared>> -> memref<10000x128xf32, #tpu.memory_space<vmem_shared>>
        tpu.enqueue_indirect_dma source(%dma_start3A_910 : memref<100x128xf32, #tpu.memory_space<vmem>>) target(%dma_start3A_916 : memref<10000x128xf32, #tpu.memory_space<vmem_shared>>) offsets(%dma_start3A_913 : memref<100xi32, #tpu.memory_space<vmem>>) semaphore(%run_scoped3A_906 : memref<!tpu.dma_semaphore, #tpu.memory_space<semaphore_mem>>) {add = true}
        %dma_wait3A_917 = arith.constant 0 : i32
        %dma_wait3A_918 = arith.constant 0 : i32
        %dma_wait3A_919 = tpu.memref_slice %arg9[%run_scoped3A_823, %dma_wait3A_917, %dma_wait3A_918] : memref<3x100x128xf32, #tpu.memory_space<vmem>> -> memref<1x100x128xf32, #tpu.memory_space<vmem>>
        %dma_wait3A_920 = tpu.memref_squeeze %dma_wait3A_919 : memref<1x100x128xf32, #tpu.memory_space<vmem>> -> memref<100x128xf32, #tpu.memory_space<vmem>>
        %dma_wait3A_921 = arith.constant 0 : i32
        %dma_wait3A_922 = tpu.memref_slice %arg8[%add3A_810, %dma_wait3A_921] : memref<20x100xi32, #tpu.memory_space<vmem>> -> memref<1x100xi32, #tpu.memory_space<vmem>>
        %dma_wait3A_923 = tpu.memref_squeeze %dma_wait3A_922 : memref<1x100xi32, #tpu.memory_space<vmem>> -> memref<100xi32, #tpu.memory_space<vmem>>
        %dma_wait3A_924 = arith.constant 0 : i32
        %dma_wait3A_925 = arith.constant 0 : i32
        %dma_wait3A_926 = tpu.memref_slice %arg10[%dma_wait3A_924, %dma_wait3A_925] : memref<10000x128xf32, #tpu.memory_space<vmem_shared>> -> memref<10000x128xf32, #tpu.memory_space<vmem_shared>>
        tpu.wait_indirect_dma semaphore(%run_scoped3A_906 : memref<!tpu.dma_semaphore, #tpu.memory_space<semaphore_mem>>) src(%dma_wait3A_920 : memref<100x128xf32, #tpu.memory_space<vmem>>) dst(%dma_wait3A_926 : memref<10000x128xf32, #tpu.memory_space<vmem_shared>>)
        tpu.yield
      }) : () -> ()
      %add3A_824 = arith.constant 3 : i32
      %add3A_825 = arith.addi %add3A_810, %add3A_824 : i32
      %dma_start3A_826 = arith.constant 0 : i32
      %dma_start3A_827 = arith.constant 0 : i32
      %dma_start3A_828 = arith.constant 0 : i32
      %dma_start3A_829 = arith.constant 0 : i32
      %dma_start3A_830 = tpu.memref_slice %arg9[%dma_start3A_826, %dma_start3A_828, %dma_start3A_829] : memref<3x100x128xf32, #tpu.memory_space<vmem>> -> memref<1x100x128xf32, #tpu.memory_space<vmem>>
      %dma_start3A_831 = tpu.memref_squeeze %dma_start3A_830 : memref<1x100x128xf32, #tpu.memory_space<vmem>> -> memref<100x128xf32, #tpu.memory_space<vmem>>
      %dma_start3A_832 = arith.constant 0 : i32
      %dma_start3A_833 = tpu.memref_slice %arg7[%add3A_825, %dma_start3A_832] : memref<20x100xi32, #tpu.memory_space<vmem>> -> memref<1x100xi32, #tpu.memory_space<vmem>>
      %dma_start3A_834 = tpu.memref_squeeze %dma_start3A_833 : memref<1x100xi32, #tpu.memory_space<vmem>> -> memref<100xi32, #tpu.memory_space<vmem>>
      %dma_start3A_835 = arith.constant 0 : i32
      %dma_start3A_836 = arith.constant 0 : i32
      %dma_start3A_837 = tpu.memref_slice %arg2[%dma_start3A_835, %dma_start3A_836] : memref<80000x128xf32, #tpu.memory_space<hbm>> -> memref<80000x128xf32, #tpu.memory_space<hbm>>
      %dma_start3A_838 = tpu.memref_slice %arg11[%dma_start3A_827] : memref<3x!tpu.dma_semaphore, #tpu.memory_space<semaphore_mem>> -> memref<1x!tpu.dma_semaphore, #tpu.memory_space<semaphore_mem>>
      %dma_start3A_839 = tpu.memref_squeeze %dma_start3A_838 : memref<1x!tpu.dma_semaphore, #tpu.memory_space<semaphore_mem>> -> memref<!tpu.dma_semaphore, #tpu.memory_space<semaphore_mem>>
      tpu.enqueue_indirect_dma source(%dma_start3A_837 : memref<80000x128xf32, #tpu.memory_space<hbm>>) target(%dma_start3A_831 : memref<100x128xf32, #tpu.memory_space<vmem>>) offsets(%dma_start3A_834 : memref<100xi32, #tpu.memory_space<vmem>>) semaphore(%dma_start3A_839 : memref<!tpu.dma_semaphore, #tpu.memory_space<semaphore_mem>>)
      %mul3A_840 = arith.constant 3 : i32
      %mul3A_841 = arith.muli %scan3A_806, %mul3A_840 : i32
      %add3A_842 = arith.constant 1 : i32
      %add3A_843 = arith.addi %mul3A_841, %add3A_842 : i32
      %dma_wait3A_844 = arith.constant 1 : i32
      %dma_wait3A_845 = arith.constant 1 : i32
      %dma_wait3A_846 = arith.constant 0 : i32
      %dma_wait3A_847 = arith.constant 0 : i32
      %dma_wait3A_848 = tpu.memref_slice %arg9[%dma_wait3A_844, %dma_wait3A_846, %dma_wait3A_847] : memref<3x100x128xf32, #tpu.memory_space<vmem>> -> memref<1x100x128xf32, #tpu.memory_space<vmem>>
      %dma_wait3A_849 = tpu.memref_squeeze %dma_wait3A_848 : memref<1x100x128xf32, #tpu.memory_space<vmem>> -> memref<100x128xf32, #tpu.memory_space<vmem>>
      %dma_wait3A_850 = tpu.memref_slice %arg11[%dma_wait3A_845] : memref<3x!tpu.dma_semaphore, #tpu.memory_space<semaphore_mem>> -> memref<1x!tpu.dma_semaphore, #tpu.memory_space<semaphore_mem>>
      %dma_wait3A_851 = tpu.memref_squeeze %dma_wait3A_850 : memref<1x!tpu.dma_semaphore, #tpu.memory_space<semaphore_mem>> -> memref<!tpu.dma_semaphore, #tpu.memory_space<semaphore_mem>>
      %dma_wait3A_852 = arith.constant 0 : i32
      %dma_wait3A_853 = arith.constant 0 : i32
      %dma_wait3A_854 = tpu.memref_slice %arg9[%dma_wait3A_844, %dma_wait3A_852, %dma_wait3A_853] : memref<3x100x128xf32, #tpu.memory_space<vmem>> -> memref<1x100x128xf32, #tpu.memory_space<vmem>>
      %dma_wait3A_855 = tpu.memref_squeeze %dma_wait3A_854 : memref<1x100x128xf32, #tpu.memory_space<vmem>> -> memref<100x128xf32, #tpu.memory_space<vmem>>
      tpu.wait_dma2 semaphore(%dma_wait3A_851 : memref<!tpu.dma_semaphore, #tpu.memory_space<semaphore_mem>>) src(%arg5 : memref<100x128xf32, #tpu.memory_space<hbm>>) dst(%dma_wait3A_855 : memref<100x128xf32, #tpu.memory_space<vmem>>)
      %run_scoped3A_856 = arith.constant 1 : i32
      "tpu.region"() ({
        %run_scoped3A_906 = tpu.sem_alloc : memref<!tpu.dma_semaphore, #tpu.memory_space<semaphore_mem>>
        %dma_start3A_907 = arith.constant 0 : i32
        %dma_start3A_908 = arith.constant 0 : i32
        %dma_start3A_909 = tpu.memref_slice %arg9[%run_scoped3A_856, %dma_start3A_907, %dma_start3A_908] : memref<3x100x128xf32, #tpu.memory_space<vmem>> -> memref<1x100x128xf32, #tpu.memory_space<vmem>>
        %dma_start3A_910 = tpu.memref_squeeze %dma_start3A_909 : memref<1x100x128xf32, #tpu.memory_space<vmem>> -> memref<100x128xf32, #tpu.memory_space<vmem>>
        %dma_start3A_911 = arith.constant 0 : i32
        %dma_start3A_912 = tpu.memref_slice %arg8[%add3A_843, %dma_start3A_911] : memref<20x100xi32, #tpu.memory_space<vmem>> -> memref<1x100xi32, #tpu.memory_space<vmem>>
        %dma_start3A_913 = tpu.memref_squeeze %dma_start3A_912 : memref<1x100xi32, #tpu.memory_space<vmem>> -> memref<100xi32, #tpu.memory_space<vmem>>
        %dma_start3A_914 = arith.constant 0 : i32
        %dma_start3A_915 = arith.constant 0 : i32
        %dma_start3A_916 = tpu.memref_slice %arg10[%dma_start3A_914, %dma_start3A_915] : memref<10000x128xf32, #tpu.memory_space<vmem_shared>> -> memref<10000x128xf32, #tpu.memory_space<vmem_shared>>
        tpu.enqueue_indirect_dma source(%dma_start3A_910 : memref<100x128xf32, #tpu.memory_space<vmem>>) target(%dma_start3A_916 : memref<10000x128xf32, #tpu.memory_space<vmem_shared>>) offsets(%dma_start3A_913 : memref<100xi32, #tpu.memory_space<vmem>>) semaphore(%run_scoped3A_906 : memref<!tpu.dma_semaphore, #tpu.memory_space<semaphore_mem>>) {add = true}
        %dma_wait3A_917 = arith.constant 0 : i32
        %dma_wait3A_918 = arith.constant 0 : i32
        %dma_wait3A_919 = tpu.memref_slice %arg9[%run_scoped3A_856, %dma_wait3A_917, %dma_wait3A_918] : memref<3x100x128xf32, #tpu.memory_space<vmem>> -> memref<1x100x128xf32, #tpu.memory_space<vmem>>
        %dma_wait3A_920 = tpu.memref_squeeze %dma_wait3A_919 : memref<1x100x128xf32, #tpu.memory_space<vmem>> -> memref<100x128xf32, #tpu.memory_space<vmem>>
        %dma_wait3A_921 = arith.constant 0 : i32
        %dma_wait3A_922 = tpu.memref_slice %arg8[%add3A_843, %dma_wait3A_921] : memref<20x100xi32, #tpu.memory_space<vmem>> -> memref<1x100xi32, #tpu.memory_space<vmem>>
        %dma_wait3A_923 = tpu.memref_squeeze %dma_wait3A_922 : memref<1x100xi32, #tpu.memory_space<vmem>> -> memref<100xi32, #tpu.memory_space<vmem>>
        %dma_wait3A_924 = arith.constant 0 : i32
        %dma_wait3A_925 = arith.constant 0 : i32
        %dma_wait3A_926 = tpu.memref_slice %arg10[%dma_wait3A_924, %dma_wait3A_925] : memref<10000x128xf32, #tpu.memory_space<vmem_shared>> -> memref<10000x128xf32, #tpu.memory_space<vmem_shared>>
        tpu.wait_indirect_dma semaphore(%run_scoped3A_906 : memref<!tpu.dma_semaphore, #tpu.memory_space<semaphore_mem>>) src(%dma_wait3A_920 : memref<100x128xf32, #tpu.memory_space<vmem>>) dst(%dma_wait3A_926 : memref<10000x128xf32, #tpu.memory_space<vmem_shared>>)
        tpu.yield
      }) : () -> ()
      %add3A_857 = arith.constant 3 : i32
      %add3A_858 = arith.addi %add3A_843, %add3A_857 : i32
      %dma_start3A_859 = arith.constant 1 : i32
      %dma_start3A_860 = arith.constant 1 : i32
      %dma_start3A_861 = arith.constant 0 : i32
      %dma_start3A_862 = arith.constant 0 : i32
      %dma_start3A_863 = tpu.memref_slice %arg9[%dma_start3A_859, %dma_start3A_861, %dma_start3A_862] : memref<3x100x128xf32, #tpu.memory_space<vmem>> -> memref<1x100x128xf32, #tpu.memory_space<vmem>>
      %dma_start3A_864 = tpu.memref_squeeze %dma_start3A_863 : memref<1x100x128xf32, #tpu.memory_space<vmem>> -> memref<100x128xf32, #tpu.memory_space<vmem>>
      %dma_start3A_865 = arith.constant 0 : i32
      %dma_start3A_866 = tpu.memref_slice %arg7[%add3A_858, %dma_start3A_865] : memref<20x100xi32, #tpu.memory_space<vmem>> -> memref<1x100xi32, #tpu.memory_space<vmem>>
      %dma_start3A_867 = tpu.memref_squeeze %dma_start3A_866 : memref<1x100xi32, #tpu.memory_space<vmem>> -> memref<100xi32, #tpu.memory_space<vmem>>
      %dma_start3A_868 = arith.constant 0 : i32
      %dma_start3A_869 = arith.constant 0 : i32
      %dma_start3A_870 = tpu.memref_slice %arg2[%dma_start3A_868, %dma_start3A_869] : memref<80000x128xf32, #tpu.memory_space<hbm>> -> memref<80000x128xf32, #tpu.memory_space<hbm>>
      %dma_start3A_871 = tpu.memref_slice %arg11[%dma_start3A_860] : memref<3x!tpu.dma_semaphore, #tpu.memory_space<semaphore_mem>> -> memref<1x!tpu.dma_semaphore, #tpu.memory_space<semaphore_mem>>
      %dma_start3A_872 = tpu.memref_squeeze %dma_start3A_871 : memref<1x!tpu.dma_semaphore, #tpu.memory_space<semaphore_mem>> -> memref<!tpu.dma_semaphore, #tpu.memory_space<semaphore_mem>>
      tpu.enqueue_indirect_dma source(%dma_start3A_870 : memref<80000x128xf32, #tpu.memory_space<hbm>>) target(%dma_start3A_864 : memref<100x128xf32, #tpu.memory_space<vmem>>) offsets(%dma_start3A_867 : memref<100xi32, #tpu.memory_space<vmem>>) semaphore(%dma_start3A_872 : memref<!tpu.dma_semaphore, #tpu.memory_space<semaphore_mem>>)
      %mul3A_873 = arith.constant 3 : i32
      %mul3A_874 = arith.muli %scan3A_806, %mul3A_873 : i32
      %add3A_875 = arith.constant 2 : i32
      %add3A_876 = arith.addi %mul3A_874, %add3A_875 : i32
      %dma_wait3A_877 = arith.constant 2 : i32
      %dma_wait3A_878 = arith.constant 2 : i32
      %dma_wait3A_879 = arith.constant 0 : i32
      %dma_wait3A_880 = arith.constant 0 : i32
      %dma_wait3A_881 = tpu.memref_slice %arg9[%dma_wait3A_877, %dma_wait3A_879, %dma_wait3A_880] : memref<3x100x128xf32, #tpu.memory_space<vmem>> -> memref<1x100x128xf32, #tpu.memory_space<vmem>>
      %dma_wait3A_882 = tpu.memref_squeeze %dma_wait3A_881 : memref<1x100x128xf32, #tpu.memory_space<vmem>> -> memref<100x128xf32, #tpu.memory_space<vmem>>
      %dma_wait3A_883 = tpu.memref_slice %arg11[%dma_wait3A_878] : memref<3x!tpu.dma_semaphore, #tpu.memory_space<semaphore_mem>> -> memref<1x!tpu.dma_semaphore, #tpu.memory_space<semaphore_mem>>
      %dma_wait3A_884 = tpu.memref_squeeze %dma_wait3A_883 : memref<1x!tpu.dma_semaphore, #tpu.memory_space<semaphore_mem>> -> memref<!tpu.dma_semaphore, #tpu.memory_space<semaphore_mem>>
      %dma_wait3A_885 = arith.constant 0 : i32
      %dma_wait3A_886 = arith.constant 0 : i32
      %dma_wait3A_887 = tpu.memref_slice %arg9[%dma_wait3A_877, %dma_wait3A_885, %dma_wait3A_886] : memref<3x100x128xf32, #tpu.memory_space<vmem>> -> memref<1x100x128xf32, #tpu.memory_space<vmem>>
      %dma_wait3A_888 = tpu.memref_squeeze %dma_wait3A_887 : memref<1x100x128xf32, #tpu.memory_space<vmem>> -> memref<100x128xf32, #tpu.memory_space<vmem>>
      tpu.wait_dma2 semaphore(%dma_wait3A_884 : memref<!tpu.dma_semaphore, #tpu.memory_space<semaphore_mem>>) src(%arg5 : memref<100x128xf32, #tpu.memory_space<hbm>>) dst(%dma_wait3A_888 : memref<100x128xf32, #tpu.memory_space<vmem>>)
      %run_scoped3A_889 = arith.constant 2 : i32
      "tpu.region"() ({
        %run_scoped3A_906 = tpu.sem_alloc : memref<!tpu.dma_semaphore, #tpu.memory_space<semaphore_mem>>
        %dma_start3A_907 = arith.constant 0 : i32
        %dma_start3A_908 = arith.constant 0 : i32
        %dma_start3A_909 = tpu.memref_slice %arg9[%run_scoped3A_889, %dma_start3A_907, %dma_start3A_908] : memref<3x100x128xf32, #tpu.memory_space<vmem>> -> memref<1x100x128xf32, #tpu.memory_space<vmem>>
        %dma_start3A_910 = tpu.memref_squeeze %dma_start3A_909 : memref<1x100x128xf32, #tpu.memory_space<vmem>> -> memref<100x128xf32, #tpu.memory_space<vmem>>
        %dma_start3A_911 = arith.constant 0 : i32
        %dma_start3A_912 = tpu.memref_slice %arg8[%add3A_876, %dma_start3A_911] : memref<20x100xi32, #tpu.memory_space<vmem>> -> memref<1x100xi32, #tpu.memory_space<vmem>>
        %dma_start3A_913 = tpu.memref_squeeze %dma_start3A_912 : memref<1x100xi32, #tpu.memory_space<vmem>> -> memref<100xi32, #tpu.memory_space<vmem>>
        %dma_start3A_914 = arith.constant 0 : i32
        %dma_start3A_915 = arith.constant 0 : i32
        %dma_start3A_916 = tpu.memref_slice %arg10[%dma_start3A_914, %dma_start3A_915] : memref<10000x128xf32, #tpu.memory_space<vmem_shared>> -> memref<10000x128xf32, #tpu.memory_space<vmem_shared>>
        tpu.enqueue_indirect_dma source(%dma_start3A_910 : memref<100x128xf32, #tpu.memory_space<vmem>>) target(%dma_start3A_916 : memref<10000x128xf32, #tpu.memory_space<vmem_shared>>) offsets(%dma_start3A_913 : memref<100xi32, #tpu.memory_space<vmem>>) semaphore(%run_scoped3A_906 : memref<!tpu.dma_semaphore, #tpu.memory_space<semaphore_mem>>) {add = true}
        %dma_wait3A_917 = arith.constant 0 : i32
        %dma_wait3A_918 = arith.constant 0 : i32
        %dma_wait3A_919 = tpu.memref_slice %arg9[%run_scoped3A_889, %dma_wait3A_917, %dma_wait3A_918] : memref<3x100x128xf32, #tpu.memory_space<vmem>> -> memref<1x100x128xf32, #tpu.memory_space<vmem>>
        %dma_wait3A_920 = tpu.memref_squeeze %dma_wait3A_919 : memref<1x100x128xf32, #tpu.memory_space<vmem>> -> memref<100x128xf32, #tpu.memory_space<vmem>>
        %dma_wait3A_921 = arith.constant 0 : i32
        %dma_wait3A_922 = tpu.memref_slice %arg8[%add3A_876, %dma_wait3A_921] : memref<20x100xi32, #tpu.memory_space<vmem>> -> memref<1x100xi32, #tpu.memory_space<vmem>>
        %dma_wait3A_923 = tpu.memref_squeeze %dma_wait3A_922 : memref<1x100xi32, #tpu.memory_space<vmem>> -> memref<100xi32, #tpu.memory_space<vmem>>
        %dma_wait3A_924 = arith.constant 0 : i32
        %dma_wait3A_925 = arith.constant 0 : i32
        %dma_wait3A_926 = tpu.memref_slice %arg10[%dma_wait3A_924, %dma_wait3A_925] : memref<10000x128xf32, #tpu.memory_space<vmem_shared>> -> memref<10000x128xf32, #tpu.memory_space<vmem_shared>>
        tpu.wait_indirect_dma semaphore(%run_scoped3A_906 : memref<!tpu.dma_semaphore, #tpu.memory_space<semaphore_mem>>) src(%dma_wait3A_920 : memref<100x128xf32, #tpu.memory_space<vmem>>) dst(%dma_wait3A_926 : memref<10000x128xf32, #tpu.memory_space<vmem_shared>>)
        tpu.yield
      }) : () -> ()
      %add3A_890 = arith.constant 3 : i32
      %add3A_891 = arith.addi %add3A_876, %add3A_890 : i32
      %dma_start3A_892 = arith.constant 2 : i32
      %dma_start3A_893 = arith.constant 2 : i32
      %dma_start3A_894 = arith.constant 0 : i32
      %dma_start3A_895 = arith.constant 0 : i32
      %dma_start3A_896 = tpu.memref_slice %arg9[%dma_start3A_892, %dma_start3A_894, %dma_start3A_895] : memref<3x100x128xf32, #tpu.memory_space<vmem>> -> memref<1x100x128xf32, #tpu.memory_space<vmem>>
      %dma_start3A_897 = tpu.memref_squeeze %dma_start3A_896 : memref<1x100x128xf32, #tpu.memory_space<vmem>> -> memref<100x128xf32, #tpu.memory_space<vmem>>
      %dma_start3A_898 = arith.constant 0 : i32
      %dma_start3A_899 = tpu.memref_slice %arg7[%add3A_891, %dma_start3A_898] : memref<20x100xi32, #tpu.memory_space<vmem>> -> memref<1x100xi32, #tpu.memory_space<vmem>>
      %dma_start3A_900 = tpu.memref_squeeze %dma_start3A_899 : memref<1x100xi32, #tpu.memory_space<vmem>> -> memref<100xi32, #tpu.memory_space<vmem>>
      %dma_start3A_901 = arith.constant 0 : i32
      %dma_start3A_902 = arith.constant 0 : i32
      %dma_start3A_903 = tpu.memref_slice %arg2[%dma_start3A_901, %dma_start3A_902] : memref<80000x128xf32, #tpu.memory_space<hbm>> -> memref<80000x128xf32, #tpu.memory_space<hbm>>
      %dma_start3A_904 = tpu.memref_slice %arg11[%dma_start3A_893] : memref<3x!tpu.dma_semaphore, #tpu.memory_space<semaphore_mem>> -> memref<1x!tpu.dma_semaphore, #tpu.memory_space<semaphore_mem>>
      %dma_start3A_905 = tpu.memref_squeeze %dma_start3A_904 : memref<1x!tpu.dma_semaphore, #tpu.memory_space<semaphore_mem>> -> memref<!tpu.dma_semaphore, #tpu.memory_space<semaphore_mem>>
      tpu.enqueue_indirect_dma source(%dma_start3A_903 : memref<80000x128xf32, #tpu.memory_space<hbm>>) target(%dma_start3A_897 : memref<100x128xf32, #tpu.memory_space<vmem>>) offsets(%dma_start3A_900 : memref<100xi32, #tpu.memory_space<vmem>>) semaphore(%dma_start3A_905 : memref<!tpu.dma_semaphore, #tpu.memory_space<semaphore_mem>>)
    }
    %scan3A_91 = arith.constant 5 : i32
    %dma_wait3A = arith.constant 0 : i32
    %dma_wait3A_92 = arith.constant 0 : i32
    %dma_wait3A_93 = arith.constant 0 : i32
    %dma_wait3A_94 = arith.constant 0 : i32
    %dma_wait3A_95 = tpu.memref_slice %arg9[%dma_wait3A, %dma_wait3A_93, %dma_wait3A_94] : memref<3x100x128xf32, #tpu.memory_space<vmem>> -> memref<1x100x128xf32, #tpu.memory_space<vmem>>
    %dma_wait3A_96 = tpu.memref_squeeze %dma_wait3A_95 : memref<1x100x128xf32, #tpu.memory_space<vmem>> -> memref<100x128xf32, #tpu.memory_space<vmem>>
    %dma_wait3A_97 = tpu.memref_slice %arg11[%dma_wait3A_92] : memref<3x!tpu.dma_semaphore, #tpu.memory_space<semaphore_mem>> -> memref<1x!tpu.dma_semaphore, #tpu.memory_space<semaphore_mem>>
    %dma_wait3A_98 = tpu.memref_squeeze %dma_wait3A_97 : memref<1x!tpu.dma_semaphore, #tpu.memory_space<semaphore_mem>> -> memref<!tpu.dma_semaphore, #tpu.memory_space<semaphore_mem>>
    %dma_wait3A_99 = arith.constant 0 : i32
    %dma_wait3A_100 = arith.constant 0 : i32
    %dma_wait3A_101 = tpu.memref_slice %arg9[%dma_wait3A, %dma_wait3A_99, %dma_wait3A_100] : memref<3x100x128xf32, #tpu.memory_space<vmem>> -> memref<1x100x128xf32, #tpu.memory_space<vmem>>
    %dma_wait3A_102 = tpu.memref_squeeze %dma_wait3A_101 : memref<1x100x128xf32, #tpu.memory_space<vmem>> -> memref<100x128xf32, #tpu.memory_space<vmem>>
    tpu.wait_dma2 semaphore(%dma_wait3A_98 : memref<!tpu.dma_semaphore, #tpu.memory_space<semaphore_mem>>) src(%arg5 : memref<100x128xf32, #tpu.memory_space<hbm>>) dst(%dma_wait3A_102 : memref<100x128xf32, #tpu.memory_space<vmem>>)
    %run_scoped3A_103 = arith.constant 0 : i32
    %run_scoped3A_104 = arith.constant 15 : i32
    "tpu.region"() ({
      %run_scoped3A_806 = tpu.sem_alloc : memref<!tpu.dma_semaphore, #tpu.memory_space<semaphore_mem>>
      %dma_start3A_807 = arith.constant 0 : i32
      %dma_start3A_808 = arith.constant 0 : i32
      %dma_start3A_809 = tpu.memref_slice %arg9[%run_scoped3A_103, %dma_start3A_807, %dma_start3A_808] : memref<3x100x128xf32, #tpu.memory_space<vmem>> -> memref<1x100x128xf32, #tpu.memory_space<vmem>>
      %dma_start3A_810 = tpu.memref_squeeze %dma_start3A_809 : memref<1x100x128xf32, #tpu.memory_space<vmem>> -> memref<100x128xf32, #tpu.memory_space<vmem>>
      %dma_start3A_811 = arith.constant 0 : i32
      %dma_start3A_812 = tpu.memref_slice %arg8[%run_scoped3A_104, %dma_start3A_811] : memref<20x100xi32, #tpu.memory_space<vmem>> -> memref<1x100xi32, #tpu.memory_space<vmem>>
      %dma_start3A_813 = tpu.memref_squeeze %dma_start3A_812 : memref<1x100xi32, #tpu.memory_space<vmem>> -> memref<100xi32, #tpu.memory_space<vmem>>
      %dma_start3A_814 = arith.constant 0 : i32
      %dma_start3A_815 = arith.constant 0 : i32
      %dma_start3A_816 = tpu.memref_slice %arg10[%dma_start3A_814, %dma_start3A_815] : memref<10000x128xf32, #tpu.memory_space<vmem_shared>> -> memref<10000x128xf32, #tpu.memory_space<vmem_shared>>
      tpu.enqueue_indirect_dma source(%dma_start3A_810 : memref<100x128xf32, #tpu.memory_space<vmem>>) target(%dma_start3A_816 : memref<10000x128xf32, #tpu.memory_space<vmem_shared>>) offsets(%dma_start3A_813 : memref<100xi32, #tpu.memory_space<vmem>>) semaphore(%run_scoped3A_806 : memref<!tpu.dma_semaphore, #tpu.memory_space<semaphore_mem>>) {add = true}
      %dma_wait3A_817 = arith.constant 0 : i32
      %dma_wait3A_818 = arith.constant 0 : i32
      %dma_wait3A_819 = tpu.memref_slice %arg9[%run_scoped3A_103, %dma_wait3A_817, %dma_wait3A_818] : memref<3x100x128xf32, #tpu.memory_space<vmem>> -> memref<1x100x128xf32, #tpu.memory_space<vmem>>
      %dma_wait3A_820 = tpu.memref_squeeze %dma_wait3A_819 : memref<1x100x128xf32, #tpu.memory_space<vmem>> -> memref<100x128xf32, #tpu.memory_space<vmem>>
      %dma_wait3A_821 = arith.constant 0 : i32
      %dma_wait3A_822 = tpu.memref_slice %arg8[%run_scoped3A_104, %dma_wait3A_821] : memref<20x100xi32, #tpu.memory_space<vmem>> -> memref<1x100xi32, #tpu.memory_space<vmem>>
      %dma_wait3A_823 = tpu.memref_squeeze %dma_wait3A_822 : memref<1x100xi32, #tpu.memory_space<vmem>> -> memref<100xi32, #tpu.memory_space<vmem>>
      %dma_wait3A_824 = arith.constant 0 : i32
      %dma_wait3A_825 = arith.constant 0 : i32
      %dma_wait3A_826 = tpu.memref_slice %arg10[%dma_wait3A_824, %dma_wait3A_825] : memref<10000x128xf32, #tpu.memory_space<vmem_shared>> -> memref<10000x128xf32, #tpu.memory_space<vmem_shared>>
      tpu.wait_indirect_dma semaphore(%run_scoped3A_806 : memref<!tpu.dma_semaphore, #tpu.memory_space<semaphore_mem>>) src(%dma_wait3A_820 : memref<100x128xf32, #tpu.memory_space<vmem>>) dst(%dma_wait3A_826 : memref<10000x128xf32, #tpu.memory_space<vmem_shared>>)
      tpu.yield
    }) : () -> ()
    %dma_start3A_105 = arith.constant 18 : i32
    %dma_start3A_106 = arith.constant 0 : i32
    %dma_start3A_107 = arith.constant 0 : i32
    %dma_start3A_108 = arith.constant 0 : i32
    %dma_start3A_109 = arith.constant 0 : i32
    %dma_start3A_110 = tpu.memref_slice %arg9[%dma_start3A_106, %dma_start3A_108, %dma_start3A_109] : memref<3x100x128xf32, #tpu.memory_space<vmem>> -> memref<1x100x128xf32, #tpu.memory_space<vmem>>
    %dma_start3A_111 = tpu.memref_squeeze %dma_start3A_110 : memref<1x100x128xf32, #tpu.memory_space<vmem>> -> memref<100x128xf32, #tpu.memory_space<vmem>>
    %dma_start3A_112 = arith.constant 0 : i32
    %dma_start3A_113 = tpu.memref_slice %arg7[%dma_start3A_105, %dma_start3A_112] : memref<20x100xi32, #tpu.memory_space<vmem>> -> memref<1x100xi32, #tpu.memory_space<vmem>>
    %dma_start3A_114 = tpu.memref_squeeze %dma_start3A_113 : memref<1x100xi32, #tpu.memory_space<vmem>> -> memref<100xi32, #tpu.memory_space<vmem>>
    %dma_start3A_115 = arith.constant 0 : i32
    %dma_start3A_116 = arith.constant 0 : i32
    %dma_start3A_117 = tpu.memref_slice %arg2[%dma_start3A_115, %dma_start3A_116] : memref<80000x128xf32, #tpu.memory_space<hbm>> -> memref<80000x128xf32, #tpu.memory_space<hbm>>
    %dma_start3A_118 = tpu.memref_slice %arg11[%dma_start3A_107] : memref<3x!tpu.dma_semaphore, #tpu.memory_space<semaphore_mem>> -> memref<1x!tpu.dma_semaphore, #tpu.memory_space<semaphore_mem>>
    %dma_start3A_119 = tpu.memref_squeeze %dma_start3A_118 : memref<1x!tpu.dma_semaphore, #tpu.memory_space<semaphore_mem>> -> memref<!tpu.dma_semaphore, #tpu.memory_space<semaphore_mem>>
    tpu.enqueue_indirect_dma source(%dma_start3A_117 : memref<80000x128xf32, #tpu.memory_space<hbm>>) target(%dma_start3A_111 : memref<100x128xf32, #tpu.memory_space<vmem>>) offsets(%dma_start3A_114 : memref<100xi32, #tpu.memory_space<vmem>>) semaphore(%dma_start3A_119 : memref<!tpu.dma_semaphore, #tpu.memory_space<semaphore_mem>>)
    %dma_wait3A_120 = arith.constant 1 : i32
    %dma_wait3A_121 = arith.constant 1 : i32
    %dma_wait3A_122 = arith.constant 0 : i32
    %dma_wait3A_123 = arith.constant 0 : i32
    %dma_wait3A_124 = tpu.memref_slice %arg9[%dma_wait3A_120, %dma_wait3A_122, %dma_wait3A_123] : memref<3x100x128xf32, #tpu.memory_space<vmem>> -> memref<1x100x128xf32, #tpu.memory_space<vmem>>
    %dma_wait3A_125 = tpu.memref_squeeze %dma_wait3A_124 : memref<1x100x128xf32, #tpu.memory_space<vmem>> -> memref<100x128xf32, #tpu.memory_space<vmem>>
    %dma_wait3A_126 = tpu.memref_slice %arg11[%dma_wait3A_121] : memref<3x!tpu.dma_semaphore, #tpu.memory_space<semaphore_mem>> -> memref<1x!tpu.dma_semaphore, #tpu.memory_space<semaphore_mem>>
    %dma_wait3A_127 = tpu.memref_squeeze %dma_wait3A_126 : memref<1x!tpu.dma_semaphore, #tpu.memory_space<semaphore_mem>> -> memref<!tpu.dma_semaphore, #tpu.memory_space<semaphore_mem>>
    %dma_wait3A_128 = arith.constant 0 : i32
    %dma_wait3A_129 = arith.constant 0 : i32
    %dma_wait3A_130 = tpu.memref_slice %arg9[%dma_wait3A_120, %dma_wait3A_128, %dma_wait3A_129] : memref<3x100x128xf32, #tpu.memory_space<vmem>> -> memref<1x100x128xf32, #tpu.memory_space<vmem>>
    %dma_wait3A_131 = tpu.memref_squeeze %dma_wait3A_130 : memref<1x100x128xf32, #tpu.memory_space<vmem>> -> memref<100x128xf32, #tpu.memory_space<vmem>>
    tpu.wait_dma2 semaphore(%dma_wait3A_127 : memref<!tpu.dma_semaphore, #tpu.memory_space<semaphore_mem>>) src(%arg5 : memref<100x128xf32, #tpu.memory_space<hbm>>) dst(%dma_wait3A_131 : memref<100x128xf32, #tpu.memory_space<vmem>>)
    %run_scoped3A_132 = arith.constant 1 : i32
    %run_scoped3A_133 = arith.constant 16 : i32
    "tpu.region"() ({
      %run_scoped3A_806 = tpu.sem_alloc : memref<!tpu.dma_semaphore, #tpu.memory_space<semaphore_mem>>
      %dma_start3A_807 = arith.constant 0 : i32
      %dma_start3A_808 = arith.constant 0 : i32
      %dma_start3A_809 = tpu.memref_slice %arg9[%run_scoped3A_132, %dma_start3A_807, %dma_start3A_808] : memref<3x100x128xf32, #tpu.memory_space<vmem>> -> memref<1x100x128xf32, #tpu.memory_space<vmem>>
      %dma_start3A_810 = tpu.memref_squeeze %dma_start3A_809 : memref<1x100x128xf32, #tpu.memory_space<vmem>> -> memref<100x128xf32, #tpu.memory_space<vmem>>
      %dma_start3A_811 = arith.constant 0 : i32
      %dma_start3A_812 = tpu.memref_slice %arg8[%run_scoped3A_133, %dma_start3A_811] : memref<20x100xi32, #tpu.memory_space<vmem>> -> memref<1x100xi32, #tpu.memory_space<vmem>>
      %dma_start3A_813 = tpu.memref_squeeze %dma_start3A_812 : memref<1x100xi32, #tpu.memory_space<vmem>> -> memref<100xi32, #tpu.memory_space<vmem>>
      %dma_start3A_814 = arith.constant 0 : i32
      %dma_start3A_815 = arith.constant 0 : i32
      %dma_start3A_816 = tpu.memref_slice %arg10[%dma_start3A_814, %dma_start3A_815] : memref<10000x128xf32, #tpu.memory_space<vmem_shared>> -> memref<10000x128xf32, #tpu.memory_space<vmem_shared>>
      tpu.enqueue_indirect_dma source(%dma_start3A_810 : memref<100x128xf32, #tpu.memory_space<vmem>>) target(%dma_start3A_816 : memref<10000x128xf32, #tpu.memory_space<vmem_shared>>) offsets(%dma_start3A_813 : memref<100xi32, #tpu.memory_space<vmem>>) semaphore(%run_scoped3A_806 : memref<!tpu.dma_semaphore, #tpu.memory_space<semaphore_mem>>) {add = true}
      %dma_wait3A_817 = arith.constant 0 : i32
      %dma_wait3A_818 = arith.constant 0 : i32
      %dma_wait3A_819 = tpu.memref_slice %arg9[%run_scoped3A_132, %dma_wait3A_817, %dma_wait3A_818] : memref<3x100x128xf32, #tpu.memory_space<vmem>> -> memref<1x100x128xf32, #tpu.memory_space<vmem>>
      %dma_wait3A_820 = tpu.memref_squeeze %dma_wait3A_819 : memref<1x100x128xf32, #tpu.memory_space<vmem>> -> memref<100x128xf32, #tpu.memory_space<vmem>>
      %dma_wait3A_821 = arith.constant 0 : i32
      %dma_wait3A_822 = tpu.memref_slice %arg8[%run_scoped3A_133, %dma_wait3A_821] : memref<20x100xi32, #tpu.memory_space<vmem>> -> memref<1x100xi32, #tpu.memory_space<vmem>>
      %dma_wait3A_823 = tpu.memref_squeeze %dma_wait3A_822 : memref<1x100xi32, #tpu.memory_space<vmem>> -> memref<100xi32, #tpu.memory_space<vmem>>
      %dma_wait3A_824 = arith.constant 0 : i32
      %dma_wait3A_825 = arith.constant 0 : i32
      %dma_wait3A_826 = tpu.memref_slice %arg10[%dma_wait3A_824, %dma_wait3A_825] : memref<10000x128xf32, #tpu.memory_space<vmem_shared>> -> memref<10000x128xf32, #tpu.memory_space<vmem_shared>>
      tpu.wait_indirect_dma semaphore(%run_scoped3A_806 : memref<!tpu.dma_semaphore, #tpu.memory_space<semaphore_mem>>) src(%dma_wait3A_820 : memref<100x128xf32, #tpu.memory_space<vmem>>) dst(%dma_wait3A_826 : memref<10000x128xf32, #tpu.memory_space<vmem_shared>>)
      tpu.yield
    }) : () -> ()
    %dma_start3A_134 = arith.constant 19 : i32
    %dma_start3A_135 = arith.constant 1 : i32
    %dma_start3A_136 = arith.constant 1 : i32
    %dma_start3A_137 = arith.constant 0 : i32
    %dma_start3A_138 = arith.constant 0 : i32
    %dma_start3A_139 = tpu.memref_slice %arg9[%dma_start3A_135, %dma_start3A_137, %dma_start3A_138] : memref<3x100x128xf32, #tpu.memory_space<vmem>> -> memref<1x100x128xf32, #tpu.memory_space<vmem>>
    %dma_start3A_140 = tpu.memref_squeeze %dma_start3A_139 : memref<1x100x128xf32, #tpu.memory_space<vmem>> -> memref<100x128xf32, #tpu.memory_space<vmem>>
    %dma_start3A_141 = arith.constant 0 : i32
    %dma_start3A_142 = tpu.memref_slice %arg7[%dma_start3A_134, %dma_start3A_141] : memref<20x100xi32, #tpu.memory_space<vmem>> -> memref<1x100xi32, #tpu.memory_space<vmem>>
    %dma_start3A_143 = tpu.memref_squeeze %dma_start3A_142 : memref<1x100xi32, #tpu.memory_space<vmem>> -> memref<100xi32, #tpu.memory_space<vmem>>
    %dma_start3A_144 = arith.constant 0 : i32
    %dma_start3A_145 = arith.constant 0 : i32
    %dma_start3A_146 = tpu.memref_slice %arg2[%dma_start3A_144, %dma_start3A_145] : memref<80000x128xf32, #tpu.memory_space<hbm>> -> memref<80000x128xf32, #tpu.memory_space<hbm>>
    %dma_start3A_147 = tpu.memref_slice %arg11[%dma_start3A_136] : memref<3x!tpu.dma_semaphore, #tpu.memory_space<semaphore_mem>> -> memref<1x!tpu.dma_semaphore, #tpu.memory_space<semaphore_mem>>
    %dma_start3A_148 = tpu.memref_squeeze %dma_start3A_147 : memref<1x!tpu.dma_semaphore, #tpu.memory_space<semaphore_mem>> -> memref<!tpu.dma_semaphore, #tpu.memory_space<semaphore_mem>>
    tpu.enqueue_indirect_dma source(%dma_start3A_146 : memref<80000x128xf32, #tpu.memory_space<hbm>>) target(%dma_start3A_140 : memref<100x128xf32, #tpu.memory_space<vmem>>) offsets(%dma_start3A_143 : memref<100xi32, #tpu.memory_space<vmem>>) semaphore(%dma_start3A_148 : memref<!tpu.dma_semaphore, #tpu.memory_space<semaphore_mem>>)
    %dma_wait3A_149 = arith.constant 2 : i32
    %dma_wait3A_150 = arith.constant 2 : i32
    %dma_wait3A_151 = arith.constant 0 : i32
    %dma_wait3A_152 = arith.constant 0 : i32
    %dma_wait3A_153 = tpu.memref_slice %arg9[%dma_wait3A_149, %dma_wait3A_151, %dma_wait3A_152] : memref<3x100x128xf32, #tpu.memory_space<vmem>> -> memref<1x100x128xf32, #tpu.memory_space<vmem>>
    %dma_wait3A_154 = tpu.memref_squeeze %dma_wait3A_153 : memref<1x100x128xf32, #tpu.memory_space<vmem>> -> memref<100x128xf32, #tpu.memory_space<vmem>>
    %dma_wait3A_155 = tpu.memref_slice %arg11[%dma_wait3A_150] : memref<3x!tpu.dma_semaphore, #tpu.memory_space<semaphore_mem>> -> memref<1x!tpu.dma_semaphore, #tpu.memory_space<semaphore_mem>>
    %dma_wait3A_156 = tpu.memref_squeeze %dma_wait3A_155 : memref<1x!tpu.dma_semaphore, #tpu.memory_space<semaphore_mem>> -> memref<!tpu.dma_semaphore, #tpu.memory_space<semaphore_mem>>
    %dma_wait3A_157 = arith.constant 0 : i32
    %dma_wait3A_158 = arith.constant 0 : i32
    %dma_wait3A_159 = tpu.memref_slice %arg9[%dma_wait3A_149, %dma_wait3A_157, %dma_wait3A_158] : memref<3x100x128xf32, #tpu.memory_space<vmem>> -> memref<1x100x128xf32, #tpu.memory_space<vmem>>
    %dma_wait3A_160 = tpu.memref_squeeze %dma_wait3A_159 : memref<1x100x128xf32, #tpu.memory_space<vmem>> -> memref<100x128xf32, #tpu.memory_space<vmem>>
    tpu.wait_dma2 semaphore(%dma_wait3A_156 : memref<!tpu.dma_semaphore, #tpu.memory_space<semaphore_mem>>) src(%arg5 : memref<100x128xf32, #tpu.memory_space<hbm>>) dst(%dma_wait3A_160 : memref<100x128xf32, #tpu.memory_space<vmem>>)
    %run_scoped3A_161 = arith.constant 2 : i32
    %run_scoped3A_162 = arith.constant 17 : i32
    "tpu.region"() ({
      %run_scoped3A_806 = tpu.sem_alloc : memref<!tpu.dma_semaphore, #tpu.memory_space<semaphore_mem>>
      %dma_start3A_807 = arith.constant 0 : i32
      %dma_start3A_808 = arith.constant 0 : i32
      %dma_start3A_809 = tpu.memref_slice %arg9[%run_scoped3A_161, %dma_start3A_807, %dma_start3A_808] : memref<3x100x128xf32, #tpu.memory_space<vmem>> -> memref<1x100x128xf32, #tpu.memory_space<vmem>>
      %dma_start3A_810 = tpu.memref_squeeze %dma_start3A_809 : memref<1x100x128xf32, #tpu.memory_space<vmem>> -> memref<100x128xf32, #tpu.memory_space<vmem>>
      %dma_start3A_811 = arith.constant 0 : i32
      %dma_start3A_812 = tpu.memref_slice %arg8[%run_scoped3A_162, %dma_start3A_811] : memref<20x100xi32, #tpu.memory_space<vmem>> -> memref<1x100xi32, #tpu.memory_space<vmem>>
      %dma_start3A_813 = tpu.memref_squeeze %dma_start3A_812 : memref<1x100xi32, #tpu.memory_space<vmem>> -> memref<100xi32, #tpu.memory_space<vmem>>
      %dma_start3A_814 = arith.constant 0 : i32
      %dma_start3A_815 = arith.constant 0 : i32
      %dma_start3A_816 = tpu.memref_slice %arg10[%dma_start3A_814, %dma_start3A_815] : memref<10000x128xf32, #tpu.memory_space<vmem_shared>> -> memref<10000x128xf32, #tpu.memory_space<vmem_shared>>
      tpu.enqueue_indirect_dma source(%dma_start3A_810 : memref<100x128xf32, #tpu.memory_space<vmem>>) target(%dma_start3A_816 : memref<10000x128xf32, #tpu.memory_space<vmem_shared>>) offsets(%dma_start3A_813 : memref<100xi32, #tpu.memory_space<vmem>>) semaphore(%run_scoped3A_806 : memref<!tpu.dma_semaphore, #tpu.memory_space<semaphore_mem>>) {add = true}
      %dma_wait3A_817 = arith.constant 0 : i32
      %dma_wait3A_818 = arith.constant 0 : i32
      %dma_wait3A_819 = tpu.memref_slice %arg9[%run_scoped3A_161, %dma_wait3A_817, %dma_wait3A_818] : memref<3x100x128xf32, #tpu.memory_space<vmem>> -> memref<1x100x128xf32, #tpu.memory_space<vmem>>
      %dma_wait3A_820 = tpu.memref_squeeze %dma_wait3A_819 : memref<1x100x128xf32, #tpu.memory_space<vmem>> -> memref<100x128xf32, #tpu.memory_space<vmem>>
      %dma_wait3A_821 = arith.constant 0 : i32
      %dma_wait3A_822 = tpu.memref_slice %arg8[%run_scoped3A_162, %dma_wait3A_821] : memref<20x100xi32, #tpu.memory_space<vmem>> -> memref<1x100xi32, #tpu.memory_space<vmem>>
      %dma_wait3A_823 = tpu.memref_squeeze %dma_wait3A_822 : memref<1x100xi32, #tpu.memory_space<vmem>> -> memref<100xi32, #tpu.memory_space<vmem>>
      %dma_wait3A_824 = arith.constant 0 : i32
      %dma_wait3A_825 = arith.constant 0 : i32
      %dma_wait3A_826 = tpu.memref_slice %arg10[%dma_wait3A_824, %dma_wait3A_825] : memref<10000x128xf32, #tpu.memory_space<vmem_shared>> -> memref<10000x128xf32, #tpu.memory_space<vmem_shared>>
      tpu.wait_indirect_dma semaphore(%run_scoped3A_806 : memref<!tpu.dma_semaphore, #tpu.memory_space<semaphore_mem>>) src(%dma_wait3A_820 : memref<100x128xf32, #tpu.memory_space<vmem>>) dst(%dma_wait3A_826 : memref<10000x128xf32, #tpu.memory_space<vmem_shared>>)
      tpu.yield
    }) : () -> ()
    %dma_wait3A_163 = arith.constant 0 : i32
    %dma_wait3A_164 = arith.constant 0 : i32
    %dma_wait3A_165 = arith.constant 0 : i32
    %dma_wait3A_166 = arith.constant 0 : i32
    %dma_wait3A_167 = tpu.memref_slice %arg9[%dma_wait3A_163, %dma_wait3A_165, %dma_wait3A_166] : memref<3x100x128xf32, #tpu.memory_space<vmem>> -> memref<1x100x128xf32, #tpu.memory_space<vmem>>
    %dma_wait3A_168 = tpu.memref_squeeze %dma_wait3A_167 : memref<1x100x128xf32, #tpu.memory_space<vmem>> -> memref<100x128xf32, #tpu.memory_space<vmem>>
    %dma_wait3A_169 = tpu.memref_slice %arg11[%dma_wait3A_164] : memref<3x!tpu.dma_semaphore, #tpu.memory_space<semaphore_mem>> -> memref<1x!tpu.dma_semaphore, #tpu.memory_space<semaphore_mem>>
    %dma_wait3A_170 = tpu.memref_squeeze %dma_wait3A_169 : memref<1x!tpu.dma_semaphore, #tpu.memory_space<semaphore_mem>> -> memref<!tpu.dma_semaphore, #tpu.memory_space<semaphore_mem>>
    %dma_wait3A_171 = arith.constant 0 : i32
    %dma_wait3A_172 = arith.constant 0 : i32
    %dma_wait3A_173 = tpu.memref_slice %arg9[%dma_wait3A_163, %dma_wait3A_171, %dma_wait3A_172] : memref<3x100x128xf32, #tpu.memory_space<vmem>> -> memref<1x100x128xf32, #tpu.memory_space<vmem>>
    %dma_wait3A_174 = tpu.memref_squeeze %dma_wait3A_173 : memref<1x100x128xf32, #tpu.memory_space<vmem>> -> memref<100x128xf32, #tpu.memory_space<vmem>>
    tpu.wait_dma2 semaphore(%dma_wait3A_170 : memref<!tpu.dma_semaphore, #tpu.memory_space<semaphore_mem>>) src(%arg5 : memref<100x128xf32, #tpu.memory_space<hbm>>) dst(%dma_wait3A_174 : memref<100x128xf32, #tpu.memory_space<vmem>>)
    %run_scoped3A_175 = arith.constant 0 : i32
    %run_scoped3A_176 = arith.constant 18 : i32
    "tpu.region"() ({
      %run_scoped3A_806 = tpu.sem_alloc : memref<!tpu.dma_semaphore, #tpu.memory_space<semaphore_mem>>
      %dma_start3A_807 = arith.constant 0 : i32
      %dma_start3A_808 = arith.constant 0 : i32
      %dma_start3A_809 = tpu.memref_slice %arg9[%run_scoped3A_175, %dma_start3A_807, %dma_start3A_808] : memref<3x100x128xf32, #tpu.memory_space<vmem>> -> memref<1x100x128xf32, #tpu.memory_space<vmem>>
      %dma_start3A_810 = tpu.memref_squeeze %dma_start3A_809 : memref<1x100x128xf32, #tpu.memory_space<vmem>> -> memref<100x128xf32, #tpu.memory_space<vmem>>
      %dma_start3A_811 = arith.constant 0 : i32
      %dma_start3A_812 = tpu.memref_slice %arg8[%run_scoped3A_176, %dma_start3A_811] : memref<20x100xi32, #tpu.memory_space<vmem>> -> memref<1x100xi32, #tpu.memory_space<vmem>>
      %dma_start3A_813 = tpu.memref_squeeze %dma_start3A_812 : memref<1x100xi32, #tpu.memory_space<vmem>> -> memref<100xi32, #tpu.memory_space<vmem>>
      %dma_start3A_814 = arith.constant 0 : i32
      %dma_start3A_815 = arith.constant 0 : i32
      %dma_start3A_816 = tpu.memref_slice %arg10[%dma_start3A_814, %dma_start3A_815] : memref<10000x128xf32, #tpu.memory_space<vmem_shared>> -> memref<10000x128xf32, #tpu.memory_space<vmem_shared>>
      tpu.enqueue_indirect_dma source(%dma_start3A_810 : memref<100x128xf32, #tpu.memory_space<vmem>>) target(%dma_start3A_816 : memref<10000x128xf32, #tpu.memory_space<vmem_shared>>) offsets(%dma_start3A_813 : memref<100xi32, #tpu.memory_space<vmem>>) semaphore(%run_scoped3A_806 : memref<!tpu.dma_semaphore, #tpu.memory_space<semaphore_mem>>) {add = true}
      %dma_wait3A_817 = arith.constant 0 : i32
      %dma_wait3A_818 = arith.constant 0 : i32
      %dma_wait3A_819 = tpu.memref_slice %arg9[%run_scoped3A_175, %dma_wait3A_817, %dma_wait3A_818] : memref<3x100x128xf32, #tpu.memory_space<vmem>> -> memref<1x100x128xf32, #tpu.memory_space<vmem>>
      %dma_wait3A_820 = tpu.memref_squeeze %dma_wait3A_819 : memref<1x100x128xf32, #tpu.memory_space<vmem>> -> memref<100x128xf32, #tpu.memory_space<vmem>>
      %dma_wait3A_821 = arith.constant 0 : i32
      %dma_wait3A_822 = tpu.memref_slice %arg8[%run_scoped3A_176, %dma_wait3A_821] : memref<20x100xi32, #tpu.memory_space<vmem>> -> memref<1x100xi32, #tpu.memory_space<vmem>>
      %dma_wait3A_823 = tpu.memref_squeeze %dma_wait3A_822 : memref<1x100xi32, #tpu.memory_space<vmem>> -> memref<100xi32, #tpu.memory_space<vmem>>
      %dma_wait3A_824 = arith.constant 0 : i32
      %dma_wait3A_825 = arith.constant 0 : i32
      %dma_wait3A_826 = tpu.memref_slice %arg10[%dma_wait3A_824, %dma_wait3A_825] : memref<10000x128xf32, #tpu.memory_space<vmem_shared>> -> memref<10000x128xf32, #tpu.memory_space<vmem_shared>>
      tpu.wait_indirect_dma semaphore(%run_scoped3A_806 : memref<!tpu.dma_semaphore, #tpu.memory_space<semaphore_mem>>) src(%dma_wait3A_820 : memref<100x128xf32, #tpu.memory_space<vmem>>) dst(%dma_wait3A_826 : memref<10000x128xf32, #tpu.memory_space<vmem_shared>>)
      tpu.yield
    }) : () -> ()
    %dma_wait3A_177 = arith.constant 1 : i32
    %dma_wait3A_178 = arith.constant 1 : i32
    %dma_wait3A_179 = arith.constant 0 : i32
    %dma_wait3A_180 = arith.constant 0 : i32
    %dma_wait3A_181 = tpu.memref_slice %arg9[%dma_wait3A_177, %dma_wait3A_179, %dma_wait3A_180] : memref<3x100x128xf32, #tpu.memory_space<vmem>> -> memref<1x100x128xf32, #tpu.memory_space<vmem>>
    %dma_wait3A_182 = tpu.memref_squeeze %dma_wait3A_181 : memref<1x100x128xf32, #tpu.memory_space<vmem>> -> memref<100x128xf32, #tpu.memory_space<vmem>>
    %dma_wait3A_183 = tpu.memref_slice %arg11[%dma_wait3A_178] : memref<3x!tpu.dma_semaphore, #tpu.memory_space<semaphore_mem>> -> memref<1x!tpu.dma_semaphore, #tpu.memory_space<semaphore_mem>>
    %dma_wait3A_184 = tpu.memref_squeeze %dma_wait3A_183 : memref<1x!tpu.dma_semaphore, #tpu.memory_space<semaphore_mem>> -> memref<!tpu.dma_semaphore, #tpu.memory_space<semaphore_mem>>
    %dma_wait3A_185 = arith.constant 0 : i32
    %dma_wait3A_186 = arith.constant 0 : i32
    %dma_wait3A_187 = tpu.memref_slice %arg9[%dma_wait3A_177, %dma_wait3A_185, %dma_wait3A_186] : memref<3x100x128xf32, #tpu.memory_space<vmem>> -> memref<1x100x128xf32, #tpu.memory_space<vmem>>
    %dma_wait3A_188 = tpu.memref_squeeze %dma_wait3A_187 : memref<1x100x128xf32, #tpu.memory_space<vmem>> -> memref<100x128xf32, #tpu.memory_space<vmem>>
    tpu.wait_dma2 semaphore(%dma_wait3A_184 : memref<!tpu.dma_semaphore, #tpu.memory_space<semaphore_mem>>) src(%arg5 : memref<100x128xf32, #tpu.memory_space<hbm>>) dst(%dma_wait3A_188 : memref<100x128xf32, #tpu.memory_space<vmem>>)
    %run_scoped3A_189 = arith.constant 1 : i32
    %run_scoped3A_190 = arith.constant 19 : i32
    "tpu.region"() ({
      %run_scoped3A_806 = tpu.sem_alloc : memref<!tpu.dma_semaphore, #tpu.memory_space<semaphore_mem>>
      %dma_start3A_807 = arith.constant 0 : i32
      %dma_start3A_808 = arith.constant 0 : i32
      %dma_start3A_809 = tpu.memref_slice %arg9[%run_scoped3A_189, %dma_start3A_807, %dma_start3A_808] : memref<3x100x128xf32, #tpu.memory_space<vmem>> -> memref<1x100x128xf32, #tpu.memory_space<vmem>>
      %dma_start3A_810 = tpu.memref_squeeze %dma_start3A_809 : memref<1x100x128xf32, #tpu.memory_space<vmem>> -> memref<100x128xf32, #tpu.memory_space<vmem>>
      %dma_start3A_811 = arith.constant 0 : i32
      %dma_start3A_812 = tpu.memref_slice %arg8[%run_scoped3A_190, %dma_start3A_811] : memref<20x100xi32, #tpu.memory_space<vmem>> -> memref<1x100xi32, #tpu.memory_space<vmem>>
      %dma_start3A_813 = tpu.memref_squeeze %dma_start3A_812 : memref<1x100xi32, #tpu.memory_space<vmem>> -> memref<100xi32, #tpu.memory_space<vmem>>
      %dma_start3A_814 = arith.constant 0 : i32
      %dma_start3A_815 = arith.constant 0 : i32
      %dma_start3A_816 = tpu.memref_slice %arg10[%dma_start3A_814, %dma_start3A_815] : memref<10000x128xf32, #tpu.memory_space<vmem_shared>> -> memref<10000x128xf32, #tpu.memory_space<vmem_shared>>
      tpu.enqueue_indirect_dma source(%dma_start3A_810 : memref<100x128xf32, #tpu.memory_space<vmem>>) target(%dma_start3A_816 : memref<10000x128xf32, #tpu.memory_space<vmem_shared>>) offsets(%dma_start3A_813 : memref<100xi32, #tpu.memory_space<vmem>>) semaphore(%run_scoped3A_806 : memref<!tpu.dma_semaphore, #tpu.memory_space<semaphore_mem>>) {add = true}
      %dma_wait3A_817 = arith.constant 0 : i32
      %dma_wait3A_818 = arith.constant 0 : i32
      %dma_wait3A_819 = tpu.memref_slice %arg9[%run_scoped3A_189, %dma_wait3A_817, %dma_wait3A_818] : memref<3x100x128xf32, #tpu.memory_space<vmem>> -> memref<1x100x128xf32, #tpu.memory_space<vmem>>
      %dma_wait3A_820 = tpu.memref_squeeze %dma_wait3A_819 : memref<1x100x128xf32, #tpu.memory_space<vmem>> -> memref<100x128xf32, #tpu.memory_space<vmem>>
      %dma_wait3A_821 = arith.constant 0 : i32
      %dma_wait3A_822 = tpu.memref_slice %arg8[%run_scoped3A_190, %dma_wait3A_821] : memref<20x100xi32, #tpu.memory_space<vmem>> -> memref<1x100xi32, #tpu.memory_space<vmem>>
      %dma_wait3A_823 = tpu.memref_squeeze %dma_wait3A_822 : memref<1x100xi32, #tpu.memory_space<vmem>> -> memref<100xi32, #tpu.memory_space<vmem>>
      %dma_wait3A_824 = arith.constant 0 : i32
      %dma_wait3A_825 = arith.constant 0 : i32
      %dma_wait3A_826 = tpu.memref_slice %arg10[%dma_wait3A_824, %dma_wait3A_825] : memref<10000x128xf32, #tpu.memory_space<vmem_shared>> -> memref<10000x128xf32, #tpu.memory_space<vmem_shared>>
      tpu.wait_indirect_dma semaphore(%run_scoped3A_806 : memref<!tpu.dma_semaphore, #tpu.memory_space<semaphore_mem>>) src(%dma_wait3A_820 : memref<100x128xf32, #tpu.memory_space<vmem>>) dst(%dma_wait3A_826 : memref<10000x128xf32, #tpu.memory_space<vmem_shared>>)
      tpu.yield
    }) : () -> ()
    %run_scoped3A_191 = arith.constant 1 : i32
    "tpu.region"() ({
      %run_scoped3A_806 = tpu.sem_alloc : memref<!tpu.dma_semaphore, #tpu.memory_space<semaphore_mem>>
      %dma_start3A_807 = arith.constant 0 : i32
      %dma_start3A_808 = arith.constant 0 : i32
      %dma_start3A_809 = tpu.memref_slice %arg3[%add3A, %run_scoped3A_191, %dma_start3A_807, %dma_start3A_808] : memref<32x5x20x100xi32, #tpu.memory_space<hbm>> -> memref<1x1x20x100xi32, #tpu.memory_space<hbm>>
      %dma_start3A_810 = tpu.memref_squeeze %dma_start3A_809 : memref<1x1x20x100xi32, #tpu.memory_space<hbm>> -> memref<20x100xi32, #tpu.memory_space<hbm>>
      %dma_start3A_811 = arith.constant 0 : i32
      %dma_start3A_812 = arith.constant 0 : i32
      %dma_start3A_813 = tpu.memref_slice %arg3[%add3A, %run_scoped3A_191, %dma_start3A_811, %dma_start3A_812] : memref<32x5x20x100xi32, #tpu.memory_space<hbm>> -> memref<1x1x20x100xi32, #tpu.memory_space<hbm>>
      %dma_start3A_814 = tpu.memref_squeeze %dma_start3A_813 : memref<1x1x20x100xi32, #tpu.memory_space<hbm>> -> memref<20x100xi32, #tpu.memory_space<hbm>>
      tpu.enqueue_dma source(%dma_start3A_814 : memref<20x100xi32, #tpu.memory_space<hbm>>) target(%arg7 : memref<20x100xi32, #tpu.memory_space<vmem>>) target_semaphore(%run_scoped3A_806 : memref<!tpu.dma_semaphore, #tpu.memory_space<semaphore_mem>>)
      %dma_wait3A_815 = arith.constant 0 : i32
      %dma_wait3A_816 = arith.constant 0 : i32
      %dma_wait3A_817 = tpu.memref_slice %arg3[%add3A, %run_scoped3A_191, %dma_wait3A_815, %dma_wait3A_816] : memref<32x5x20x100xi32, #tpu.memory_space<hbm>> -> memref<1x1x20x100xi32, #tpu.memory_space<hbm>>
      %dma_wait3A_818 = tpu.memref_squeeze %dma_wait3A_817 : memref<1x1x20x100xi32, #tpu.memory_space<hbm>> -> memref<20x100xi32, #tpu.memory_space<hbm>>
      %dma_wait3A_819 = arith.constant 0 : i32
      %dma_wait3A_820 = arith.constant 0 : i32
      %dma_wait3A_821 = tpu.memref_slice %arg3[%add3A, %run_scoped3A_191, %dma_wait3A_819, %dma_wait3A_820] : memref<32x5x20x100xi32, #tpu.memory_space<hbm>> -> memref<1x1x20x100xi32, #tpu.memory_space<hbm>>
      %dma_wait3A_822 = tpu.memref_squeeze %dma_wait3A_821 : memref<1x1x20x100xi32, #tpu.memory_space<hbm>> -> memref<20x100xi32, #tpu.memory_space<hbm>>
      tpu.wait_dma2 semaphore(%run_scoped3A_806 : memref<!tpu.dma_semaphore, #tpu.memory_space<semaphore_mem>>) src(%dma_wait3A_822 : memref<20x100xi32, #tpu.memory_space<hbm>>) dst(%arg7 : memref<20x100xi32, #tpu.memory_space<vmem>>)
      tpu.yield
    }) : () -> ()
    %run_scoped3A_192 = arith.constant 1 : i32
    "tpu.region"() ({
      %run_scoped3A_806 = tpu.sem_alloc : memref<!tpu.dma_semaphore, #tpu.memory_space<semaphore_mem>>
      %dma_start3A_807 = arith.constant 0 : i32
      %dma_start3A_808 = arith.constant 0 : i32
      %dma_start3A_809 = tpu.memref_slice %arg4[%add3A, %run_scoped3A_192, %dma_start3A_807, %dma_start3A_808] : memref<32x5x20x100xi32, #tpu.memory_space<hbm>> -> memref<1x1x20x100xi32, #tpu.memory_space<hbm>>
      %dma_start3A_810 = tpu.memref_squeeze %dma_start3A_809 : memref<1x1x20x100xi32, #tpu.memory_space<hbm>> -> memref<20x100xi32, #tpu.memory_space<hbm>>
      %dma_start3A_811 = arith.constant 0 : i32
      %dma_start3A_812 = arith.constant 0 : i32
      %dma_start3A_813 = tpu.memref_slice %arg4[%add3A, %run_scoped3A_192, %dma_start3A_811, %dma_start3A_812] : memref<32x5x20x100xi32, #tpu.memory_space<hbm>> -> memref<1x1x20x100xi32, #tpu.memory_space<hbm>>
      %dma_start3A_814 = tpu.memref_squeeze %dma_start3A_813 : memref<1x1x20x100xi32, #tpu.memory_space<hbm>> -> memref<20x100xi32, #tpu.memory_space<hbm>>
      tpu.enqueue_dma source(%dma_start3A_814 : memref<20x100xi32, #tpu.memory_space<hbm>>) target(%arg8 : memref<20x100xi32, #tpu.memory_space<vmem>>) target_semaphore(%run_scoped3A_806 : memref<!tpu.dma_semaphore, #tpu.memory_space<semaphore_mem>>)
      %dma_wait3A_815 = arith.constant 0 : i32
      %dma_wait3A_816 = arith.constant 0 : i32
      %dma_wait3A_817 = tpu.memref_slice %arg4[%add3A, %run_scoped3A_192, %dma_wait3A_815, %dma_wait3A_816] : memref<32x5x20x100xi32, #tpu.memory_space<hbm>> -> memref<1x1x20x100xi32, #tpu.memory_space<hbm>>
      %dma_wait3A_818 = tpu.memref_squeeze %dma_wait3A_817 : memref<1x1x20x100xi32, #tpu.memory_space<hbm>> -> memref<20x100xi32, #tpu.memory_space<hbm>>
      %dma_wait3A_819 = arith.constant 0 : i32
      %dma_wait3A_820 = arith.constant 0 : i32
      %dma_wait3A_821 = tpu.memref_slice %arg4[%add3A, %run_scoped3A_192, %dma_wait3A_819, %dma_wait3A_820] : memref<32x5x20x100xi32, #tpu.memory_space<hbm>> -> memref<1x1x20x100xi32, #tpu.memory_space<hbm>>
      %dma_wait3A_822 = tpu.memref_squeeze %dma_wait3A_821 : memref<1x1x20x100xi32, #tpu.memory_space<hbm>> -> memref<20x100xi32, #tpu.memory_space<hbm>>
      tpu.wait_dma2 semaphore(%run_scoped3A_806 : memref<!tpu.dma_semaphore, #tpu.memory_space<semaphore_mem>>) src(%dma_wait3A_822 : memref<20x100xi32, #tpu.memory_space<hbm>>) dst(%arg8 : memref<20x100xi32, #tpu.memory_space<vmem>>)
      tpu.yield
    }) : () -> ()
    %dma_start3A_193 = arith.constant 0 : i32
    %dma_start3A_194 = arith.constant 0 : i32
    %dma_start3A_195 = arith.constant 0 : i32
    %dma_start3A_196 = arith.constant 0 : i32
    %dma_start3A_197 = arith.constant 0 : i32
    %dma_start3A_198 = tpu.memref_slice %arg9[%dma_start3A_194, %dma_start3A_196, %dma_start3A_197] : memref<3x100x128xf32, #tpu.memory_space<vmem>> -> memref<1x100x128xf32, #tpu.memory_space<vmem>>
    %dma_start3A_199 = tpu.memref_squeeze %dma_start3A_198 : memref<1x100x128xf32, #tpu.memory_space<vmem>> -> memref<100x128xf32, #tpu.memory_space<vmem>>
    %dma_start3A_200 = arith.constant 0 : i32
    %dma_start3A_201 = tpu.memref_slice %arg7[%dma_start3A_193, %dma_start3A_200] : memref<20x100xi32, #tpu.memory_space<vmem>> -> memref<1x100xi32, #tpu.memory_space<vmem>>
    %dma_start3A_202 = tpu.memref_squeeze %dma_start3A_201 : memref<1x100xi32, #tpu.memory_space<vmem>> -> memref<100xi32, #tpu.memory_space<vmem>>
    %dma_start3A_203 = arith.constant 0 : i32
    %dma_start3A_204 = arith.constant 0 : i32
    %dma_start3A_205 = tpu.memref_slice %arg2[%dma_start3A_203, %dma_start3A_204] : memref<80000x128xf32, #tpu.memory_space<hbm>> -> memref<80000x128xf32, #tpu.memory_space<hbm>>
    %dma_start3A_206 = tpu.memref_slice %arg11[%dma_start3A_195] : memref<3x!tpu.dma_semaphore, #tpu.memory_space<semaphore_mem>> -> memref<1x!tpu.dma_semaphore, #tpu.memory_space<semaphore_mem>>
    %dma_start3A_207 = tpu.memref_squeeze %dma_start3A_206 : memref<1x!tpu.dma_semaphore, #tpu.memory_space<semaphore_mem>> -> memref<!tpu.dma_semaphore, #tpu.memory_space<semaphore_mem>>
    tpu.enqueue_indirect_dma source(%dma_start3A_205 : memref<80000x128xf32, #tpu.memory_space<hbm>>) target(%dma_start3A_199 : memref<100x128xf32, #tpu.memory_space<vmem>>) offsets(%dma_start3A_202 : memref<100xi32, #tpu.memory_space<vmem>>) semaphore(%dma_start3A_207 : memref<!tpu.dma_semaphore, #tpu.memory_space<semaphore_mem>>)
    %dma_start3A_208 = arith.constant 1 : i32
    %dma_start3A_209 = arith.constant 1 : i32
    %dma_start3A_210 = arith.constant 1 : i32
    %dma_start3A_211 = arith.constant 0 : i32
    %dma_start3A_212 = arith.constant 0 : i32
    %dma_start3A_213 = tpu.memref_slice %arg9[%dma_start3A_209, %dma_start3A_211, %dma_start3A_212] : memref<3x100x128xf32, #tpu.memory_space<vmem>> -> memref<1x100x128xf32, #tpu.memory_space<vmem>>
    %dma_start3A_214 = tpu.memref_squeeze %dma_start3A_213 : memref<1x100x128xf32, #tpu.memory_space<vmem>> -> memref<100x128xf32, #tpu.memory_space<vmem>>
    %dma_start3A_215 = arith.constant 0 : i32
    %dma_start3A_216 = tpu.memref_slice %arg7[%dma_start3A_208, %dma_start3A_215] : memref<20x100xi32, #tpu.memory_space<vmem>> -> memref<1x100xi32, #tpu.memory_space<vmem>>
    %dma_start3A_217 = tpu.memref_squeeze %dma_start3A_216 : memref<1x100xi32, #tpu.memory_space<vmem>> -> memref<100xi32, #tpu.memory_space<vmem>>
    %dma_start3A_218 = arith.constant 0 : i32
    %dma_start3A_219 = arith.constant 0 : i32
    %dma_start3A_220 = tpu.memref_slice %arg2[%dma_start3A_218, %dma_start3A_219] : memref<80000x128xf32, #tpu.memory_space<hbm>> -> memref<80000x128xf32, #tpu.memory_space<hbm>>
    %dma_start3A_221 = tpu.memref_slice %arg11[%dma_start3A_210] : memref<3x!tpu.dma_semaphore, #tpu.memory_space<semaphore_mem>> -> memref<1x!tpu.dma_semaphore, #tpu.memory_space<semaphore_mem>>
    %dma_start3A_222 = tpu.memref_squeeze %dma_start3A_221 : memref<1x!tpu.dma_semaphore, #tpu.memory_space<semaphore_mem>> -> memref<!tpu.dma_semaphore, #tpu.memory_space<semaphore_mem>>
    tpu.enqueue_indirect_dma source(%dma_start3A_220 : memref<80000x128xf32, #tpu.memory_space<hbm>>) target(%dma_start3A_214 : memref<100x128xf32, #tpu.memory_space<vmem>>) offsets(%dma_start3A_217 : memref<100xi32, #tpu.memory_space<vmem>>) semaphore(%dma_start3A_222 : memref<!tpu.dma_semaphore, #tpu.memory_space<semaphore_mem>>)
    %dma_start3A_223 = arith.constant 2 : i32
    %dma_start3A_224 = arith.constant 2 : i32
    %dma_start3A_225 = arith.constant 2 : i32
    %dma_start3A_226 = arith.constant 0 : i32
    %dma_start3A_227 = arith.constant 0 : i32
    %dma_start3A_228 = tpu.memref_slice %arg9[%dma_start3A_224, %dma_start3A_226, %dma_start3A_227] : memref<3x100x128xf32, #tpu.memory_space<vmem>> -> memref<1x100x128xf32, #tpu.memory_space<vmem>>
    %dma_start3A_229 = tpu.memref_squeeze %dma_start3A_228 : memref<1x100x128xf32, #tpu.memory_space<vmem>> -> memref<100x128xf32, #tpu.memory_space<vmem>>
    %dma_start3A_230 = arith.constant 0 : i32
    %dma_start3A_231 = tpu.memref_slice %arg7[%dma_start3A_223, %dma_start3A_230] : memref<20x100xi32, #tpu.memory_space<vmem>> -> memref<1x100xi32, #tpu.memory_space<vmem>>
    %dma_start3A_232 = tpu.memref_squeeze %dma_start3A_231 : memref<1x100xi32, #tpu.memory_space<vmem>> -> memref<100xi32, #tpu.memory_space<vmem>>
    %dma_start3A_233 = arith.constant 0 : i32
    %dma_start3A_234 = arith.constant 0 : i32
    %dma_start3A_235 = tpu.memref_slice %arg2[%dma_start3A_233, %dma_start3A_234] : memref<80000x128xf32, #tpu.memory_space<hbm>> -> memref<80000x128xf32, #tpu.memory_space<hbm>>
    %dma_start3A_236 = tpu.memref_slice %arg11[%dma_start3A_225] : memref<3x!tpu.dma_semaphore, #tpu.memory_space<semaphore_mem>> -> memref<1x!tpu.dma_semaphore, #tpu.memory_space<semaphore_mem>>
    %dma_start3A_237 = tpu.memref_squeeze %dma_start3A_236 : memref<1x!tpu.dma_semaphore, #tpu.memory_space<semaphore_mem>> -> memref<!tpu.dma_semaphore, #tpu.memory_space<semaphore_mem>>
    tpu.enqueue_indirect_dma source(%dma_start3A_235 : memref<80000x128xf32, #tpu.memory_space<hbm>>) target(%dma_start3A_229 : memref<100x128xf32, #tpu.memory_space<vmem>>) offsets(%dma_start3A_232 : memref<100xi32, #tpu.memory_space<vmem>>) semaphore(%dma_start3A_237 : memref<!tpu.dma_semaphore, #tpu.memory_space<semaphore_mem>>)
    %scan3A_238 = arith.constant 0 : i32
    %scan3A_239 = arith.constant 0 : i32
    %scan3A_240 = arith.constant 5 : i32
    %scan3A_241 = arith.addi %scan3A_239, %scan3A_240 : i32
    %scan3A_242 = arith.constant 1 : i32
    scf.for %scan3A_806 = %scan3A_239 to %scan3A_241 step %scan3A_242  : i32 {
      %mul3A_807 = arith.constant 3 : i32
      %mul3A_808 = arith.muli %scan3A_806, %mul3A_807 : i32
      %add3A_809 = arith.constant 0 : i32
      %add3A_810 = arith.addi %mul3A_808, %add3A_809 : i32
      %dma_wait3A_811 = arith.constant 0 : i32
      %dma_wait3A_812 = arith.constant 0 : i32
      %dma_wait3A_813 = arith.constant 0 : i32
      %dma_wait3A_814 = arith.constant 0 : i32
      %dma_wait3A_815 = tpu.memref_slice %arg9[%dma_wait3A_811, %dma_wait3A_813, %dma_wait3A_814] : memref<3x100x128xf32, #tpu.memory_space<vmem>> -> memref<1x100x128xf32, #tpu.memory_space<vmem>>
      %dma_wait3A_816 = tpu.memref_squeeze %dma_wait3A_815 : memref<1x100x128xf32, #tpu.memory_space<vmem>> -> memref<100x128xf32, #tpu.memory_space<vmem>>
      %dma_wait3A_817 = tpu.memref_slice %arg11[%dma_wait3A_812] : memref<3x!tpu.dma_semaphore, #tpu.memory_space<semaphore_mem>> -> memref<1x!tpu.dma_semaphore, #tpu.memory_space<semaphore_mem>>
      %dma_wait3A_818 = tpu.memref_squeeze %dma_wait3A_817 : memref<1x!tpu.dma_semaphore, #tpu.memory_space<semaphore_mem>> -> memref<!tpu.dma_semaphore, #tpu.memory_space<semaphore_mem>>
      %dma_wait3A_819 = arith.constant 0 : i32
      %dma_wait3A_820 = arith.constant 0 : i32
      %dma_wait3A_821 = tpu.memref_slice %arg9[%dma_wait3A_811, %dma_wait3A_819, %dma_wait3A_820] : memref<3x100x128xf32, #tpu.memory_space<vmem>> -> memref<1x100x128xf32, #tpu.memory_space<vmem>>
      %dma_wait3A_822 = tpu.memref_squeeze %dma_wait3A_821 : memref<1x100x128xf32, #tpu.memory_space<vmem>> -> memref<100x128xf32, #tpu.memory_space<vmem>>
      tpu.wait_dma2 semaphore(%dma_wait3A_818 : memref<!tpu.dma_semaphore, #tpu.memory_space<semaphore_mem>>) src(%arg5 : memref<100x128xf32, #tpu.memory_space<hbm>>) dst(%dma_wait3A_822 : memref<100x128xf32, #tpu.memory_space<vmem>>)
      %run_scoped3A_823 = arith.constant 0 : i32
      "tpu.region"() ({
        %run_scoped3A_906 = tpu.sem_alloc : memref<!tpu.dma_semaphore, #tpu.memory_space<semaphore_mem>>
        %dma_start3A_907 = arith.constant 0 : i32
        %dma_start3A_908 = arith.constant 0 : i32
        %dma_start3A_909 = tpu.memref_slice %arg9[%run_scoped3A_823, %dma_start3A_907, %dma_start3A_908] : memref<3x100x128xf32, #tpu.memory_space<vmem>> -> memref<1x100x128xf32, #tpu.memory_space<vmem>>
        %dma_start3A_910 = tpu.memref_squeeze %dma_start3A_909 : memref<1x100x128xf32, #tpu.memory_space<vmem>> -> memref<100x128xf32, #tpu.memory_space<vmem>>
        %dma_start3A_911 = arith.constant 0 : i32
        %dma_start3A_912 = tpu.memref_slice %arg8[%add3A_810, %dma_start3A_911] : memref<20x100xi32, #tpu.memory_space<vmem>> -> memref<1x100xi32, #tpu.memory_space<vmem>>
        %dma_start3A_913 = tpu.memref_squeeze %dma_start3A_912 : memref<1x100xi32, #tpu.memory_space<vmem>> -> memref<100xi32, #tpu.memory_space<vmem>>
        %dma_start3A_914 = arith.constant 0 : i32
        %dma_start3A_915 = arith.constant 0 : i32
        %dma_start3A_916 = tpu.memref_slice %arg10[%dma_start3A_914, %dma_start3A_915] : memref<10000x128xf32, #tpu.memory_space<vmem_shared>> -> memref<10000x128xf32, #tpu.memory_space<vmem_shared>>
        tpu.enqueue_indirect_dma source(%dma_start3A_910 : memref<100x128xf32, #tpu.memory_space<vmem>>) target(%dma_start3A_916 : memref<10000x128xf32, #tpu.memory_space<vmem_shared>>) offsets(%dma_start3A_913 : memref<100xi32, #tpu.memory_space<vmem>>) semaphore(%run_scoped3A_906 : memref<!tpu.dma_semaphore, #tpu.memory_space<semaphore_mem>>) {add = true}
        %dma_wait3A_917 = arith.constant 0 : i32
        %dma_wait3A_918 = arith.constant 0 : i32
        %dma_wait3A_919 = tpu.memref_slice %arg9[%run_scoped3A_823, %dma_wait3A_917, %dma_wait3A_918] : memref<3x100x128xf32, #tpu.memory_space<vmem>> -> memref<1x100x128xf32, #tpu.memory_space<vmem>>
        %dma_wait3A_920 = tpu.memref_squeeze %dma_wait3A_919 : memref<1x100x128xf32, #tpu.memory_space<vmem>> -> memref<100x128xf32, #tpu.memory_space<vmem>>
        %dma_wait3A_921 = arith.constant 0 : i32
        %dma_wait3A_922 = tpu.memref_slice %arg8[%add3A_810, %dma_wait3A_921] : memref<20x100xi32, #tpu.memory_space<vmem>> -> memref<1x100xi32, #tpu.memory_space<vmem>>
        %dma_wait3A_923 = tpu.memref_squeeze %dma_wait3A_922 : memref<1x100xi32, #tpu.memory_space<vmem>> -> memref<100xi32, #tpu.memory_space<vmem>>
        %dma_wait3A_924 = arith.constant 0 : i32
        %dma_wait3A_925 = arith.constant 0 : i32
        %dma_wait3A_926 = tpu.memref_slice %arg10[%dma_wait3A_924, %dma_wait3A_925] : memref<10000x128xf32, #tpu.memory_space<vmem_shared>> -> memref<10000x128xf32, #tpu.memory_space<vmem_shared>>
        tpu.wait_indirect_dma semaphore(%run_scoped3A_906 : memref<!tpu.dma_semaphore, #tpu.memory_space<semaphore_mem>>) src(%dma_wait3A_920 : memref<100x128xf32, #tpu.memory_space<vmem>>) dst(%dma_wait3A_926 : memref<10000x128xf32, #tpu.memory_space<vmem_shared>>)
        tpu.yield
      }) : () -> ()
      %add3A_824 = arith.constant 3 : i32
      %add3A_825 = arith.addi %add3A_810, %add3A_824 : i32
      %dma_start3A_826 = arith.constant 0 : i32
      %dma_start3A_827 = arith.constant 0 : i32
      %dma_start3A_828 = arith.constant 0 : i32
      %dma_start3A_829 = arith.constant 0 : i32
      %dma_start3A_830 = tpu.memref_slice %arg9[%dma_start3A_826, %dma_start3A_828, %dma_start3A_829] : memref<3x100x128xf32, #tpu.memory_space<vmem>> -> memref<1x100x128xf32, #tpu.memory_space<vmem>>
      %dma_start3A_831 = tpu.memref_squeeze %dma_start3A_830 : memref<1x100x128xf32, #tpu.memory_space<vmem>> -> memref<100x128xf32, #tpu.memory_space<vmem>>
      %dma_start3A_832 = arith.constant 0 : i32
      %dma_start3A_833 = tpu.memref_slice %arg7[%add3A_825, %dma_start3A_832] : memref<20x100xi32, #tpu.memory_space<vmem>> -> memref<1x100xi32, #tpu.memory_space<vmem>>
      %dma_start3A_834 = tpu.memref_squeeze %dma_start3A_833 : memref<1x100xi32, #tpu.memory_space<vmem>> -> memref<100xi32, #tpu.memory_space<vmem>>
      %dma_start3A_835 = arith.constant 0 : i32
      %dma_start3A_836 = arith.constant 0 : i32
      %dma_start3A_837 = tpu.memref_slice %arg2[%dma_start3A_835, %dma_start3A_836] : memref<80000x128xf32, #tpu.memory_space<hbm>> -> memref<80000x128xf32, #tpu.memory_space<hbm>>
      %dma_start3A_838 = tpu.memref_slice %arg11[%dma_start3A_827] : memref<3x!tpu.dma_semaphore, #tpu.memory_space<semaphore_mem>> -> memref<1x!tpu.dma_semaphore, #tpu.memory_space<semaphore_mem>>
      %dma_start3A_839 = tpu.memref_squeeze %dma_start3A_838 : memref<1x!tpu.dma_semaphore, #tpu.memory_space<semaphore_mem>> -> memref<!tpu.dma_semaphore, #tpu.memory_space<semaphore_mem>>
      tpu.enqueue_indirect_dma source(%dma_start3A_837 : memref<80000x128xf32, #tpu.memory_space<hbm>>) target(%dma_start3A_831 : memref<100x128xf32, #tpu.memory_space<vmem>>) offsets(%dma_start3A_834 : memref<100xi32, #tpu.memory_space<vmem>>) semaphore(%dma_start3A_839 : memref<!tpu.dma_semaphore, #tpu.memory_space<semaphore_mem>>)
      %mul3A_840 = arith.constant 3 : i32
      %mul3A_841 = arith.muli %scan3A_806, %mul3A_840 : i32
      %add3A_842 = arith.constant 1 : i32
      %add3A_843 = arith.addi %mul3A_841, %add3A_842 : i32
      %dma_wait3A_844 = arith.constant 1 : i32
      %dma_wait3A_845 = arith.constant 1 : i32
      %dma_wait3A_846 = arith.constant 0 : i32
      %dma_wait3A_847 = arith.constant 0 : i32
      %dma_wait3A_848 = tpu.memref_slice %arg9[%dma_wait3A_844, %dma_wait3A_846, %dma_wait3A_847] : memref<3x100x128xf32, #tpu.memory_space<vmem>> -> memref<1x100x128xf32, #tpu.memory_space<vmem>>
      %dma_wait3A_849 = tpu.memref_squeeze %dma_wait3A_848 : memref<1x100x128xf32, #tpu.memory_space<vmem>> -> memref<100x128xf32, #tpu.memory_space<vmem>>
      %dma_wait3A_850 = tpu.memref_slice %arg11[%dma_wait3A_845] : memref<3x!tpu.dma_semaphore, #tpu.memory_space<semaphore_mem>> -> memref<1x!tpu.dma_semaphore, #tpu.memory_space<semaphore_mem>>
      %dma_wait3A_851 = tpu.memref_squeeze %dma_wait3A_850 : memref<1x!tpu.dma_semaphore, #tpu.memory_space<semaphore_mem>> -> memref<!tpu.dma_semaphore, #tpu.memory_space<semaphore_mem>>
      %dma_wait3A_852 = arith.constant 0 : i32
      %dma_wait3A_853 = arith.constant 0 : i32
      %dma_wait3A_854 = tpu.memref_slice %arg9[%dma_wait3A_844, %dma_wait3A_852, %dma_wait3A_853] : memref<3x100x128xf32, #tpu.memory_space<vmem>> -> memref<1x100x128xf32, #tpu.memory_space<vmem>>
      %dma_wait3A_855 = tpu.memref_squeeze %dma_wait3A_854 : memref<1x100x128xf32, #tpu.memory_space<vmem>> -> memref<100x128xf32, #tpu.memory_space<vmem>>
      tpu.wait_dma2 semaphore(%dma_wait3A_851 : memref<!tpu.dma_semaphore, #tpu.memory_space<semaphore_mem>>) src(%arg5 : memref<100x128xf32, #tpu.memory_space<hbm>>) dst(%dma_wait3A_855 : memref<100x128xf32, #tpu.memory_space<vmem>>)
      %run_scoped3A_856 = arith.constant 1 : i32
      "tpu.region"() ({
        %run_scoped3A_906 = tpu.sem_alloc : memref<!tpu.dma_semaphore, #tpu.memory_space<semaphore_mem>>
        %dma_start3A_907 = arith.constant 0 : i32
        %dma_start3A_908 = arith.constant 0 : i32
        %dma_start3A_909 = tpu.memref_slice %arg9[%run_scoped3A_856, %dma_start3A_907, %dma_start3A_908] : memref<3x100x128xf32, #tpu.memory_space<vmem>> -> memref<1x100x128xf32, #tpu.memory_space<vmem>>
        %dma_start3A_910 = tpu.memref_squeeze %dma_start3A_909 : memref<1x100x128xf32, #tpu.memory_space<vmem>> -> memref<100x128xf32, #tpu.memory_space<vmem>>
        %dma_start3A_911 = arith.constant 0 : i32
        %dma_start3A_912 = tpu.memref_slice %arg8[%add3A_843, %dma_start3A_911] : memref<20x100xi32, #tpu.memory_space<vmem>> -> memref<1x100xi32, #tpu.memory_space<vmem>>
        %dma_start3A_913 = tpu.memref_squeeze %dma_start3A_912 : memref<1x100xi32, #tpu.memory_space<vmem>> -> memref<100xi32, #tpu.memory_space<vmem>>
        %dma_start3A_914 = arith.constant 0 : i32
        %dma_start3A_915 = arith.constant 0 : i32
        %dma_start3A_916 = tpu.memref_slice %arg10[%dma_start3A_914, %dma_start3A_915] : memref<10000x128xf32, #tpu.memory_space<vmem_shared>> -> memref<10000x128xf32, #tpu.memory_space<vmem_shared>>
        tpu.enqueue_indirect_dma source(%dma_start3A_910 : memref<100x128xf32, #tpu.memory_space<vmem>>) target(%dma_start3A_916 : memref<10000x128xf32, #tpu.memory_space<vmem_shared>>) offsets(%dma_start3A_913 : memref<100xi32, #tpu.memory_space<vmem>>) semaphore(%run_scoped3A_906 : memref<!tpu.dma_semaphore, #tpu.memory_space<semaphore_mem>>) {add = true}
        %dma_wait3A_917 = arith.constant 0 : i32
        %dma_wait3A_918 = arith.constant 0 : i32
        %dma_wait3A_919 = tpu.memref_slice %arg9[%run_scoped3A_856, %dma_wait3A_917, %dma_wait3A_918] : memref<3x100x128xf32, #tpu.memory_space<vmem>> -> memref<1x100x128xf32, #tpu.memory_space<vmem>>
        %dma_wait3A_920 = tpu.memref_squeeze %dma_wait3A_919 : memref<1x100x128xf32, #tpu.memory_space<vmem>> -> memref<100x128xf32, #tpu.memory_space<vmem>>
        %dma_wait3A_921 = arith.constant 0 : i32
        %dma_wait3A_922 = tpu.memref_slice %arg8[%add3A_843, %dma_wait3A_921] : memref<20x100xi32, #tpu.memory_space<vmem>> -> memref<1x100xi32, #tpu.memory_space<vmem>>
        %dma_wait3A_923 = tpu.memref_squeeze %dma_wait3A_922 : memref<1x100xi32, #tpu.memory_space<vmem>> -> memref<100xi32, #tpu.memory_space<vmem>>
        %dma_wait3A_924 = arith.constant 0 : i32
        %dma_wait3A_925 = arith.constant 0 : i32
        %dma_wait3A_926 = tpu.memref_slice %arg10[%dma_wait3A_924, %dma_wait3A_925] : memref<10000x128xf32, #tpu.memory_space<vmem_shared>> -> memref<10000x128xf32, #tpu.memory_space<vmem_shared>>
        tpu.wait_indirect_dma semaphore(%run_scoped3A_906 : memref<!tpu.dma_semaphore, #tpu.memory_space<semaphore_mem>>) src(%dma_wait3A_920 : memref<100x128xf32, #tpu.memory_space<vmem>>) dst(%dma_wait3A_926 : memref<10000x128xf32, #tpu.memory_space<vmem_shared>>)
        tpu.yield
      }) : () -> ()
      %add3A_857 = arith.constant 3 : i32
      %add3A_858 = arith.addi %add3A_843, %add3A_857 : i32
      %dma_start3A_859 = arith.constant 1 : i32
      %dma_start3A_860 = arith.constant 1 : i32
      %dma_start3A_861 = arith.constant 0 : i32
      %dma_start3A_862 = arith.constant 0 : i32
      %dma_start3A_863 = tpu.memref_slice %arg9[%dma_start3A_859, %dma_start3A_861, %dma_start3A_862] : memref<3x100x128xf32, #tpu.memory_space<vmem>> -> memref<1x100x128xf32, #tpu.memory_space<vmem>>
      %dma_start3A_864 = tpu.memref_squeeze %dma_start3A_863 : memref<1x100x128xf32, #tpu.memory_space<vmem>> -> memref<100x128xf32, #tpu.memory_space<vmem>>
      %dma_start3A_865 = arith.constant 0 : i32
      %dma_start3A_866 = tpu.memref_slice %arg7[%add3A_858, %dma_start3A_865] : memref<20x100xi32, #tpu.memory_space<vmem>> -> memref<1x100xi32, #tpu.memory_space<vmem>>
      %dma_start3A_867 = tpu.memref_squeeze %dma_start3A_866 : memref<1x100xi32, #tpu.memory_space<vmem>> -> memref<100xi32, #tpu.memory_space<vmem>>
      %dma_start3A_868 = arith.constant 0 : i32
      %dma_start3A_869 = arith.constant 0 : i32
      %dma_start3A_870 = tpu.memref_slice %arg2[%dma_start3A_868, %dma_start3A_869] : memref<80000x128xf32, #tpu.memory_space<hbm>> -> memref<80000x128xf32, #tpu.memory_space<hbm>>
      %dma_start3A_871 = tpu.memref_slice %arg11[%dma_start3A_860] : memref<3x!tpu.dma_semaphore, #tpu.memory_space<semaphore_mem>> -> memref<1x!tpu.dma_semaphore, #tpu.memory_space<semaphore_mem>>
      %dma_start3A_872 = tpu.memref_squeeze %dma_start3A_871 : memref<1x!tpu.dma_semaphore, #tpu.memory_space<semaphore_mem>> -> memref<!tpu.dma_semaphore, #tpu.memory_space<semaphore_mem>>
      tpu.enqueue_indirect_dma source(%dma_start3A_870 : memref<80000x128xf32, #tpu.memory_space<hbm>>) target(%dma_start3A_864 : memref<100x128xf32, #tpu.memory_space<vmem>>) offsets(%dma_start3A_867 : memref<100xi32, #tpu.memory_space<vmem>>) semaphore(%dma_start3A_872 : memref<!tpu.dma_semaphore, #tpu.memory_space<semaphore_mem>>)
      %mul3A_873 = arith.constant 3 : i32
      %mul3A_874 = arith.muli %scan3A_806, %mul3A_873 : i32
      %add3A_875 = arith.constant 2 : i32
      %add3A_876 = arith.addi %mul3A_874, %add3A_875 : i32
      %dma_wait3A_877 = arith.constant 2 : i32
      %dma_wait3A_878 = arith.constant 2 : i32
      %dma_wait3A_879 = arith.constant 0 : i32
      %dma_wait3A_880 = arith.constant 0 : i32
      %dma_wait3A_881 = tpu.memref_slice %arg9[%dma_wait3A_877, %dma_wait3A_879, %dma_wait3A_880] : memref<3x100x128xf32, #tpu.memory_space<vmem>> -> memref<1x100x128xf32, #tpu.memory_space<vmem>>
      %dma_wait3A_882 = tpu.memref_squeeze %dma_wait3A_881 : memref<1x100x128xf32, #tpu.memory_space<vmem>> -> memref<100x128xf32, #tpu.memory_space<vmem>>
      %dma_wait3A_883 = tpu.memref_slice %arg11[%dma_wait3A_878] : memref<3x!tpu.dma_semaphore, #tpu.memory_space<semaphore_mem>> -> memref<1x!tpu.dma_semaphore, #tpu.memory_space<semaphore_mem>>
      %dma_wait3A_884 = tpu.memref_squeeze %dma_wait3A_883 : memref<1x!tpu.dma_semaphore, #tpu.memory_space<semaphore_mem>> -> memref<!tpu.dma_semaphore, #tpu.memory_space<semaphore_mem>>
      %dma_wait3A_885 = arith.constant 0 : i32
      %dma_wait3A_886 = arith.constant 0 : i32
      %dma_wait3A_887 = tpu.memref_slice %arg9[%dma_wait3A_877, %dma_wait3A_885, %dma_wait3A_886] : memref<3x100x128xf32, #tpu.memory_space<vmem>> -> memref<1x100x128xf32, #tpu.memory_space<vmem>>
      %dma_wait3A_888 = tpu.memref_squeeze %dma_wait3A_887 : memref<1x100x128xf32, #tpu.memory_space<vmem>> -> memref<100x128xf32, #tpu.memory_space<vmem>>
      tpu.wait_dma2 semaphore(%dma_wait3A_884 : memref<!tpu.dma_semaphore, #tpu.memory_space<semaphore_mem>>) src(%arg5 : memref<100x128xf32, #tpu.memory_space<hbm>>) dst(%dma_wait3A_888 : memref<100x128xf32, #tpu.memory_space<vmem>>)
      %run_scoped3A_889 = arith.constant 2 : i32
      "tpu.region"() ({
        %run_scoped3A_906 = tpu.sem_alloc : memref<!tpu.dma_semaphore, #tpu.memory_space<semaphore_mem>>
        %dma_start3A_907 = arith.constant 0 : i32
        %dma_start3A_908 = arith.constant 0 : i32
        %dma_start3A_909 = tpu.memref_slice %arg9[%run_scoped3A_889, %dma_start3A_907, %dma_start3A_908] : memref<3x100x128xf32, #tpu.memory_space<vmem>> -> memref<1x100x128xf32, #tpu.memory_space<vmem>>
        %dma_start3A_910 = tpu.memref_squeeze %dma_start3A_909 : memref<1x100x128xf32, #tpu.memory_space<vmem>> -> memref<100x128xf32, #tpu.memory_space<vmem>>
        %dma_start3A_911 = arith.constant 0 : i32
        %dma_start3A_912 = tpu.memref_slice %arg8[%add3A_876, %dma_start3A_911] : memref<20x100xi32, #tpu.memory_space<vmem>> -> memref<1x100xi32, #tpu.memory_space<vmem>>
        %dma_start3A_913 = tpu.memref_squeeze %dma_start3A_912 : memref<1x100xi32, #tpu.memory_space<vmem>> -> memref<100xi32, #tpu.memory_space<vmem>>
        %dma_start3A_914 = arith.constant 0 : i32
        %dma_start3A_915 = arith.constant 0 : i32
        %dma_start3A_916 = tpu.memref_slice %arg10[%dma_start3A_914, %dma_start3A_915] : memref<10000x128xf32, #tpu.memory_space<vmem_shared>> -> memref<10000x128xf32, #tpu.memory_space<vmem_shared>>
        tpu.enqueue_indirect_dma source(%dma_start3A_910 : memref<100x128xf32, #tpu.memory_space<vmem>>) target(%dma_start3A_916 : memref<10000x128xf32, #tpu.memory_space<vmem_shared>>) offsets(%dma_start3A_913 : memref<100xi32, #tpu.memory_space<vmem>>) semaphore(%run_scoped3A_906 : memref<!tpu.dma_semaphore, #tpu.memory_space<semaphore_mem>>) {add = true}
        %dma_wait3A_917 = arith.constant 0 : i32
        %dma_wait3A_918 = arith.constant 0 : i32
        %dma_wait3A_919 = tpu.memref_slice %arg9[%run_scoped3A_889, %dma_wait3A_917, %dma_wait3A_918] : memref<3x100x128xf32, #tpu.memory_space<vmem>> -> memref<1x100x128xf32, #tpu.memory_space<vmem>>
        %dma_wait3A_920 = tpu.memref_squeeze %dma_wait3A_919 : memref<1x100x128xf32, #tpu.memory_space<vmem>> -> memref<100x128xf32, #tpu.memory_space<vmem>>
        %dma_wait3A_921 = arith.constant 0 : i32
        %dma_wait3A_922 = tpu.memref_slice %arg8[%add3A_876, %dma_wait3A_921] : memref<20x100xi32, #tpu.memory_space<vmem>> -> memref<1x100xi32, #tpu.memory_space<vmem>>
        %dma_wait3A_923 = tpu.memref_squeeze %dma_wait3A_922 : memref<1x100xi32, #tpu.memory_space<vmem>> -> memref<100xi32, #tpu.memory_space<vmem>>
        %dma_wait3A_924 = arith.constant 0 : i32
        %dma_wait3A_925 = arith.constant 0 : i32
        %dma_wait3A_926 = tpu.memref_slice %arg10[%dma_wait3A_924, %dma_wait3A_925] : memref<10000x128xf32, #tpu.memory_space<vmem_shared>> -> memref<10000x128xf32, #tpu.memory_space<vmem_shared>>
        tpu.wait_indirect_dma semaphore(%run_scoped3A_906 : memref<!tpu.dma_semaphore, #tpu.memory_space<semaphore_mem>>) src(%dma_wait3A_920 : memref<100x128xf32, #tpu.memory_space<vmem>>) dst(%dma_wait3A_926 : memref<10000x128xf32, #tpu.memory_space<vmem_shared>>)
        tpu.yield
      }) : () -> ()
      %add3A_890 = arith.constant 3 : i32
      %add3A_891 = arith.addi %add3A_876, %add3A_890 : i32
      %dma_start3A_892 = arith.constant 2 : i32
      %dma_start3A_893 = arith.constant 2 : i32
      %dma_start3A_894 = arith.constant 0 : i32
      %dma_start3A_895 = arith.constant 0 : i32
      %dma_start3A_896 = tpu.memref_slice %arg9[%dma_start3A_892, %dma_start3A_894, %dma_start3A_895] : memref<3x100x128xf32, #tpu.memory_space<vmem>> -> memref<1x100x128xf32, #tpu.memory_space<vmem>>
      %dma_start3A_897 = tpu.memref_squeeze %dma_start3A_896 : memref<1x100x128xf32, #tpu.memory_space<vmem>> -> memref<100x128xf32, #tpu.memory_space<vmem>>
      %dma_start3A_898 = arith.constant 0 : i32
      %dma_start3A_899 = tpu.memref_slice %arg7[%add3A_891, %dma_start3A_898] : memref<20x100xi32, #tpu.memory_space<vmem>> -> memref<1x100xi32, #tpu.memory_space<vmem>>
      %dma_start3A_900 = tpu.memref_squeeze %dma_start3A_899 : memref<1x100xi32, #tpu.memory_space<vmem>> -> memref<100xi32, #tpu.memory_space<vmem>>
      %dma_start3A_901 = arith.constant 0 : i32
      %dma_start3A_902 = arith.constant 0 : i32
      %dma_start3A_903 = tpu.memref_slice %arg2[%dma_start3A_901, %dma_start3A_902] : memref<80000x128xf32, #tpu.memory_space<hbm>> -> memref<80000x128xf32, #tpu.memory_space<hbm>>
      %dma_start3A_904 = tpu.memref_slice %arg11[%dma_start3A_893] : memref<3x!tpu.dma_semaphore, #tpu.memory_space<semaphore_mem>> -> memref<1x!tpu.dma_semaphore, #tpu.memory_space<semaphore_mem>>
      %dma_start3A_905 = tpu.memref_squeeze %dma_start3A_904 : memref<1x!tpu.dma_semaphore, #tpu.memory_space<semaphore_mem>> -> memref<!tpu.dma_semaphore, #tpu.memory_space<semaphore_mem>>
      tpu.enqueue_indirect_dma source(%dma_start3A_903 : memref<80000x128xf32, #tpu.memory_space<hbm>>) target(%dma_start3A_897 : memref<100x128xf32, #tpu.memory_space<vmem>>) offsets(%dma_start3A_900 : memref<100xi32, #tpu.memory_space<vmem>>) semaphore(%dma_start3A_905 : memref<!tpu.dma_semaphore, #tpu.memory_space<semaphore_mem>>)
    }
    %scan3A_243 = arith.constant 5 : i32
    %dma_wait3A_244 = arith.constant 0 : i32
    %dma_wait3A_245 = arith.constant 0 : i32
    %dma_wait3A_246 = arith.constant 0 : i32
    %dma_wait3A_247 = arith.constant 0 : i32
    %dma_wait3A_248 = tpu.memref_slice %arg9[%dma_wait3A_244, %dma_wait3A_246, %dma_wait3A_247] : memref<3x100x128xf32, #tpu.memory_space<vmem>> -> memref<1x100x128xf32, #tpu.memory_space<vmem>>
    %dma_wait3A_249 = tpu.memref_squeeze %dma_wait3A_248 : memref<1x100x128xf32, #tpu.memory_space<vmem>> -> memref<100x128xf32, #tpu.memory_space<vmem>>
    %dma_wait3A_250 = tpu.memref_slice %arg11[%dma_wait3A_245] : memref<3x!tpu.dma_semaphore, #tpu.memory_space<semaphore_mem>> -> memref<1x!tpu.dma_semaphore, #tpu.memory_space<semaphore_mem>>
    %dma_wait3A_251 = tpu.memref_squeeze %dma_wait3A_250 : memref<1x!tpu.dma_semaphore, #tpu.memory_space<semaphore_mem>> -> memref<!tpu.dma_semaphore, #tpu.memory_space<semaphore_mem>>
    %dma_wait3A_252 = arith.constant 0 : i32
    %dma_wait3A_253 = arith.constant 0 : i32
    %dma_wait3A_254 = tpu.memref_slice %arg9[%dma_wait3A_244, %dma_wait3A_252, %dma_wait3A_253] : memref<3x100x128xf32, #tpu.memory_space<vmem>> -> memref<1x100x128xf32, #tpu.memory_space<vmem>>
    %dma_wait3A_255 = tpu.memref_squeeze %dma_wait3A_254 : memref<1x100x128xf32, #tpu.memory_space<vmem>> -> memref<100x128xf32, #tpu.memory_space<vmem>>
    tpu.wait_dma2 semaphore(%dma_wait3A_251 : memref<!tpu.dma_semaphore, #tpu.memory_space<semaphore_mem>>) src(%arg5 : memref<100x128xf32, #tpu.memory_space<hbm>>) dst(%dma_wait3A_255 : memref<100x128xf32, #tpu.memory_space<vmem>>)
    %run_scoped3A_256 = arith.constant 0 : i32
    %run_scoped3A_257 = arith.constant 15 : i32
    "tpu.region"() ({
      %run_scoped3A_806 = tpu.sem_alloc : memref<!tpu.dma_semaphore, #tpu.memory_space<semaphore_mem>>
      %dma_start3A_807 = arith.constant 0 : i32
      %dma_start3A_808 = arith.constant 0 : i32
      %dma_start3A_809 = tpu.memref_slice %arg9[%run_scoped3A_256, %dma_start3A_807, %dma_start3A_808] : memref<3x100x128xf32, #tpu.memory_space<vmem>> -> memref<1x100x128xf32, #tpu.memory_space<vmem>>
      %dma_start3A_810 = tpu.memref_squeeze %dma_start3A_809 : memref<1x100x128xf32, #tpu.memory_space<vmem>> -> memref<100x128xf32, #tpu.memory_space<vmem>>
      %dma_start3A_811 = arith.constant 0 : i32
      %dma_start3A_812 = tpu.memref_slice %arg8[%run_scoped3A_257, %dma_start3A_811] : memref<20x100xi32, #tpu.memory_space<vmem>> -> memref<1x100xi32, #tpu.memory_space<vmem>>
      %dma_start3A_813 = tpu.memref_squeeze %dma_start3A_812 : memref<1x100xi32, #tpu.memory_space<vmem>> -> memref<100xi32, #tpu.memory_space<vmem>>
      %dma_start3A_814 = arith.constant 0 : i32
      %dma_start3A_815 = arith.constant 0 : i32
      %dma_start3A_816 = tpu.memref_slice %arg10[%dma_start3A_814, %dma_start3A_815] : memref<10000x128xf32, #tpu.memory_space<vmem_shared>> -> memref<10000x128xf32, #tpu.memory_space<vmem_shared>>
      tpu.enqueue_indirect_dma source(%dma_start3A_810 : memref<100x128xf32, #tpu.memory_space<vmem>>) target(%dma_start3A_816 : memref<10000x128xf32, #tpu.memory_space<vmem_shared>>) offsets(%dma_start3A_813 : memref<100xi32, #tpu.memory_space<vmem>>) semaphore(%run_scoped3A_806 : memref<!tpu.dma_semaphore, #tpu.memory_space<semaphore_mem>>) {add = true}
      %dma_wait3A_817 = arith.constant 0 : i32
      %dma_wait3A_818 = arith.constant 0 : i32
      %dma_wait3A_819 = tpu.memref_slice %arg9[%run_scoped3A_256, %dma_wait3A_817, %dma_wait3A_818] : memref<3x100x128xf32, #tpu.memory_space<vmem>> -> memref<1x100x128xf32, #tpu.memory_space<vmem>>
      %dma_wait3A_820 = tpu.memref_squeeze %dma_wait3A_819 : memref<1x100x128xf32, #tpu.memory_space<vmem>> -> memref<100x128xf32, #tpu.memory_space<vmem>>
      %dma_wait3A_821 = arith.constant 0 : i32
      %dma_wait3A_822 = tpu.memref_slice %arg8[%run_scoped3A_257, %dma_wait3A_821] : memref<20x100xi32, #tpu.memory_space<vmem>> -> memref<1x100xi32, #tpu.memory_space<vmem>>
      %dma_wait3A_823 = tpu.memref_squeeze %dma_wait3A_822 : memref<1x100xi32, #tpu.memory_space<vmem>> -> memref<100xi32, #tpu.memory_space<vmem>>
      %dma_wait3A_824 = arith.constant 0 : i32
      %dma_wait3A_825 = arith.constant 0 : i32
      %dma_wait3A_826 = tpu.memref_slice %arg10[%dma_wait3A_824, %dma_wait3A_825] : memref<10000x128xf32, #tpu.memory_space<vmem_shared>> -> memref<10000x128xf32, #tpu.memory_space<vmem_shared>>
      tpu.wait_indirect_dma semaphore(%run_scoped3A_806 : memref<!tpu.dma_semaphore, #tpu.memory_space<semaphore_mem>>) src(%dma_wait3A_820 : memref<100x128xf32, #tpu.memory_space<vmem>>) dst(%dma_wait3A_826 : memref<10000x128xf32, #tpu.memory_space<vmem_shared>>)
      tpu.yield
    }) : () -> ()
    %dma_start3A_258 = arith.constant 18 : i32
    %dma_start3A_259 = arith.constant 0 : i32
    %dma_start3A_260 = arith.constant 0 : i32
    %dma_start3A_261 = arith.constant 0 : i32
    %dma_start3A_262 = arith.constant 0 : i32
    %dma_start3A_263 = tpu.memref_slice %arg9[%dma_start3A_259, %dma_start3A_261, %dma_start3A_262] : memref<3x100x128xf32, #tpu.memory_space<vmem>> -> memref<1x100x128xf32, #tpu.memory_space<vmem>>
    %dma_start3A_264 = tpu.memref_squeeze %dma_start3A_263 : memref<1x100x128xf32, #tpu.memory_space<vmem>> -> memref<100x128xf32, #tpu.memory_space<vmem>>
    %dma_start3A_265 = arith.constant 0 : i32
    %dma_start3A_266 = tpu.memref_slice %arg7[%dma_start3A_258, %dma_start3A_265] : memref<20x100xi32, #tpu.memory_space<vmem>> -> memref<1x100xi32, #tpu.memory_space<vmem>>
    %dma_start3A_267 = tpu.memref_squeeze %dma_start3A_266 : memref<1x100xi32, #tpu.memory_space<vmem>> -> memref<100xi32, #tpu.memory_space<vmem>>
    %dma_start3A_268 = arith.constant 0 : i32
    %dma_start3A_269 = arith.constant 0 : i32
    %dma_start3A_270 = tpu.memref_slice %arg2[%dma_start3A_268, %dma_start3A_269] : memref<80000x128xf32, #tpu.memory_space<hbm>> -> memref<80000x128xf32, #tpu.memory_space<hbm>>
    %dma_start3A_271 = tpu.memref_slice %arg11[%dma_start3A_260] : memref<3x!tpu.dma_semaphore, #tpu.memory_space<semaphore_mem>> -> memref<1x!tpu.dma_semaphore, #tpu.memory_space<semaphore_mem>>
    %dma_start3A_272 = tpu.memref_squeeze %dma_start3A_271 : memref<1x!tpu.dma_semaphore, #tpu.memory_space<semaphore_mem>> -> memref<!tpu.dma_semaphore, #tpu.memory_space<semaphore_mem>>
    tpu.enqueue_indirect_dma source(%dma_start3A_270 : memref<80000x128xf32, #tpu.memory_space<hbm>>) target(%dma_start3A_264 : memref<100x128xf32, #tpu.memory_space<vmem>>) offsets(%dma_start3A_267 : memref<100xi32, #tpu.memory_space<vmem>>) semaphore(%dma_start3A_272 : memref<!tpu.dma_semaphore, #tpu.memory_space<semaphore_mem>>)
    %dma_wait3A_273 = arith.constant 1 : i32
    %dma_wait3A_274 = arith.constant 1 : i32
    %dma_wait3A_275 = arith.constant 0 : i32
    %dma_wait3A_276 = arith.constant 0 : i32
    %dma_wait3A_277 = tpu.memref_slice %arg9[%dma_wait3A_273, %dma_wait3A_275, %dma_wait3A_276] : memref<3x100x128xf32, #tpu.memory_space<vmem>> -> memref<1x100x128xf32, #tpu.memory_space<vmem>>
    %dma_wait3A_278 = tpu.memref_squeeze %dma_wait3A_277 : memref<1x100x128xf32, #tpu.memory_space<vmem>> -> memref<100x128xf32, #tpu.memory_space<vmem>>
    %dma_wait3A_279 = tpu.memref_slice %arg11[%dma_wait3A_274] : memref<3x!tpu.dma_semaphore, #tpu.memory_space<semaphore_mem>> -> memref<1x!tpu.dma_semaphore, #tpu.memory_space<semaphore_mem>>
    %dma_wait3A_280 = tpu.memref_squeeze %dma_wait3A_279 : memref<1x!tpu.dma_semaphore, #tpu.memory_space<semaphore_mem>> -> memref<!tpu.dma_semaphore, #tpu.memory_space<semaphore_mem>>
    %dma_wait3A_281 = arith.constant 0 : i32
    %dma_wait3A_282 = arith.constant 0 : i32
    %dma_wait3A_283 = tpu.memref_slice %arg9[%dma_wait3A_273, %dma_wait3A_281, %dma_wait3A_282] : memref<3x100x128xf32, #tpu.memory_space<vmem>> -> memref<1x100x128xf32, #tpu.memory_space<vmem>>
    %dma_wait3A_284 = tpu.memref_squeeze %dma_wait3A_283 : memref<1x100x128xf32, #tpu.memory_space<vmem>> -> memref<100x128xf32, #tpu.memory_space<vmem>>
    tpu.wait_dma2 semaphore(%dma_wait3A_280 : memref<!tpu.dma_semaphore, #tpu.memory_space<semaphore_mem>>) src(%arg5 : memref<100x128xf32, #tpu.memory_space<hbm>>) dst(%dma_wait3A_284 : memref<100x128xf32, #tpu.memory_space<vmem>>)
    %run_scoped3A_285 = arith.constant 1 : i32
    %run_scoped3A_286 = arith.constant 16 : i32
    "tpu.region"() ({
      %run_scoped3A_806 = tpu.sem_alloc : memref<!tpu.dma_semaphore, #tpu.memory_space<semaphore_mem>>
      %dma_start3A_807 = arith.constant 0 : i32
      %dma_start3A_808 = arith.constant 0 : i32
      %dma_start3A_809 = tpu.memref_slice %arg9[%run_scoped3A_285, %dma_start3A_807, %dma_start3A_808] : memref<3x100x128xf32, #tpu.memory_space<vmem>> -> memref<1x100x128xf32, #tpu.memory_space<vmem>>
      %dma_start3A_810 = tpu.memref_squeeze %dma_start3A_809 : memref<1x100x128xf32, #tpu.memory_space<vmem>> -> memref<100x128xf32, #tpu.memory_space<vmem>>
      %dma_start3A_811 = arith.constant 0 : i32
      %dma_start3A_812 = tpu.memref_slice %arg8[%run_scoped3A_286, %dma_start3A_811] : memref<20x100xi32, #tpu.memory_space<vmem>> -> memref<1x100xi32, #tpu.memory_space<vmem>>
      %dma_start3A_813 = tpu.memref_squeeze %dma_start3A_812 : memref<1x100xi32, #tpu.memory_space<vmem>> -> memref<100xi32, #tpu.memory_space<vmem>>
      %dma_start3A_814 = arith.constant 0 : i32
      %dma_start3A_815 = arith.constant 0 : i32
      %dma_start3A_816 = tpu.memref_slice %arg10[%dma_start3A_814, %dma_start3A_815] : memref<10000x128xf32, #tpu.memory_space<vmem_shared>> -> memref<10000x128xf32, #tpu.memory_space<vmem_shared>>
      tpu.enqueue_indirect_dma source(%dma_start3A_810 : memref<100x128xf32, #tpu.memory_space<vmem>>) target(%dma_start3A_816 : memref<10000x128xf32, #tpu.memory_space<vmem_shared>>) offsets(%dma_start3A_813 : memref<100xi32, #tpu.memory_space<vmem>>) semaphore(%run_scoped3A_806 : memref<!tpu.dma_semaphore, #tpu.memory_space<semaphore_mem>>) {add = true}
      %dma_wait3A_817 = arith.constant 0 : i32
      %dma_wait3A_818 = arith.constant 0 : i32
      %dma_wait3A_819 = tpu.memref_slice %arg9[%run_scoped3A_285, %dma_wait3A_817, %dma_wait3A_818] : memref<3x100x128xf32, #tpu.memory_space<vmem>> -> memref<1x100x128xf32, #tpu.memory_space<vmem>>
      %dma_wait3A_820 = tpu.memref_squeeze %dma_wait3A_819 : memref<1x100x128xf32, #tpu.memory_space<vmem>> -> memref<100x128xf32, #tpu.memory_space<vmem>>
      %dma_wait3A_821 = arith.constant 0 : i32
      %dma_wait3A_822 = tpu.memref_slice %arg8[%run_scoped3A_286, %dma_wait3A_821] : memref<20x100xi32, #tpu.memory_space<vmem>> -> memref<1x100xi32, #tpu.memory_space<vmem>>
      %dma_wait3A_823 = tpu.memref_squeeze %dma_wait3A_822 : memref<1x100xi32, #tpu.memory_space<vmem>> -> memref<100xi32, #tpu.memory_space<vmem>>
      %dma_wait3A_824 = arith.constant 0 : i32
      %dma_wait3A_825 = arith.constant 0 : i32
      %dma_wait3A_826 = tpu.memref_slice %arg10[%dma_wait3A_824, %dma_wait3A_825] : memref<10000x128xf32, #tpu.memory_space<vmem_shared>> -> memref<10000x128xf32, #tpu.memory_space<vmem_shared>>
      tpu.wait_indirect_dma semaphore(%run_scoped3A_806 : memref<!tpu.dma_semaphore, #tpu.memory_space<semaphore_mem>>) src(%dma_wait3A_820 : memref<100x128xf32, #tpu.memory_space<vmem>>) dst(%dma_wait3A_826 : memref<10000x128xf32, #tpu.memory_space<vmem_shared>>)
      tpu.yield
    }) : () -> ()
    %dma_start3A_287 = arith.constant 19 : i32
    %dma_start3A_288 = arith.constant 1 : i32
    %dma_start3A_289 = arith.constant 1 : i32
    %dma_start3A_290 = arith.constant 0 : i32
    %dma_start3A_291 = arith.constant 0 : i32
    %dma_start3A_292 = tpu.memref_slice %arg9[%dma_start3A_288, %dma_start3A_290, %dma_start3A_291] : memref<3x100x128xf32, #tpu.memory_space<vmem>> -> memref<1x100x128xf32, #tpu.memory_space<vmem>>
    %dma_start3A_293 = tpu.memref_squeeze %dma_start3A_292 : memref<1x100x128xf32, #tpu.memory_space<vmem>> -> memref<100x128xf32, #tpu.memory_space<vmem>>
    %dma_start3A_294 = arith.constant 0 : i32
    %dma_start3A_295 = tpu.memref_slice %arg7[%dma_start3A_287, %dma_start3A_294] : memref<20x100xi32, #tpu.memory_space<vmem>> -> memref<1x100xi32, #tpu.memory_space<vmem>>
    %dma_start3A_296 = tpu.memref_squeeze %dma_start3A_295 : memref<1x100xi32, #tpu.memory_space<vmem>> -> memref<100xi32, #tpu.memory_space<vmem>>
    %dma_start3A_297 = arith.constant 0 : i32
    %dma_start3A_298 = arith.constant 0 : i32
    %dma_start3A_299 = tpu.memref_slice %arg2[%dma_start3A_297, %dma_start3A_298] : memref<80000x128xf32, #tpu.memory_space<hbm>> -> memref<80000x128xf32, #tpu.memory_space<hbm>>
    %dma_start3A_300 = tpu.memref_slice %arg11[%dma_start3A_289] : memref<3x!tpu.dma_semaphore, #tpu.memory_space<semaphore_mem>> -> memref<1x!tpu.dma_semaphore, #tpu.memory_space<semaphore_mem>>
    %dma_start3A_301 = tpu.memref_squeeze %dma_start3A_300 : memref<1x!tpu.dma_semaphore, #tpu.memory_space<semaphore_mem>> -> memref<!tpu.dma_semaphore, #tpu.memory_space<semaphore_mem>>
    tpu.enqueue_indirect_dma source(%dma_start3A_299 : memref<80000x128xf32, #tpu.memory_space<hbm>>) target(%dma_start3A_293 : memref<100x128xf32, #tpu.memory_space<vmem>>) offsets(%dma_start3A_296 : memref<100xi32, #tpu.memory_space<vmem>>) semaphore(%dma_start3A_301 : memref<!tpu.dma_semaphore, #tpu.memory_space<semaphore_mem>>)
    %dma_wait3A_302 = arith.constant 2 : i32
    %dma_wait3A_303 = arith.constant 2 : i32
    %dma_wait3A_304 = arith.constant 0 : i32
    %dma_wait3A_305 = arith.constant 0 : i32
    %dma_wait3A_306 = tpu.memref_slice %arg9[%dma_wait3A_302, %dma_wait3A_304, %dma_wait3A_305] : memref<3x100x128xf32, #tpu.memory_space<vmem>> -> memref<1x100x128xf32, #tpu.memory_space<vmem>>
    %dma_wait3A_307 = tpu.memref_squeeze %dma_wait3A_306 : memref<1x100x128xf32, #tpu.memory_space<vmem>> -> memref<100x128xf32, #tpu.memory_space<vmem>>
    %dma_wait3A_308 = tpu.memref_slice %arg11[%dma_wait3A_303] : memref<3x!tpu.dma_semaphore, #tpu.memory_space<semaphore_mem>> -> memref<1x!tpu.dma_semaphore, #tpu.memory_space<semaphore_mem>>
    %dma_wait3A_309 = tpu.memref_squeeze %dma_wait3A_308 : memref<1x!tpu.dma_semaphore, #tpu.memory_space<semaphore_mem>> -> memref<!tpu.dma_semaphore, #tpu.memory_space<semaphore_mem>>
    %dma_wait3A_310 = arith.constant 0 : i32
    %dma_wait3A_311 = arith.constant 0 : i32
    %dma_wait3A_312 = tpu.memref_slice %arg9[%dma_wait3A_302, %dma_wait3A_310, %dma_wait3A_311] : memref<3x100x128xf32, #tpu.memory_space<vmem>> -> memref<1x100x128xf32, #tpu.memory_space<vmem>>
    %dma_wait3A_313 = tpu.memref_squeeze %dma_wait3A_312 : memref<1x100x128xf32, #tpu.memory_space<vmem>> -> memref<100x128xf32, #tpu.memory_space<vmem>>
    tpu.wait_dma2 semaphore(%dma_wait3A_309 : memref<!tpu.dma_semaphore, #tpu.memory_space<semaphore_mem>>) src(%arg5 : memref<100x128xf32, #tpu.memory_space<hbm>>) dst(%dma_wait3A_313 : memref<100x128xf32, #tpu.memory_space<vmem>>)
    %run_scoped3A_314 = arith.constant 2 : i32
    %run_scoped3A_315 = arith.constant 17 : i32
    "tpu.region"() ({
      %run_scoped3A_806 = tpu.sem_alloc : memref<!tpu.dma_semaphore, #tpu.memory_space<semaphore_mem>>
      %dma_start3A_807 = arith.constant 0 : i32
      %dma_start3A_808 = arith.constant 0 : i32
      %dma_start3A_809 = tpu.memref_slice %arg9[%run_scoped3A_314, %dma_start3A_807, %dma_start3A_808] : memref<3x100x128xf32, #tpu.memory_space<vmem>> -> memref<1x100x128xf32, #tpu.memory_space<vmem>>
      %dma_start3A_810 = tpu.memref_squeeze %dma_start3A_809 : memref<1x100x128xf32, #tpu.memory_space<vmem>> -> memref<100x128xf32, #tpu.memory_space<vmem>>
      %dma_start3A_811 = arith.constant 0 : i32
      %dma_start3A_812 = tpu.memref_slice %arg8[%run_scoped3A_315, %dma_start3A_811] : memref<20x100xi32, #tpu.memory_space<vmem>> -> memref<1x100xi32, #tpu.memory_space<vmem>>
      %dma_start3A_813 = tpu.memref_squeeze %dma_start3A_812 : memref<1x100xi32, #tpu.memory_space<vmem>> -> memref<100xi32, #tpu.memory_space<vmem>>
      %dma_start3A_814 = arith.constant 0 : i32
      %dma_start3A_815 = arith.constant 0 : i32
      %dma_start3A_816 = tpu.memref_slice %arg10[%dma_start3A_814, %dma_start3A_815] : memref<10000x128xf32, #tpu.memory_space<vmem_shared>> -> memref<10000x128xf32, #tpu.memory_space<vmem_shared>>
      tpu.enqueue_indirect_dma source(%dma_start3A_810 : memref<100x128xf32, #tpu.memory_space<vmem>>) target(%dma_start3A_816 : memref<10000x128xf32, #tpu.memory_space<vmem_shared>>) offsets(%dma_start3A_813 : memref<100xi32, #tpu.memory_space<vmem>>) semaphore(%run_scoped3A_806 : memref<!tpu.dma_semaphore, #tpu.memory_space<semaphore_mem>>) {add = true}
      %dma_wait3A_817 = arith.constant 0 : i32
      %dma_wait3A_818 = arith.constant 0 : i32
      %dma_wait3A_819 = tpu.memref_slice %arg9[%run_scoped3A_314, %dma_wait3A_817, %dma_wait3A_818] : memref<3x100x128xf32, #tpu.memory_space<vmem>> -> memref<1x100x128xf32, #tpu.memory_space<vmem>>
      %dma_wait3A_820 = tpu.memref_squeeze %dma_wait3A_819 : memref<1x100x128xf32, #tpu.memory_space<vmem>> -> memref<100x128xf32, #tpu.memory_space<vmem>>
      %dma_wait3A_821 = arith.constant 0 : i32
      %dma_wait3A_822 = tpu.memref_slice %arg8[%run_scoped3A_315, %dma_wait3A_821] : memref<20x100xi32, #tpu.memory_space<vmem>> -> memref<1x100xi32, #tpu.memory_space<vmem>>
      %dma_wait3A_823 = tpu.memref_squeeze %dma_wait3A_822 : memref<1x100xi32, #tpu.memory_space<vmem>> -> memref<100xi32, #tpu.memory_space<vmem>>
      %dma_wait3A_824 = arith.constant 0 : i32
      %dma_wait3A_825 = arith.constant 0 : i32
      %dma_wait3A_826 = tpu.memref_slice %arg10[%dma_wait3A_824, %dma_wait3A_825] : memref<10000x128xf32, #tpu.memory_space<vmem_shared>> -> memref<10000x128xf32, #tpu.memory_space<vmem_shared>>
      tpu.wait_indirect_dma semaphore(%run_scoped3A_806 : memref<!tpu.dma_semaphore, #tpu.memory_space<semaphore_mem>>) src(%dma_wait3A_820 : memref<100x128xf32, #tpu.memory_space<vmem>>) dst(%dma_wait3A_826 : memref<10000x128xf32, #tpu.memory_space<vmem_shared>>)
      tpu.yield
    }) : () -> ()
    %dma_wait3A_316 = arith.constant 0 : i32
    %dma_wait3A_317 = arith.constant 0 : i32
    %dma_wait3A_318 = arith.constant 0 : i32
    %dma_wait3A_319 = arith.constant 0 : i32
    %dma_wait3A_320 = tpu.memref_slice %arg9[%dma_wait3A_316, %dma_wait3A_318, %dma_wait3A_319] : memref<3x100x128xf32, #tpu.memory_space<vmem>> -> memref<1x100x128xf32, #tpu.memory_space<vmem>>
    %dma_wait3A_321 = tpu.memref_squeeze %dma_wait3A_320 : memref<1x100x128xf32, #tpu.memory_space<vmem>> -> memref<100x128xf32, #tpu.memory_space<vmem>>
    %dma_wait3A_322 = tpu.memref_slice %arg11[%dma_wait3A_317] : memref<3x!tpu.dma_semaphore, #tpu.memory_space<semaphore_mem>> -> memref<1x!tpu.dma_semaphore, #tpu.memory_space<semaphore_mem>>
    %dma_wait3A_323 = tpu.memref_squeeze %dma_wait3A_322 : memref<1x!tpu.dma_semaphore, #tpu.memory_space<semaphore_mem>> -> memref<!tpu.dma_semaphore, #tpu.memory_space<semaphore_mem>>
    %dma_wait3A_324 = arith.constant 0 : i32
    %dma_wait3A_325 = arith.constant 0 : i32
    %dma_wait3A_326 = tpu.memref_slice %arg9[%dma_wait3A_316, %dma_wait3A_324, %dma_wait3A_325] : memref<3x100x128xf32, #tpu.memory_space<vmem>> -> memref<1x100x128xf32, #tpu.memory_space<vmem>>
    %dma_wait3A_327 = tpu.memref_squeeze %dma_wait3A_326 : memref<1x100x128xf32, #tpu.memory_space<vmem>> -> memref<100x128xf32, #tpu.memory_space<vmem>>
    tpu.wait_dma2 semaphore(%dma_wait3A_323 : memref<!tpu.dma_semaphore, #tpu.memory_space<semaphore_mem>>) src(%arg5 : memref<100x128xf32, #tpu.memory_space<hbm>>) dst(%dma_wait3A_327 : memref<100x128xf32, #tpu.memory_space<vmem>>)
    %run_scoped3A_328 = arith.constant 0 : i32
    %run_scoped3A_329 = arith.constant 18 : i32
    "tpu.region"() ({
      %run_scoped3A_806 = tpu.sem_alloc : memref<!tpu.dma_semaphore, #tpu.memory_space<semaphore_mem>>
      %dma_start3A_807 = arith.constant 0 : i32
      %dma_start3A_808 = arith.constant 0 : i32
      %dma_start3A_809 = tpu.memref_slice %arg9[%run_scoped3A_328, %dma_start3A_807, %dma_start3A_808] : memref<3x100x128xf32, #tpu.memory_space<vmem>> -> memref<1x100x128xf32, #tpu.memory_space<vmem>>
      %dma_start3A_810 = tpu.memref_squeeze %dma_start3A_809 : memref<1x100x128xf32, #tpu.memory_space<vmem>> -> memref<100x128xf32, #tpu.memory_space<vmem>>
      %dma_start3A_811 = arith.constant 0 : i32
      %dma_start3A_812 = tpu.memref_slice %arg8[%run_scoped3A_329, %dma_start3A_811] : memref<20x100xi32, #tpu.memory_space<vmem>> -> memref<1x100xi32, #tpu.memory_space<vmem>>
      %dma_start3A_813 = tpu.memref_squeeze %dma_start3A_812 : memref<1x100xi32, #tpu.memory_space<vmem>> -> memref<100xi32, #tpu.memory_space<vmem>>
      %dma_start3A_814 = arith.constant 0 : i32
      %dma_start3A_815 = arith.constant 0 : i32
      %dma_start3A_816 = tpu.memref_slice %arg10[%dma_start3A_814, %dma_start3A_815] : memref<10000x128xf32, #tpu.memory_space<vmem_shared>> -> memref<10000x128xf32, #tpu.memory_space<vmem_shared>>
      tpu.enqueue_indirect_dma source(%dma_start3A_810 : memref<100x128xf32, #tpu.memory_space<vmem>>) target(%dma_start3A_816 : memref<10000x128xf32, #tpu.memory_space<vmem_shared>>) offsets(%dma_start3A_813 : memref<100xi32, #tpu.memory_space<vmem>>) semaphore(%run_scoped3A_806 : memref<!tpu.dma_semaphore, #tpu.memory_space<semaphore_mem>>) {add = true}
      %dma_wait3A_817 = arith.constant 0 : i32
      %dma_wait3A_818 = arith.constant 0 : i32
      %dma_wait3A_819 = tpu.memref_slice %arg9[%run_scoped3A_328, %dma_wait3A_817, %dma_wait3A_818] : memref<3x100x128xf32, #tpu.memory_space<vmem>> -> memref<1x100x128xf32, #tpu.memory_space<vmem>>
      %dma_wait3A_820 = tpu.memref_squeeze %dma_wait3A_819 : memref<1x100x128xf32, #tpu.memory_space<vmem>> -> memref<100x128xf32, #tpu.memory_space<vmem>>
      %dma_wait3A_821 = arith.constant 0 : i32
      %dma_wait3A_822 = tpu.memref_slice %arg8[%run_scoped3A_329, %dma_wait3A_821] : memref<20x100xi32, #tpu.memory_space<vmem>> -> memref<1x100xi32, #tpu.memory_space<vmem>>
      %dma_wait3A_823 = tpu.memref_squeeze %dma_wait3A_822 : memref<1x100xi32, #tpu.memory_space<vmem>> -> memref<100xi32, #tpu.memory_space<vmem>>
      %dma_wait3A_824 = arith.constant 0 : i32
      %dma_wait3A_825 = arith.constant 0 : i32
      %dma_wait3A_826 = tpu.memref_slice %arg10[%dma_wait3A_824, %dma_wait3A_825] : memref<10000x128xf32, #tpu.memory_space<vmem_shared>> -> memref<10000x128xf32, #tpu.memory_space<vmem_shared>>
      tpu.wait_indirect_dma semaphore(%run_scoped3A_806 : memref<!tpu.dma_semaphore, #tpu.memory_space<semaphore_mem>>) src(%dma_wait3A_820 : memref<100x128xf32, #tpu.memory_space<vmem>>) dst(%dma_wait3A_826 : memref<10000x128xf32, #tpu.memory_space<vmem_shared>>)
      tpu.yield
    }) : () -> ()
    %dma_wait3A_330 = arith.constant 1 : i32
    %dma_wait3A_331 = arith.constant 1 : i32
    %dma_wait3A_332 = arith.constant 0 : i32
    %dma_wait3A_333 = arith.constant 0 : i32
    %dma_wait3A_334 = tpu.memref_slice %arg9[%dma_wait3A_330, %dma_wait3A_332, %dma_wait3A_333] : memref<3x100x128xf32, #tpu.memory_space<vmem>> -> memref<1x100x128xf32, #tpu.memory_space<vmem>>
    %dma_wait3A_335 = tpu.memref_squeeze %dma_wait3A_334 : memref<1x100x128xf32, #tpu.memory_space<vmem>> -> memref<100x128xf32, #tpu.memory_space<vmem>>
    %dma_wait3A_336 = tpu.memref_slice %arg11[%dma_wait3A_331] : memref<3x!tpu.dma_semaphore, #tpu.memory_space<semaphore_mem>> -> memref<1x!tpu.dma_semaphore, #tpu.memory_space<semaphore_mem>>
    %dma_wait3A_337 = tpu.memref_squeeze %dma_wait3A_336 : memref<1x!tpu.dma_semaphore, #tpu.memory_space<semaphore_mem>> -> memref<!tpu.dma_semaphore, #tpu.memory_space<semaphore_mem>>
    %dma_wait3A_338 = arith.constant 0 : i32
    %dma_wait3A_339 = arith.constant 0 : i32
    %dma_wait3A_340 = tpu.memref_slice %arg9[%dma_wait3A_330, %dma_wait3A_338, %dma_wait3A_339] : memref<3x100x128xf32, #tpu.memory_space<vmem>> -> memref<1x100x128xf32, #tpu.memory_space<vmem>>
    %dma_wait3A_341 = tpu.memref_squeeze %dma_wait3A_340 : memref<1x100x128xf32, #tpu.memory_space<vmem>> -> memref<100x128xf32, #tpu.memory_space<vmem>>
    tpu.wait_dma2 semaphore(%dma_wait3A_337 : memref<!tpu.dma_semaphore, #tpu.memory_space<semaphore_mem>>) src(%arg5 : memref<100x128xf32, #tpu.memory_space<hbm>>) dst(%dma_wait3A_341 : memref<100x128xf32, #tpu.memory_space<vmem>>)
    %run_scoped3A_342 = arith.constant 1 : i32
    %run_scoped3A_343 = arith.constant 19 : i32
    "tpu.region"() ({
      %run_scoped3A_806 = tpu.sem_alloc : memref<!tpu.dma_semaphore, #tpu.memory_space<semaphore_mem>>
      %dma_start3A_807 = arith.constant 0 : i32
      %dma_start3A_808 = arith.constant 0 : i32
      %dma_start3A_809 = tpu.memref_slice %arg9[%run_scoped3A_342, %dma_start3A_807, %dma_start3A_808] : memref<3x100x128xf32, #tpu.memory_space<vmem>> -> memref<1x100x128xf32, #tpu.memory_space<vmem>>
      %dma_start3A_810 = tpu.memref_squeeze %dma_start3A_809 : memref<1x100x128xf32, #tpu.memory_space<vmem>> -> memref<100x128xf32, #tpu.memory_space<vmem>>
      %dma_start3A_811 = arith.constant 0 : i32
      %dma_start3A_812 = tpu.memref_slice %arg8[%run_scoped3A_343, %dma_start3A_811] : memref<20x100xi32, #tpu.memory_space<vmem>> -> memref<1x100xi32, #tpu.memory_space<vmem>>
      %dma_start3A_813 = tpu.memref_squeeze %dma_start3A_812 : memref<1x100xi32, #tpu.memory_space<vmem>> -> memref<100xi32, #tpu.memory_space<vmem>>
      %dma_start3A_814 = arith.constant 0 : i32
      %dma_start3A_815 = arith.constant 0 : i32
      %dma_start3A_816 = tpu.memref_slice %arg10[%dma_start3A_814, %dma_start3A_815] : memref<10000x128xf32, #tpu.memory_space<vmem_shared>> -> memref<10000x128xf32, #tpu.memory_space<vmem_shared>>
      tpu.enqueue_indirect_dma source(%dma_start3A_810 : memref<100x128xf32, #tpu.memory_space<vmem>>) target(%dma_start3A_816 : memref<10000x128xf32, #tpu.memory_space<vmem_shared>>) offsets(%dma_start3A_813 : memref<100xi32, #tpu.memory_space<vmem>>) semaphore(%run_scoped3A_806 : memref<!tpu.dma_semaphore, #tpu.memory_space<semaphore_mem>>) {add = true}
      %dma_wait3A_817 = arith.constant 0 : i32
      %dma_wait3A_818 = arith.constant 0 : i32
      %dma_wait3A_819 = tpu.memref_slice %arg9[%run_scoped3A_342, %dma_wait3A_817, %dma_wait3A_818] : memref<3x100x128xf32, #tpu.memory_space<vmem>> -> memref<1x100x128xf32, #tpu.memory_space<vmem>>
      %dma_wait3A_820 = tpu.memref_squeeze %dma_wait3A_819 : memref<1x100x128xf32, #tpu.memory_space<vmem>> -> memref<100x128xf32, #tpu.memory_space<vmem>>
      %dma_wait3A_821 = arith.constant 0 : i32
      %dma_wait3A_822 = tpu.memref_slice %arg8[%run_scoped3A_343, %dma_wait3A_821] : memref<20x100xi32, #tpu.memory_space<vmem>> -> memref<1x100xi32, #tpu.memory_space<vmem>>
      %dma_wait3A_823 = tpu.memref_squeeze %dma_wait3A_822 : memref<1x100xi32, #tpu.memory_space<vmem>> -> memref<100xi32, #tpu.memory_space<vmem>>
      %dma_wait3A_824 = arith.constant 0 : i32
      %dma_wait3A_825 = arith.constant 0 : i32
      %dma_wait3A_826 = tpu.memref_slice %arg10[%dma_wait3A_824, %dma_wait3A_825] : memref<10000x128xf32, #tpu.memory_space<vmem_shared>> -> memref<10000x128xf32, #tpu.memory_space<vmem_shared>>
      tpu.wait_indirect_dma semaphore(%run_scoped3A_806 : memref<!tpu.dma_semaphore, #tpu.memory_space<semaphore_mem>>) src(%dma_wait3A_820 : memref<100x128xf32, #tpu.memory_space<vmem>>) dst(%dma_wait3A_826 : memref<10000x128xf32, #tpu.memory_space<vmem_shared>>)
      tpu.yield
    }) : () -> ()
    %run_scoped3A_344 = arith.constant 2 : i32
    "tpu.region"() ({
      %run_scoped3A_806 = tpu.sem_alloc : memref<!tpu.dma_semaphore, #tpu.memory_space<semaphore_mem>>
      %dma_start3A_807 = arith.constant 0 : i32
      %dma_start3A_808 = arith.constant 0 : i32
      %dma_start3A_809 = tpu.memref_slice %arg3[%add3A, %run_scoped3A_344, %dma_start3A_807, %dma_start3A_808] : memref<32x5x20x100xi32, #tpu.memory_space<hbm>> -> memref<1x1x20x100xi32, #tpu.memory_space<hbm>>
      %dma_start3A_810 = tpu.memref_squeeze %dma_start3A_809 : memref<1x1x20x100xi32, #tpu.memory_space<hbm>> -> memref<20x100xi32, #tpu.memory_space<hbm>>
      %dma_start3A_811 = arith.constant 0 : i32
      %dma_start3A_812 = arith.constant 0 : i32
      %dma_start3A_813 = tpu.memref_slice %arg3[%add3A, %run_scoped3A_344, %dma_start3A_811, %dma_start3A_812] : memref<32x5x20x100xi32, #tpu.memory_space<hbm>> -> memref<1x1x20x100xi32, #tpu.memory_space<hbm>>
      %dma_start3A_814 = tpu.memref_squeeze %dma_start3A_813 : memref<1x1x20x100xi32, #tpu.memory_space<hbm>> -> memref<20x100xi32, #tpu.memory_space<hbm>>
      tpu.enqueue_dma source(%dma_start3A_814 : memref<20x100xi32, #tpu.memory_space<hbm>>) target(%arg7 : memref<20x100xi32, #tpu.memory_space<vmem>>) target_semaphore(%run_scoped3A_806 : memref<!tpu.dma_semaphore, #tpu.memory_space<semaphore_mem>>)
      %dma_wait3A_815 = arith.constant 0 : i32
      %dma_wait3A_816 = arith.constant 0 : i32
      %dma_wait3A_817 = tpu.memref_slice %arg3[%add3A, %run_scoped3A_344, %dma_wait3A_815, %dma_wait3A_816] : memref<32x5x20x100xi32, #tpu.memory_space<hbm>> -> memref<1x1x20x100xi32, #tpu.memory_space<hbm>>
      %dma_wait3A_818 = tpu.memref_squeeze %dma_wait3A_817 : memref<1x1x20x100xi32, #tpu.memory_space<hbm>> -> memref<20x100xi32, #tpu.memory_space<hbm>>
      %dma_wait3A_819 = arith.constant 0 : i32
      %dma_wait3A_820 = arith.constant 0 : i32
      %dma_wait3A_821 = tpu.memref_slice %arg3[%add3A, %run_scoped3A_344, %dma_wait3A_819, %dma_wait3A_820] : memref<32x5x20x100xi32, #tpu.memory_space<hbm>> -> memref<1x1x20x100xi32, #tpu.memory_space<hbm>>
      %dma_wait3A_822 = tpu.memref_squeeze %dma_wait3A_821 : memref<1x1x20x100xi32, #tpu.memory_space<hbm>> -> memref<20x100xi32, #tpu.memory_space<hbm>>
      tpu.wait_dma2 semaphore(%run_scoped3A_806 : memref<!tpu.dma_semaphore, #tpu.memory_space<semaphore_mem>>) src(%dma_wait3A_822 : memref<20x100xi32, #tpu.memory_space<hbm>>) dst(%arg7 : memref<20x100xi32, #tpu.memory_space<vmem>>)
      tpu.yield
    }) : () -> ()
    %run_scoped3A_345 = arith.constant 2 : i32
    "tpu.region"() ({
      %run_scoped3A_806 = tpu.sem_alloc : memref<!tpu.dma_semaphore, #tpu.memory_space<semaphore_mem>>
      %dma_start3A_807 = arith.constant 0 : i32
      %dma_start3A_808 = arith.constant 0 : i32
      %dma_start3A_809 = tpu.memref_slice %arg4[%add3A, %run_scoped3A_345, %dma_start3A_807, %dma_start3A_808] : memref<32x5x20x100xi32, #tpu.memory_space<hbm>> -> memref<1x1x20x100xi32, #tpu.memory_space<hbm>>
      %dma_start3A_810 = tpu.memref_squeeze %dma_start3A_809 : memref<1x1x20x100xi32, #tpu.memory_space<hbm>> -> memref<20x100xi32, #tpu.memory_space<hbm>>
      %dma_start3A_811 = arith.constant 0 : i32
      %dma_start3A_812 = arith.constant 0 : i32
      %dma_start3A_813 = tpu.memref_slice %arg4[%add3A, %run_scoped3A_345, %dma_start3A_811, %dma_start3A_812] : memref<32x5x20x100xi32, #tpu.memory_space<hbm>> -> memref<1x1x20x100xi32, #tpu.memory_space<hbm>>
      %dma_start3A_814 = tpu.memref_squeeze %dma_start3A_813 : memref<1x1x20x100xi32, #tpu.memory_space<hbm>> -> memref<20x100xi32, #tpu.memory_space<hbm>>
      tpu.enqueue_dma source(%dma_start3A_814 : memref<20x100xi32, #tpu.memory_space<hbm>>) target(%arg8 : memref<20x100xi32, #tpu.memory_space<vmem>>) target_semaphore(%run_scoped3A_806 : memref<!tpu.dma_semaphore, #tpu.memory_space<semaphore_mem>>)
      %dma_wait3A_815 = arith.constant 0 : i32
      %dma_wait3A_816 = arith.constant 0 : i32
      %dma_wait3A_817 = tpu.memref_slice %arg4[%add3A, %run_scoped3A_345, %dma_wait3A_815, %dma_wait3A_816] : memref<32x5x20x100xi32, #tpu.memory_space<hbm>> -> memref<1x1x20x100xi32, #tpu.memory_space<hbm>>
      %dma_wait3A_818 = tpu.memref_squeeze %dma_wait3A_817 : memref<1x1x20x100xi32, #tpu.memory_space<hbm>> -> memref<20x100xi32, #tpu.memory_space<hbm>>
      %dma_wait3A_819 = arith.constant 0 : i32
      %dma_wait3A_820 = arith.constant 0 : i32
      %dma_wait3A_821 = tpu.memref_slice %arg4[%add3A, %run_scoped3A_345, %dma_wait3A_819, %dma_wait3A_820] : memref<32x5x20x100xi32, #tpu.memory_space<hbm>> -> memref<1x1x20x100xi32, #tpu.memory_space<hbm>>
      %dma_wait3A_822 = tpu.memref_squeeze %dma_wait3A_821 : memref<1x1x20x100xi32, #tpu.memory_space<hbm>> -> memref<20x100xi32, #tpu.memory_space<hbm>>
      tpu.wait_dma2 semaphore(%run_scoped3A_806 : memref<!tpu.dma_semaphore, #tpu.memory_space<semaphore_mem>>) src(%dma_wait3A_822 : memref<20x100xi32, #tpu.memory_space<hbm>>) dst(%arg8 : memref<20x100xi32, #tpu.memory_space<vmem>>)
      tpu.yield
    }) : () -> ()
    %dma_start3A_346 = arith.constant 0 : i32
    %dma_start3A_347 = arith.constant 0 : i32
    %dma_start3A_348 = arith.constant 0 : i32
    %dma_start3A_349 = arith.constant 0 : i32
    %dma_start3A_350 = arith.constant 0 : i32
    %dma_start3A_351 = tpu.memref_slice %arg9[%dma_start3A_347, %dma_start3A_349, %dma_start3A_350] : memref<3x100x128xf32, #tpu.memory_space<vmem>> -> memref<1x100x128xf32, #tpu.memory_space<vmem>>
    %dma_start3A_352 = tpu.memref_squeeze %dma_start3A_351 : memref<1x100x128xf32, #tpu.memory_space<vmem>> -> memref<100x128xf32, #tpu.memory_space<vmem>>
    %dma_start3A_353 = arith.constant 0 : i32
    %dma_start3A_354 = tpu.memref_slice %arg7[%dma_start3A_346, %dma_start3A_353] : memref<20x100xi32, #tpu.memory_space<vmem>> -> memref<1x100xi32, #tpu.memory_space<vmem>>
    %dma_start3A_355 = tpu.memref_squeeze %dma_start3A_354 : memref<1x100xi32, #tpu.memory_space<vmem>> -> memref<100xi32, #tpu.memory_space<vmem>>
    %dma_start3A_356 = arith.constant 0 : i32
    %dma_start3A_357 = arith.constant 0 : i32
    %dma_start3A_358 = tpu.memref_slice %arg2[%dma_start3A_356, %dma_start3A_357] : memref<80000x128xf32, #tpu.memory_space<hbm>> -> memref<80000x128xf32, #tpu.memory_space<hbm>>
    %dma_start3A_359 = tpu.memref_slice %arg11[%dma_start3A_348] : memref<3x!tpu.dma_semaphore, #tpu.memory_space<semaphore_mem>> -> memref<1x!tpu.dma_semaphore, #tpu.memory_space<semaphore_mem>>
    %dma_start3A_360 = tpu.memref_squeeze %dma_start3A_359 : memref<1x!tpu.dma_semaphore, #tpu.memory_space<semaphore_mem>> -> memref<!tpu.dma_semaphore, #tpu.memory_space<semaphore_mem>>
    tpu.enqueue_indirect_dma source(%dma_start3A_358 : memref<80000x128xf32, #tpu.memory_space<hbm>>) target(%dma_start3A_352 : memref<100x128xf32, #tpu.memory_space<vmem>>) offsets(%dma_start3A_355 : memref<100xi32, #tpu.memory_space<vmem>>) semaphore(%dma_start3A_360 : memref<!tpu.dma_semaphore, #tpu.memory_space<semaphore_mem>>)
    %dma_start3A_361 = arith.constant 1 : i32
    %dma_start3A_362 = arith.constant 1 : i32
    %dma_start3A_363 = arith.constant 1 : i32
    %dma_start3A_364 = arith.constant 0 : i32
    %dma_start3A_365 = arith.constant 0 : i32
    %dma_start3A_366 = tpu.memref_slice %arg9[%dma_start3A_362, %dma_start3A_364, %dma_start3A_365] : memref<3x100x128xf32, #tpu.memory_space<vmem>> -> memref<1x100x128xf32, #tpu.memory_space<vmem>>
    %dma_start3A_367 = tpu.memref_squeeze %dma_start3A_366 : memref<1x100x128xf32, #tpu.memory_space<vmem>> -> memref<100x128xf32, #tpu.memory_space<vmem>>
    %dma_start3A_368 = arith.constant 0 : i32
    %dma_start3A_369 = tpu.memref_slice %arg7[%dma_start3A_361, %dma_start3A_368] : memref<20x100xi32, #tpu.memory_space<vmem>> -> memref<1x100xi32, #tpu.memory_space<vmem>>
    %dma_start3A_370 = tpu.memref_squeeze %dma_start3A_369 : memref<1x100xi32, #tpu.memory_space<vmem>> -> memref<100xi32, #tpu.memory_space<vmem>>
    %dma_start3A_371 = arith.constant 0 : i32
    %dma_start3A_372 = arith.constant 0 : i32
    %dma_start3A_373 = tpu.memref_slice %arg2[%dma_start3A_371, %dma_start3A_372] : memref<80000x128xf32, #tpu.memory_space<hbm>> -> memref<80000x128xf32, #tpu.memory_space<hbm>>
    %dma_start3A_374 = tpu.memref_slice %arg11[%dma_start3A_363] : memref<3x!tpu.dma_semaphore, #tpu.memory_space<semaphore_mem>> -> memref<1x!tpu.dma_semaphore, #tpu.memory_space<semaphore_mem>>
    %dma_start3A_375 = tpu.memref_squeeze %dma_start3A_374 : memref<1x!tpu.dma_semaphore, #tpu.memory_space<semaphore_mem>> -> memref<!tpu.dma_semaphore, #tpu.memory_space<semaphore_mem>>
    tpu.enqueue_indirect_dma source(%dma_start3A_373 : memref<80000x128xf32, #tpu.memory_space<hbm>>) target(%dma_start3A_367 : memref<100x128xf32, #tpu.memory_space<vmem>>) offsets(%dma_start3A_370 : memref<100xi32, #tpu.memory_space<vmem>>) semaphore(%dma_start3A_375 : memref<!tpu.dma_semaphore, #tpu.memory_space<semaphore_mem>>)
    %dma_start3A_376 = arith.constant 2 : i32
    %dma_start3A_377 = arith.constant 2 : i32
    %dma_start3A_378 = arith.constant 2 : i32
    %dma_start3A_379 = arith.constant 0 : i32
    %dma_start3A_380 = arith.constant 0 : i32
    %dma_start3A_381 = tpu.memref_slice %arg9[%dma_start3A_377, %dma_start3A_379, %dma_start3A_380] : memref<3x100x128xf32, #tpu.memory_space<vmem>> -> memref<1x100x128xf32, #tpu.memory_space<vmem>>
    %dma_start3A_382 = tpu.memref_squeeze %dma_start3A_381 : memref<1x100x128xf32, #tpu.memory_space<vmem>> -> memref<100x128xf32, #tpu.memory_space<vmem>>
    %dma_start3A_383 = arith.constant 0 : i32
    %dma_start3A_384 = tpu.memref_slice %arg7[%dma_start3A_376, %dma_start3A_383] : memref<20x100xi32, #tpu.memory_space<vmem>> -> memref<1x100xi32, #tpu.memory_space<vmem>>
    %dma_start3A_385 = tpu.memref_squeeze %dma_start3A_384 : memref<1x100xi32, #tpu.memory_space<vmem>> -> memref<100xi32, #tpu.memory_space<vmem>>
    %dma_start3A_386 = arith.constant 0 : i32
    %dma_start3A_387 = arith.constant 0 : i32
    %dma_start3A_388 = tpu.memref_slice %arg2[%dma_start3A_386, %dma_start3A_387] : memref<80000x128xf32, #tpu.memory_space<hbm>> -> memref<80000x128xf32, #tpu.memory_space<hbm>>
    %dma_start3A_389 = tpu.memref_slice %arg11[%dma_start3A_378] : memref<3x!tpu.dma_semaphore, #tpu.memory_space<semaphore_mem>> -> memref<1x!tpu.dma_semaphore, #tpu.memory_space<semaphore_mem>>
    %dma_start3A_390 = tpu.memref_squeeze %dma_start3A_389 : memref<1x!tpu.dma_semaphore, #tpu.memory_space<semaphore_mem>> -> memref<!tpu.dma_semaphore, #tpu.memory_space<semaphore_mem>>
    tpu.enqueue_indirect_dma source(%dma_start3A_388 : memref<80000x128xf32, #tpu.memory_space<hbm>>) target(%dma_start3A_382 : memref<100x128xf32, #tpu.memory_space<vmem>>) offsets(%dma_start3A_385 : memref<100xi32, #tpu.memory_space<vmem>>) semaphore(%dma_start3A_390 : memref<!tpu.dma_semaphore, #tpu.memory_space<semaphore_mem>>)
    %scan3A_391 = arith.constant 0 : i32
    %scan3A_392 = arith.constant 0 : i32
    %scan3A_393 = arith.constant 5 : i32
    %scan3A_394 = arith.addi %scan3A_392, %scan3A_393 : i32
    %scan3A_395 = arith.constant 1 : i32
    scf.for %scan3A_806 = %scan3A_392 to %scan3A_394 step %scan3A_395  : i32 {
      %mul3A_807 = arith.constant 3 : i32
      %mul3A_808 = arith.muli %scan3A_806, %mul3A_807 : i32
      %add3A_809 = arith.constant 0 : i32
      %add3A_810 = arith.addi %mul3A_808, %add3A_809 : i32
      %dma_wait3A_811 = arith.constant 0 : i32
      %dma_wait3A_812 = arith.constant 0 : i32
      %dma_wait3A_813 = arith.constant 0 : i32
      %dma_wait3A_814 = arith.constant 0 : i32
      %dma_wait3A_815 = tpu.memref_slice %arg9[%dma_wait3A_811, %dma_wait3A_813, %dma_wait3A_814] : memref<3x100x128xf32, #tpu.memory_space<vmem>> -> memref<1x100x128xf32, #tpu.memory_space<vmem>>
      %dma_wait3A_816 = tpu.memref_squeeze %dma_wait3A_815 : memref<1x100x128xf32, #tpu.memory_space<vmem>> -> memref<100x128xf32, #tpu.memory_space<vmem>>
      %dma_wait3A_817 = tpu.memref_slice %arg11[%dma_wait3A_812] : memref<3x!tpu.dma_semaphore, #tpu.memory_space<semaphore_mem>> -> memref<1x!tpu.dma_semaphore, #tpu.memory_space<semaphore_mem>>
      %dma_wait3A_818 = tpu.memref_squeeze %dma_wait3A_817 : memref<1x!tpu.dma_semaphore, #tpu.memory_space<semaphore_mem>> -> memref<!tpu.dma_semaphore, #tpu.memory_space<semaphore_mem>>
      %dma_wait3A_819 = arith.constant 0 : i32
      %dma_wait3A_820 = arith.constant 0 : i32
      %dma_wait3A_821 = tpu.memref_slice %arg9[%dma_wait3A_811, %dma_wait3A_819, %dma_wait3A_820] : memref<3x100x128xf32, #tpu.memory_space<vmem>> -> memref<1x100x128xf32, #tpu.memory_space<vmem>>
      %dma_wait3A_822 = tpu.memref_squeeze %dma_wait3A_821 : memref<1x100x128xf32, #tpu.memory_space<vmem>> -> memref<100x128xf32, #tpu.memory_space<vmem>>
      tpu.wait_dma2 semaphore(%dma_wait3A_818 : memref<!tpu.dma_semaphore, #tpu.memory_space<semaphore_mem>>) src(%arg5 : memref<100x128xf32, #tpu.memory_space<hbm>>) dst(%dma_wait3A_822 : memref<100x128xf32, #tpu.memory_space<vmem>>)
      %run_scoped3A_823 = arith.constant 0 : i32
      "tpu.region"() ({
        %run_scoped3A_906 = tpu.sem_alloc : memref<!tpu.dma_semaphore, #tpu.memory_space<semaphore_mem>>
        %dma_start3A_907 = arith.constant 0 : i32
        %dma_start3A_908 = arith.constant 0 : i32
        %dma_start3A_909 = tpu.memref_slice %arg9[%run_scoped3A_823, %dma_start3A_907, %dma_start3A_908] : memref<3x100x128xf32, #tpu.memory_space<vmem>> -> memref<1x100x128xf32, #tpu.memory_space<vmem>>
        %dma_start3A_910 = tpu.memref_squeeze %dma_start3A_909 : memref<1x100x128xf32, #tpu.memory_space<vmem>> -> memref<100x128xf32, #tpu.memory_space<vmem>>
        %dma_start3A_911 = arith.constant 0 : i32
        %dma_start3A_912 = tpu.memref_slice %arg8[%add3A_810, %dma_start3A_911] : memref<20x100xi32, #tpu.memory_space<vmem>> -> memref<1x100xi32, #tpu.memory_space<vmem>>
        %dma_start3A_913 = tpu.memref_squeeze %dma_start3A_912 : memref<1x100xi32, #tpu.memory_space<vmem>> -> memref<100xi32, #tpu.memory_space<vmem>>
        %dma_start3A_914 = arith.constant 0 : i32
        %dma_start3A_915 = arith.constant 0 : i32
        %dma_start3A_916 = tpu.memref_slice %arg10[%dma_start3A_914, %dma_start3A_915] : memref<10000x128xf32, #tpu.memory_space<vmem_shared>> -> memref<10000x128xf32, #tpu.memory_space<vmem_shared>>
        tpu.enqueue_indirect_dma source(%dma_start3A_910 : memref<100x128xf32, #tpu.memory_space<vmem>>) target(%dma_start3A_916 : memref<10000x128xf32, #tpu.memory_space<vmem_shared>>) offsets(%dma_start3A_913 : memref<100xi32, #tpu.memory_space<vmem>>) semaphore(%run_scoped3A_906 : memref<!tpu.dma_semaphore, #tpu.memory_space<semaphore_mem>>) {add = true}
        %dma_wait3A_917 = arith.constant 0 : i32
        %dma_wait3A_918 = arith.constant 0 : i32
        %dma_wait3A_919 = tpu.memref_slice %arg9[%run_scoped3A_823, %dma_wait3A_917, %dma_wait3A_918] : memref<3x100x128xf32, #tpu.memory_space<vmem>> -> memref<1x100x128xf32, #tpu.memory_space<vmem>>
        %dma_wait3A_920 = tpu.memref_squeeze %dma_wait3A_919 : memref<1x100x128xf32, #tpu.memory_space<vmem>> -> memref<100x128xf32, #tpu.memory_space<vmem>>
        %dma_wait3A_921 = arith.constant 0 : i32
        %dma_wait3A_922 = tpu.memref_slice %arg8[%add3A_810, %dma_wait3A_921] : memref<20x100xi32, #tpu.memory_space<vmem>> -> memref<1x100xi32, #tpu.memory_space<vmem>>
        %dma_wait3A_923 = tpu.memref_squeeze %dma_wait3A_922 : memref<1x100xi32, #tpu.memory_space<vmem>> -> memref<100xi32, #tpu.memory_space<vmem>>
        %dma_wait3A_924 = arith.constant 0 : i32
        %dma_wait3A_925 = arith.constant 0 : i32
        %dma_wait3A_926 = tpu.memref_slice %arg10[%dma_wait3A_924, %dma_wait3A_925] : memref<10000x128xf32, #tpu.memory_space<vmem_shared>> -> memref<10000x128xf32, #tpu.memory_space<vmem_shared>>
        tpu.wait_indirect_dma semaphore(%run_scoped3A_906 : memref<!tpu.dma_semaphore, #tpu.memory_space<semaphore_mem>>) src(%dma_wait3A_920 : memref<100x128xf32, #tpu.memory_space<vmem>>) dst(%dma_wait3A_926 : memref<10000x128xf32, #tpu.memory_space<vmem_shared>>)
        tpu.yield
      }) : () -> ()
      %add3A_824 = arith.constant 3 : i32
      %add3A_825 = arith.addi %add3A_810, %add3A_824 : i32
      %dma_start3A_826 = arith.constant 0 : i32
      %dma_start3A_827 = arith.constant 0 : i32
      %dma_start3A_828 = arith.constant 0 : i32
      %dma_start3A_829 = arith.constant 0 : i32
      %dma_start3A_830 = tpu.memref_slice %arg9[%dma_start3A_826, %dma_start3A_828, %dma_start3A_829] : memref<3x100x128xf32, #tpu.memory_space<vmem>> -> memref<1x100x128xf32, #tpu.memory_space<vmem>>
      %dma_start3A_831 = tpu.memref_squeeze %dma_start3A_830 : memref<1x100x128xf32, #tpu.memory_space<vmem>> -> memref<100x128xf32, #tpu.memory_space<vmem>>
      %dma_start3A_832 = arith.constant 0 : i32
      %dma_start3A_833 = tpu.memref_slice %arg7[%add3A_825, %dma_start3A_832] : memref<20x100xi32, #tpu.memory_space<vmem>> -> memref<1x100xi32, #tpu.memory_space<vmem>>
      %dma_start3A_834 = tpu.memref_squeeze %dma_start3A_833 : memref<1x100xi32, #tpu.memory_space<vmem>> -> memref<100xi32, #tpu.memory_space<vmem>>
      %dma_start3A_835 = arith.constant 0 : i32
      %dma_start3A_836 = arith.constant 0 : i32
      %dma_start3A_837 = tpu.memref_slice %arg2[%dma_start3A_835, %dma_start3A_836] : memref<80000x128xf32, #tpu.memory_space<hbm>> -> memref<80000x128xf32, #tpu.memory_space<hbm>>
      %dma_start3A_838 = tpu.memref_slice %arg11[%dma_start3A_827] : memref<3x!tpu.dma_semaphore, #tpu.memory_space<semaphore_mem>> -> memref<1x!tpu.dma_semaphore, #tpu.memory_space<semaphore_mem>>
      %dma_start3A_839 = tpu.memref_squeeze %dma_start3A_838 : memref<1x!tpu.dma_semaphore, #tpu.memory_space<semaphore_mem>> -> memref<!tpu.dma_semaphore, #tpu.memory_space<semaphore_mem>>
      tpu.enqueue_indirect_dma source(%dma_start3A_837 : memref<80000x128xf32, #tpu.memory_space<hbm>>) target(%dma_start3A_831 : memref<100x128xf32, #tpu.memory_space<vmem>>) offsets(%dma_start3A_834 : memref<100xi32, #tpu.memory_space<vmem>>) semaphore(%dma_start3A_839 : memref<!tpu.dma_semaphore, #tpu.memory_space<semaphore_mem>>)
      %mul3A_840 = arith.constant 3 : i32
      %mul3A_841 = arith.muli %scan3A_806, %mul3A_840 : i32
      %add3A_842 = arith.constant 1 : i32
      %add3A_843 = arith.addi %mul3A_841, %add3A_842 : i32
      %dma_wait3A_844 = arith.constant 1 : i32
      %dma_wait3A_845 = arith.constant 1 : i32
      %dma_wait3A_846 = arith.constant 0 : i32
      %dma_wait3A_847 = arith.constant 0 : i32
      %dma_wait3A_848 = tpu.memref_slice %arg9[%dma_wait3A_844, %dma_wait3A_846, %dma_wait3A_847] : memref<3x100x128xf32, #tpu.memory_space<vmem>> -> memref<1x100x128xf32, #tpu.memory_space<vmem>>
      %dma_wait3A_849 = tpu.memref_squeeze %dma_wait3A_848 : memref<1x100x128xf32, #tpu.memory_space<vmem>> -> memref<100x128xf32, #tpu.memory_space<vmem>>
      %dma_wait3A_850 = tpu.memref_slice %arg11[%dma_wait3A_845] : memref<3x!tpu.dma_semaphore, #tpu.memory_space<semaphore_mem>> -> memref<1x!tpu.dma_semaphore, #tpu.memory_space<semaphore_mem>>
      %dma_wait3A_851 = tpu.memref_squeeze %dma_wait3A_850 : memref<1x!tpu.dma_semaphore, #tpu.memory_space<semaphore_mem>> -> memref<!tpu.dma_semaphore, #tpu.memory_space<semaphore_mem>>
      %dma_wait3A_852 = arith.constant 0 : i32
      %dma_wait3A_853 = arith.constant 0 : i32
      %dma_wait3A_854 = tpu.memref_slice %arg9[%dma_wait3A_844, %dma_wait3A_852, %dma_wait3A_853] : memref<3x100x128xf32, #tpu.memory_space<vmem>> -> memref<1x100x128xf32, #tpu.memory_space<vmem>>
      %dma_wait3A_855 = tpu.memref_squeeze %dma_wait3A_854 : memref<1x100x128xf32, #tpu.memory_space<vmem>> -> memref<100x128xf32, #tpu.memory_space<vmem>>
      tpu.wait_dma2 semaphore(%dma_wait3A_851 : memref<!tpu.dma_semaphore, #tpu.memory_space<semaphore_mem>>) src(%arg5 : memref<100x128xf32, #tpu.memory_space<hbm>>) dst(%dma_wait3A_855 : memref<100x128xf32, #tpu.memory_space<vmem>>)
      %run_scoped3A_856 = arith.constant 1 : i32
      "tpu.region"() ({
        %run_scoped3A_906 = tpu.sem_alloc : memref<!tpu.dma_semaphore, #tpu.memory_space<semaphore_mem>>
        %dma_start3A_907 = arith.constant 0 : i32
        %dma_start3A_908 = arith.constant 0 : i32
        %dma_start3A_909 = tpu.memref_slice %arg9[%run_scoped3A_856, %dma_start3A_907, %dma_start3A_908] : memref<3x100x128xf32, #tpu.memory_space<vmem>> -> memref<1x100x128xf32, #tpu.memory_space<vmem>>
        %dma_start3A_910 = tpu.memref_squeeze %dma_start3A_909 : memref<1x100x128xf32, #tpu.memory_space<vmem>> -> memref<100x128xf32, #tpu.memory_space<vmem>>
        %dma_start3A_911 = arith.constant 0 : i32
        %dma_start3A_912 = tpu.memref_slice %arg8[%add3A_843, %dma_start3A_911] : memref<20x100xi32, #tpu.memory_space<vmem>> -> memref<1x100xi32, #tpu.memory_space<vmem>>
        %dma_start3A_913 = tpu.memref_squeeze %dma_start3A_912 : memref<1x100xi32, #tpu.memory_space<vmem>> -> memref<100xi32, #tpu.memory_space<vmem>>
        %dma_start3A_914 = arith.constant 0 : i32
        %dma_start3A_915 = arith.constant 0 : i32
        %dma_start3A_916 = tpu.memref_slice %arg10[%dma_start3A_914, %dma_start3A_915] : memref<10000x128xf32, #tpu.memory_space<vmem_shared>> -> memref<10000x128xf32, #tpu.memory_space<vmem_shared>>
        tpu.enqueue_indirect_dma source(%dma_start3A_910 : memref<100x128xf32, #tpu.memory_space<vmem>>) target(%dma_start3A_916 : memref<10000x128xf32, #tpu.memory_space<vmem_shared>>) offsets(%dma_start3A_913 : memref<100xi32, #tpu.memory_space<vmem>>) semaphore(%run_scoped3A_906 : memref<!tpu.dma_semaphore, #tpu.memory_space<semaphore_mem>>) {add = true}
        %dma_wait3A_917 = arith.constant 0 : i32
        %dma_wait3A_918 = arith.constant 0 : i32
        %dma_wait3A_919 = tpu.memref_slice %arg9[%run_scoped3A_856, %dma_wait3A_917, %dma_wait3A_918] : memref<3x100x128xf32, #tpu.memory_space<vmem>> -> memref<1x100x128xf32, #tpu.memory_space<vmem>>
        %dma_wait3A_920 = tpu.memref_squeeze %dma_wait3A_919 : memref<1x100x128xf32, #tpu.memory_space<vmem>> -> memref<100x128xf32, #tpu.memory_space<vmem>>
        %dma_wait3A_921 = arith.constant 0 : i32
        %dma_wait3A_922 = tpu.memref_slice %arg8[%add3A_843, %dma_wait3A_921] : memref<20x100xi32, #tpu.memory_space<vmem>> -> memref<1x100xi32, #tpu.memory_space<vmem>>
        %dma_wait3A_923 = tpu.memref_squeeze %dma_wait3A_922 : memref<1x100xi32, #tpu.memory_space<vmem>> -> memref<100xi32, #tpu.memory_space<vmem>>
        %dma_wait3A_924 = arith.constant 0 : i32
        %dma_wait3A_925 = arith.constant 0 : i32
        %dma_wait3A_926 = tpu.memref_slice %arg10[%dma_wait3A_924, %dma_wait3A_925] : memref<10000x128xf32, #tpu.memory_space<vmem_shared>> -> memref<10000x128xf32, #tpu.memory_space<vmem_shared>>
        tpu.wait_indirect_dma semaphore(%run_scoped3A_906 : memref<!tpu.dma_semaphore, #tpu.memory_space<semaphore_mem>>) src(%dma_wait3A_920 : memref<100x128xf32, #tpu.memory_space<vmem>>) dst(%dma_wait3A_926 : memref<10000x128xf32, #tpu.memory_space<vmem_shared>>)
        tpu.yield
      }) : () -> ()
      %add3A_857 = arith.constant 3 : i32
      %add3A_858 = arith.addi %add3A_843, %add3A_857 : i32
      %dma_start3A_859 = arith.constant 1 : i32
      %dma_start3A_860 = arith.constant 1 : i32
      %dma_start3A_861 = arith.constant 0 : i32
      %dma_start3A_862 = arith.constant 0 : i32
      %dma_start3A_863 = tpu.memref_slice %arg9[%dma_start3A_859, %dma_start3A_861, %dma_start3A_862] : memref<3x100x128xf32, #tpu.memory_space<vmem>> -> memref<1x100x128xf32, #tpu.memory_space<vmem>>
      %dma_start3A_864 = tpu.memref_squeeze %dma_start3A_863 : memref<1x100x128xf32, #tpu.memory_space<vmem>> -> memref<100x128xf32, #tpu.memory_space<vmem>>
      %dma_start3A_865 = arith.constant 0 : i32
      %dma_start3A_866 = tpu.memref_slice %arg7[%add3A_858, %dma_start3A_865] : memref<20x100xi32, #tpu.memory_space<vmem>> -> memref<1x100xi32, #tpu.memory_space<vmem>>
      %dma_start3A_867 = tpu.memref_squeeze %dma_start3A_866 : memref<1x100xi32, #tpu.memory_space<vmem>> -> memref<100xi32, #tpu.memory_space<vmem>>
      %dma_start3A_868 = arith.constant 0 : i32
      %dma_start3A_869 = arith.constant 0 : i32
      %dma_start3A_870 = tpu.memref_slice %arg2[%dma_start3A_868, %dma_start3A_869] : memref<80000x128xf32, #tpu.memory_space<hbm>> -> memref<80000x128xf32, #tpu.memory_space<hbm>>
      %dma_start3A_871 = tpu.memref_slice %arg11[%dma_start3A_860] : memref<3x!tpu.dma_semaphore, #tpu.memory_space<semaphore_mem>> -> memref<1x!tpu.dma_semaphore, #tpu.memory_space<semaphore_mem>>
      %dma_start3A_872 = tpu.memref_squeeze %dma_start3A_871 : memref<1x!tpu.dma_semaphore, #tpu.memory_space<semaphore_mem>> -> memref<!tpu.dma_semaphore, #tpu.memory_space<semaphore_mem>>
      tpu.enqueue_indirect_dma source(%dma_start3A_870 : memref<80000x128xf32, #tpu.memory_space<hbm>>) target(%dma_start3A_864 : memref<100x128xf32, #tpu.memory_space<vmem>>) offsets(%dma_start3A_867 : memref<100xi32, #tpu.memory_space<vmem>>) semaphore(%dma_start3A_872 : memref<!tpu.dma_semaphore, #tpu.memory_space<semaphore_mem>>)
      %mul3A_873 = arith.constant 3 : i32
      %mul3A_874 = arith.muli %scan3A_806, %mul3A_873 : i32
      %add3A_875 = arith.constant 2 : i32
      %add3A_876 = arith.addi %mul3A_874, %add3A_875 : i32
      %dma_wait3A_877 = arith.constant 2 : i32
      %dma_wait3A_878 = arith.constant 2 : i32
      %dma_wait3A_879 = arith.constant 0 : i32
      %dma_wait3A_880 = arith.constant 0 : i32
      %dma_wait3A_881 = tpu.memref_slice %arg9[%dma_wait3A_877, %dma_wait3A_879, %dma_wait3A_880] : memref<3x100x128xf32, #tpu.memory_space<vmem>> -> memref<1x100x128xf32, #tpu.memory_space<vmem>>
      %dma_wait3A_882 = tpu.memref_squeeze %dma_wait3A_881 : memref<1x100x128xf32, #tpu.memory_space<vmem>> -> memref<100x128xf32, #tpu.memory_space<vmem>>
      %dma_wait3A_883 = tpu.memref_slice %arg11[%dma_wait3A_878] : memref<3x!tpu.dma_semaphore, #tpu.memory_space<semaphore_mem>> -> memref<1x!tpu.dma_semaphore, #tpu.memory_space<semaphore_mem>>
      %dma_wait3A_884 = tpu.memref_squeeze %dma_wait3A_883 : memref<1x!tpu.dma_semaphore, #tpu.memory_space<semaphore_mem>> -> memref<!tpu.dma_semaphore, #tpu.memory_space<semaphore_mem>>
      %dma_wait3A_885 = arith.constant 0 : i32
      %dma_wait3A_886 = arith.constant 0 : i32
      %dma_wait3A_887 = tpu.memref_slice %arg9[%dma_wait3A_877, %dma_wait3A_885, %dma_wait3A_886] : memref<3x100x128xf32, #tpu.memory_space<vmem>> -> memref<1x100x128xf32, #tpu.memory_space<vmem>>
      %dma_wait3A_888 = tpu.memref_squeeze %dma_wait3A_887 : memref<1x100x128xf32, #tpu.memory_space<vmem>> -> memref<100x128xf32, #tpu.memory_space<vmem>>
      tpu.wait_dma2 semaphore(%dma_wait3A_884 : memref<!tpu.dma_semaphore, #tpu.memory_space<semaphore_mem>>) src(%arg5 : memref<100x128xf32, #tpu.memory_space<hbm>>) dst(%dma_wait3A_888 : memref<100x128xf32, #tpu.memory_space<vmem>>)
      %run_scoped3A_889 = arith.constant 2 : i32
      "tpu.region"() ({
        %run_scoped3A_906 = tpu.sem_alloc : memref<!tpu.dma_semaphore, #tpu.memory_space<semaphore_mem>>
        %dma_start3A_907 = arith.constant 0 : i32
        %dma_start3A_908 = arith.constant 0 : i32
        %dma_start3A_909 = tpu.memref_slice %arg9[%run_scoped3A_889, %dma_start3A_907, %dma_start3A_908] : memref<3x100x128xf32, #tpu.memory_space<vmem>> -> memref<1x100x128xf32, #tpu.memory_space<vmem>>
        %dma_start3A_910 = tpu.memref_squeeze %dma_start3A_909 : memref<1x100x128xf32, #tpu.memory_space<vmem>> -> memref<100x128xf32, #tpu.memory_space<vmem>>
        %dma_start3A_911 = arith.constant 0 : i32
        %dma_start3A_912 = tpu.memref_slice %arg8[%add3A_876, %dma_start3A_911] : memref<20x100xi32, #tpu.memory_space<vmem>> -> memref<1x100xi32, #tpu.memory_space<vmem>>
        %dma_start3A_913 = tpu.memref_squeeze %dma_start3A_912 : memref<1x100xi32, #tpu.memory_space<vmem>> -> memref<100xi32, #tpu.memory_space<vmem>>
        %dma_start3A_914 = arith.constant 0 : i32
        %dma_start3A_915 = arith.constant 0 : i32
        %dma_start3A_916 = tpu.memref_slice %arg10[%dma_start3A_914, %dma_start3A_915] : memref<10000x128xf32, #tpu.memory_space<vmem_shared>> -> memref<10000x128xf32, #tpu.memory_space<vmem_shared>>
        tpu.enqueue_indirect_dma source(%dma_start3A_910 : memref<100x128xf32, #tpu.memory_space<vmem>>) target(%dma_start3A_916 : memref<10000x128xf32, #tpu.memory_space<vmem_shared>>) offsets(%dma_start3A_913 : memref<100xi32, #tpu.memory_space<vmem>>) semaphore(%run_scoped3A_906 : memref<!tpu.dma_semaphore, #tpu.memory_space<semaphore_mem>>) {add = true}
        %dma_wait3A_917 = arith.constant 0 : i32
        %dma_wait3A_918 = arith.constant 0 : i32
        %dma_wait3A_919 = tpu.memref_slice %arg9[%run_scoped3A_889, %dma_wait3A_917, %dma_wait3A_918] : memref<3x100x128xf32, #tpu.memory_space<vmem>> -> memref<1x100x128xf32, #tpu.memory_space<vmem>>
        %dma_wait3A_920 = tpu.memref_squeeze %dma_wait3A_919 : memref<1x100x128xf32, #tpu.memory_space<vmem>> -> memref<100x128xf32, #tpu.memory_space<vmem>>
        %dma_wait3A_921 = arith.constant 0 : i32
        %dma_wait3A_922 = tpu.memref_slice %arg8[%add3A_876, %dma_wait3A_921] : memref<20x100xi32, #tpu.memory_space<vmem>> -> memref<1x100xi32, #tpu.memory_space<vmem>>
        %dma_wait3A_923 = tpu.memref_squeeze %dma_wait3A_922 : memref<1x100xi32, #tpu.memory_space<vmem>> -> memref<100xi32, #tpu.memory_space<vmem>>
        %dma_wait3A_924 = arith.constant 0 : i32
        %dma_wait3A_925 = arith.constant 0 : i32
        %dma_wait3A_926 = tpu.memref_slice %arg10[%dma_wait3A_924, %dma_wait3A_925] : memref<10000x128xf32, #tpu.memory_space<vmem_shared>> -> memref<10000x128xf32, #tpu.memory_space<vmem_shared>>
        tpu.wait_indirect_dma semaphore(%run_scoped3A_906 : memref<!tpu.dma_semaphore, #tpu.memory_space<semaphore_mem>>) src(%dma_wait3A_920 : memref<100x128xf32, #tpu.memory_space<vmem>>) dst(%dma_wait3A_926 : memref<10000x128xf32, #tpu.memory_space<vmem_shared>>)
        tpu.yield
      }) : () -> ()
      %add3A_890 = arith.constant 3 : i32
      %add3A_891 = arith.addi %add3A_876, %add3A_890 : i32
      %dma_start3A_892 = arith.constant 2 : i32
      %dma_start3A_893 = arith.constant 2 : i32
      %dma_start3A_894 = arith.constant 0 : i32
      %dma_start3A_895 = arith.constant 0 : i32
      %dma_start3A_896 = tpu.memref_slice %arg9[%dma_start3A_892, %dma_start3A_894, %dma_start3A_895] : memref<3x100x128xf32, #tpu.memory_space<vmem>> -> memref<1x100x128xf32, #tpu.memory_space<vmem>>
      %dma_start3A_897 = tpu.memref_squeeze %dma_start3A_896 : memref<1x100x128xf32, #tpu.memory_space<vmem>> -> memref<100x128xf32, #tpu.memory_space<vmem>>
      %dma_start3A_898 = arith.constant 0 : i32
      %dma_start3A_899 = tpu.memref_slice %arg7[%add3A_891, %dma_start3A_898] : memref<20x100xi32, #tpu.memory_space<vmem>> -> memref<1x100xi32, #tpu.memory_space<vmem>>
      %dma_start3A_900 = tpu.memref_squeeze %dma_start3A_899 : memref<1x100xi32, #tpu.memory_space<vmem>> -> memref<100xi32, #tpu.memory_space<vmem>>
      %dma_start3A_901 = arith.constant 0 : i32
      %dma_start3A_902 = arith.constant 0 : i32
      %dma_start3A_903 = tpu.memref_slice %arg2[%dma_start3A_901, %dma_start3A_902] : memref<80000x128xf32, #tpu.memory_space<hbm>> -> memref<80000x128xf32, #tpu.memory_space<hbm>>
      %dma_start3A_904 = tpu.memref_slice %arg11[%dma_start3A_893] : memref<3x!tpu.dma_semaphore, #tpu.memory_space<semaphore_mem>> -> memref<1x!tpu.dma_semaphore, #tpu.memory_space<semaphore_mem>>
      %dma_start3A_905 = tpu.memref_squeeze %dma_start3A_904 : memref<1x!tpu.dma_semaphore, #tpu.memory_space<semaphore_mem>> -> memref<!tpu.dma_semaphore, #tpu.memory_space<semaphore_mem>>
      tpu.enqueue_indirect_dma source(%dma_start3A_903 : memref<80000x128xf32, #tpu.memory_space<hbm>>) target(%dma_start3A_897 : memref<100x128xf32, #tpu.memory_space<vmem>>) offsets(%dma_start3A_900 : memref<100xi32, #tpu.memory_space<vmem>>) semaphore(%dma_start3A_905 : memref<!tpu.dma_semaphore, #tpu.memory_space<semaphore_mem>>)
    }
    %scan3A_396 = arith.constant 5 : i32
    %dma_wait3A_397 = arith.constant 0 : i32
    %dma_wait3A_398 = arith.constant 0 : i32
    %dma_wait3A_399 = arith.constant 0 : i32
    %dma_wait3A_400 = arith.constant 0 : i32
    %dma_wait3A_401 = tpu.memref_slice %arg9[%dma_wait3A_397, %dma_wait3A_399, %dma_wait3A_400] : memref<3x100x128xf32, #tpu.memory_space<vmem>> -> memref<1x100x128xf32, #tpu.memory_space<vmem>>
    %dma_wait3A_402 = tpu.memref_squeeze %dma_wait3A_401 : memref<1x100x128xf32, #tpu.memory_space<vmem>> -> memref<100x128xf32, #tpu.memory_space<vmem>>
    %dma_wait3A_403 = tpu.memref_slice %arg11[%dma_wait3A_398] : memref<3x!tpu.dma_semaphore, #tpu.memory_space<semaphore_mem>> -> memref<1x!tpu.dma_semaphore, #tpu.memory_space<semaphore_mem>>
    %dma_wait3A_404 = tpu.memref_squeeze %dma_wait3A_403 : memref<1x!tpu.dma_semaphore, #tpu.memory_space<semaphore_mem>> -> memref<!tpu.dma_semaphore, #tpu.memory_space<semaphore_mem>>
    %dma_wait3A_405 = arith.constant 0 : i32
    %dma_wait3A_406 = arith.constant 0 : i32
    %dma_wait3A_407 = tpu.memref_slice %arg9[%dma_wait3A_397, %dma_wait3A_405, %dma_wait3A_406] : memref<3x100x128xf32, #tpu.memory_space<vmem>> -> memref<1x100x128xf32, #tpu.memory_space<vmem>>
    %dma_wait3A_408 = tpu.memref_squeeze %dma_wait3A_407 : memref<1x100x128xf32, #tpu.memory_space<vmem>> -> memref<100x128xf32, #tpu.memory_space<vmem>>
    tpu.wait_dma2 semaphore(%dma_wait3A_404 : memref<!tpu.dma_semaphore, #tpu.memory_space<semaphore_mem>>) src(%arg5 : memref<100x128xf32, #tpu.memory_space<hbm>>) dst(%dma_wait3A_408 : memref<100x128xf32, #tpu.memory_space<vmem>>)
    %run_scoped3A_409 = arith.constant 0 : i32
    %run_scoped3A_410 = arith.constant 15 : i32
    "tpu.region"() ({
      %run_scoped3A_806 = tpu.sem_alloc : memref<!tpu.dma_semaphore, #tpu.memory_space<semaphore_mem>>
      %dma_start3A_807 = arith.constant 0 : i32
      %dma_start3A_808 = arith.constant 0 : i32
      %dma_start3A_809 = tpu.memref_slice %arg9[%run_scoped3A_409, %dma_start3A_807, %dma_start3A_808] : memref<3x100x128xf32, #tpu.memory_space<vmem>> -> memref<1x100x128xf32, #tpu.memory_space<vmem>>
      %dma_start3A_810 = tpu.memref_squeeze %dma_start3A_809 : memref<1x100x128xf32, #tpu.memory_space<vmem>> -> memref<100x128xf32, #tpu.memory_space<vmem>>
      %dma_start3A_811 = arith.constant 0 : i32
      %dma_start3A_812 = tpu.memref_slice %arg8[%run_scoped3A_410, %dma_start3A_811] : memref<20x100xi32, #tpu.memory_space<vmem>> -> memref<1x100xi32, #tpu.memory_space<vmem>>
      %dma_start3A_813 = tpu.memref_squeeze %dma_start3A_812 : memref<1x100xi32, #tpu.memory_space<vmem>> -> memref<100xi32, #tpu.memory_space<vmem>>
      %dma_start3A_814 = arith.constant 0 : i32
      %dma_start3A_815 = arith.constant 0 : i32
      %dma_start3A_816 = tpu.memref_slice %arg10[%dma_start3A_814, %dma_start3A_815] : memref<10000x128xf32, #tpu.memory_space<vmem_shared>> -> memref<10000x128xf32, #tpu.memory_space<vmem_shared>>
      tpu.enqueue_indirect_dma source(%dma_start3A_810 : memref<100x128xf32, #tpu.memory_space<vmem>>) target(%dma_start3A_816 : memref<10000x128xf32, #tpu.memory_space<vmem_shared>>) offsets(%dma_start3A_813 : memref<100xi32, #tpu.memory_space<vmem>>) semaphore(%run_scoped3A_806 : memref<!tpu.dma_semaphore, #tpu.memory_space<semaphore_mem>>) {add = true}
      %dma_wait3A_817 = arith.constant 0 : i32
      %dma_wait3A_818 = arith.constant 0 : i32
      %dma_wait3A_819 = tpu.memref_slice %arg9[%run_scoped3A_409, %dma_wait3A_817, %dma_wait3A_818] : memref<3x100x128xf32, #tpu.memory_space<vmem>> -> memref<1x100x128xf32, #tpu.memory_space<vmem>>
      %dma_wait3A_820 = tpu.memref_squeeze %dma_wait3A_819 : memref<1x100x128xf32, #tpu.memory_space<vmem>> -> memref<100x128xf32, #tpu.memory_space<vmem>>
      %dma_wait3A_821 = arith.constant 0 : i32
      %dma_wait3A_822 = tpu.memref_slice %arg8[%run_scoped3A_410, %dma_wait3A_821] : memref<20x100xi32, #tpu.memory_space<vmem>> -> memref<1x100xi32, #tpu.memory_space<vmem>>
      %dma_wait3A_823 = tpu.memref_squeeze %dma_wait3A_822 : memref<1x100xi32, #tpu.memory_space<vmem>> -> memref<100xi32, #tpu.memory_space<vmem>>
      %dma_wait3A_824 = arith.constant 0 : i32
      %dma_wait3A_825 = arith.constant 0 : i32
      %dma_wait3A_826 = tpu.memref_slice %arg10[%dma_wait3A_824, %dma_wait3A_825] : memref<10000x128xf32, #tpu.memory_space<vmem_shared>> -> memref<10000x128xf32, #tpu.memory_space<vmem_shared>>
      tpu.wait_indirect_dma semaphore(%run_scoped3A_806 : memref<!tpu.dma_semaphore, #tpu.memory_space<semaphore_mem>>) src(%dma_wait3A_820 : memref<100x128xf32, #tpu.memory_space<vmem>>) dst(%dma_wait3A_826 : memref<10000x128xf32, #tpu.memory_space<vmem_shared>>)
      tpu.yield
    }) : () -> ()
    %dma_start3A_411 = arith.constant 18 : i32
    %dma_start3A_412 = arith.constant 0 : i32
    %dma_start3A_413 = arith.constant 0 : i32
    %dma_start3A_414 = arith.constant 0 : i32
    %dma_start3A_415 = arith.constant 0 : i32
    %dma_start3A_416 = tpu.memref_slice %arg9[%dma_start3A_412, %dma_start3A_414, %dma_start3A_415] : memref<3x100x128xf32, #tpu.memory_space<vmem>> -> memref<1x100x128xf32, #tpu.memory_space<vmem>>
    %dma_start3A_417 = tpu.memref_squeeze %dma_start3A_416 : memref<1x100x128xf32, #tpu.memory_space<vmem>> -> memref<100x128xf32, #tpu.memory_space<vmem>>
    %dma_start3A_418 = arith.constant 0 : i32
    %dma_start3A_419 = tpu.memref_slice %arg7[%dma_start3A_411, %dma_start3A_418] : memref<20x100xi32, #tpu.memory_space<vmem>> -> memref<1x100xi32, #tpu.memory_space<vmem>>
    %dma_start3A_420 = tpu.memref_squeeze %dma_start3A_419 : memref<1x100xi32, #tpu.memory_space<vmem>> -> memref<100xi32, #tpu.memory_space<vmem>>
    %dma_start3A_421 = arith.constant 0 : i32
    %dma_start3A_422 = arith.constant 0 : i32
    %dma_start3A_423 = tpu.memref_slice %arg2[%dma_start3A_421, %dma_start3A_422] : memref<80000x128xf32, #tpu.memory_space<hbm>> -> memref<80000x128xf32, #tpu.memory_space<hbm>>
    %dma_start3A_424 = tpu.memref_slice %arg11[%dma_start3A_413] : memref<3x!tpu.dma_semaphore, #tpu.memory_space<semaphore_mem>> -> memref<1x!tpu.dma_semaphore, #tpu.memory_space<semaphore_mem>>
    %dma_start3A_425 = tpu.memref_squeeze %dma_start3A_424 : memref<1x!tpu.dma_semaphore, #tpu.memory_space<semaphore_mem>> -> memref<!tpu.dma_semaphore, #tpu.memory_space<semaphore_mem>>
    tpu.enqueue_indirect_dma source(%dma_start3A_423 : memref<80000x128xf32, #tpu.memory_space<hbm>>) target(%dma_start3A_417 : memref<100x128xf32, #tpu.memory_space<vmem>>) offsets(%dma_start3A_420 : memref<100xi32, #tpu.memory_space<vmem>>) semaphore(%dma_start3A_425 : memref<!tpu.dma_semaphore, #tpu.memory_space<semaphore_mem>>)
    %dma_wait3A_426 = arith.constant 1 : i32
    %dma_wait3A_427 = arith.constant 1 : i32
    %dma_wait3A_428 = arith.constant 0 : i32
    %dma_wait3A_429 = arith.constant 0 : i32
    %dma_wait3A_430 = tpu.memref_slice %arg9[%dma_wait3A_426, %dma_wait3A_428, %dma_wait3A_429] : memref<3x100x128xf32, #tpu.memory_space<vmem>> -> memref<1x100x128xf32, #tpu.memory_space<vmem>>
    %dma_wait3A_431 = tpu.memref_squeeze %dma_wait3A_430 : memref<1x100x128xf32, #tpu.memory_space<vmem>> -> memref<100x128xf32, #tpu.memory_space<vmem>>
    %dma_wait3A_432 = tpu.memref_slice %arg11[%dma_wait3A_427] : memref<3x!tpu.dma_semaphore, #tpu.memory_space<semaphore_mem>> -> memref<1x!tpu.dma_semaphore, #tpu.memory_space<semaphore_mem>>
    %dma_wait3A_433 = tpu.memref_squeeze %dma_wait3A_432 : memref<1x!tpu.dma_semaphore, #tpu.memory_space<semaphore_mem>> -> memref<!tpu.dma_semaphore, #tpu.memory_space<semaphore_mem>>
    %dma_wait3A_434 = arith.constant 0 : i32
    %dma_wait3A_435 = arith.constant 0 : i32
    %dma_wait3A_436 = tpu.memref_slice %arg9[%dma_wait3A_426, %dma_wait3A_434, %dma_wait3A_435] : memref<3x100x128xf32, #tpu.memory_space<vmem>> -> memref<1x100x128xf32, #tpu.memory_space<vmem>>
    %dma_wait3A_437 = tpu.memref_squeeze %dma_wait3A_436 : memref<1x100x128xf32, #tpu.memory_space<vmem>> -> memref<100x128xf32, #tpu.memory_space<vmem>>
    tpu.wait_dma2 semaphore(%dma_wait3A_433 : memref<!tpu.dma_semaphore, #tpu.memory_space<semaphore_mem>>) src(%arg5 : memref<100x128xf32, #tpu.memory_space<hbm>>) dst(%dma_wait3A_437 : memref<100x128xf32, #tpu.memory_space<vmem>>)
    %run_scoped3A_438 = arith.constant 1 : i32
    %run_scoped3A_439 = arith.constant 16 : i32
    "tpu.region"() ({
      %run_scoped3A_806 = tpu.sem_alloc : memref<!tpu.dma_semaphore, #tpu.memory_space<semaphore_mem>>
      %dma_start3A_807 = arith.constant 0 : i32
      %dma_start3A_808 = arith.constant 0 : i32
      %dma_start3A_809 = tpu.memref_slice %arg9[%run_scoped3A_438, %dma_start3A_807, %dma_start3A_808] : memref<3x100x128xf32, #tpu.memory_space<vmem>> -> memref<1x100x128xf32, #tpu.memory_space<vmem>>
      %dma_start3A_810 = tpu.memref_squeeze %dma_start3A_809 : memref<1x100x128xf32, #tpu.memory_space<vmem>> -> memref<100x128xf32, #tpu.memory_space<vmem>>
      %dma_start3A_811 = arith.constant 0 : i32
      %dma_start3A_812 = tpu.memref_slice %arg8[%run_scoped3A_439, %dma_start3A_811] : memref<20x100xi32, #tpu.memory_space<vmem>> -> memref<1x100xi32, #tpu.memory_space<vmem>>
      %dma_start3A_813 = tpu.memref_squeeze %dma_start3A_812 : memref<1x100xi32, #tpu.memory_space<vmem>> -> memref<100xi32, #tpu.memory_space<vmem>>
      %dma_start3A_814 = arith.constant 0 : i32
      %dma_start3A_815 = arith.constant 0 : i32
      %dma_start3A_816 = tpu.memref_slice %arg10[%dma_start3A_814, %dma_start3A_815] : memref<10000x128xf32, #tpu.memory_space<vmem_shared>> -> memref<10000x128xf32, #tpu.memory_space<vmem_shared>>
      tpu.enqueue_indirect_dma source(%dma_start3A_810 : memref<100x128xf32, #tpu.memory_space<vmem>>) target(%dma_start3A_816 : memref<10000x128xf32, #tpu.memory_space<vmem_shared>>) offsets(%dma_start3A_813 : memref<100xi32, #tpu.memory_space<vmem>>) semaphore(%run_scoped3A_806 : memref<!tpu.dma_semaphore, #tpu.memory_space<semaphore_mem>>) {add = true}
      %dma_wait3A_817 = arith.constant 0 : i32
      %dma_wait3A_818 = arith.constant 0 : i32
      %dma_wait3A_819 = tpu.memref_slice %arg9[%run_scoped3A_438, %dma_wait3A_817, %dma_wait3A_818] : memref<3x100x128xf32, #tpu.memory_space<vmem>> -> memref<1x100x128xf32, #tpu.memory_space<vmem>>
      %dma_wait3A_820 = tpu.memref_squeeze %dma_wait3A_819 : memref<1x100x128xf32, #tpu.memory_space<vmem>> -> memref<100x128xf32, #tpu.memory_space<vmem>>
      %dma_wait3A_821 = arith.constant 0 : i32
      %dma_wait3A_822 = tpu.memref_slice %arg8[%run_scoped3A_439, %dma_wait3A_821] : memref<20x100xi32, #tpu.memory_space<vmem>> -> memref<1x100xi32, #tpu.memory_space<vmem>>
      %dma_wait3A_823 = tpu.memref_squeeze %dma_wait3A_822 : memref<1x100xi32, #tpu.memory_space<vmem>> -> memref<100xi32, #tpu.memory_space<vmem>>
      %dma_wait3A_824 = arith.constant 0 : i32
      %dma_wait3A_825 = arith.constant 0 : i32
      %dma_wait3A_826 = tpu.memref_slice %arg10[%dma_wait3A_824, %dma_wait3A_825] : memref<10000x128xf32, #tpu.memory_space<vmem_shared>> -> memref<10000x128xf32, #tpu.memory_space<vmem_shared>>
      tpu.wait_indirect_dma semaphore(%run_scoped3A_806 : memref<!tpu.dma_semaphore, #tpu.memory_space<semaphore_mem>>) src(%dma_wait3A_820 : memref<100x128xf32, #tpu.memory_space<vmem>>) dst(%dma_wait3A_826 : memref<10000x128xf32, #tpu.memory_space<vmem_shared>>)
      tpu.yield
    }) : () -> ()
    %dma_start3A_440 = arith.constant 19 : i32
    %dma_start3A_441 = arith.constant 1 : i32
    %dma_start3A_442 = arith.constant 1 : i32
    %dma_start3A_443 = arith.constant 0 : i32
    %dma_start3A_444 = arith.constant 0 : i32
    %dma_start3A_445 = tpu.memref_slice %arg9[%dma_start3A_441, %dma_start3A_443, %dma_start3A_444] : memref<3x100x128xf32, #tpu.memory_space<vmem>> -> memref<1x100x128xf32, #tpu.memory_space<vmem>>
    %dma_start3A_446 = tpu.memref_squeeze %dma_start3A_445 : memref<1x100x128xf32, #tpu.memory_space<vmem>> -> memref<100x128xf32, #tpu.memory_space<vmem>>
    %dma_start3A_447 = arith.constant 0 : i32
    %dma_start3A_448 = tpu.memref_slice %arg7[%dma_start3A_440, %dma_start3A_447] : memref<20x100xi32, #tpu.memory_space<vmem>> -> memref<1x100xi32, #tpu.memory_space<vmem>>
    %dma_start3A_449 = tpu.memref_squeeze %dma_start3A_448 : memref<1x100xi32, #tpu.memory_space<vmem>> -> memref<100xi32, #tpu.memory_space<vmem>>
    %dma_start3A_450 = arith.constant 0 : i32
    %dma_start3A_451 = arith.constant 0 : i32
    %dma_start3A_452 = tpu.memref_slice %arg2[%dma_start3A_450, %dma_start3A_451] : memref<80000x128xf32, #tpu.memory_space<hbm>> -> memref<80000x128xf32, #tpu.memory_space<hbm>>
    %dma_start3A_453 = tpu.memref_slice %arg11[%dma_start3A_442] : memref<3x!tpu.dma_semaphore, #tpu.memory_space<semaphore_mem>> -> memref<1x!tpu.dma_semaphore, #tpu.memory_space<semaphore_mem>>
    %dma_start3A_454 = tpu.memref_squeeze %dma_start3A_453 : memref<1x!tpu.dma_semaphore, #tpu.memory_space<semaphore_mem>> -> memref<!tpu.dma_semaphore, #tpu.memory_space<semaphore_mem>>
    tpu.enqueue_indirect_dma source(%dma_start3A_452 : memref<80000x128xf32, #tpu.memory_space<hbm>>) target(%dma_start3A_446 : memref<100x128xf32, #tpu.memory_space<vmem>>) offsets(%dma_start3A_449 : memref<100xi32, #tpu.memory_space<vmem>>) semaphore(%dma_start3A_454 : memref<!tpu.dma_semaphore, #tpu.memory_space<semaphore_mem>>)
    %dma_wait3A_455 = arith.constant 2 : i32
    %dma_wait3A_456 = arith.constant 2 : i32
    %dma_wait3A_457 = arith.constant 0 : i32
    %dma_wait3A_458 = arith.constant 0 : i32
    %dma_wait3A_459 = tpu.memref_slice %arg9[%dma_wait3A_455, %dma_wait3A_457, %dma_wait3A_458] : memref<3x100x128xf32, #tpu.memory_space<vmem>> -> memref<1x100x128xf32, #tpu.memory_space<vmem>>
    %dma_wait3A_460 = tpu.memref_squeeze %dma_wait3A_459 : memref<1x100x128xf32, #tpu.memory_space<vmem>> -> memref<100x128xf32, #tpu.memory_space<vmem>>
    %dma_wait3A_461 = tpu.memref_slice %arg11[%dma_wait3A_456] : memref<3x!tpu.dma_semaphore, #tpu.memory_space<semaphore_mem>> -> memref<1x!tpu.dma_semaphore, #tpu.memory_space<semaphore_mem>>
    %dma_wait3A_462 = tpu.memref_squeeze %dma_wait3A_461 : memref<1x!tpu.dma_semaphore, #tpu.memory_space<semaphore_mem>> -> memref<!tpu.dma_semaphore, #tpu.memory_space<semaphore_mem>>
    %dma_wait3A_463 = arith.constant 0 : i32
    %dma_wait3A_464 = arith.constant 0 : i32
    %dma_wait3A_465 = tpu.memref_slice %arg9[%dma_wait3A_455, %dma_wait3A_463, %dma_wait3A_464] : memref<3x100x128xf32, #tpu.memory_space<vmem>> -> memref<1x100x128xf32, #tpu.memory_space<vmem>>
    %dma_wait3A_466 = tpu.memref_squeeze %dma_wait3A_465 : memref<1x100x128xf32, #tpu.memory_space<vmem>> -> memref<100x128xf32, #tpu.memory_space<vmem>>
    tpu.wait_dma2 semaphore(%dma_wait3A_462 : memref<!tpu.dma_semaphore, #tpu.memory_space<semaphore_mem>>) src(%arg5 : memref<100x128xf32, #tpu.memory_space<hbm>>) dst(%dma_wait3A_466 : memref<100x128xf32, #tpu.memory_space<vmem>>)
    %run_scoped3A_467 = arith.constant 2 : i32
    %run_scoped3A_468 = arith.constant 17 : i32
    "tpu.region"() ({
      %run_scoped3A_806 = tpu.sem_alloc : memref<!tpu.dma_semaphore, #tpu.memory_space<semaphore_mem>>
      %dma_start3A_807 = arith.constant 0 : i32
      %dma_start3A_808 = arith.constant 0 : i32
      %dma_start3A_809 = tpu.memref_slice %arg9[%run_scoped3A_467, %dma_start3A_807, %dma_start3A_808] : memref<3x100x128xf32, #tpu.memory_space<vmem>> -> memref<1x100x128xf32, #tpu.memory_space<vmem>>
      %dma_start3A_810 = tpu.memref_squeeze %dma_start3A_809 : memref<1x100x128xf32, #tpu.memory_space<vmem>> -> memref<100x128xf32, #tpu.memory_space<vmem>>
      %dma_start3A_811 = arith.constant 0 : i32
      %dma_start3A_812 = tpu.memref_slice %arg8[%run_scoped3A_468, %dma_start3A_811] : memref<20x100xi32, #tpu.memory_space<vmem>> -> memref<1x100xi32, #tpu.memory_space<vmem>>
      %dma_start3A_813 = tpu.memref_squeeze %dma_start3A_812 : memref<1x100xi32, #tpu.memory_space<vmem>> -> memref<100xi32, #tpu.memory_space<vmem>>
      %dma_start3A_814 = arith.constant 0 : i32
      %dma_start3A_815 = arith.constant 0 : i32
      %dma_start3A_816 = tpu.memref_slice %arg10[%dma_start3A_814, %dma_start3A_815] : memref<10000x128xf32, #tpu.memory_space<vmem_shared>> -> memref<10000x128xf32, #tpu.memory_space<vmem_shared>>
      tpu.enqueue_indirect_dma source(%dma_start3A_810 : memref<100x128xf32, #tpu.memory_space<vmem>>) target(%dma_start3A_816 : memref<10000x128xf32, #tpu.memory_space<vmem_shared>>) offsets(%dma_start3A_813 : memref<100xi32, #tpu.memory_space<vmem>>) semaphore(%run_scoped3A_806 : memref<!tpu.dma_semaphore, #tpu.memory_space<semaphore_mem>>) {add = true}
      %dma_wait3A_817 = arith.constant 0 : i32
      %dma_wait3A_818 = arith.constant 0 : i32
      %dma_wait3A_819 = tpu.memref_slice %arg9[%run_scoped3A_467, %dma_wait3A_817, %dma_wait3A_818] : memref<3x100x128xf32, #tpu.memory_space<vmem>> -> memref<1x100x128xf32, #tpu.memory_space<vmem>>
      %dma_wait3A_820 = tpu.memref_squeeze %dma_wait3A_819 : memref<1x100x128xf32, #tpu.memory_space<vmem>> -> memref<100x128xf32, #tpu.memory_space<vmem>>
      %dma_wait3A_821 = arith.constant 0 : i32
      %dma_wait3A_822 = tpu.memref_slice %arg8[%run_scoped3A_468, %dma_wait3A_821] : memref<20x100xi32, #tpu.memory_space<vmem>> -> memref<1x100xi32, #tpu.memory_space<vmem>>
      %dma_wait3A_823 = tpu.memref_squeeze %dma_wait3A_822 : memref<1x100xi32, #tpu.memory_space<vmem>> -> memref<100xi32, #tpu.memory_space<vmem>>
      %dma_wait3A_824 = arith.constant 0 : i32
      %dma_wait3A_825 = arith.constant 0 : i32
      %dma_wait3A_826 = tpu.memref_slice %arg10[%dma_wait3A_824, %dma_wait3A_825] : memref<10000x128xf32, #tpu.memory_space<vmem_shared>> -> memref<10000x128xf32, #tpu.memory_space<vmem_shared>>
      tpu.wait_indirect_dma semaphore(%run_scoped3A_806 : memref<!tpu.dma_semaphore, #tpu.memory_space<semaphore_mem>>) src(%dma_wait3A_820 : memref<100x128xf32, #tpu.memory_space<vmem>>) dst(%dma_wait3A_826 : memref<10000x128xf32, #tpu.memory_space<vmem_shared>>)
      tpu.yield
    }) : () -> ()
    %dma_wait3A_469 = arith.constant 0 : i32
    %dma_wait3A_470 = arith.constant 0 : i32
    %dma_wait3A_471 = arith.constant 0 : i32
    %dma_wait3A_472 = arith.constant 0 : i32
    %dma_wait3A_473 = tpu.memref_slice %arg9[%dma_wait3A_469, %dma_wait3A_471, %dma_wait3A_472] : memref<3x100x128xf32, #tpu.memory_space<vmem>> -> memref<1x100x128xf32, #tpu.memory_space<vmem>>
    %dma_wait3A_474 = tpu.memref_squeeze %dma_wait3A_473 : memref<1x100x128xf32, #tpu.memory_space<vmem>> -> memref<100x128xf32, #tpu.memory_space<vmem>>
    %dma_wait3A_475 = tpu.memref_slice %arg11[%dma_wait3A_470] : memref<3x!tpu.dma_semaphore, #tpu.memory_space<semaphore_mem>> -> memref<1x!tpu.dma_semaphore, #tpu.memory_space<semaphore_mem>>
    %dma_wait3A_476 = tpu.memref_squeeze %dma_wait3A_475 : memref<1x!tpu.dma_semaphore, #tpu.memory_space<semaphore_mem>> -> memref<!tpu.dma_semaphore, #tpu.memory_space<semaphore_mem>>
    %dma_wait3A_477 = arith.constant 0 : i32
    %dma_wait3A_478 = arith.constant 0 : i32
    %dma_wait3A_479 = tpu.memref_slice %arg9[%dma_wait3A_469, %dma_wait3A_477, %dma_wait3A_478] : memref<3x100x128xf32, #tpu.memory_space<vmem>> -> memref<1x100x128xf32, #tpu.memory_space<vmem>>
    %dma_wait3A_480 = tpu.memref_squeeze %dma_wait3A_479 : memref<1x100x128xf32, #tpu.memory_space<vmem>> -> memref<100x128xf32, #tpu.memory_space<vmem>>
    tpu.wait_dma2 semaphore(%dma_wait3A_476 : memref<!tpu.dma_semaphore, #tpu.memory_space<semaphore_mem>>) src(%arg5 : memref<100x128xf32, #tpu.memory_space<hbm>>) dst(%dma_wait3A_480 : memref<100x128xf32, #tpu.memory_space<vmem>>)
    %run_scoped3A_481 = arith.constant 0 : i32
    %run_scoped3A_482 = arith.constant 18 : i32
    "tpu.region"() ({
      %run_scoped3A_806 = tpu.sem_alloc : memref<!tpu.dma_semaphore, #tpu.memory_space<semaphore_mem>>
      %dma_start3A_807 = arith.constant 0 : i32
      %dma_start3A_808 = arith.constant 0 : i32
      %dma_start3A_809 = tpu.memref_slice %arg9[%run_scoped3A_481, %dma_start3A_807, %dma_start3A_808] : memref<3x100x128xf32, #tpu.memory_space<vmem>> -> memref<1x100x128xf32, #tpu.memory_space<vmem>>
      %dma_start3A_810 = tpu.memref_squeeze %dma_start3A_809 : memref<1x100x128xf32, #tpu.memory_space<vmem>> -> memref<100x128xf32, #tpu.memory_space<vmem>>
      %dma_start3A_811 = arith.constant 0 : i32
      %dma_start3A_812 = tpu.memref_slice %arg8[%run_scoped3A_482, %dma_start3A_811] : memref<20x100xi32, #tpu.memory_space<vmem>> -> memref<1x100xi32, #tpu.memory_space<vmem>>
      %dma_start3A_813 = tpu.memref_squeeze %dma_start3A_812 : memref<1x100xi32, #tpu.memory_space<vmem>> -> memref<100xi32, #tpu.memory_space<vmem>>
      %dma_start3A_814 = arith.constant 0 : i32
      %dma_start3A_815 = arith.constant 0 : i32
      %dma_start3A_816 = tpu.memref_slice %arg10[%dma_start3A_814, %dma_start3A_815] : memref<10000x128xf32, #tpu.memory_space<vmem_shared>> -> memref<10000x128xf32, #tpu.memory_space<vmem_shared>>
      tpu.enqueue_indirect_dma source(%dma_start3A_810 : memref<100x128xf32, #tpu.memory_space<vmem>>) target(%dma_start3A_816 : memref<10000x128xf32, #tpu.memory_space<vmem_shared>>) offsets(%dma_start3A_813 : memref<100xi32, #tpu.memory_space<vmem>>) semaphore(%run_scoped3A_806 : memref<!tpu.dma_semaphore, #tpu.memory_space<semaphore_mem>>) {add = true}
      %dma_wait3A_817 = arith.constant 0 : i32
      %dma_wait3A_818 = arith.constant 0 : i32
      %dma_wait3A_819 = tpu.memref_slice %arg9[%run_scoped3A_481, %dma_wait3A_817, %dma_wait3A_818] : memref<3x100x128xf32, #tpu.memory_space<vmem>> -> memref<1x100x128xf32, #tpu.memory_space<vmem>>
      %dma_wait3A_820 = tpu.memref_squeeze %dma_wait3A_819 : memref<1x100x128xf32, #tpu.memory_space<vmem>> -> memref<100x128xf32, #tpu.memory_space<vmem>>
      %dma_wait3A_821 = arith.constant 0 : i32
      %dma_wait3A_822 = tpu.memref_slice %arg8[%run_scoped3A_482, %dma_wait3A_821] : memref<20x100xi32, #tpu.memory_space<vmem>> -> memref<1x100xi32, #tpu.memory_space<vmem>>
      %dma_wait3A_823 = tpu.memref_squeeze %dma_wait3A_822 : memref<1x100xi32, #tpu.memory_space<vmem>> -> memref<100xi32, #tpu.memory_space<vmem>>
      %dma_wait3A_824 = arith.constant 0 : i32
      %dma_wait3A_825 = arith.constant 0 : i32
      %dma_wait3A_826 = tpu.memref_slice %arg10[%dma_wait3A_824, %dma_wait3A_825] : memref<10000x128xf32, #tpu.memory_space<vmem_shared>> -> memref<10000x128xf32, #tpu.memory_space<vmem_shared>>
      tpu.wait_indirect_dma semaphore(%run_scoped3A_806 : memref<!tpu.dma_semaphore, #tpu.memory_space<semaphore_mem>>) src(%dma_wait3A_820 : memref<100x128xf32, #tpu.memory_space<vmem>>) dst(%dma_wait3A_826 : memref<10000x128xf32, #tpu.memory_space<vmem_shared>>)
      tpu.yield
    }) : () -> ()
    %dma_wait3A_483 = arith.constant 1 : i32
    %dma_wait3A_484 = arith.constant 1 : i32
    %dma_wait3A_485 = arith.constant 0 : i32
    %dma_wait3A_486 = arith.constant 0 : i32
    %dma_wait3A_487 = tpu.memref_slice %arg9[%dma_wait3A_483, %dma_wait3A_485, %dma_wait3A_486] : memref<3x100x128xf32, #tpu.memory_space<vmem>> -> memref<1x100x128xf32, #tpu.memory_space<vmem>>
    %dma_wait3A_488 = tpu.memref_squeeze %dma_wait3A_487 : memref<1x100x128xf32, #tpu.memory_space<vmem>> -> memref<100x128xf32, #tpu.memory_space<vmem>>
    %dma_wait3A_489 = tpu.memref_slice %arg11[%dma_wait3A_484] : memref<3x!tpu.dma_semaphore, #tpu.memory_space<semaphore_mem>> -> memref<1x!tpu.dma_semaphore, #tpu.memory_space<semaphore_mem>>
    %dma_wait3A_490 = tpu.memref_squeeze %dma_wait3A_489 : memref<1x!tpu.dma_semaphore, #tpu.memory_space<semaphore_mem>> -> memref<!tpu.dma_semaphore, #tpu.memory_space<semaphore_mem>>
    %dma_wait3A_491 = arith.constant 0 : i32
    %dma_wait3A_492 = arith.constant 0 : i32
    %dma_wait3A_493 = tpu.memref_slice %arg9[%dma_wait3A_483, %dma_wait3A_491, %dma_wait3A_492] : memref<3x100x128xf32, #tpu.memory_space<vmem>> -> memref<1x100x128xf32, #tpu.memory_space<vmem>>
    %dma_wait3A_494 = tpu.memref_squeeze %dma_wait3A_493 : memref<1x100x128xf32, #tpu.memory_space<vmem>> -> memref<100x128xf32, #tpu.memory_space<vmem>>
    tpu.wait_dma2 semaphore(%dma_wait3A_490 : memref<!tpu.dma_semaphore, #tpu.memory_space<semaphore_mem>>) src(%arg5 : memref<100x128xf32, #tpu.memory_space<hbm>>) dst(%dma_wait3A_494 : memref<100x128xf32, #tpu.memory_space<vmem>>)
    %run_scoped3A_495 = arith.constant 1 : i32
    %run_scoped3A_496 = arith.constant 19 : i32
    "tpu.region"() ({
      %run_scoped3A_806 = tpu.sem_alloc : memref<!tpu.dma_semaphore, #tpu.memory_space<semaphore_mem>>
      %dma_start3A_807 = arith.constant 0 : i32
      %dma_start3A_808 = arith.constant 0 : i32
      %dma_start3A_809 = tpu.memref_slice %arg9[%run_scoped3A_495, %dma_start3A_807, %dma_start3A_808] : memref<3x100x128xf32, #tpu.memory_space<vmem>> -> memref<1x100x128xf32, #tpu.memory_space<vmem>>
      %dma_start3A_810 = tpu.memref_squeeze %dma_start3A_809 : memref<1x100x128xf32, #tpu.memory_space<vmem>> -> memref<100x128xf32, #tpu.memory_space<vmem>>
      %dma_start3A_811 = arith.constant 0 : i32
      %dma_start3A_812 = tpu.memref_slice %arg8[%run_scoped3A_496, %dma_start3A_811] : memref<20x100xi32, #tpu.memory_space<vmem>> -> memref<1x100xi32, #tpu.memory_space<vmem>>
      %dma_start3A_813 = tpu.memref_squeeze %dma_start3A_812 : memref<1x100xi32, #tpu.memory_space<vmem>> -> memref<100xi32, #tpu.memory_space<vmem>>
      %dma_start3A_814 = arith.constant 0 : i32
      %dma_start3A_815 = arith.constant 0 : i32
      %dma_start3A_816 = tpu.memref_slice %arg10[%dma_start3A_814, %dma_start3A_815] : memref<10000x128xf32, #tpu.memory_space<vmem_shared>> -> memref<10000x128xf32, #tpu.memory_space<vmem_shared>>
      tpu.enqueue_indirect_dma source(%dma_start3A_810 : memref<100x128xf32, #tpu.memory_space<vmem>>) target(%dma_start3A_816 : memref<10000x128xf32, #tpu.memory_space<vmem_shared>>) offsets(%dma_start3A_813 : memref<100xi32, #tpu.memory_space<vmem>>) semaphore(%run_scoped3A_806 : memref<!tpu.dma_semaphore, #tpu.memory_space<semaphore_mem>>) {add = true}
      %dma_wait3A_817 = arith.constant 0 : i32
      %dma_wait3A_818 = arith.constant 0 : i32
      %dma_wait3A_819 = tpu.memref_slice %arg9[%run_scoped3A_495, %dma_wait3A_817, %dma_wait3A_818] : memref<3x100x128xf32, #tpu.memory_space<vmem>> -> memref<1x100x128xf32, #tpu.memory_space<vmem>>
      %dma_wait3A_820 = tpu.memref_squeeze %dma_wait3A_819 : memref<1x100x128xf32, #tpu.memory_space<vmem>> -> memref<100x128xf32, #tpu.memory_space<vmem>>
      %dma_wait3A_821 = arith.constant 0 : i32
      %dma_wait3A_822 = tpu.memref_slice %arg8[%run_scoped3A_496, %dma_wait3A_821] : memref<20x100xi32, #tpu.memory_space<vmem>> -> memref<1x100xi32, #tpu.memory_space<vmem>>
      %dma_wait3A_823 = tpu.memref_squeeze %dma_wait3A_822 : memref<1x100xi32, #tpu.memory_space<vmem>> -> memref<100xi32, #tpu.memory_space<vmem>>
      %dma_wait3A_824 = arith.constant 0 : i32
      %dma_wait3A_825 = arith.constant 0 : i32
      %dma_wait3A_826 = tpu.memref_slice %arg10[%dma_wait3A_824, %dma_wait3A_825] : memref<10000x128xf32, #tpu.memory_space<vmem_shared>> -> memref<10000x128xf32, #tpu.memory_space<vmem_shared>>
      tpu.wait_indirect_dma semaphore(%run_scoped3A_806 : memref<!tpu.dma_semaphore, #tpu.memory_space<semaphore_mem>>) src(%dma_wait3A_820 : memref<100x128xf32, #tpu.memory_space<vmem>>) dst(%dma_wait3A_826 : memref<10000x128xf32, #tpu.memory_space<vmem_shared>>)
      tpu.yield
    }) : () -> ()
    %run_scoped3A_497 = arith.constant 3 : i32
    "tpu.region"() ({
      %run_scoped3A_806 = tpu.sem_alloc : memref<!tpu.dma_semaphore, #tpu.memory_space<semaphore_mem>>
      %dma_start3A_807 = arith.constant 0 : i32
      %dma_start3A_808 = arith.constant 0 : i32
      %dma_start3A_809 = tpu.memref_slice %arg3[%add3A, %run_scoped3A_497, %dma_start3A_807, %dma_start3A_808] : memref<32x5x20x100xi32, #tpu.memory_space<hbm>> -> memref<1x1x20x100xi32, #tpu.memory_space<hbm>>
      %dma_start3A_810 = tpu.memref_squeeze %dma_start3A_809 : memref<1x1x20x100xi32, #tpu.memory_space<hbm>> -> memref<20x100xi32, #tpu.memory_space<hbm>>
      %dma_start3A_811 = arith.constant 0 : i32
      %dma_start3A_812 = arith.constant 0 : i32
      %dma_start3A_813 = tpu.memref_slice %arg3[%add3A, %run_scoped3A_497, %dma_start3A_811, %dma_start3A_812] : memref<32x5x20x100xi32, #tpu.memory_space<hbm>> -> memref<1x1x20x100xi32, #tpu.memory_space<hbm>>
      %dma_start3A_814 = tpu.memref_squeeze %dma_start3A_813 : memref<1x1x20x100xi32, #tpu.memory_space<hbm>> -> memref<20x100xi32, #tpu.memory_space<hbm>>
      tpu.enqueue_dma source(%dma_start3A_814 : memref<20x100xi32, #tpu.memory_space<hbm>>) target(%arg7 : memref<20x100xi32, #tpu.memory_space<vmem>>) target_semaphore(%run_scoped3A_806 : memref<!tpu.dma_semaphore, #tpu.memory_space<semaphore_mem>>)
      %dma_wait3A_815 = arith.constant 0 : i32
      %dma_wait3A_816 = arith.constant 0 : i32
      %dma_wait3A_817 = tpu.memref_slice %arg3[%add3A, %run_scoped3A_497, %dma_wait3A_815, %dma_wait3A_816] : memref<32x5x20x100xi32, #tpu.memory_space<hbm>> -> memref<1x1x20x100xi32, #tpu.memory_space<hbm>>
      %dma_wait3A_818 = tpu.memref_squeeze %dma_wait3A_817 : memref<1x1x20x100xi32, #tpu.memory_space<hbm>> -> memref<20x100xi32, #tpu.memory_space<hbm>>
      %dma_wait3A_819 = arith.constant 0 : i32
      %dma_wait3A_820 = arith.constant 0 : i32
      %dma_wait3A_821 = tpu.memref_slice %arg3[%add3A, %run_scoped3A_497, %dma_wait3A_819, %dma_wait3A_820] : memref<32x5x20x100xi32, #tpu.memory_space<hbm>> -> memref<1x1x20x100xi32, #tpu.memory_space<hbm>>
      %dma_wait3A_822 = tpu.memref_squeeze %dma_wait3A_821 : memref<1x1x20x100xi32, #tpu.memory_space<hbm>> -> memref<20x100xi32, #tpu.memory_space<hbm>>
      tpu.wait_dma2 semaphore(%run_scoped3A_806 : memref<!tpu.dma_semaphore, #tpu.memory_space<semaphore_mem>>) src(%dma_wait3A_822 : memref<20x100xi32, #tpu.memory_space<hbm>>) dst(%arg7 : memref<20x100xi32, #tpu.memory_space<vmem>>)
      tpu.yield
    }) : () -> ()
    %run_scoped3A_498 = arith.constant 3 : i32
    "tpu.region"() ({
      %run_scoped3A_806 = tpu.sem_alloc : memref<!tpu.dma_semaphore, #tpu.memory_space<semaphore_mem>>
      %dma_start3A_807 = arith.constant 0 : i32
      %dma_start3A_808 = arith.constant 0 : i32
      %dma_start3A_809 = tpu.memref_slice %arg4[%add3A, %run_scoped3A_498, %dma_start3A_807, %dma_start3A_808] : memref<32x5x20x100xi32, #tpu.memory_space<hbm>> -> memref<1x1x20x100xi32, #tpu.memory_space<hbm>>
      %dma_start3A_810 = tpu.memref_squeeze %dma_start3A_809 : memref<1x1x20x100xi32, #tpu.memory_space<hbm>> -> memref<20x100xi32, #tpu.memory_space<hbm>>
      %dma_start3A_811 = arith.constant 0 : i32
      %dma_start3A_812 = arith.constant 0 : i32
      %dma_start3A_813 = tpu.memref_slice %arg4[%add3A, %run_scoped3A_498, %dma_start3A_811, %dma_start3A_812] : memref<32x5x20x100xi32, #tpu.memory_space<hbm>> -> memref<1x1x20x100xi32, #tpu.memory_space<hbm>>
      %dma_start3A_814 = tpu.memref_squeeze %dma_start3A_813 : memref<1x1x20x100xi32, #tpu.memory_space<hbm>> -> memref<20x100xi32, #tpu.memory_space<hbm>>
      tpu.enqueue_dma source(%dma_start3A_814 : memref<20x100xi32, #tpu.memory_space<hbm>>) target(%arg8 : memref<20x100xi32, #tpu.memory_space<vmem>>) target_semaphore(%run_scoped3A_806 : memref<!tpu.dma_semaphore, #tpu.memory_space<semaphore_mem>>)
      %dma_wait3A_815 = arith.constant 0 : i32
      %dma_wait3A_816 = arith.constant 0 : i32
      %dma_wait3A_817 = tpu.memref_slice %arg4[%add3A, %run_scoped3A_498, %dma_wait3A_815, %dma_wait3A_816] : memref<32x5x20x100xi32, #tpu.memory_space<hbm>> -> memref<1x1x20x100xi32, #tpu.memory_space<hbm>>
      %dma_wait3A_818 = tpu.memref_squeeze %dma_wait3A_817 : memref<1x1x20x100xi32, #tpu.memory_space<hbm>> -> memref<20x100xi32, #tpu.memory_space<hbm>>
      %dma_wait3A_819 = arith.constant 0 : i32
      %dma_wait3A_820 = arith.constant 0 : i32
      %dma_wait3A_821 = tpu.memref_slice %arg4[%add3A, %run_scoped3A_498, %dma_wait3A_819, %dma_wait3A_820] : memref<32x5x20x100xi32, #tpu.memory_space<hbm>> -> memref<1x1x20x100xi32, #tpu.memory_space<hbm>>
      %dma_wait3A_822 = tpu.memref_squeeze %dma_wait3A_821 : memref<1x1x20x100xi32, #tpu.memory_space<hbm>> -> memref<20x100xi32, #tpu.memory_space<hbm>>
      tpu.wait_dma2 semaphore(%run_scoped3A_806 : memref<!tpu.dma_semaphore, #tpu.memory_space<semaphore_mem>>) src(%dma_wait3A_822 : memref<20x100xi32, #tpu.memory_space<hbm>>) dst(%arg8 : memref<20x100xi32, #tpu.memory_space<vmem>>)
      tpu.yield
    }) : () -> ()
    %dma_start3A_499 = arith.constant 0 : i32
    %dma_start3A_500 = arith.constant 0 : i32
    %dma_start3A_501 = arith.constant 0 : i32
    %dma_start3A_502 = arith.constant 0 : i32
    %dma_start3A_503 = arith.constant 0 : i32
    %dma_start3A_504 = tpu.memref_slice %arg9[%dma_start3A_500, %dma_start3A_502, %dma_start3A_503] : memref<3x100x128xf32, #tpu.memory_space<vmem>> -> memref<1x100x128xf32, #tpu.memory_space<vmem>>
    %dma_start3A_505 = tpu.memref_squeeze %dma_start3A_504 : memref<1x100x128xf32, #tpu.memory_space<vmem>> -> memref<100x128xf32, #tpu.memory_space<vmem>>
    %dma_start3A_506 = arith.constant 0 : i32
    %dma_start3A_507 = tpu.memref_slice %arg7[%dma_start3A_499, %dma_start3A_506] : memref<20x100xi32, #tpu.memory_space<vmem>> -> memref<1x100xi32, #tpu.memory_space<vmem>>
    %dma_start3A_508 = tpu.memref_squeeze %dma_start3A_507 : memref<1x100xi32, #tpu.memory_space<vmem>> -> memref<100xi32, #tpu.memory_space<vmem>>
    %dma_start3A_509 = arith.constant 0 : i32
    %dma_start3A_510 = arith.constant 0 : i32
    %dma_start3A_511 = tpu.memref_slice %arg2[%dma_start3A_509, %dma_start3A_510] : memref<80000x128xf32, #tpu.memory_space<hbm>> -> memref<80000x128xf32, #tpu.memory_space<hbm>>
    %dma_start3A_512 = tpu.memref_slice %arg11[%dma_start3A_501] : memref<3x!tpu.dma_semaphore, #tpu.memory_space<semaphore_mem>> -> memref<1x!tpu.dma_semaphore, #tpu.memory_space<semaphore_mem>>
    %dma_start3A_513 = tpu.memref_squeeze %dma_start3A_512 : memref<1x!tpu.dma_semaphore, #tpu.memory_space<semaphore_mem>> -> memref<!tpu.dma_semaphore, #tpu.memory_space<semaphore_mem>>
    tpu.enqueue_indirect_dma source(%dma_start3A_511 : memref<80000x128xf32, #tpu.memory_space<hbm>>) target(%dma_start3A_505 : memref<100x128xf32, #tpu.memory_space<vmem>>) offsets(%dma_start3A_508 : memref<100xi32, #tpu.memory_space<vmem>>) semaphore(%dma_start3A_513 : memref<!tpu.dma_semaphore, #tpu.memory_space<semaphore_mem>>)
    %dma_start3A_514 = arith.constant 1 : i32
    %dma_start3A_515 = arith.constant 1 : i32
    %dma_start3A_516 = arith.constant 1 : i32
    %dma_start3A_517 = arith.constant 0 : i32
    %dma_start3A_518 = arith.constant 0 : i32
    %dma_start3A_519 = tpu.memref_slice %arg9[%dma_start3A_515, %dma_start3A_517, %dma_start3A_518] : memref<3x100x128xf32, #tpu.memory_space<vmem>> -> memref<1x100x128xf32, #tpu.memory_space<vmem>>
    %dma_start3A_520 = tpu.memref_squeeze %dma_start3A_519 : memref<1x100x128xf32, #tpu.memory_space<vmem>> -> memref<100x128xf32, #tpu.memory_space<vmem>>
    %dma_start3A_521 = arith.constant 0 : i32
    %dma_start3A_522 = tpu.memref_slice %arg7[%dma_start3A_514, %dma_start3A_521] : memref<20x100xi32, #tpu.memory_space<vmem>> -> memref<1x100xi32, #tpu.memory_space<vmem>>
    %dma_start3A_523 = tpu.memref_squeeze %dma_start3A_522 : memref<1x100xi32, #tpu.memory_space<vmem>> -> memref<100xi32, #tpu.memory_space<vmem>>
    %dma_start3A_524 = arith.constant 0 : i32
    %dma_start3A_525 = arith.constant 0 : i32
    %dma_start3A_526 = tpu.memref_slice %arg2[%dma_start3A_524, %dma_start3A_525] : memref<80000x128xf32, #tpu.memory_space<hbm>> -> memref<80000x128xf32, #tpu.memory_space<hbm>>
    %dma_start3A_527 = tpu.memref_slice %arg11[%dma_start3A_516] : memref<3x!tpu.dma_semaphore, #tpu.memory_space<semaphore_mem>> -> memref<1x!tpu.dma_semaphore, #tpu.memory_space<semaphore_mem>>
    %dma_start3A_528 = tpu.memref_squeeze %dma_start3A_527 : memref<1x!tpu.dma_semaphore, #tpu.memory_space<semaphore_mem>> -> memref<!tpu.dma_semaphore, #tpu.memory_space<semaphore_mem>>
    tpu.enqueue_indirect_dma source(%dma_start3A_526 : memref<80000x128xf32, #tpu.memory_space<hbm>>) target(%dma_start3A_520 : memref<100x128xf32, #tpu.memory_space<vmem>>) offsets(%dma_start3A_523 : memref<100xi32, #tpu.memory_space<vmem>>) semaphore(%dma_start3A_528 : memref<!tpu.dma_semaphore, #tpu.memory_space<semaphore_mem>>)
    %dma_start3A_529 = arith.constant 2 : i32
    %dma_start3A_530 = arith.constant 2 : i32
    %dma_start3A_531 = arith.constant 2 : i32
    %dma_start3A_532 = arith.constant 0 : i32
    %dma_start3A_533 = arith.constant 0 : i32
    %dma_start3A_534 = tpu.memref_slice %arg9[%dma_start3A_530, %dma_start3A_532, %dma_start3A_533] : memref<3x100x128xf32, #tpu.memory_space<vmem>> -> memref<1x100x128xf32, #tpu.memory_space<vmem>>
    %dma_start3A_535 = tpu.memref_squeeze %dma_start3A_534 : memref<1x100x128xf32, #tpu.memory_space<vmem>> -> memref<100x128xf32, #tpu.memory_space<vmem>>
    %dma_start3A_536 = arith.constant 0 : i32
    %dma_start3A_537 = tpu.memref_slice %arg7[%dma_start3A_529, %dma_start3A_536] : memref<20x100xi32, #tpu.memory_space<vmem>> -> memref<1x100xi32, #tpu.memory_space<vmem>>
    %dma_start3A_538 = tpu.memref_squeeze %dma_start3A_537 : memref<1x100xi32, #tpu.memory_space<vmem>> -> memref<100xi32, #tpu.memory_space<vmem>>
    %dma_start3A_539 = arith.constant 0 : i32
    %dma_start3A_540 = arith.constant 0 : i32
    %dma_start3A_541 = tpu.memref_slice %arg2[%dma_start3A_539, %dma_start3A_540] : memref<80000x128xf32, #tpu.memory_space<hbm>> -> memref<80000x128xf32, #tpu.memory_space<hbm>>
    %dma_start3A_542 = tpu.memref_slice %arg11[%dma_start3A_531] : memref<3x!tpu.dma_semaphore, #tpu.memory_space<semaphore_mem>> -> memref<1x!tpu.dma_semaphore, #tpu.memory_space<semaphore_mem>>
    %dma_start3A_543 = tpu.memref_squeeze %dma_start3A_542 : memref<1x!tpu.dma_semaphore, #tpu.memory_space<semaphore_mem>> -> memref<!tpu.dma_semaphore, #tpu.memory_space<semaphore_mem>>
    tpu.enqueue_indirect_dma source(%dma_start3A_541 : memref<80000x128xf32, #tpu.memory_space<hbm>>) target(%dma_start3A_535 : memref<100x128xf32, #tpu.memory_space<vmem>>) offsets(%dma_start3A_538 : memref<100xi32, #tpu.memory_space<vmem>>) semaphore(%dma_start3A_543 : memref<!tpu.dma_semaphore, #tpu.memory_space<semaphore_mem>>)
    %scan3A_544 = arith.constant 0 : i32
    %scan3A_545 = arith.constant 0 : i32
    %scan3A_546 = arith.constant 5 : i32
    %scan3A_547 = arith.addi %scan3A_545, %scan3A_546 : i32
    %scan3A_548 = arith.constant 1 : i32
    scf.for %scan3A_806 = %scan3A_545 to %scan3A_547 step %scan3A_548  : i32 {
      %mul3A_807 = arith.constant 3 : i32
      %mul3A_808 = arith.muli %scan3A_806, %mul3A_807 : i32
      %add3A_809 = arith.constant 0 : i32
      %add3A_810 = arith.addi %mul3A_808, %add3A_809 : i32
      %dma_wait3A_811 = arith.constant 0 : i32
      %dma_wait3A_812 = arith.constant 0 : i32
      %dma_wait3A_813 = arith.constant 0 : i32
      %dma_wait3A_814 = arith.constant 0 : i32
      %dma_wait3A_815 = tpu.memref_slice %arg9[%dma_wait3A_811, %dma_wait3A_813, %dma_wait3A_814] : memref<3x100x128xf32, #tpu.memory_space<vmem>> -> memref<1x100x128xf32, #tpu.memory_space<vmem>>
      %dma_wait3A_816 = tpu.memref_squeeze %dma_wait3A_815 : memref<1x100x128xf32, #tpu.memory_space<vmem>> -> memref<100x128xf32, #tpu.memory_space<vmem>>
      %dma_wait3A_817 = tpu.memref_slice %arg11[%dma_wait3A_812] : memref<3x!tpu.dma_semaphore, #tpu.memory_space<semaphore_mem>> -> memref<1x!tpu.dma_semaphore, #tpu.memory_space<semaphore_mem>>
      %dma_wait3A_818 = tpu.memref_squeeze %dma_wait3A_817 : memref<1x!tpu.dma_semaphore, #tpu.memory_space<semaphore_mem>> -> memref<!tpu.dma_semaphore, #tpu.memory_space<semaphore_mem>>
      %dma_wait3A_819 = arith.constant 0 : i32
      %dma_wait3A_820 = arith.constant 0 : i32
      %dma_wait3A_821 = tpu.memref_slice %arg9[%dma_wait3A_811, %dma_wait3A_819, %dma_wait3A_820] : memref<3x100x128xf32, #tpu.memory_space<vmem>> -> memref<1x100x128xf32, #tpu.memory_space<vmem>>
      %dma_wait3A_822 = tpu.memref_squeeze %dma_wait3A_821 : memref<1x100x128xf32, #tpu.memory_space<vmem>> -> memref<100x128xf32, #tpu.memory_space<vmem>>
      tpu.wait_dma2 semaphore(%dma_wait3A_818 : memref<!tpu.dma_semaphore, #tpu.memory_space<semaphore_mem>>) src(%arg5 : memref<100x128xf32, #tpu.memory_space<hbm>>) dst(%dma_wait3A_822 : memref<100x128xf32, #tpu.memory_space<vmem>>)
      %run_scoped3A_823 = arith.constant 0 : i32
      "tpu.region"() ({
        %run_scoped3A_906 = tpu.sem_alloc : memref<!tpu.dma_semaphore, #tpu.memory_space<semaphore_mem>>
        %dma_start3A_907 = arith.constant 0 : i32
        %dma_start3A_908 = arith.constant 0 : i32
        %dma_start3A_909 = tpu.memref_slice %arg9[%run_scoped3A_823, %dma_start3A_907, %dma_start3A_908] : memref<3x100x128xf32, #tpu.memory_space<vmem>> -> memref<1x100x128xf32, #tpu.memory_space<vmem>>
        %dma_start3A_910 = tpu.memref_squeeze %dma_start3A_909 : memref<1x100x128xf32, #tpu.memory_space<vmem>> -> memref<100x128xf32, #tpu.memory_space<vmem>>
        %dma_start3A_911 = arith.constant 0 : i32
        %dma_start3A_912 = tpu.memref_slice %arg8[%add3A_810, %dma_start3A_911] : memref<20x100xi32, #tpu.memory_space<vmem>> -> memref<1x100xi32, #tpu.memory_space<vmem>>
        %dma_start3A_913 = tpu.memref_squeeze %dma_start3A_912 : memref<1x100xi32, #tpu.memory_space<vmem>> -> memref<100xi32, #tpu.memory_space<vmem>>
        %dma_start3A_914 = arith.constant 0 : i32
        %dma_start3A_915 = arith.constant 0 : i32
        %dma_start3A_916 = tpu.memref_slice %arg10[%dma_start3A_914, %dma_start3A_915] : memref<10000x128xf32, #tpu.memory_space<vmem_shared>> -> memref<10000x128xf32, #tpu.memory_space<vmem_shared>>
        tpu.enqueue_indirect_dma source(%dma_start3A_910 : memref<100x128xf32, #tpu.memory_space<vmem>>) target(%dma_start3A_916 : memref<10000x128xf32, #tpu.memory_space<vmem_shared>>) offsets(%dma_start3A_913 : memref<100xi32, #tpu.memory_space<vmem>>) semaphore(%run_scoped3A_906 : memref<!tpu.dma_semaphore, #tpu.memory_space<semaphore_mem>>) {add = true}
        %dma_wait3A_917 = arith.constant 0 : i32
        %dma_wait3A_918 = arith.constant 0 : i32
        %dma_wait3A_919 = tpu.memref_slice %arg9[%run_scoped3A_823, %dma_wait3A_917, %dma_wait3A_918] : memref<3x100x128xf32, #tpu.memory_space<vmem>> -> memref<1x100x128xf32, #tpu.memory_space<vmem>>
        %dma_wait3A_920 = tpu.memref_squeeze %dma_wait3A_919 : memref<1x100x128xf32, #tpu.memory_space<vmem>> -> memref<100x128xf32, #tpu.memory_space<vmem>>
        %dma_wait3A_921 = arith.constant 0 : i32
        %dma_wait3A_922 = tpu.memref_slice %arg8[%add3A_810, %dma_wait3A_921] : memref<20x100xi32, #tpu.memory_space<vmem>> -> memref<1x100xi32, #tpu.memory_space<vmem>>
        %dma_wait3A_923 = tpu.memref_squeeze %dma_wait3A_922 : memref<1x100xi32, #tpu.memory_space<vmem>> -> memref<100xi32, #tpu.memory_space<vmem>>
        %dma_wait3A_924 = arith.constant 0 : i32
        %dma_wait3A_925 = arith.constant 0 : i32
        %dma_wait3A_926 = tpu.memref_slice %arg10[%dma_wait3A_924, %dma_wait3A_925] : memref<10000x128xf32, #tpu.memory_space<vmem_shared>> -> memref<10000x128xf32, #tpu.memory_space<vmem_shared>>
        tpu.wait_indirect_dma semaphore(%run_scoped3A_906 : memref<!tpu.dma_semaphore, #tpu.memory_space<semaphore_mem>>) src(%dma_wait3A_920 : memref<100x128xf32, #tpu.memory_space<vmem>>) dst(%dma_wait3A_926 : memref<10000x128xf32, #tpu.memory_space<vmem_shared>>)
        tpu.yield
      }) : () -> ()
      %add3A_824 = arith.constant 3 : i32
      %add3A_825 = arith.addi %add3A_810, %add3A_824 : i32
      %dma_start3A_826 = arith.constant 0 : i32
      %dma_start3A_827 = arith.constant 0 : i32
      %dma_start3A_828 = arith.constant 0 : i32
      %dma_start3A_829 = arith.constant 0 : i32
      %dma_start3A_830 = tpu.memref_slice %arg9[%dma_start3A_826, %dma_start3A_828, %dma_start3A_829] : memref<3x100x128xf32, #tpu.memory_space<vmem>> -> memref<1x100x128xf32, #tpu.memory_space<vmem>>
      %dma_start3A_831 = tpu.memref_squeeze %dma_start3A_830 : memref<1x100x128xf32, #tpu.memory_space<vmem>> -> memref<100x128xf32, #tpu.memory_space<vmem>>
      %dma_start3A_832 = arith.constant 0 : i32
      %dma_start3A_833 = tpu.memref_slice %arg7[%add3A_825, %dma_start3A_832] : memref<20x100xi32, #tpu.memory_space<vmem>> -> memref<1x100xi32, #tpu.memory_space<vmem>>
      %dma_start3A_834 = tpu.memref_squeeze %dma_start3A_833 : memref<1x100xi32, #tpu.memory_space<vmem>> -> memref<100xi32, #tpu.memory_space<vmem>>
      %dma_start3A_835 = arith.constant 0 : i32
      %dma_start3A_836 = arith.constant 0 : i32
      %dma_start3A_837 = tpu.memref_slice %arg2[%dma_start3A_835, %dma_start3A_836] : memref<80000x128xf32, #tpu.memory_space<hbm>> -> memref<80000x128xf32, #tpu.memory_space<hbm>>
      %dma_start3A_838 = tpu.memref_slice %arg11[%dma_start3A_827] : memref<3x!tpu.dma_semaphore, #tpu.memory_space<semaphore_mem>> -> memref<1x!tpu.dma_semaphore, #tpu.memory_space<semaphore_mem>>
      %dma_start3A_839 = tpu.memref_squeeze %dma_start3A_838 : memref<1x!tpu.dma_semaphore, #tpu.memory_space<semaphore_mem>> -> memref<!tpu.dma_semaphore, #tpu.memory_space<semaphore_mem>>
      tpu.enqueue_indirect_dma source(%dma_start3A_837 : memref<80000x128xf32, #tpu.memory_space<hbm>>) target(%dma_start3A_831 : memref<100x128xf32, #tpu.memory_space<vmem>>) offsets(%dma_start3A_834 : memref<100xi32, #tpu.memory_space<vmem>>) semaphore(%dma_start3A_839 : memref<!tpu.dma_semaphore, #tpu.memory_space<semaphore_mem>>)
      %mul3A_840 = arith.constant 3 : i32
      %mul3A_841 = arith.muli %scan3A_806, %mul3A_840 : i32
      %add3A_842 = arith.constant 1 : i32
      %add3A_843 = arith.addi %mul3A_841, %add3A_842 : i32
      %dma_wait3A_844 = arith.constant 1 : i32
      %dma_wait3A_845 = arith.constant 1 : i32
      %dma_wait3A_846 = arith.constant 0 : i32
      %dma_wait3A_847 = arith.constant 0 : i32
      %dma_wait3A_848 = tpu.memref_slice %arg9[%dma_wait3A_844, %dma_wait3A_846, %dma_wait3A_847] : memref<3x100x128xf32, #tpu.memory_space<vmem>> -> memref<1x100x128xf32, #tpu.memory_space<vmem>>
      %dma_wait3A_849 = tpu.memref_squeeze %dma_wait3A_848 : memref<1x100x128xf32, #tpu.memory_space<vmem>> -> memref<100x128xf32, #tpu.memory_space<vmem>>
      %dma_wait3A_850 = tpu.memref_slice %arg11[%dma_wait3A_845] : memref<3x!tpu.dma_semaphore, #tpu.memory_space<semaphore_mem>> -> memref<1x!tpu.dma_semaphore, #tpu.memory_space<semaphore_mem>>
      %dma_wait3A_851 = tpu.memref_squeeze %dma_wait3A_850 : memref<1x!tpu.dma_semaphore, #tpu.memory_space<semaphore_mem>> -> memref<!tpu.dma_semaphore, #tpu.memory_space<semaphore_mem>>
      %dma_wait3A_852 = arith.constant 0 : i32
      %dma_wait3A_853 = arith.constant 0 : i32
      %dma_wait3A_854 = tpu.memref_slice %arg9[%dma_wait3A_844, %dma_wait3A_852, %dma_wait3A_853] : memref<3x100x128xf32, #tpu.memory_space<vmem>> -> memref<1x100x128xf32, #tpu.memory_space<vmem>>
      %dma_wait3A_855 = tpu.memref_squeeze %dma_wait3A_854 : memref<1x100x128xf32, #tpu.memory_space<vmem>> -> memref<100x128xf32, #tpu.memory_space<vmem>>
      tpu.wait_dma2 semaphore(%dma_wait3A_851 : memref<!tpu.dma_semaphore, #tpu.memory_space<semaphore_mem>>) src(%arg5 : memref<100x128xf32, #tpu.memory_space<hbm>>) dst(%dma_wait3A_855 : memref<100x128xf32, #tpu.memory_space<vmem>>)
      %run_scoped3A_856 = arith.constant 1 : i32
      "tpu.region"() ({
        %run_scoped3A_906 = tpu.sem_alloc : memref<!tpu.dma_semaphore, #tpu.memory_space<semaphore_mem>>
        %dma_start3A_907 = arith.constant 0 : i32
        %dma_start3A_908 = arith.constant 0 : i32
        %dma_start3A_909 = tpu.memref_slice %arg9[%run_scoped3A_856, %dma_start3A_907, %dma_start3A_908] : memref<3x100x128xf32, #tpu.memory_space<vmem>> -> memref<1x100x128xf32, #tpu.memory_space<vmem>>
        %dma_start3A_910 = tpu.memref_squeeze %dma_start3A_909 : memref<1x100x128xf32, #tpu.memory_space<vmem>> -> memref<100x128xf32, #tpu.memory_space<vmem>>
        %dma_start3A_911 = arith.constant 0 : i32
        %dma_start3A_912 = tpu.memref_slice %arg8[%add3A_843, %dma_start3A_911] : memref<20x100xi32, #tpu.memory_space<vmem>> -> memref<1x100xi32, #tpu.memory_space<vmem>>
        %dma_start3A_913 = tpu.memref_squeeze %dma_start3A_912 : memref<1x100xi32, #tpu.memory_space<vmem>> -> memref<100xi32, #tpu.memory_space<vmem>>
        %dma_start3A_914 = arith.constant 0 : i32
        %dma_start3A_915 = arith.constant 0 : i32
        %dma_start3A_916 = tpu.memref_slice %arg10[%dma_start3A_914, %dma_start3A_915] : memref<10000x128xf32, #tpu.memory_space<vmem_shared>> -> memref<10000x128xf32, #tpu.memory_space<vmem_shared>>
        tpu.enqueue_indirect_dma source(%dma_start3A_910 : memref<100x128xf32, #tpu.memory_space<vmem>>) target(%dma_start3A_916 : memref<10000x128xf32, #tpu.memory_space<vmem_shared>>) offsets(%dma_start3A_913 : memref<100xi32, #tpu.memory_space<vmem>>) semaphore(%run_scoped3A_906 : memref<!tpu.dma_semaphore, #tpu.memory_space<semaphore_mem>>) {add = true}
        %dma_wait3A_917 = arith.constant 0 : i32
        %dma_wait3A_918 = arith.constant 0 : i32
        %dma_wait3A_919 = tpu.memref_slice %arg9[%run_scoped3A_856, %dma_wait3A_917, %dma_wait3A_918] : memref<3x100x128xf32, #tpu.memory_space<vmem>> -> memref<1x100x128xf32, #tpu.memory_space<vmem>>
        %dma_wait3A_920 = tpu.memref_squeeze %dma_wait3A_919 : memref<1x100x128xf32, #tpu.memory_space<vmem>> -> memref<100x128xf32, #tpu.memory_space<vmem>>
        %dma_wait3A_921 = arith.constant 0 : i32
        %dma_wait3A_922 = tpu.memref_slice %arg8[%add3A_843, %dma_wait3A_921] : memref<20x100xi32, #tpu.memory_space<vmem>> -> memref<1x100xi32, #tpu.memory_space<vmem>>
        %dma_wait3A_923 = tpu.memref_squeeze %dma_wait3A_922 : memref<1x100xi32, #tpu.memory_space<vmem>> -> memref<100xi32, #tpu.memory_space<vmem>>
        %dma_wait3A_924 = arith.constant 0 : i32
        %dma_wait3A_925 = arith.constant 0 : i32
        %dma_wait3A_926 = tpu.memref_slice %arg10[%dma_wait3A_924, %dma_wait3A_925] : memref<10000x128xf32, #tpu.memory_space<vmem_shared>> -> memref<10000x128xf32, #tpu.memory_space<vmem_shared>>
        tpu.wait_indirect_dma semaphore(%run_scoped3A_906 : memref<!tpu.dma_semaphore, #tpu.memory_space<semaphore_mem>>) src(%dma_wait3A_920 : memref<100x128xf32, #tpu.memory_space<vmem>>) dst(%dma_wait3A_926 : memref<10000x128xf32, #tpu.memory_space<vmem_shared>>)
        tpu.yield
      }) : () -> ()
      %add3A_857 = arith.constant 3 : i32
      %add3A_858 = arith.addi %add3A_843, %add3A_857 : i32
      %dma_start3A_859 = arith.constant 1 : i32
      %dma_start3A_860 = arith.constant 1 : i32
      %dma_start3A_861 = arith.constant 0 : i32
      %dma_start3A_862 = arith.constant 0 : i32
      %dma_start3A_863 = tpu.memref_slice %arg9[%dma_start3A_859, %dma_start3A_861, %dma_start3A_862] : memref<3x100x128xf32, #tpu.memory_space<vmem>> -> memref<1x100x128xf32, #tpu.memory_space<vmem>>
      %dma_start3A_864 = tpu.memref_squeeze %dma_start3A_863 : memref<1x100x128xf32, #tpu.memory_space<vmem>> -> memref<100x128xf32, #tpu.memory_space<vmem>>
      %dma_start3A_865 = arith.constant 0 : i32
      %dma_start3A_866 = tpu.memref_slice %arg7[%add3A_858, %dma_start3A_865] : memref<20x100xi32, #tpu.memory_space<vmem>> -> memref<1x100xi32, #tpu.memory_space<vmem>>
      %dma_start3A_867 = tpu.memref_squeeze %dma_start3A_866 : memref<1x100xi32, #tpu.memory_space<vmem>> -> memref<100xi32, #tpu.memory_space<vmem>>
      %dma_start3A_868 = arith.constant 0 : i32
      %dma_start3A_869 = arith.constant 0 : i32
      %dma_start3A_870 = tpu.memref_slice %arg2[%dma_start3A_868, %dma_start3A_869] : memref<80000x128xf32, #tpu.memory_space<hbm>> -> memref<80000x128xf32, #tpu.memory_space<hbm>>
      %dma_start3A_871 = tpu.memref_slice %arg11[%dma_start3A_860] : memref<3x!tpu.dma_semaphore, #tpu.memory_space<semaphore_mem>> -> memref<1x!tpu.dma_semaphore, #tpu.memory_space<semaphore_mem>>
      %dma_start3A_872 = tpu.memref_squeeze %dma_start3A_871 : memref<1x!tpu.dma_semaphore, #tpu.memory_space<semaphore_mem>> -> memref<!tpu.dma_semaphore, #tpu.memory_space<semaphore_mem>>
      tpu.enqueue_indirect_dma source(%dma_start3A_870 : memref<80000x128xf32, #tpu.memory_space<hbm>>) target(%dma_start3A_864 : memref<100x128xf32, #tpu.memory_space<vmem>>) offsets(%dma_start3A_867 : memref<100xi32, #tpu.memory_space<vmem>>) semaphore(%dma_start3A_872 : memref<!tpu.dma_semaphore, #tpu.memory_space<semaphore_mem>>)
      %mul3A_873 = arith.constant 3 : i32
      %mul3A_874 = arith.muli %scan3A_806, %mul3A_873 : i32
      %add3A_875 = arith.constant 2 : i32
      %add3A_876 = arith.addi %mul3A_874, %add3A_875 : i32
      %dma_wait3A_877 = arith.constant 2 : i32
      %dma_wait3A_878 = arith.constant 2 : i32
      %dma_wait3A_879 = arith.constant 0 : i32
      %dma_wait3A_880 = arith.constant 0 : i32
      %dma_wait3A_881 = tpu.memref_slice %arg9[%dma_wait3A_877, %dma_wait3A_879, %dma_wait3A_880] : memref<3x100x128xf32, #tpu.memory_space<vmem>> -> memref<1x100x128xf32, #tpu.memory_space<vmem>>
      %dma_wait3A_882 = tpu.memref_squeeze %dma_wait3A_881 : memref<1x100x128xf32, #tpu.memory_space<vmem>> -> memref<100x128xf32, #tpu.memory_space<vmem>>
      %dma_wait3A_883 = tpu.memref_slice %arg11[%dma_wait3A_878] : memref<3x!tpu.dma_semaphore, #tpu.memory_space<semaphore_mem>> -> memref<1x!tpu.dma_semaphore, #tpu.memory_space<semaphore_mem>>
      %dma_wait3A_884 = tpu.memref_squeeze %dma_wait3A_883 : memref<1x!tpu.dma_semaphore, #tpu.memory_space<semaphore_mem>> -> memref<!tpu.dma_semaphore, #tpu.memory_space<semaphore_mem>>
      %dma_wait3A_885 = arith.constant 0 : i32
      %dma_wait3A_886 = arith.constant 0 : i32
      %dma_wait3A_887 = tpu.memref_slice %arg9[%dma_wait3A_877, %dma_wait3A_885, %dma_wait3A_886] : memref<3x100x128xf32, #tpu.memory_space<vmem>> -> memref<1x100x128xf32, #tpu.memory_space<vmem>>
      %dma_wait3A_888 = tpu.memref_squeeze %dma_wait3A_887 : memref<1x100x128xf32, #tpu.memory_space<vmem>> -> memref<100x128xf32, #tpu.memory_space<vmem>>
      tpu.wait_dma2 semaphore(%dma_wait3A_884 : memref<!tpu.dma_semaphore, #tpu.memory_space<semaphore_mem>>) src(%arg5 : memref<100x128xf32, #tpu.memory_space<hbm>>) dst(%dma_wait3A_888 : memref<100x128xf32, #tpu.memory_space<vmem>>)
      %run_scoped3A_889 = arith.constant 2 : i32
      "tpu.region"() ({
        %run_scoped3A_906 = tpu.sem_alloc : memref<!tpu.dma_semaphore, #tpu.memory_space<semaphore_mem>>
        %dma_start3A_907 = arith.constant 0 : i32
        %dma_start3A_908 = arith.constant 0 : i32
        %dma_start3A_909 = tpu.memref_slice %arg9[%run_scoped3A_889, %dma_start3A_907, %dma_start3A_908] : memref<3x100x128xf32, #tpu.memory_space<vmem>> -> memref<1x100x128xf32, #tpu.memory_space<vmem>>
        %dma_start3A_910 = tpu.memref_squeeze %dma_start3A_909 : memref<1x100x128xf32, #tpu.memory_space<vmem>> -> memref<100x128xf32, #tpu.memory_space<vmem>>
        %dma_start3A_911 = arith.constant 0 : i32
        %dma_start3A_912 = tpu.memref_slice %arg8[%add3A_876, %dma_start3A_911] : memref<20x100xi32, #tpu.memory_space<vmem>> -> memref<1x100xi32, #tpu.memory_space<vmem>>
        %dma_start3A_913 = tpu.memref_squeeze %dma_start3A_912 : memref<1x100xi32, #tpu.memory_space<vmem>> -> memref<100xi32, #tpu.memory_space<vmem>>
        %dma_start3A_914 = arith.constant 0 : i32
        %dma_start3A_915 = arith.constant 0 : i32
        %dma_start3A_916 = tpu.memref_slice %arg10[%dma_start3A_914, %dma_start3A_915] : memref<10000x128xf32, #tpu.memory_space<vmem_shared>> -> memref<10000x128xf32, #tpu.memory_space<vmem_shared>>
        tpu.enqueue_indirect_dma source(%dma_start3A_910 : memref<100x128xf32, #tpu.memory_space<vmem>>) target(%dma_start3A_916 : memref<10000x128xf32, #tpu.memory_space<vmem_shared>>) offsets(%dma_start3A_913 : memref<100xi32, #tpu.memory_space<vmem>>) semaphore(%run_scoped3A_906 : memref<!tpu.dma_semaphore, #tpu.memory_space<semaphore_mem>>) {add = true}
        %dma_wait3A_917 = arith.constant 0 : i32
        %dma_wait3A_918 = arith.constant 0 : i32
        %dma_wait3A_919 = tpu.memref_slice %arg9[%run_scoped3A_889, %dma_wait3A_917, %dma_wait3A_918] : memref<3x100x128xf32, #tpu.memory_space<vmem>> -> memref<1x100x128xf32, #tpu.memory_space<vmem>>
        %dma_wait3A_920 = tpu.memref_squeeze %dma_wait3A_919 : memref<1x100x128xf32, #tpu.memory_space<vmem>> -> memref<100x128xf32, #tpu.memory_space<vmem>>
        %dma_wait3A_921 = arith.constant 0 : i32
        %dma_wait3A_922 = tpu.memref_slice %arg8[%add3A_876, %dma_wait3A_921] : memref<20x100xi32, #tpu.memory_space<vmem>> -> memref<1x100xi32, #tpu.memory_space<vmem>>
        %dma_wait3A_923 = tpu.memref_squeeze %dma_wait3A_922 : memref<1x100xi32, #tpu.memory_space<vmem>> -> memref<100xi32, #tpu.memory_space<vmem>>
        %dma_wait3A_924 = arith.constant 0 : i32
        %dma_wait3A_925 = arith.constant 0 : i32
        %dma_wait3A_926 = tpu.memref_slice %arg10[%dma_wait3A_924, %dma_wait3A_925] : memref<10000x128xf32, #tpu.memory_space<vmem_shared>> -> memref<10000x128xf32, #tpu.memory_space<vmem_shared>>
        tpu.wait_indirect_dma semaphore(%run_scoped3A_906 : memref<!tpu.dma_semaphore, #tpu.memory_space<semaphore_mem>>) src(%dma_wait3A_920 : memref<100x128xf32, #tpu.memory_space<vmem>>) dst(%dma_wait3A_926 : memref<10000x128xf32, #tpu.memory_space<vmem_shared>>)
        tpu.yield
      }) : () -> ()
      %add3A_890 = arith.constant 3 : i32
      %add3A_891 = arith.addi %add3A_876, %add3A_890 : i32
      %dma_start3A_892 = arith.constant 2 : i32
      %dma_start3A_893 = arith.constant 2 : i32
      %dma_start3A_894 = arith.constant 0 : i32
      %dma_start3A_895 = arith.constant 0 : i32
      %dma_start3A_896 = tpu.memref_slice %arg9[%dma_start3A_892, %dma_start3A_894, %dma_start3A_895] : memref<3x100x128xf32, #tpu.memory_space<vmem>> -> memref<1x100x128xf32, #tpu.memory_space<vmem>>
      %dma_start3A_897 = tpu.memref_squeeze %dma_start3A_896 : memref<1x100x128xf32, #tpu.memory_space<vmem>> -> memref<100x128xf32, #tpu.memory_space<vmem>>
      %dma_start3A_898 = arith.constant 0 : i32
      %dma_start3A_899 = tpu.memref_slice %arg7[%add3A_891, %dma_start3A_898] : memref<20x100xi32, #tpu.memory_space<vmem>> -> memref<1x100xi32, #tpu.memory_space<vmem>>
      %dma_start3A_900 = tpu.memref_squeeze %dma_start3A_899 : memref<1x100xi32, #tpu.memory_space<vmem>> -> memref<100xi32, #tpu.memory_space<vmem>>
      %dma_start3A_901 = arith.constant 0 : i32
      %dma_start3A_902 = arith.constant 0 : i32
      %dma_start3A_903 = tpu.memref_slice %arg2[%dma_start3A_901, %dma_start3A_902] : memref<80000x128xf32, #tpu.memory_space<hbm>> -> memref<80000x128xf32, #tpu.memory_space<hbm>>
      %dma_start3A_904 = tpu.memref_slice %arg11[%dma_start3A_893] : memref<3x!tpu.dma_semaphore, #tpu.memory_space<semaphore_mem>> -> memref<1x!tpu.dma_semaphore, #tpu.memory_space<semaphore_mem>>
      %dma_start3A_905 = tpu.memref_squeeze %dma_start3A_904 : memref<1x!tpu.dma_semaphore, #tpu.memory_space<semaphore_mem>> -> memref<!tpu.dma_semaphore, #tpu.memory_space<semaphore_mem>>
      tpu.enqueue_indirect_dma source(%dma_start3A_903 : memref<80000x128xf32, #tpu.memory_space<hbm>>) target(%dma_start3A_897 : memref<100x128xf32, #tpu.memory_space<vmem>>) offsets(%dma_start3A_900 : memref<100xi32, #tpu.memory_space<vmem>>) semaphore(%dma_start3A_905 : memref<!tpu.dma_semaphore, #tpu.memory_space<semaphore_mem>>)
    }
    %scan3A_549 = arith.constant 5 : i32
    %dma_wait3A_550 = arith.constant 0 : i32
    %dma_wait3A_551 = arith.constant 0 : i32
    %dma_wait3A_552 = arith.constant 0 : i32
    %dma_wait3A_553 = arith.constant 0 : i32
    %dma_wait3A_554 = tpu.memref_slice %arg9[%dma_wait3A_550, %dma_wait3A_552, %dma_wait3A_553] : memref<3x100x128xf32, #tpu.memory_space<vmem>> -> memref<1x100x128xf32, #tpu.memory_space<vmem>>
    %dma_wait3A_555 = tpu.memref_squeeze %dma_wait3A_554 : memref<1x100x128xf32, #tpu.memory_space<vmem>> -> memref<100x128xf32, #tpu.memory_space<vmem>>
    %dma_wait3A_556 = tpu.memref_slice %arg11[%dma_wait3A_551] : memref<3x!tpu.dma_semaphore, #tpu.memory_space<semaphore_mem>> -> memref<1x!tpu.dma_semaphore, #tpu.memory_space<semaphore_mem>>
    %dma_wait3A_557 = tpu.memref_squeeze %dma_wait3A_556 : memref<1x!tpu.dma_semaphore, #tpu.memory_space<semaphore_mem>> -> memref<!tpu.dma_semaphore, #tpu.memory_space<semaphore_mem>>
    %dma_wait3A_558 = arith.constant 0 : i32
    %dma_wait3A_559 = arith.constant 0 : i32
    %dma_wait3A_560 = tpu.memref_slice %arg9[%dma_wait3A_550, %dma_wait3A_558, %dma_wait3A_559] : memref<3x100x128xf32, #tpu.memory_space<vmem>> -> memref<1x100x128xf32, #tpu.memory_space<vmem>>
    %dma_wait3A_561 = tpu.memref_squeeze %dma_wait3A_560 : memref<1x100x128xf32, #tpu.memory_space<vmem>> -> memref<100x128xf32, #tpu.memory_space<vmem>>
    tpu.wait_dma2 semaphore(%dma_wait3A_557 : memref<!tpu.dma_semaphore, #tpu.memory_space<semaphore_mem>>) src(%arg5 : memref<100x128xf32, #tpu.memory_space<hbm>>) dst(%dma_wait3A_561 : memref<100x128xf32, #tpu.memory_space<vmem>>)
    %run_scoped3A_562 = arith.constant 0 : i32
    %run_scoped3A_563 = arith.constant 15 : i32
    "tpu.region"() ({
      %run_scoped3A_806 = tpu.sem_alloc : memref<!tpu.dma_semaphore, #tpu.memory_space<semaphore_mem>>
      %dma_start3A_807 = arith.constant 0 : i32
      %dma_start3A_808 = arith.constant 0 : i32
      %dma_start3A_809 = tpu.memref_slice %arg9[%run_scoped3A_562, %dma_start3A_807, %dma_start3A_808] : memref<3x100x128xf32, #tpu.memory_space<vmem>> -> memref<1x100x128xf32, #tpu.memory_space<vmem>>
      %dma_start3A_810 = tpu.memref_squeeze %dma_start3A_809 : memref<1x100x128xf32, #tpu.memory_space<vmem>> -> memref<100x128xf32, #tpu.memory_space<vmem>>
      %dma_start3A_811 = arith.constant 0 : i32
      %dma_start3A_812 = tpu.memref_slice %arg8[%run_scoped3A_563, %dma_start3A_811] : memref<20x100xi32, #tpu.memory_space<vmem>> -> memref<1x100xi32, #tpu.memory_space<vmem>>
      %dma_start3A_813 = tpu.memref_squeeze %dma_start3A_812 : memref<1x100xi32, #tpu.memory_space<vmem>> -> memref<100xi32, #tpu.memory_space<vmem>>
      %dma_start3A_814 = arith.constant 0 : i32
      %dma_start3A_815 = arith.constant 0 : i32
      %dma_start3A_816 = tpu.memref_slice %arg10[%dma_start3A_814, %dma_start3A_815] : memref<10000x128xf32, #tpu.memory_space<vmem_shared>> -> memref<10000x128xf32, #tpu.memory_space<vmem_shared>>
      tpu.enqueue_indirect_dma source(%dma_start3A_810 : memref<100x128xf32, #tpu.memory_space<vmem>>) target(%dma_start3A_816 : memref<10000x128xf32, #tpu.memory_space<vmem_shared>>) offsets(%dma_start3A_813 : memref<100xi32, #tpu.memory_space<vmem>>) semaphore(%run_scoped3A_806 : memref<!tpu.dma_semaphore, #tpu.memory_space<semaphore_mem>>) {add = true}
      %dma_wait3A_817 = arith.constant 0 : i32
      %dma_wait3A_818 = arith.constant 0 : i32
      %dma_wait3A_819 = tpu.memref_slice %arg9[%run_scoped3A_562, %dma_wait3A_817, %dma_wait3A_818] : memref<3x100x128xf32, #tpu.memory_space<vmem>> -> memref<1x100x128xf32, #tpu.memory_space<vmem>>
      %dma_wait3A_820 = tpu.memref_squeeze %dma_wait3A_819 : memref<1x100x128xf32, #tpu.memory_space<vmem>> -> memref<100x128xf32, #tpu.memory_space<vmem>>
      %dma_wait3A_821 = arith.constant 0 : i32
      %dma_wait3A_822 = tpu.memref_slice %arg8[%run_scoped3A_563, %dma_wait3A_821] : memref<20x100xi32, #tpu.memory_space<vmem>> -> memref<1x100xi32, #tpu.memory_space<vmem>>
      %dma_wait3A_823 = tpu.memref_squeeze %dma_wait3A_822 : memref<1x100xi32, #tpu.memory_space<vmem>> -> memref<100xi32, #tpu.memory_space<vmem>>
      %dma_wait3A_824 = arith.constant 0 : i32
      %dma_wait3A_825 = arith.constant 0 : i32
      %dma_wait3A_826 = tpu.memref_slice %arg10[%dma_wait3A_824, %dma_wait3A_825] : memref<10000x128xf32, #tpu.memory_space<vmem_shared>> -> memref<10000x128xf32, #tpu.memory_space<vmem_shared>>
      tpu.wait_indirect_dma semaphore(%run_scoped3A_806 : memref<!tpu.dma_semaphore, #tpu.memory_space<semaphore_mem>>) src(%dma_wait3A_820 : memref<100x128xf32, #tpu.memory_space<vmem>>) dst(%dma_wait3A_826 : memref<10000x128xf32, #tpu.memory_space<vmem_shared>>)
      tpu.yield
    }) : () -> ()
    %dma_start3A_564 = arith.constant 18 : i32
    %dma_start3A_565 = arith.constant 0 : i32
    %dma_start3A_566 = arith.constant 0 : i32
    %dma_start3A_567 = arith.constant 0 : i32
    %dma_start3A_568 = arith.constant 0 : i32
    %dma_start3A_569 = tpu.memref_slice %arg9[%dma_start3A_565, %dma_start3A_567, %dma_start3A_568] : memref<3x100x128xf32, #tpu.memory_space<vmem>> -> memref<1x100x128xf32, #tpu.memory_space<vmem>>
    %dma_start3A_570 = tpu.memref_squeeze %dma_start3A_569 : memref<1x100x128xf32, #tpu.memory_space<vmem>> -> memref<100x128xf32, #tpu.memory_space<vmem>>
    %dma_start3A_571 = arith.constant 0 : i32
    %dma_start3A_572 = tpu.memref_slice %arg7[%dma_start3A_564, %dma_start3A_571] : memref<20x100xi32, #tpu.memory_space<vmem>> -> memref<1x100xi32, #tpu.memory_space<vmem>>
    %dma_start3A_573 = tpu.memref_squeeze %dma_start3A_572 : memref<1x100xi32, #tpu.memory_space<vmem>> -> memref<100xi32, #tpu.memory_space<vmem>>
    %dma_start3A_574 = arith.constant 0 : i32
    %dma_start3A_575 = arith.constant 0 : i32
    %dma_start3A_576 = tpu.memref_slice %arg2[%dma_start3A_574, %dma_start3A_575] : memref<80000x128xf32, #tpu.memory_space<hbm>> -> memref<80000x128xf32, #tpu.memory_space<hbm>>
    %dma_start3A_577 = tpu.memref_slice %arg11[%dma_start3A_566] : memref<3x!tpu.dma_semaphore, #tpu.memory_space<semaphore_mem>> -> memref<1x!tpu.dma_semaphore, #tpu.memory_space<semaphore_mem>>
    %dma_start3A_578 = tpu.memref_squeeze %dma_start3A_577 : memref<1x!tpu.dma_semaphore, #tpu.memory_space<semaphore_mem>> -> memref<!tpu.dma_semaphore, #tpu.memory_space<semaphore_mem>>
    tpu.enqueue_indirect_dma source(%dma_start3A_576 : memref<80000x128xf32, #tpu.memory_space<hbm>>) target(%dma_start3A_570 : memref<100x128xf32, #tpu.memory_space<vmem>>) offsets(%dma_start3A_573 : memref<100xi32, #tpu.memory_space<vmem>>) semaphore(%dma_start3A_578 : memref<!tpu.dma_semaphore, #tpu.memory_space<semaphore_mem>>)
    %dma_wait3A_579 = arith.constant 1 : i32
    %dma_wait3A_580 = arith.constant 1 : i32
    %dma_wait3A_581 = arith.constant 0 : i32
    %dma_wait3A_582 = arith.constant 0 : i32
    %dma_wait3A_583 = tpu.memref_slice %arg9[%dma_wait3A_579, %dma_wait3A_581, %dma_wait3A_582] : memref<3x100x128xf32, #tpu.memory_space<vmem>> -> memref<1x100x128xf32, #tpu.memory_space<vmem>>
    %dma_wait3A_584 = tpu.memref_squeeze %dma_wait3A_583 : memref<1x100x128xf32, #tpu.memory_space<vmem>> -> memref<100x128xf32, #tpu.memory_space<vmem>>
    %dma_wait3A_585 = tpu.memref_slice %arg11[%dma_wait3A_580] : memref<3x!tpu.dma_semaphore, #tpu.memory_space<semaphore_mem>> -> memref<1x!tpu.dma_semaphore, #tpu.memory_space<semaphore_mem>>
    %dma_wait3A_586 = tpu.memref_squeeze %dma_wait3A_585 : memref<1x!tpu.dma_semaphore, #tpu.memory_space<semaphore_mem>> -> memref<!tpu.dma_semaphore, #tpu.memory_space<semaphore_mem>>
    %dma_wait3A_587 = arith.constant 0 : i32
    %dma_wait3A_588 = arith.constant 0 : i32
    %dma_wait3A_589 = tpu.memref_slice %arg9[%dma_wait3A_579, %dma_wait3A_587, %dma_wait3A_588] : memref<3x100x128xf32, #tpu.memory_space<vmem>> -> memref<1x100x128xf32, #tpu.memory_space<vmem>>
    %dma_wait3A_590 = tpu.memref_squeeze %dma_wait3A_589 : memref<1x100x128xf32, #tpu.memory_space<vmem>> -> memref<100x128xf32, #tpu.memory_space<vmem>>
    tpu.wait_dma2 semaphore(%dma_wait3A_586 : memref<!tpu.dma_semaphore, #tpu.memory_space<semaphore_mem>>) src(%arg5 : memref<100x128xf32, #tpu.memory_space<hbm>>) dst(%dma_wait3A_590 : memref<100x128xf32, #tpu.memory_space<vmem>>)
    %run_scoped3A_591 = arith.constant 1 : i32
    %run_scoped3A_592 = arith.constant 16 : i32
    "tpu.region"() ({
      %run_scoped3A_806 = tpu.sem_alloc : memref<!tpu.dma_semaphore, #tpu.memory_space<semaphore_mem>>
      %dma_start3A_807 = arith.constant 0 : i32
      %dma_start3A_808 = arith.constant 0 : i32
      %dma_start3A_809 = tpu.memref_slice %arg9[%run_scoped3A_591, %dma_start3A_807, %dma_start3A_808] : memref<3x100x128xf32, #tpu.memory_space<vmem>> -> memref<1x100x128xf32, #tpu.memory_space<vmem>>
      %dma_start3A_810 = tpu.memref_squeeze %dma_start3A_809 : memref<1x100x128xf32, #tpu.memory_space<vmem>> -> memref<100x128xf32, #tpu.memory_space<vmem>>
      %dma_start3A_811 = arith.constant 0 : i32
      %dma_start3A_812 = tpu.memref_slice %arg8[%run_scoped3A_592, %dma_start3A_811] : memref<20x100xi32, #tpu.memory_space<vmem>> -> memref<1x100xi32, #tpu.memory_space<vmem>>
      %dma_start3A_813 = tpu.memref_squeeze %dma_start3A_812 : memref<1x100xi32, #tpu.memory_space<vmem>> -> memref<100xi32, #tpu.memory_space<vmem>>
      %dma_start3A_814 = arith.constant 0 : i32
      %dma_start3A_815 = arith.constant 0 : i32
      %dma_start3A_816 = tpu.memref_slice %arg10[%dma_start3A_814, %dma_start3A_815] : memref<10000x128xf32, #tpu.memory_space<vmem_shared>> -> memref<10000x128xf32, #tpu.memory_space<vmem_shared>>
      tpu.enqueue_indirect_dma source(%dma_start3A_810 : memref<100x128xf32, #tpu.memory_space<vmem>>) target(%dma_start3A_816 : memref<10000x128xf32, #tpu.memory_space<vmem_shared>>) offsets(%dma_start3A_813 : memref<100xi32, #tpu.memory_space<vmem>>) semaphore(%run_scoped3A_806 : memref<!tpu.dma_semaphore, #tpu.memory_space<semaphore_mem>>) {add = true}
      %dma_wait3A_817 = arith.constant 0 : i32
      %dma_wait3A_818 = arith.constant 0 : i32
      %dma_wait3A_819 = tpu.memref_slice %arg9[%run_scoped3A_591, %dma_wait3A_817, %dma_wait3A_818] : memref<3x100x128xf32, #tpu.memory_space<vmem>> -> memref<1x100x128xf32, #tpu.memory_space<vmem>>
      %dma_wait3A_820 = tpu.memref_squeeze %dma_wait3A_819 : memref<1x100x128xf32, #tpu.memory_space<vmem>> -> memref<100x128xf32, #tpu.memory_space<vmem>>
      %dma_wait3A_821 = arith.constant 0 : i32
      %dma_wait3A_822 = tpu.memref_slice %arg8[%run_scoped3A_592, %dma_wait3A_821] : memref<20x100xi32, #tpu.memory_space<vmem>> -> memref<1x100xi32, #tpu.memory_space<vmem>>
      %dma_wait3A_823 = tpu.memref_squeeze %dma_wait3A_822 : memref<1x100xi32, #tpu.memory_space<vmem>> -> memref<100xi32, #tpu.memory_space<vmem>>
      %dma_wait3A_824 = arith.constant 0 : i32
      %dma_wait3A_825 = arith.constant 0 : i32
      %dma_wait3A_826 = tpu.memref_slice %arg10[%dma_wait3A_824, %dma_wait3A_825] : memref<10000x128xf32, #tpu.memory_space<vmem_shared>> -> memref<10000x128xf32, #tpu.memory_space<vmem_shared>>
      tpu.wait_indirect_dma semaphore(%run_scoped3A_806 : memref<!tpu.dma_semaphore, #tpu.memory_space<semaphore_mem>>) src(%dma_wait3A_820 : memref<100x128xf32, #tpu.memory_space<vmem>>) dst(%dma_wait3A_826 : memref<10000x128xf32, #tpu.memory_space<vmem_shared>>)
      tpu.yield
    }) : () -> ()
    %dma_start3A_593 = arith.constant 19 : i32
    %dma_start3A_594 = arith.constant 1 : i32
    %dma_start3A_595 = arith.constant 1 : i32
    %dma_start3A_596 = arith.constant 0 : i32
    %dma_start3A_597 = arith.constant 0 : i32
    %dma_start3A_598 = tpu.memref_slice %arg9[%dma_start3A_594, %dma_start3A_596, %dma_start3A_597] : memref<3x100x128xf32, #tpu.memory_space<vmem>> -> memref<1x100x128xf32, #tpu.memory_space<vmem>>
    %dma_start3A_599 = tpu.memref_squeeze %dma_start3A_598 : memref<1x100x128xf32, #tpu.memory_space<vmem>> -> memref<100x128xf32, #tpu.memory_space<vmem>>
    %dma_start3A_600 = arith.constant 0 : i32
    %dma_start3A_601 = tpu.memref_slice %arg7[%dma_start3A_593, %dma_start3A_600] : memref<20x100xi32, #tpu.memory_space<vmem>> -> memref<1x100xi32, #tpu.memory_space<vmem>>
    %dma_start3A_602 = tpu.memref_squeeze %dma_start3A_601 : memref<1x100xi32, #tpu.memory_space<vmem>> -> memref<100xi32, #tpu.memory_space<vmem>>
    %dma_start3A_603 = arith.constant 0 : i32
    %dma_start3A_604 = arith.constant 0 : i32
    %dma_start3A_605 = tpu.memref_slice %arg2[%dma_start3A_603, %dma_start3A_604] : memref<80000x128xf32, #tpu.memory_space<hbm>> -> memref<80000x128xf32, #tpu.memory_space<hbm>>
    %dma_start3A_606 = tpu.memref_slice %arg11[%dma_start3A_595] : memref<3x!tpu.dma_semaphore, #tpu.memory_space<semaphore_mem>> -> memref<1x!tpu.dma_semaphore, #tpu.memory_space<semaphore_mem>>
    %dma_start3A_607 = tpu.memref_squeeze %dma_start3A_606 : memref<1x!tpu.dma_semaphore, #tpu.memory_space<semaphore_mem>> -> memref<!tpu.dma_semaphore, #tpu.memory_space<semaphore_mem>>
    tpu.enqueue_indirect_dma source(%dma_start3A_605 : memref<80000x128xf32, #tpu.memory_space<hbm>>) target(%dma_start3A_599 : memref<100x128xf32, #tpu.memory_space<vmem>>) offsets(%dma_start3A_602 : memref<100xi32, #tpu.memory_space<vmem>>) semaphore(%dma_start3A_607 : memref<!tpu.dma_semaphore, #tpu.memory_space<semaphore_mem>>)
    %dma_wait3A_608 = arith.constant 2 : i32
    %dma_wait3A_609 = arith.constant 2 : i32
    %dma_wait3A_610 = arith.constant 0 : i32
    %dma_wait3A_611 = arith.constant 0 : i32
    %dma_wait3A_612 = tpu.memref_slice %arg9[%dma_wait3A_608, %dma_wait3A_610, %dma_wait3A_611] : memref<3x100x128xf32, #tpu.memory_space<vmem>> -> memref<1x100x128xf32, #tpu.memory_space<vmem>>
    %dma_wait3A_613 = tpu.memref_squeeze %dma_wait3A_612 : memref<1x100x128xf32, #tpu.memory_space<vmem>> -> memref<100x128xf32, #tpu.memory_space<vmem>>
    %dma_wait3A_614 = tpu.memref_slice %arg11[%dma_wait3A_609] : memref<3x!tpu.dma_semaphore, #tpu.memory_space<semaphore_mem>> -> memref<1x!tpu.dma_semaphore, #tpu.memory_space<semaphore_mem>>
    %dma_wait3A_615 = tpu.memref_squeeze %dma_wait3A_614 : memref<1x!tpu.dma_semaphore, #tpu.memory_space<semaphore_mem>> -> memref<!tpu.dma_semaphore, #tpu.memory_space<semaphore_mem>>
    %dma_wait3A_616 = arith.constant 0 : i32
    %dma_wait3A_617 = arith.constant 0 : i32
    %dma_wait3A_618 = tpu.memref_slice %arg9[%dma_wait3A_608, %dma_wait3A_616, %dma_wait3A_617] : memref<3x100x128xf32, #tpu.memory_space<vmem>> -> memref<1x100x128xf32, #tpu.memory_space<vmem>>
    %dma_wait3A_619 = tpu.memref_squeeze %dma_wait3A_618 : memref<1x100x128xf32, #tpu.memory_space<vmem>> -> memref<100x128xf32, #tpu.memory_space<vmem>>
    tpu.wait_dma2 semaphore(%dma_wait3A_615 : memref<!tpu.dma_semaphore, #tpu.memory_space<semaphore_mem>>) src(%arg5 : memref<100x128xf32, #tpu.memory_space<hbm>>) dst(%dma_wait3A_619 : memref<100x128xf32, #tpu.memory_space<vmem>>)
    %run_scoped3A_620 = arith.constant 2 : i32
    %run_scoped3A_621 = arith.constant 17 : i32
    "tpu.region"() ({
      %run_scoped3A_806 = tpu.sem_alloc : memref<!tpu.dma_semaphore, #tpu.memory_space<semaphore_mem>>
      %dma_start3A_807 = arith.constant 0 : i32
      %dma_start3A_808 = arith.constant 0 : i32
      %dma_start3A_809 = tpu.memref_slice %arg9[%run_scoped3A_620, %dma_start3A_807, %dma_start3A_808] : memref<3x100x128xf32, #tpu.memory_space<vmem>> -> memref<1x100x128xf32, #tpu.memory_space<vmem>>
      %dma_start3A_810 = tpu.memref_squeeze %dma_start3A_809 : memref<1x100x128xf32, #tpu.memory_space<vmem>> -> memref<100x128xf32, #tpu.memory_space<vmem>>
      %dma_start3A_811 = arith.constant 0 : i32
      %dma_start3A_812 = tpu.memref_slice %arg8[%run_scoped3A_621, %dma_start3A_811] : memref<20x100xi32, #tpu.memory_space<vmem>> -> memref<1x100xi32, #tpu.memory_space<vmem>>
      %dma_start3A_813 = tpu.memref_squeeze %dma_start3A_812 : memref<1x100xi32, #tpu.memory_space<vmem>> -> memref<100xi32, #tpu.memory_space<vmem>>
      %dma_start3A_814 = arith.constant 0 : i32
      %dma_start3A_815 = arith.constant 0 : i32
      %dma_start3A_816 = tpu.memref_slice %arg10[%dma_start3A_814, %dma_start3A_815] : memref<10000x128xf32, #tpu.memory_space<vmem_shared>> -> memref<10000x128xf32, #tpu.memory_space<vmem_shared>>
      tpu.enqueue_indirect_dma source(%dma_start3A_810 : memref<100x128xf32, #tpu.memory_space<vmem>>) target(%dma_start3A_816 : memref<10000x128xf32, #tpu.memory_space<vmem_shared>>) offsets(%dma_start3A_813 : memref<100xi32, #tpu.memory_space<vmem>>) semaphore(%run_scoped3A_806 : memref<!tpu.dma_semaphore, #tpu.memory_space<semaphore_mem>>) {add = true}
      %dma_wait3A_817 = arith.constant 0 : i32
      %dma_wait3A_818 = arith.constant 0 : i32
      %dma_wait3A_819 = tpu.memref_slice %arg9[%run_scoped3A_620, %dma_wait3A_817, %dma_wait3A_818] : memref<3x100x128xf32, #tpu.memory_space<vmem>> -> memref<1x100x128xf32, #tpu.memory_space<vmem>>
      %dma_wait3A_820 = tpu.memref_squeeze %dma_wait3A_819 : memref<1x100x128xf32, #tpu.memory_space<vmem>> -> memref<100x128xf32, #tpu.memory_space<vmem>>
      %dma_wait3A_821 = arith.constant 0 : i32
      %dma_wait3A_822 = tpu.memref_slice %arg8[%run_scoped3A_621, %dma_wait3A_821] : memref<20x100xi32, #tpu.memory_space<vmem>> -> memref<1x100xi32, #tpu.memory_space<vmem>>
      %dma_wait3A_823 = tpu.memref_squeeze %dma_wait3A_822 : memref<1x100xi32, #tpu.memory_space<vmem>> -> memref<100xi32, #tpu.memory_space<vmem>>
      %dma_wait3A_824 = arith.constant 0 : i32
      %dma_wait3A_825 = arith.constant 0 : i32
      %dma_wait3A_826 = tpu.memref_slice %arg10[%dma_wait3A_824, %dma_wait3A_825] : memref<10000x128xf32, #tpu.memory_space<vmem_shared>> -> memref<10000x128xf32, #tpu.memory_space<vmem_shared>>
      tpu.wait_indirect_dma semaphore(%run_scoped3A_806 : memref<!tpu.dma_semaphore, #tpu.memory_space<semaphore_mem>>) src(%dma_wait3A_820 : memref<100x128xf32, #tpu.memory_space<vmem>>) dst(%dma_wait3A_826 : memref<10000x128xf32, #tpu.memory_space<vmem_shared>>)
      tpu.yield
    }) : () -> ()
    %dma_wait3A_622 = arith.constant 0 : i32
    %dma_wait3A_623 = arith.constant 0 : i32
    %dma_wait3A_624 = arith.constant 0 : i32
    %dma_wait3A_625 = arith.constant 0 : i32
    %dma_wait3A_626 = tpu.memref_slice %arg9[%dma_wait3A_622, %dma_wait3A_624, %dma_wait3A_625] : memref<3x100x128xf32, #tpu.memory_space<vmem>> -> memref<1x100x128xf32, #tpu.memory_space<vmem>>
    %dma_wait3A_627 = tpu.memref_squeeze %dma_wait3A_626 : memref<1x100x128xf32, #tpu.memory_space<vmem>> -> memref<100x128xf32, #tpu.memory_space<vmem>>
    %dma_wait3A_628 = tpu.memref_slice %arg11[%dma_wait3A_623] : memref<3x!tpu.dma_semaphore, #tpu.memory_space<semaphore_mem>> -> memref<1x!tpu.dma_semaphore, #tpu.memory_space<semaphore_mem>>
    %dma_wait3A_629 = tpu.memref_squeeze %dma_wait3A_628 : memref<1x!tpu.dma_semaphore, #tpu.memory_space<semaphore_mem>> -> memref<!tpu.dma_semaphore, #tpu.memory_space<semaphore_mem>>
    %dma_wait3A_630 = arith.constant 0 : i32
    %dma_wait3A_631 = arith.constant 0 : i32
    %dma_wait3A_632 = tpu.memref_slice %arg9[%dma_wait3A_622, %dma_wait3A_630, %dma_wait3A_631] : memref<3x100x128xf32, #tpu.memory_space<vmem>> -> memref<1x100x128xf32, #tpu.memory_space<vmem>>
    %dma_wait3A_633 = tpu.memref_squeeze %dma_wait3A_632 : memref<1x100x128xf32, #tpu.memory_space<vmem>> -> memref<100x128xf32, #tpu.memory_space<vmem>>
    tpu.wait_dma2 semaphore(%dma_wait3A_629 : memref<!tpu.dma_semaphore, #tpu.memory_space<semaphore_mem>>) src(%arg5 : memref<100x128xf32, #tpu.memory_space<hbm>>) dst(%dma_wait3A_633 : memref<100x128xf32, #tpu.memory_space<vmem>>)
    %run_scoped3A_634 = arith.constant 0 : i32
    %run_scoped3A_635 = arith.constant 18 : i32
    "tpu.region"() ({
      %run_scoped3A_806 = tpu.sem_alloc : memref<!tpu.dma_semaphore, #tpu.memory_space<semaphore_mem>>
      %dma_start3A_807 = arith.constant 0 : i32
      %dma_start3A_808 = arith.constant 0 : i32
      %dma_start3A_809 = tpu.memref_slice %arg9[%run_scoped3A_634, %dma_start3A_807, %dma_start3A_808] : memref<3x100x128xf32, #tpu.memory_space<vmem>> -> memref<1x100x128xf32, #tpu.memory_space<vmem>>
      %dma_start3A_810 = tpu.memref_squeeze %dma_start3A_809 : memref<1x100x128xf32, #tpu.memory_space<vmem>> -> memref<100x128xf32, #tpu.memory_space<vmem>>
      %dma_start3A_811 = arith.constant 0 : i32
      %dma_start3A_812 = tpu.memref_slice %arg8[%run_scoped3A_635, %dma_start3A_811] : memref<20x100xi32, #tpu.memory_space<vmem>> -> memref<1x100xi32, #tpu.memory_space<vmem>>
      %dma_start3A_813 = tpu.memref_squeeze %dma_start3A_812 : memref<1x100xi32, #tpu.memory_space<vmem>> -> memref<100xi32, #tpu.memory_space<vmem>>
      %dma_start3A_814 = arith.constant 0 : i32
      %dma_start3A_815 = arith.constant 0 : i32
      %dma_start3A_816 = tpu.memref_slice %arg10[%dma_start3A_814, %dma_start3A_815] : memref<10000x128xf32, #tpu.memory_space<vmem_shared>> -> memref<10000x128xf32, #tpu.memory_space<vmem_shared>>
      tpu.enqueue_indirect_dma source(%dma_start3A_810 : memref<100x128xf32, #tpu.memory_space<vmem>>) target(%dma_start3A_816 : memref<10000x128xf32, #tpu.memory_space<vmem_shared>>) offsets(%dma_start3A_813 : memref<100xi32, #tpu.memory_space<vmem>>) semaphore(%run_scoped3A_806 : memref<!tpu.dma_semaphore, #tpu.memory_space<semaphore_mem>>) {add = true}
      %dma_wait3A_817 = arith.constant 0 : i32
      %dma_wait3A_818 = arith.constant 0 : i32
      %dma_wait3A_819 = tpu.memref_slice %arg9[%run_scoped3A_634, %dma_wait3A_817, %dma_wait3A_818] : memref<3x100x128xf32, #tpu.memory_space<vmem>> -> memref<1x100x128xf32, #tpu.memory_space<vmem>>
      %dma_wait3A_820 = tpu.memref_squeeze %dma_wait3A_819 : memref<1x100x128xf32, #tpu.memory_space<vmem>> -> memref<100x128xf32, #tpu.memory_space<vmem>>
      %dma_wait3A_821 = arith.constant 0 : i32
      %dma_wait3A_822 = tpu.memref_slice %arg8[%run_scoped3A_635, %dma_wait3A_821] : memref<20x100xi32, #tpu.memory_space<vmem>> -> memref<1x100xi32, #tpu.memory_space<vmem>>
      %dma_wait3A_823 = tpu.memref_squeeze %dma_wait3A_822 : memref<1x100xi32, #tpu.memory_space<vmem>> -> memref<100xi32, #tpu.memory_space<vmem>>
      %dma_wait3A_824 = arith.constant 0 : i32
      %dma_wait3A_825 = arith.constant 0 : i32
      %dma_wait3A_826 = tpu.memref_slice %arg10[%dma_wait3A_824, %dma_wait3A_825] : memref<10000x128xf32, #tpu.memory_space<vmem_shared>> -> memref<10000x128xf32, #tpu.memory_space<vmem_shared>>
      tpu.wait_indirect_dma semaphore(%run_scoped3A_806 : memref<!tpu.dma_semaphore, #tpu.memory_space<semaphore_mem>>) src(%dma_wait3A_820 : memref<100x128xf32, #tpu.memory_space<vmem>>) dst(%dma_wait3A_826 : memref<10000x128xf32, #tpu.memory_space<vmem_shared>>)
      tpu.yield
    }) : () -> ()
    %dma_wait3A_636 = arith.constant 1 : i32
    %dma_wait3A_637 = arith.constant 1 : i32
    %dma_wait3A_638 = arith.constant 0 : i32
    %dma_wait3A_639 = arith.constant 0 : i32
    %dma_wait3A_640 = tpu.memref_slice %arg9[%dma_wait3A_636, %dma_wait3A_638, %dma_wait3A_639] : memref<3x100x128xf32, #tpu.memory_space<vmem>> -> memref<1x100x128xf32, #tpu.memory_space<vmem>>
    %dma_wait3A_641 = tpu.memref_squeeze %dma_wait3A_640 : memref<1x100x128xf32, #tpu.memory_space<vmem>> -> memref<100x128xf32, #tpu.memory_space<vmem>>
    %dma_wait3A_642 = tpu.memref_slice %arg11[%dma_wait3A_637] : memref<3x!tpu.dma_semaphore, #tpu.memory_space<semaphore_mem>> -> memref<1x!tpu.dma_semaphore, #tpu.memory_space<semaphore_mem>>
    %dma_wait3A_643 = tpu.memref_squeeze %dma_wait3A_642 : memref<1x!tpu.dma_semaphore, #tpu.memory_space<semaphore_mem>> -> memref<!tpu.dma_semaphore, #tpu.memory_space<semaphore_mem>>
    %dma_wait3A_644 = arith.constant 0 : i32
    %dma_wait3A_645 = arith.constant 0 : i32
    %dma_wait3A_646 = tpu.memref_slice %arg9[%dma_wait3A_636, %dma_wait3A_644, %dma_wait3A_645] : memref<3x100x128xf32, #tpu.memory_space<vmem>> -> memref<1x100x128xf32, #tpu.memory_space<vmem>>
    %dma_wait3A_647 = tpu.memref_squeeze %dma_wait3A_646 : memref<1x100x128xf32, #tpu.memory_space<vmem>> -> memref<100x128xf32, #tpu.memory_space<vmem>>
    tpu.wait_dma2 semaphore(%dma_wait3A_643 : memref<!tpu.dma_semaphore, #tpu.memory_space<semaphore_mem>>) src(%arg5 : memref<100x128xf32, #tpu.memory_space<hbm>>) dst(%dma_wait3A_647 : memref<100x128xf32, #tpu.memory_space<vmem>>)
    %run_scoped3A_648 = arith.constant 1 : i32
    %run_scoped3A_649 = arith.constant 19 : i32
    "tpu.region"() ({
      %run_scoped3A_806 = tpu.sem_alloc : memref<!tpu.dma_semaphore, #tpu.memory_space<semaphore_mem>>
      %dma_start3A_807 = arith.constant 0 : i32
      %dma_start3A_808 = arith.constant 0 : i32
      %dma_start3A_809 = tpu.memref_slice %arg9[%run_scoped3A_648, %dma_start3A_807, %dma_start3A_808] : memref<3x100x128xf32, #tpu.memory_space<vmem>> -> memref<1x100x128xf32, #tpu.memory_space<vmem>>
      %dma_start3A_810 = tpu.memref_squeeze %dma_start3A_809 : memref<1x100x128xf32, #tpu.memory_space<vmem>> -> memref<100x128xf32, #tpu.memory_space<vmem>>
      %dma_start3A_811 = arith.constant 0 : i32
      %dma_start3A_812 = tpu.memref_slice %arg8[%run_scoped3A_649, %dma_start3A_811] : memref<20x100xi32, #tpu.memory_space<vmem>> -> memref<1x100xi32, #tpu.memory_space<vmem>>
      %dma_start3A_813 = tpu.memref_squeeze %dma_start3A_812 : memref<1x100xi32, #tpu.memory_space<vmem>> -> memref<100xi32, #tpu.memory_space<vmem>>
      %dma_start3A_814 = arith.constant 0 : i32
      %dma_start3A_815 = arith.constant 0 : i32
      %dma_start3A_816 = tpu.memref_slice %arg10[%dma_start3A_814, %dma_start3A_815] : memref<10000x128xf32, #tpu.memory_space<vmem_shared>> -> memref<10000x128xf32, #tpu.memory_space<vmem_shared>>
      tpu.enqueue_indirect_dma source(%dma_start3A_810 : memref<100x128xf32, #tpu.memory_space<vmem>>) target(%dma_start3A_816 : memref<10000x128xf32, #tpu.memory_space<vmem_shared>>) offsets(%dma_start3A_813 : memref<100xi32, #tpu.memory_space<vmem>>) semaphore(%run_scoped3A_806 : memref<!tpu.dma_semaphore, #tpu.memory_space<semaphore_mem>>) {add = true}
      %dma_wait3A_817 = arith.constant 0 : i32
      %dma_wait3A_818 = arith.constant 0 : i32
      %dma_wait3A_819 = tpu.memref_slice %arg9[%run_scoped3A_648, %dma_wait3A_817, %dma_wait3A_818] : memref<3x100x128xf32, #tpu.memory_space<vmem>> -> memref<1x100x128xf32, #tpu.memory_space<vmem>>
      %dma_wait3A_820 = tpu.memref_squeeze %dma_wait3A_819 : memref<1x100x128xf32, #tpu.memory_space<vmem>> -> memref<100x128xf32, #tpu.memory_space<vmem>>
      %dma_wait3A_821 = arith.constant 0 : i32
      %dma_wait3A_822 = tpu.memref_slice %arg8[%run_scoped3A_649, %dma_wait3A_821] : memref<20x100xi32, #tpu.memory_space<vmem>> -> memref<1x100xi32, #tpu.memory_space<vmem>>
      %dma_wait3A_823 = tpu.memref_squeeze %dma_wait3A_822 : memref<1x100xi32, #tpu.memory_space<vmem>> -> memref<100xi32, #tpu.memory_space<vmem>>
      %dma_wait3A_824 = arith.constant 0 : i32
      %dma_wait3A_825 = arith.constant 0 : i32
      %dma_wait3A_826 = tpu.memref_slice %arg10[%dma_wait3A_824, %dma_wait3A_825] : memref<10000x128xf32, #tpu.memory_space<vmem_shared>> -> memref<10000x128xf32, #tpu.memory_space<vmem_shared>>
      tpu.wait_indirect_dma semaphore(%run_scoped3A_806 : memref<!tpu.dma_semaphore, #tpu.memory_space<semaphore_mem>>) src(%dma_wait3A_820 : memref<100x128xf32, #tpu.memory_space<vmem>>) dst(%dma_wait3A_826 : memref<10000x128xf32, #tpu.memory_space<vmem_shared>>)
      tpu.yield
    }) : () -> ()
    %run_scoped3A_650 = arith.constant 4 : i32
    "tpu.region"() ({
      %run_scoped3A_806 = tpu.sem_alloc : memref<!tpu.dma_semaphore, #tpu.memory_space<semaphore_mem>>
      %dma_start3A_807 = arith.constant 0 : i32
      %dma_start3A_808 = arith.constant 0 : i32
      %dma_start3A_809 = tpu.memref_slice %arg3[%add3A, %run_scoped3A_650, %dma_start3A_807, %dma_start3A_808] : memref<32x5x20x100xi32, #tpu.memory_space<hbm>> -> memref<1x1x20x100xi32, #tpu.memory_space<hbm>>
      %dma_start3A_810 = tpu.memref_squeeze %dma_start3A_809 : memref<1x1x20x100xi32, #tpu.memory_space<hbm>> -> memref<20x100xi32, #tpu.memory_space<hbm>>
      %dma_start3A_811 = arith.constant 0 : i32
      %dma_start3A_812 = arith.constant 0 : i32
      %dma_start3A_813 = tpu.memref_slice %arg3[%add3A, %run_scoped3A_650, %dma_start3A_811, %dma_start3A_812] : memref<32x5x20x100xi32, #tpu.memory_space<hbm>> -> memref<1x1x20x100xi32, #tpu.memory_space<hbm>>
      %dma_start3A_814 = tpu.memref_squeeze %dma_start3A_813 : memref<1x1x20x100xi32, #tpu.memory_space<hbm>> -> memref<20x100xi32, #tpu.memory_space<hbm>>
      tpu.enqueue_dma source(%dma_start3A_814 : memref<20x100xi32, #tpu.memory_space<hbm>>) target(%arg7 : memref<20x100xi32, #tpu.memory_space<vmem>>) target_semaphore(%run_scoped3A_806 : memref<!tpu.dma_semaphore, #tpu.memory_space<semaphore_mem>>)
      %dma_wait3A_815 = arith.constant 0 : i32
      %dma_wait3A_816 = arith.constant 0 : i32
      %dma_wait3A_817 = tpu.memref_slice %arg3[%add3A, %run_scoped3A_650, %dma_wait3A_815, %dma_wait3A_816] : memref<32x5x20x100xi32, #tpu.memory_space<hbm>> -> memref<1x1x20x100xi32, #tpu.memory_space<hbm>>
      %dma_wait3A_818 = tpu.memref_squeeze %dma_wait3A_817 : memref<1x1x20x100xi32, #tpu.memory_space<hbm>> -> memref<20x100xi32, #tpu.memory_space<hbm>>
      %dma_wait3A_819 = arith.constant 0 : i32
      %dma_wait3A_820 = arith.constant 0 : i32
      %dma_wait3A_821 = tpu.memref_slice %arg3[%add3A, %run_scoped3A_650, %dma_wait3A_819, %dma_wait3A_820] : memref<32x5x20x100xi32, #tpu.memory_space<hbm>> -> memref<1x1x20x100xi32, #tpu.memory_space<hbm>>
      %dma_wait3A_822 = tpu.memref_squeeze %dma_wait3A_821 : memref<1x1x20x100xi32, #tpu.memory_space<hbm>> -> memref<20x100xi32, #tpu.memory_space<hbm>>
      tpu.wait_dma2 semaphore(%run_scoped3A_806 : memref<!tpu.dma_semaphore, #tpu.memory_space<semaphore_mem>>) src(%dma_wait3A_822 : memref<20x100xi32, #tpu.memory_space<hbm>>) dst(%arg7 : memref<20x100xi32, #tpu.memory_space<vmem>>)
      tpu.yield
    }) : () -> ()
    %run_scoped3A_651 = arith.constant 4 : i32
    "tpu.region"() ({
      %run_scoped3A_806 = tpu.sem_alloc : memref<!tpu.dma_semaphore, #tpu.memory_space<semaphore_mem>>
      %dma_start3A_807 = arith.constant 0 : i32
      %dma_start3A_808 = arith.constant 0 : i32
      %dma_start3A_809 = tpu.memref_slice %arg4[%add3A, %run_scoped3A_651, %dma_start3A_807, %dma_start3A_808] : memref<32x5x20x100xi32, #tpu.memory_space<hbm>> -> memref<1x1x20x100xi32, #tpu.memory_space<hbm>>
      %dma_start3A_810 = tpu.memref_squeeze %dma_start3A_809 : memref<1x1x20x100xi32, #tpu.memory_space<hbm>> -> memref<20x100xi32, #tpu.memory_space<hbm>>
      %dma_start3A_811 = arith.constant 0 : i32
      %dma_start3A_812 = arith.constant 0 : i32
      %dma_start3A_813 = tpu.memref_slice %arg4[%add3A, %run_scoped3A_651, %dma_start3A_811, %dma_start3A_812] : memref<32x5x20x100xi32, #tpu.memory_space<hbm>> -> memref<1x1x20x100xi32, #tpu.memory_space<hbm>>
      %dma_start3A_814 = tpu.memref_squeeze %dma_start3A_813 : memref<1x1x20x100xi32, #tpu.memory_space<hbm>> -> memref<20x100xi32, #tpu.memory_space<hbm>>
      tpu.enqueue_dma source(%dma_start3A_814 : memref<20x100xi32, #tpu.memory_space<hbm>>) target(%arg8 : memref<20x100xi32, #tpu.memory_space<vmem>>) target_semaphore(%run_scoped3A_806 : memref<!tpu.dma_semaphore, #tpu.memory_space<semaphore_mem>>)
      %dma_wait3A_815 = arith.constant 0 : i32
      %dma_wait3A_816 = arith.constant 0 : i32
      %dma_wait3A_817 = tpu.memref_slice %arg4[%add3A, %run_scoped3A_651, %dma_wait3A_815, %dma_wait3A_816] : memref<32x5x20x100xi32, #tpu.memory_space<hbm>> -> memref<1x1x20x100xi32, #tpu.memory_space<hbm>>
      %dma_wait3A_818 = tpu.memref_squeeze %dma_wait3A_817 : memref<1x1x20x100xi32, #tpu.memory_space<hbm>> -> memref<20x100xi32, #tpu.memory_space<hbm>>
      %dma_wait3A_819 = arith.constant 0 : i32
      %dma_wait3A_820 = arith.constant 0 : i32
      %dma_wait3A_821 = tpu.memref_slice %arg4[%add3A, %run_scoped3A_651, %dma_wait3A_819, %dma_wait3A_820] : memref<32x5x20x100xi32, #tpu.memory_space<hbm>> -> memref<1x1x20x100xi32, #tpu.memory_space<hbm>>
      %dma_wait3A_822 = tpu.memref_squeeze %dma_wait3A_821 : memref<1x1x20x100xi32, #tpu.memory_space<hbm>> -> memref<20x100xi32, #tpu.memory_space<hbm>>
      tpu.wait_dma2 semaphore(%run_scoped3A_806 : memref<!tpu.dma_semaphore, #tpu.memory_space<semaphore_mem>>) src(%dma_wait3A_822 : memref<20x100xi32, #tpu.memory_space<hbm>>) dst(%arg8 : memref<20x100xi32, #tpu.memory_space<vmem>>)
      tpu.yield
    }) : () -> ()
    %dma_start3A_652 = arith.constant 0 : i32
    %dma_start3A_653 = arith.constant 0 : i32
    %dma_start3A_654 = arith.constant 0 : i32
    %dma_start3A_655 = arith.constant 0 : i32
    %dma_start3A_656 = arith.constant 0 : i32
    %dma_start3A_657 = tpu.memref_slice %arg9[%dma_start3A_653, %dma_start3A_655, %dma_start3A_656] : memref<3x100x128xf32, #tpu.memory_space<vmem>> -> memref<1x100x128xf32, #tpu.memory_space<vmem>>
    %dma_start3A_658 = tpu.memref_squeeze %dma_start3A_657 : memref<1x100x128xf32, #tpu.memory_space<vmem>> -> memref<100x128xf32, #tpu.memory_space<vmem>>
    %dma_start3A_659 = arith.constant 0 : i32
    %dma_start3A_660 = tpu.memref_slice %arg7[%dma_start3A_652, %dma_start3A_659] : memref<20x100xi32, #tpu.memory_space<vmem>> -> memref<1x100xi32, #tpu.memory_space<vmem>>
    %dma_start3A_661 = tpu.memref_squeeze %dma_start3A_660 : memref<1x100xi32, #tpu.memory_space<vmem>> -> memref<100xi32, #tpu.memory_space<vmem>>
    %dma_start3A_662 = arith.constant 0 : i32
    %dma_start3A_663 = arith.constant 0 : i32
    %dma_start3A_664 = tpu.memref_slice %arg2[%dma_start3A_662, %dma_start3A_663] : memref<80000x128xf32, #tpu.memory_space<hbm>> -> memref<80000x128xf32, #tpu.memory_space<hbm>>
    %dma_start3A_665 = tpu.memref_slice %arg11[%dma_start3A_654] : memref<3x!tpu.dma_semaphore, #tpu.memory_space<semaphore_mem>> -> memref<1x!tpu.dma_semaphore, #tpu.memory_space<semaphore_mem>>
    %dma_start3A_666 = tpu.memref_squeeze %dma_start3A_665 : memref<1x!tpu.dma_semaphore, #tpu.memory_space<semaphore_mem>> -> memref<!tpu.dma_semaphore, #tpu.memory_space<semaphore_mem>>
    tpu.enqueue_indirect_dma source(%dma_start3A_664 : memref<80000x128xf32, #tpu.memory_space<hbm>>) target(%dma_start3A_658 : memref<100x128xf32, #tpu.memory_space<vmem>>) offsets(%dma_start3A_661 : memref<100xi32, #tpu.memory_space<vmem>>) semaphore(%dma_start3A_666 : memref<!tpu.dma_semaphore, #tpu.memory_space<semaphore_mem>>)
    %dma_start3A_667 = arith.constant 1 : i32
    %dma_start3A_668 = arith.constant 1 : i32
    %dma_start3A_669 = arith.constant 1 : i32
    %dma_start3A_670 = arith.constant 0 : i32
    %dma_start3A_671 = arith.constant 0 : i32
    %dma_start3A_672 = tpu.memref_slice %arg9[%dma_start3A_668, %dma_start3A_670, %dma_start3A_671] : memref<3x100x128xf32, #tpu.memory_space<vmem>> -> memref<1x100x128xf32, #tpu.memory_space<vmem>>
    %dma_start3A_673 = tpu.memref_squeeze %dma_start3A_672 : memref<1x100x128xf32, #tpu.memory_space<vmem>> -> memref<100x128xf32, #tpu.memory_space<vmem>>
    %dma_start3A_674 = arith.constant 0 : i32
    %dma_start3A_675 = tpu.memref_slice %arg7[%dma_start3A_667, %dma_start3A_674] : memref<20x100xi32, #tpu.memory_space<vmem>> -> memref<1x100xi32, #tpu.memory_space<vmem>>
    %dma_start3A_676 = tpu.memref_squeeze %dma_start3A_675 : memref<1x100xi32, #tpu.memory_space<vmem>> -> memref<100xi32, #tpu.memory_space<vmem>>
    %dma_start3A_677 = arith.constant 0 : i32
    %dma_start3A_678 = arith.constant 0 : i32
    %dma_start3A_679 = tpu.memref_slice %arg2[%dma_start3A_677, %dma_start3A_678] : memref<80000x128xf32, #tpu.memory_space<hbm>> -> memref<80000x128xf32, #tpu.memory_space<hbm>>
    %dma_start3A_680 = tpu.memref_slice %arg11[%dma_start3A_669] : memref<3x!tpu.dma_semaphore, #tpu.memory_space<semaphore_mem>> -> memref<1x!tpu.dma_semaphore, #tpu.memory_space<semaphore_mem>>
    %dma_start3A_681 = tpu.memref_squeeze %dma_start3A_680 : memref<1x!tpu.dma_semaphore, #tpu.memory_space<semaphore_mem>> -> memref<!tpu.dma_semaphore, #tpu.memory_space<semaphore_mem>>
    tpu.enqueue_indirect_dma source(%dma_start3A_679 : memref<80000x128xf32, #tpu.memory_space<hbm>>) target(%dma_start3A_673 : memref<100x128xf32, #tpu.memory_space<vmem>>) offsets(%dma_start3A_676 : memref<100xi32, #tpu.memory_space<vmem>>) semaphore(%dma_start3A_681 : memref<!tpu.dma_semaphore, #tpu.memory_space<semaphore_mem>>)
    %dma_start3A_682 = arith.constant 2 : i32
    %dma_start3A_683 = arith.constant 2 : i32
    %dma_start3A_684 = arith.constant 2 : i32
    %dma_start3A_685 = arith.constant 0 : i32
    %dma_start3A_686 = arith.constant 0 : i32
    %dma_start3A_687 = tpu.memref_slice %arg9[%dma_start3A_683, %dma_start3A_685, %dma_start3A_686] : memref<3x100x128xf32, #tpu.memory_space<vmem>> -> memref<1x100x128xf32, #tpu.memory_space<vmem>>
    %dma_start3A_688 = tpu.memref_squeeze %dma_start3A_687 : memref<1x100x128xf32, #tpu.memory_space<vmem>> -> memref<100x128xf32, #tpu.memory_space<vmem>>
    %dma_start3A_689 = arith.constant 0 : i32
    %dma_start3A_690 = tpu.memref_slice %arg7[%dma_start3A_682, %dma_start3A_689] : memref<20x100xi32, #tpu.memory_space<vmem>> -> memref<1x100xi32, #tpu.memory_space<vmem>>
    %dma_start3A_691 = tpu.memref_squeeze %dma_start3A_690 : memref<1x100xi32, #tpu.memory_space<vmem>> -> memref<100xi32, #tpu.memory_space<vmem>>
    %dma_start3A_692 = arith.constant 0 : i32
    %dma_start3A_693 = arith.constant 0 : i32
    %dma_start3A_694 = tpu.memref_slice %arg2[%dma_start3A_692, %dma_start3A_693] : memref<80000x128xf32, #tpu.memory_space<hbm>> -> memref<80000x128xf32, #tpu.memory_space<hbm>>
    %dma_start3A_695 = tpu.memref_slice %arg11[%dma_start3A_684] : memref<3x!tpu.dma_semaphore, #tpu.memory_space<semaphore_mem>> -> memref<1x!tpu.dma_semaphore, #tpu.memory_space<semaphore_mem>>
    %dma_start3A_696 = tpu.memref_squeeze %dma_start3A_695 : memref<1x!tpu.dma_semaphore, #tpu.memory_space<semaphore_mem>> -> memref<!tpu.dma_semaphore, #tpu.memory_space<semaphore_mem>>
    tpu.enqueue_indirect_dma source(%dma_start3A_694 : memref<80000x128xf32, #tpu.memory_space<hbm>>) target(%dma_start3A_688 : memref<100x128xf32, #tpu.memory_space<vmem>>) offsets(%dma_start3A_691 : memref<100xi32, #tpu.memory_space<vmem>>) semaphore(%dma_start3A_696 : memref<!tpu.dma_semaphore, #tpu.memory_space<semaphore_mem>>)
    %scan3A_697 = arith.constant 0 : i32
    %scan3A_698 = arith.constant 0 : i32
    %scan3A_699 = arith.constant 5 : i32
    %scan3A_700 = arith.addi %scan3A_698, %scan3A_699 : i32
    %scan3A_701 = arith.constant 1 : i32
    scf.for %scan3A_806 = %scan3A_698 to %scan3A_700 step %scan3A_701  : i32 {
      %mul3A_807 = arith.constant 3 : i32
      %mul3A_808 = arith.muli %scan3A_806, %mul3A_807 : i32
      %add3A_809 = arith.constant 0 : i32
      %add3A_810 = arith.addi %mul3A_808, %add3A_809 : i32
      %dma_wait3A_811 = arith.constant 0 : i32
      %dma_wait3A_812 = arith.constant 0 : i32
      %dma_wait3A_813 = arith.constant 0 : i32
      %dma_wait3A_814 = arith.constant 0 : i32
      %dma_wait3A_815 = tpu.memref_slice %arg9[%dma_wait3A_811, %dma_wait3A_813, %dma_wait3A_814] : memref<3x100x128xf32, #tpu.memory_space<vmem>> -> memref<1x100x128xf32, #tpu.memory_space<vmem>>
      %dma_wait3A_816 = tpu.memref_squeeze %dma_wait3A_815 : memref<1x100x128xf32, #tpu.memory_space<vmem>> -> memref<100x128xf32, #tpu.memory_space<vmem>>
      %dma_wait3A_817 = tpu.memref_slice %arg11[%dma_wait3A_812] : memref<3x!tpu.dma_semaphore, #tpu.memory_space<semaphore_mem>> -> memref<1x!tpu.dma_semaphore, #tpu.memory_space<semaphore_mem>>
      %dma_wait3A_818 = tpu.memref_squeeze %dma_wait3A_817 : memref<1x!tpu.dma_semaphore, #tpu.memory_space<semaphore_mem>> -> memref<!tpu.dma_semaphore, #tpu.memory_space<semaphore_mem>>
      %dma_wait3A_819 = arith.constant 0 : i32
      %dma_wait3A_820 = arith.constant 0 : i32
      %dma_wait3A_821 = tpu.memref_slice %arg9[%dma_wait3A_811, %dma_wait3A_819, %dma_wait3A_820] : memref<3x100x128xf32, #tpu.memory_space<vmem>> -> memref<1x100x128xf32, #tpu.memory_space<vmem>>
      %dma_wait3A_822 = tpu.memref_squeeze %dma_wait3A_821 : memref<1x100x128xf32, #tpu.memory_space<vmem>> -> memref<100x128xf32, #tpu.memory_space<vmem>>
      tpu.wait_dma2 semaphore(%dma_wait3A_818 : memref<!tpu.dma_semaphore, #tpu.memory_space<semaphore_mem>>) src(%arg5 : memref<100x128xf32, #tpu.memory_space<hbm>>) dst(%dma_wait3A_822 : memref<100x128xf32, #tpu.memory_space<vmem>>)
      %run_scoped3A_823 = arith.constant 0 : i32
      "tpu.region"() ({
        %run_scoped3A_906 = tpu.sem_alloc : memref<!tpu.dma_semaphore, #tpu.memory_space<semaphore_mem>>
        %dma_start3A_907 = arith.constant 0 : i32
        %dma_start3A_908 = arith.constant 0 : i32
        %dma_start3A_909 = tpu.memref_slice %arg9[%run_scoped3A_823, %dma_start3A_907, %dma_start3A_908] : memref<3x100x128xf32, #tpu.memory_space<vmem>> -> memref<1x100x128xf32, #tpu.memory_space<vmem>>
        %dma_start3A_910 = tpu.memref_squeeze %dma_start3A_909 : memref<1x100x128xf32, #tpu.memory_space<vmem>> -> memref<100x128xf32, #tpu.memory_space<vmem>>
        %dma_start3A_911 = arith.constant 0 : i32
        %dma_start3A_912 = tpu.memref_slice %arg8[%add3A_810, %dma_start3A_911] : memref<20x100xi32, #tpu.memory_space<vmem>> -> memref<1x100xi32, #tpu.memory_space<vmem>>
        %dma_start3A_913 = tpu.memref_squeeze %dma_start3A_912 : memref<1x100xi32, #tpu.memory_space<vmem>> -> memref<100xi32, #tpu.memory_space<vmem>>
        %dma_start3A_914 = arith.constant 0 : i32
        %dma_start3A_915 = arith.constant 0 : i32
        %dma_start3A_916 = tpu.memref_slice %arg10[%dma_start3A_914, %dma_start3A_915] : memref<10000x128xf32, #tpu.memory_space<vmem_shared>> -> memref<10000x128xf32, #tpu.memory_space<vmem_shared>>
        tpu.enqueue_indirect_dma source(%dma_start3A_910 : memref<100x128xf32, #tpu.memory_space<vmem>>) target(%dma_start3A_916 : memref<10000x128xf32, #tpu.memory_space<vmem_shared>>) offsets(%dma_start3A_913 : memref<100xi32, #tpu.memory_space<vmem>>) semaphore(%run_scoped3A_906 : memref<!tpu.dma_semaphore, #tpu.memory_space<semaphore_mem>>) {add = true}
        %dma_wait3A_917 = arith.constant 0 : i32
        %dma_wait3A_918 = arith.constant 0 : i32
        %dma_wait3A_919 = tpu.memref_slice %arg9[%run_scoped3A_823, %dma_wait3A_917, %dma_wait3A_918] : memref<3x100x128xf32, #tpu.memory_space<vmem>> -> memref<1x100x128xf32, #tpu.memory_space<vmem>>
        %dma_wait3A_920 = tpu.memref_squeeze %dma_wait3A_919 : memref<1x100x128xf32, #tpu.memory_space<vmem>> -> memref<100x128xf32, #tpu.memory_space<vmem>>
        %dma_wait3A_921 = arith.constant 0 : i32
        %dma_wait3A_922 = tpu.memref_slice %arg8[%add3A_810, %dma_wait3A_921] : memref<20x100xi32, #tpu.memory_space<vmem>> -> memref<1x100xi32, #tpu.memory_space<vmem>>
        %dma_wait3A_923 = tpu.memref_squeeze %dma_wait3A_922 : memref<1x100xi32, #tpu.memory_space<vmem>> -> memref<100xi32, #tpu.memory_space<vmem>>
        %dma_wait3A_924 = arith.constant 0 : i32
        %dma_wait3A_925 = arith.constant 0 : i32
        %dma_wait3A_926 = tpu.memref_slice %arg10[%dma_wait3A_924, %dma_wait3A_925] : memref<10000x128xf32, #tpu.memory_space<vmem_shared>> -> memref<10000x128xf32, #tpu.memory_space<vmem_shared>>
        tpu.wait_indirect_dma semaphore(%run_scoped3A_906 : memref<!tpu.dma_semaphore, #tpu.memory_space<semaphore_mem>>) src(%dma_wait3A_920 : memref<100x128xf32, #tpu.memory_space<vmem>>) dst(%dma_wait3A_926 : memref<10000x128xf32, #tpu.memory_space<vmem_shared>>)
        tpu.yield
      }) : () -> ()
      %add3A_824 = arith.constant 3 : i32
      %add3A_825 = arith.addi %add3A_810, %add3A_824 : i32
      %dma_start3A_826 = arith.constant 0 : i32
      %dma_start3A_827 = arith.constant 0 : i32
      %dma_start3A_828 = arith.constant 0 : i32
      %dma_start3A_829 = arith.constant 0 : i32
      %dma_start3A_830 = tpu.memref_slice %arg9[%dma_start3A_826, %dma_start3A_828, %dma_start3A_829] : memref<3x100x128xf32, #tpu.memory_space<vmem>> -> memref<1x100x128xf32, #tpu.memory_space<vmem>>
      %dma_start3A_831 = tpu.memref_squeeze %dma_start3A_830 : memref<1x100x128xf32, #tpu.memory_space<vmem>> -> memref<100x128xf32, #tpu.memory_space<vmem>>
      %dma_start3A_832 = arith.constant 0 : i32
      %dma_start3A_833 = tpu.memref_slice %arg7[%add3A_825, %dma_start3A_832] : memref<20x100xi32, #tpu.memory_space<vmem>> -> memref<1x100xi32, #tpu.memory_space<vmem>>
      %dma_start3A_834 = tpu.memref_squeeze %dma_start3A_833 : memref<1x100xi32, #tpu.memory_space<vmem>> -> memref<100xi32, #tpu.memory_space<vmem>>
      %dma_start3A_835 = arith.constant 0 : i32
      %dma_start3A_836 = arith.constant 0 : i32
      %dma_start3A_837 = tpu.memref_slice %arg2[%dma_start3A_835, %dma_start3A_836] : memref<80000x128xf32, #tpu.memory_space<hbm>> -> memref<80000x128xf32, #tpu.memory_space<hbm>>
      %dma_start3A_838 = tpu.memref_slice %arg11[%dma_start3A_827] : memref<3x!tpu.dma_semaphore, #tpu.memory_space<semaphore_mem>> -> memref<1x!tpu.dma_semaphore, #tpu.memory_space<semaphore_mem>>
      %dma_start3A_839 = tpu.memref_squeeze %dma_start3A_838 : memref<1x!tpu.dma_semaphore, #tpu.memory_space<semaphore_mem>> -> memref<!tpu.dma_semaphore, #tpu.memory_space<semaphore_mem>>
      tpu.enqueue_indirect_dma source(%dma_start3A_837 : memref<80000x128xf32, #tpu.memory_space<hbm>>) target(%dma_start3A_831 : memref<100x128xf32, #tpu.memory_space<vmem>>) offsets(%dma_start3A_834 : memref<100xi32, #tpu.memory_space<vmem>>) semaphore(%dma_start3A_839 : memref<!tpu.dma_semaphore, #tpu.memory_space<semaphore_mem>>)
      %mul3A_840 = arith.constant 3 : i32
      %mul3A_841 = arith.muli %scan3A_806, %mul3A_840 : i32
      %add3A_842 = arith.constant 1 : i32
      %add3A_843 = arith.addi %mul3A_841, %add3A_842 : i32
      %dma_wait3A_844 = arith.constant 1 : i32
      %dma_wait3A_845 = arith.constant 1 : i32
      %dma_wait3A_846 = arith.constant 0 : i32
      %dma_wait3A_847 = arith.constant 0 : i32
      %dma_wait3A_848 = tpu.memref_slice %arg9[%dma_wait3A_844, %dma_wait3A_846, %dma_wait3A_847] : memref<3x100x128xf32, #tpu.memory_space<vmem>> -> memref<1x100x128xf32, #tpu.memory_space<vmem>>
      %dma_wait3A_849 = tpu.memref_squeeze %dma_wait3A_848 : memref<1x100x128xf32, #tpu.memory_space<vmem>> -> memref<100x128xf32, #tpu.memory_space<vmem>>
      %dma_wait3A_850 = tpu.memref_slice %arg11[%dma_wait3A_845] : memref<3x!tpu.dma_semaphore, #tpu.memory_space<semaphore_mem>> -> memref<1x!tpu.dma_semaphore, #tpu.memory_space<semaphore_mem>>
      %dma_wait3A_851 = tpu.memref_squeeze %dma_wait3A_850 : memref<1x!tpu.dma_semaphore, #tpu.memory_space<semaphore_mem>> -> memref<!tpu.dma_semaphore, #tpu.memory_space<semaphore_mem>>
      %dma_wait3A_852 = arith.constant 0 : i32
      %dma_wait3A_853 = arith.constant 0 : i32
      %dma_wait3A_854 = tpu.memref_slice %arg9[%dma_wait3A_844, %dma_wait3A_852, %dma_wait3A_853] : memref<3x100x128xf32, #tpu.memory_space<vmem>> -> memref<1x100x128xf32, #tpu.memory_space<vmem>>
      %dma_wait3A_855 = tpu.memref_squeeze %dma_wait3A_854 : memref<1x100x128xf32, #tpu.memory_space<vmem>> -> memref<100x128xf32, #tpu.memory_space<vmem>>
      tpu.wait_dma2 semaphore(%dma_wait3A_851 : memref<!tpu.dma_semaphore, #tpu.memory_space<semaphore_mem>>) src(%arg5 : memref<100x128xf32, #tpu.memory_space<hbm>>) dst(%dma_wait3A_855 : memref<100x128xf32, #tpu.memory_space<vmem>>)
      %run_scoped3A_856 = arith.constant 1 : i32
      "tpu.region"() ({
        %run_scoped3A_906 = tpu.sem_alloc : memref<!tpu.dma_semaphore, #tpu.memory_space<semaphore_mem>>
        %dma_start3A_907 = arith.constant 0 : i32
        %dma_start3A_908 = arith.constant 0 : i32
        %dma_start3A_909 = tpu.memref_slice %arg9[%run_scoped3A_856, %dma_start3A_907, %dma_start3A_908] : memref<3x100x128xf32, #tpu.memory_space<vmem>> -> memref<1x100x128xf32, #tpu.memory_space<vmem>>
        %dma_start3A_910 = tpu.memref_squeeze %dma_start3A_909 : memref<1x100x128xf32, #tpu.memory_space<vmem>> -> memref<100x128xf32, #tpu.memory_space<vmem>>
        %dma_start3A_911 = arith.constant 0 : i32
        %dma_start3A_912 = tpu.memref_slice %arg8[%add3A_843, %dma_start3A_911] : memref<20x100xi32, #tpu.memory_space<vmem>> -> memref<1x100xi32, #tpu.memory_space<vmem>>
        %dma_start3A_913 = tpu.memref_squeeze %dma_start3A_912 : memref<1x100xi32, #tpu.memory_space<vmem>> -> memref<100xi32, #tpu.memory_space<vmem>>
        %dma_start3A_914 = arith.constant 0 : i32
        %dma_start3A_915 = arith.constant 0 : i32
        %dma_start3A_916 = tpu.memref_slice %arg10[%dma_start3A_914, %dma_start3A_915] : memref<10000x128xf32, #tpu.memory_space<vmem_shared>> -> memref<10000x128xf32, #tpu.memory_space<vmem_shared>>
        tpu.enqueue_indirect_dma source(%dma_start3A_910 : memref<100x128xf32, #tpu.memory_space<vmem>>) target(%dma_start3A_916 : memref<10000x128xf32, #tpu.memory_space<vmem_shared>>) offsets(%dma_start3A_913 : memref<100xi32, #tpu.memory_space<vmem>>) semaphore(%run_scoped3A_906 : memref<!tpu.dma_semaphore, #tpu.memory_space<semaphore_mem>>) {add = true}
        %dma_wait3A_917 = arith.constant 0 : i32
        %dma_wait3A_918 = arith.constant 0 : i32
        %dma_wait3A_919 = tpu.memref_slice %arg9[%run_scoped3A_856, %dma_wait3A_917, %dma_wait3A_918] : memref<3x100x128xf32, #tpu.memory_space<vmem>> -> memref<1x100x128xf32, #tpu.memory_space<vmem>>
        %dma_wait3A_920 = tpu.memref_squeeze %dma_wait3A_919 : memref<1x100x128xf32, #tpu.memory_space<vmem>> -> memref<100x128xf32, #tpu.memory_space<vmem>>
        %dma_wait3A_921 = arith.constant 0 : i32
        %dma_wait3A_922 = tpu.memref_slice %arg8[%add3A_843, %dma_wait3A_921] : memref<20x100xi32, #tpu.memory_space<vmem>> -> memref<1x100xi32, #tpu.memory_space<vmem>>
        %dma_wait3A_923 = tpu.memref_squeeze %dma_wait3A_922 : memref<1x100xi32, #tpu.memory_space<vmem>> -> memref<100xi32, #tpu.memory_space<vmem>>
        %dma_wait3A_924 = arith.constant 0 : i32
        %dma_wait3A_925 = arith.constant 0 : i32
        %dma_wait3A_926 = tpu.memref_slice %arg10[%dma_wait3A_924, %dma_wait3A_925] : memref<10000x128xf32, #tpu.memory_space<vmem_shared>> -> memref<10000x128xf32, #tpu.memory_space<vmem_shared>>
        tpu.wait_indirect_dma semaphore(%run_scoped3A_906 : memref<!tpu.dma_semaphore, #tpu.memory_space<semaphore_mem>>) src(%dma_wait3A_920 : memref<100x128xf32, #tpu.memory_space<vmem>>) dst(%dma_wait3A_926 : memref<10000x128xf32, #tpu.memory_space<vmem_shared>>)
        tpu.yield
      }) : () -> ()
      %add3A_857 = arith.constant 3 : i32
      %add3A_858 = arith.addi %add3A_843, %add3A_857 : i32
      %dma_start3A_859 = arith.constant 1 : i32
      %dma_start3A_860 = arith.constant 1 : i32
      %dma_start3A_861 = arith.constant 0 : i32
      %dma_start3A_862 = arith.constant 0 : i32
      %dma_start3A_863 = tpu.memref_slice %arg9[%dma_start3A_859, %dma_start3A_861, %dma_start3A_862] : memref<3x100x128xf32, #tpu.memory_space<vmem>> -> memref<1x100x128xf32, #tpu.memory_space<vmem>>
      %dma_start3A_864 = tpu.memref_squeeze %dma_start3A_863 : memref<1x100x128xf32, #tpu.memory_space<vmem>> -> memref<100x128xf32, #tpu.memory_space<vmem>>
      %dma_start3A_865 = arith.constant 0 : i32
      %dma_start3A_866 = tpu.memref_slice %arg7[%add3A_858, %dma_start3A_865] : memref<20x100xi32, #tpu.memory_space<vmem>> -> memref<1x100xi32, #tpu.memory_space<vmem>>
      %dma_start3A_867 = tpu.memref_squeeze %dma_start3A_866 : memref<1x100xi32, #tpu.memory_space<vmem>> -> memref<100xi32, #tpu.memory_space<vmem>>
      %dma_start3A_868 = arith.constant 0 : i32
      %dma_start3A_869 = arith.constant 0 : i32
      %dma_start3A_870 = tpu.memref_slice %arg2[%dma_start3A_868, %dma_start3A_869] : memref<80000x128xf32, #tpu.memory_space<hbm>> -> memref<80000x128xf32, #tpu.memory_space<hbm>>
      %dma_start3A_871 = tpu.memref_slice %arg11[%dma_start3A_860] : memref<3x!tpu.dma_semaphore, #tpu.memory_space<semaphore_mem>> -> memref<1x!tpu.dma_semaphore, #tpu.memory_space<semaphore_mem>>
      %dma_start3A_872 = tpu.memref_squeeze %dma_start3A_871 : memref<1x!tpu.dma_semaphore, #tpu.memory_space<semaphore_mem>> -> memref<!tpu.dma_semaphore, #tpu.memory_space<semaphore_mem>>
      tpu.enqueue_indirect_dma source(%dma_start3A_870 : memref<80000x128xf32, #tpu.memory_space<hbm>>) target(%dma_start3A_864 : memref<100x128xf32, #tpu.memory_space<vmem>>) offsets(%dma_start3A_867 : memref<100xi32, #tpu.memory_space<vmem>>) semaphore(%dma_start3A_872 : memref<!tpu.dma_semaphore, #tpu.memory_space<semaphore_mem>>)
      %mul3A_873 = arith.constant 3 : i32
      %mul3A_874 = arith.muli %scan3A_806, %mul3A_873 : i32
      %add3A_875 = arith.constant 2 : i32
      %add3A_876 = arith.addi %mul3A_874, %add3A_875 : i32
      %dma_wait3A_877 = arith.constant 2 : i32
      %dma_wait3A_878 = arith.constant 2 : i32
      %dma_wait3A_879 = arith.constant 0 : i32
      %dma_wait3A_880 = arith.constant 0 : i32
      %dma_wait3A_881 = tpu.memref_slice %arg9[%dma_wait3A_877, %dma_wait3A_879, %dma_wait3A_880] : memref<3x100x128xf32, #tpu.memory_space<vmem>> -> memref<1x100x128xf32, #tpu.memory_space<vmem>>
      %dma_wait3A_882 = tpu.memref_squeeze %dma_wait3A_881 : memref<1x100x128xf32, #tpu.memory_space<vmem>> -> memref<100x128xf32, #tpu.memory_space<vmem>>
      %dma_wait3A_883 = tpu.memref_slice %arg11[%dma_wait3A_878] : memref<3x!tpu.dma_semaphore, #tpu.memory_space<semaphore_mem>> -> memref<1x!tpu.dma_semaphore, #tpu.memory_space<semaphore_mem>>
      %dma_wait3A_884 = tpu.memref_squeeze %dma_wait3A_883 : memref<1x!tpu.dma_semaphore, #tpu.memory_space<semaphore_mem>> -> memref<!tpu.dma_semaphore, #tpu.memory_space<semaphore_mem>>
      %dma_wait3A_885 = arith.constant 0 : i32
      %dma_wait3A_886 = arith.constant 0 : i32
      %dma_wait3A_887 = tpu.memref_slice %arg9[%dma_wait3A_877, %dma_wait3A_885, %dma_wait3A_886] : memref<3x100x128xf32, #tpu.memory_space<vmem>> -> memref<1x100x128xf32, #tpu.memory_space<vmem>>
      %dma_wait3A_888 = tpu.memref_squeeze %dma_wait3A_887 : memref<1x100x128xf32, #tpu.memory_space<vmem>> -> memref<100x128xf32, #tpu.memory_space<vmem>>
      tpu.wait_dma2 semaphore(%dma_wait3A_884 : memref<!tpu.dma_semaphore, #tpu.memory_space<semaphore_mem>>) src(%arg5 : memref<100x128xf32, #tpu.memory_space<hbm>>) dst(%dma_wait3A_888 : memref<100x128xf32, #tpu.memory_space<vmem>>)
      %run_scoped3A_889 = arith.constant 2 : i32
      "tpu.region"() ({
        %run_scoped3A_906 = tpu.sem_alloc : memref<!tpu.dma_semaphore, #tpu.memory_space<semaphore_mem>>
        %dma_start3A_907 = arith.constant 0 : i32
        %dma_start3A_908 = arith.constant 0 : i32
        %dma_start3A_909 = tpu.memref_slice %arg9[%run_scoped3A_889, %dma_start3A_907, %dma_start3A_908] : memref<3x100x128xf32, #tpu.memory_space<vmem>> -> memref<1x100x128xf32, #tpu.memory_space<vmem>>
        %dma_start3A_910 = tpu.memref_squeeze %dma_start3A_909 : memref<1x100x128xf32, #tpu.memory_space<vmem>> -> memref<100x128xf32, #tpu.memory_space<vmem>>
        %dma_start3A_911 = arith.constant 0 : i32
        %dma_start3A_912 = tpu.memref_slice %arg8[%add3A_876, %dma_start3A_911] : memref<20x100xi32, #tpu.memory_space<vmem>> -> memref<1x100xi32, #tpu.memory_space<vmem>>
        %dma_start3A_913 = tpu.memref_squeeze %dma_start3A_912 : memref<1x100xi32, #tpu.memory_space<vmem>> -> memref<100xi32, #tpu.memory_space<vmem>>
        %dma_start3A_914 = arith.constant 0 : i32
        %dma_start3A_915 = arith.constant 0 : i32
        %dma_start3A_916 = tpu.memref_slice %arg10[%dma_start3A_914, %dma_start3A_915] : memref<10000x128xf32, #tpu.memory_space<vmem_shared>> -> memref<10000x128xf32, #tpu.memory_space<vmem_shared>>
        tpu.enqueue_indirect_dma source(%dma_start3A_910 : memref<100x128xf32, #tpu.memory_space<vmem>>) target(%dma_start3A_916 : memref<10000x128xf32, #tpu.memory_space<vmem_shared>>) offsets(%dma_start3A_913 : memref<100xi32, #tpu.memory_space<vmem>>) semaphore(%run_scoped3A_906 : memref<!tpu.dma_semaphore, #tpu.memory_space<semaphore_mem>>) {add = true}
        %dma_wait3A_917 = arith.constant 0 : i32
        %dma_wait3A_918 = arith.constant 0 : i32
        %dma_wait3A_919 = tpu.memref_slice %arg9[%run_scoped3A_889, %dma_wait3A_917, %dma_wait3A_918] : memref<3x100x128xf32, #tpu.memory_space<vmem>> -> memref<1x100x128xf32, #tpu.memory_space<vmem>>
        %dma_wait3A_920 = tpu.memref_squeeze %dma_wait3A_919 : memref<1x100x128xf32, #tpu.memory_space<vmem>> -> memref<100x128xf32, #tpu.memory_space<vmem>>
        %dma_wait3A_921 = arith.constant 0 : i32
        %dma_wait3A_922 = tpu.memref_slice %arg8[%add3A_876, %dma_wait3A_921] : memref<20x100xi32, #tpu.memory_space<vmem>> -> memref<1x100xi32, #tpu.memory_space<vmem>>
        %dma_wait3A_923 = tpu.memref_squeeze %dma_wait3A_922 : memref<1x100xi32, #tpu.memory_space<vmem>> -> memref<100xi32, #tpu.memory_space<vmem>>
        %dma_wait3A_924 = arith.constant 0 : i32
        %dma_wait3A_925 = arith.constant 0 : i32
        %dma_wait3A_926 = tpu.memref_slice %arg10[%dma_wait3A_924, %dma_wait3A_925] : memref<10000x128xf32, #tpu.memory_space<vmem_shared>> -> memref<10000x128xf32, #tpu.memory_space<vmem_shared>>
        tpu.wait_indirect_dma semaphore(%run_scoped3A_906 : memref<!tpu.dma_semaphore, #tpu.memory_space<semaphore_mem>>) src(%dma_wait3A_920 : memref<100x128xf32, #tpu.memory_space<vmem>>) dst(%dma_wait3A_926 : memref<10000x128xf32, #tpu.memory_space<vmem_shared>>)
        tpu.yield
      }) : () -> ()
      %add3A_890 = arith.constant 3 : i32
      %add3A_891 = arith.addi %add3A_876, %add3A_890 : i32
      %dma_start3A_892 = arith.constant 2 : i32
      %dma_start3A_893 = arith.constant 2 : i32
      %dma_start3A_894 = arith.constant 0 : i32
      %dma_start3A_895 = arith.constant 0 : i32
      %dma_start3A_896 = tpu.memref_slice %arg9[%dma_start3A_892, %dma_start3A_894, %dma_start3A_895] : memref<3x100x128xf32, #tpu.memory_space<vmem>> -> memref<1x100x128xf32, #tpu.memory_space<vmem>>
      %dma_start3A_897 = tpu.memref_squeeze %dma_start3A_896 : memref<1x100x128xf32, #tpu.memory_space<vmem>> -> memref<100x128xf32, #tpu.memory_space<vmem>>
      %dma_start3A_898 = arith.constant 0 : i32
      %dma_start3A_899 = tpu.memref_slice %arg7[%add3A_891, %dma_start3A_898] : memref<20x100xi32, #tpu.memory_space<vmem>> -> memref<1x100xi32, #tpu.memory_space<vmem>>
      %dma_start3A_900 = tpu.memref_squeeze %dma_start3A_899 : memref<1x100xi32, #tpu.memory_space<vmem>> -> memref<100xi32, #tpu.memory_space<vmem>>
      %dma_start3A_901 = arith.constant 0 : i32
      %dma_start3A_902 = arith.constant 0 : i32
      %dma_start3A_903 = tpu.memref_slice %arg2[%dma_start3A_901, %dma_start3A_902] : memref<80000x128xf32, #tpu.memory_space<hbm>> -> memref<80000x128xf32, #tpu.memory_space<hbm>>
      %dma_start3A_904 = tpu.memref_slice %arg11[%dma_start3A_893] : memref<3x!tpu.dma_semaphore, #tpu.memory_space<semaphore_mem>> -> memref<1x!tpu.dma_semaphore, #tpu.memory_space<semaphore_mem>>
      %dma_start3A_905 = tpu.memref_squeeze %dma_start3A_904 : memref<1x!tpu.dma_semaphore, #tpu.memory_space<semaphore_mem>> -> memref<!tpu.dma_semaphore, #tpu.memory_space<semaphore_mem>>
      tpu.enqueue_indirect_dma source(%dma_start3A_903 : memref<80000x128xf32, #tpu.memory_space<hbm>>) target(%dma_start3A_897 : memref<100x128xf32, #tpu.memory_space<vmem>>) offsets(%dma_start3A_900 : memref<100xi32, #tpu.memory_space<vmem>>) semaphore(%dma_start3A_905 : memref<!tpu.dma_semaphore, #tpu.memory_space<semaphore_mem>>)
    }
    %scan3A_702 = arith.constant 5 : i32
    %dma_wait3A_703 = arith.constant 0 : i32
    %dma_wait3A_704 = arith.constant 0 : i32
    %dma_wait3A_705 = arith.constant 0 : i32
    %dma_wait3A_706 = arith.constant 0 : i32
    %dma_wait3A_707 = tpu.memref_slice %arg9[%dma_wait3A_703, %dma_wait3A_705, %dma_wait3A_706] : memref<3x100x128xf32, #tpu.memory_space<vmem>> -> memref<1x100x128xf32, #tpu.memory_space<vmem>>
    %dma_wait3A_708 = tpu.memref_squeeze %dma_wait3A_707 : memref<1x100x128xf32, #tpu.memory_space<vmem>> -> memref<100x128xf32, #tpu.memory_space<vmem>>
    %dma_wait3A_709 = tpu.memref_slice %arg11[%dma_wait3A_704] : memref<3x!tpu.dma_semaphore, #tpu.memory_space<semaphore_mem>> -> memref<1x!tpu.dma_semaphore, #tpu.memory_space<semaphore_mem>>
    %dma_wait3A_710 = tpu.memref_squeeze %dma_wait3A_709 : memref<1x!tpu.dma_semaphore, #tpu.memory_space<semaphore_mem>> -> memref<!tpu.dma_semaphore, #tpu.memory_space<semaphore_mem>>
    %dma_wait3A_711 = arith.constant 0 : i32
    %dma_wait3A_712 = arith.constant 0 : i32
    %dma_wait3A_713 = tpu.memref_slice %arg9[%dma_wait3A_703, %dma_wait3A_711, %dma_wait3A_712] : memref<3x100x128xf32, #tpu.memory_space<vmem>> -> memref<1x100x128xf32, #tpu.memory_space<vmem>>
    %dma_wait3A_714 = tpu.memref_squeeze %dma_wait3A_713 : memref<1x100x128xf32, #tpu.memory_space<vmem>> -> memref<100x128xf32, #tpu.memory_space<vmem>>
    tpu.wait_dma2 semaphore(%dma_wait3A_710 : memref<!tpu.dma_semaphore, #tpu.memory_space<semaphore_mem>>) src(%arg5 : memref<100x128xf32, #tpu.memory_space<hbm>>) dst(%dma_wait3A_714 : memref<100x128xf32, #tpu.memory_space<vmem>>)
    %run_scoped3A_715 = arith.constant 0 : i32
    %run_scoped3A_716 = arith.constant 15 : i32
    "tpu.region"() ({
      %run_scoped3A_806 = tpu.sem_alloc : memref<!tpu.dma_semaphore, #tpu.memory_space<semaphore_mem>>
      %dma_start3A_807 = arith.constant 0 : i32
      %dma_start3A_808 = arith.constant 0 : i32
      %dma_start3A_809 = tpu.memref_slice %arg9[%run_scoped3A_715, %dma_start3A_807, %dma_start3A_808] : memref<3x100x128xf32, #tpu.memory_space<vmem>> -> memref<1x100x128xf32, #tpu.memory_space<vmem>>
      %dma_start3A_810 = tpu.memref_squeeze %dma_start3A_809 : memref<1x100x128xf32, #tpu.memory_space<vmem>> -> memref<100x128xf32, #tpu.memory_space<vmem>>
      %dma_start3A_811 = arith.constant 0 : i32
      %dma_start3A_812 = tpu.memref_slice %arg8[%run_scoped3A_716, %dma_start3A_811] : memref<20x100xi32, #tpu.memory_space<vmem>> -> memref<1x100xi32, #tpu.memory_space<vmem>>
      %dma_start3A_813 = tpu.memref_squeeze %dma_start3A_812 : memref<1x100xi32, #tpu.memory_space<vmem>> -> memref<100xi32, #tpu.memory_space<vmem>>
      %dma_start3A_814 = arith.constant 0 : i32
      %dma_start3A_815 = arith.constant 0 : i32
      %dma_start3A_816 = tpu.memref_slice %arg10[%dma_start3A_814, %dma_start3A_815] : memref<10000x128xf32, #tpu.memory_space<vmem_shared>> -> memref<10000x128xf32, #tpu.memory_space<vmem_shared>>
      tpu.enqueue_indirect_dma source(%dma_start3A_810 : memref<100x128xf32, #tpu.memory_space<vmem>>) target(%dma_start3A_816 : memref<10000x128xf32, #tpu.memory_space<vmem_shared>>) offsets(%dma_start3A_813 : memref<100xi32, #tpu.memory_space<vmem>>) semaphore(%run_scoped3A_806 : memref<!tpu.dma_semaphore, #tpu.memory_space<semaphore_mem>>) {add = true}
      %dma_wait3A_817 = arith.constant 0 : i32
      %dma_wait3A_818 = arith.constant 0 : i32
      %dma_wait3A_819 = tpu.memref_slice %arg9[%run_scoped3A_715, %dma_wait3A_817, %dma_wait3A_818] : memref<3x100x128xf32, #tpu.memory_space<vmem>> -> memref<1x100x128xf32, #tpu.memory_space<vmem>>
      %dma_wait3A_820 = tpu.memref_squeeze %dma_wait3A_819 : memref<1x100x128xf32, #tpu.memory_space<vmem>> -> memref<100x128xf32, #tpu.memory_space<vmem>>
      %dma_wait3A_821 = arith.constant 0 : i32
      %dma_wait3A_822 = tpu.memref_slice %arg8[%run_scoped3A_716, %dma_wait3A_821] : memref<20x100xi32, #tpu.memory_space<vmem>> -> memref<1x100xi32, #tpu.memory_space<vmem>>
      %dma_wait3A_823 = tpu.memref_squeeze %dma_wait3A_822 : memref<1x100xi32, #tpu.memory_space<vmem>> -> memref<100xi32, #tpu.memory_space<vmem>>
      %dma_wait3A_824 = arith.constant 0 : i32
      %dma_wait3A_825 = arith.constant 0 : i32
      %dma_wait3A_826 = tpu.memref_slice %arg10[%dma_wait3A_824, %dma_wait3A_825] : memref<10000x128xf32, #tpu.memory_space<vmem_shared>> -> memref<10000x128xf32, #tpu.memory_space<vmem_shared>>
      tpu.wait_indirect_dma semaphore(%run_scoped3A_806 : memref<!tpu.dma_semaphore, #tpu.memory_space<semaphore_mem>>) src(%dma_wait3A_820 : memref<100x128xf32, #tpu.memory_space<vmem>>) dst(%dma_wait3A_826 : memref<10000x128xf32, #tpu.memory_space<vmem_shared>>)
      tpu.yield
    }) : () -> ()
    %dma_start3A_717 = arith.constant 18 : i32
    %dma_start3A_718 = arith.constant 0 : i32
    %dma_start3A_719 = arith.constant 0 : i32
    %dma_start3A_720 = arith.constant 0 : i32
    %dma_start3A_721 = arith.constant 0 : i32
    %dma_start3A_722 = tpu.memref_slice %arg9[%dma_start3A_718, %dma_start3A_720, %dma_start3A_721] : memref<3x100x128xf32, #tpu.memory_space<vmem>> -> memref<1x100x128xf32, #tpu.memory_space<vmem>>
    %dma_start3A_723 = tpu.memref_squeeze %dma_start3A_722 : memref<1x100x128xf32, #tpu.memory_space<vmem>> -> memref<100x128xf32, #tpu.memory_space<vmem>>
    %dma_start3A_724 = arith.constant 0 : i32
    %dma_start3A_725 = tpu.memref_slice %arg7[%dma_start3A_717, %dma_start3A_724] : memref<20x100xi32, #tpu.memory_space<vmem>> -> memref<1x100xi32, #tpu.memory_space<vmem>>
    %dma_start3A_726 = tpu.memref_squeeze %dma_start3A_725 : memref<1x100xi32, #tpu.memory_space<vmem>> -> memref<100xi32, #tpu.memory_space<vmem>>
    %dma_start3A_727 = arith.constant 0 : i32
    %dma_start3A_728 = arith.constant 0 : i32
    %dma_start3A_729 = tpu.memref_slice %arg2[%dma_start3A_727, %dma_start3A_728] : memref<80000x128xf32, #tpu.memory_space<hbm>> -> memref<80000x128xf32, #tpu.memory_space<hbm>>
    %dma_start3A_730 = tpu.memref_slice %arg11[%dma_start3A_719] : memref<3x!tpu.dma_semaphore, #tpu.memory_space<semaphore_mem>> -> memref<1x!tpu.dma_semaphore, #tpu.memory_space<semaphore_mem>>
    %dma_start3A_731 = tpu.memref_squeeze %dma_start3A_730 : memref<1x!tpu.dma_semaphore, #tpu.memory_space<semaphore_mem>> -> memref<!tpu.dma_semaphore, #tpu.memory_space<semaphore_mem>>
    tpu.enqueue_indirect_dma source(%dma_start3A_729 : memref<80000x128xf32, #tpu.memory_space<hbm>>) target(%dma_start3A_723 : memref<100x128xf32, #tpu.memory_space<vmem>>) offsets(%dma_start3A_726 : memref<100xi32, #tpu.memory_space<vmem>>) semaphore(%dma_start3A_731 : memref<!tpu.dma_semaphore, #tpu.memory_space<semaphore_mem>>)
    %dma_wait3A_732 = arith.constant 1 : i32
    %dma_wait3A_733 = arith.constant 1 : i32
    %dma_wait3A_734 = arith.constant 0 : i32
    %dma_wait3A_735 = arith.constant 0 : i32
    %dma_wait3A_736 = tpu.memref_slice %arg9[%dma_wait3A_732, %dma_wait3A_734, %dma_wait3A_735] : memref<3x100x128xf32, #tpu.memory_space<vmem>> -> memref<1x100x128xf32, #tpu.memory_space<vmem>>
    %dma_wait3A_737 = tpu.memref_squeeze %dma_wait3A_736 : memref<1x100x128xf32, #tpu.memory_space<vmem>> -> memref<100x128xf32, #tpu.memory_space<vmem>>
    %dma_wait3A_738 = tpu.memref_slice %arg11[%dma_wait3A_733] : memref<3x!tpu.dma_semaphore, #tpu.memory_space<semaphore_mem>> -> memref<1x!tpu.dma_semaphore, #tpu.memory_space<semaphore_mem>>
    %dma_wait3A_739 = tpu.memref_squeeze %dma_wait3A_738 : memref<1x!tpu.dma_semaphore, #tpu.memory_space<semaphore_mem>> -> memref<!tpu.dma_semaphore, #tpu.memory_space<semaphore_mem>>
    %dma_wait3A_740 = arith.constant 0 : i32
    %dma_wait3A_741 = arith.constant 0 : i32
    %dma_wait3A_742 = tpu.memref_slice %arg9[%dma_wait3A_732, %dma_wait3A_740, %dma_wait3A_741] : memref<3x100x128xf32, #tpu.memory_space<vmem>> -> memref<1x100x128xf32, #tpu.memory_space<vmem>>
    %dma_wait3A_743 = tpu.memref_squeeze %dma_wait3A_742 : memref<1x100x128xf32, #tpu.memory_space<vmem>> -> memref<100x128xf32, #tpu.memory_space<vmem>>
    tpu.wait_dma2 semaphore(%dma_wait3A_739 : memref<!tpu.dma_semaphore, #tpu.memory_space<semaphore_mem>>) src(%arg5 : memref<100x128xf32, #tpu.memory_space<hbm>>) dst(%dma_wait3A_743 : memref<100x128xf32, #tpu.memory_space<vmem>>)
    %run_scoped3A_744 = arith.constant 1 : i32
    %run_scoped3A_745 = arith.constant 16 : i32
    "tpu.region"() ({
      %run_scoped3A_806 = tpu.sem_alloc : memref<!tpu.dma_semaphore, #tpu.memory_space<semaphore_mem>>
      %dma_start3A_807 = arith.constant 0 : i32
      %dma_start3A_808 = arith.constant 0 : i32
      %dma_start3A_809 = tpu.memref_slice %arg9[%run_scoped3A_744, %dma_start3A_807, %dma_start3A_808] : memref<3x100x128xf32, #tpu.memory_space<vmem>> -> memref<1x100x128xf32, #tpu.memory_space<vmem>>
      %dma_start3A_810 = tpu.memref_squeeze %dma_start3A_809 : memref<1x100x128xf32, #tpu.memory_space<vmem>> -> memref<100x128xf32, #tpu.memory_space<vmem>>
      %dma_start3A_811 = arith.constant 0 : i32
      %dma_start3A_812 = tpu.memref_slice %arg8[%run_scoped3A_745, %dma_start3A_811] : memref<20x100xi32, #tpu.memory_space<vmem>> -> memref<1x100xi32, #tpu.memory_space<vmem>>
      %dma_start3A_813 = tpu.memref_squeeze %dma_start3A_812 : memref<1x100xi32, #tpu.memory_space<vmem>> -> memref<100xi32, #tpu.memory_space<vmem>>
      %dma_start3A_814 = arith.constant 0 : i32
      %dma_start3A_815 = arith.constant 0 : i32
      %dma_start3A_816 = tpu.memref_slice %arg10[%dma_start3A_814, %dma_start3A_815] : memref<10000x128xf32, #tpu.memory_space<vmem_shared>> -> memref<10000x128xf32, #tpu.memory_space<vmem_shared>>
      tpu.enqueue_indirect_dma source(%dma_start3A_810 : memref<100x128xf32, #tpu.memory_space<vmem>>) target(%dma_start3A_816 : memref<10000x128xf32, #tpu.memory_space<vmem_shared>>) offsets(%dma_start3A_813 : memref<100xi32, #tpu.memory_space<vmem>>) semaphore(%run_scoped3A_806 : memref<!tpu.dma_semaphore, #tpu.memory_space<semaphore_mem>>) {add = true}
      %dma_wait3A_817 = arith.constant 0 : i32
      %dma_wait3A_818 = arith.constant 0 : i32
      %dma_wait3A_819 = tpu.memref_slice %arg9[%run_scoped3A_744, %dma_wait3A_817, %dma_wait3A_818] : memref<3x100x128xf32, #tpu.memory_space<vmem>> -> memref<1x100x128xf32, #tpu.memory_space<vmem>>
      %dma_wait3A_820 = tpu.memref_squeeze %dma_wait3A_819 : memref<1x100x128xf32, #tpu.memory_space<vmem>> -> memref<100x128xf32, #tpu.memory_space<vmem>>
      %dma_wait3A_821 = arith.constant 0 : i32
      %dma_wait3A_822 = tpu.memref_slice %arg8[%run_scoped3A_745, %dma_wait3A_821] : memref<20x100xi32, #tpu.memory_space<vmem>> -> memref<1x100xi32, #tpu.memory_space<vmem>>
      %dma_wait3A_823 = tpu.memref_squeeze %dma_wait3A_822 : memref<1x100xi32, #tpu.memory_space<vmem>> -> memref<100xi32, #tpu.memory_space<vmem>>
      %dma_wait3A_824 = arith.constant 0 : i32
      %dma_wait3A_825 = arith.constant 0 : i32
      %dma_wait3A_826 = tpu.memref_slice %arg10[%dma_wait3A_824, %dma_wait3A_825] : memref<10000x128xf32, #tpu.memory_space<vmem_shared>> -> memref<10000x128xf32, #tpu.memory_space<vmem_shared>>
      tpu.wait_indirect_dma semaphore(%run_scoped3A_806 : memref<!tpu.dma_semaphore, #tpu.memory_space<semaphore_mem>>) src(%dma_wait3A_820 : memref<100x128xf32, #tpu.memory_space<vmem>>) dst(%dma_wait3A_826 : memref<10000x128xf32, #tpu.memory_space<vmem_shared>>)
      tpu.yield
    }) : () -> ()
    %dma_start3A_746 = arith.constant 19 : i32
    %dma_start3A_747 = arith.constant 1 : i32
    %dma_start3A_748 = arith.constant 1 : i32
    %dma_start3A_749 = arith.constant 0 : i32
    %dma_start3A_750 = arith.constant 0 : i32
    %dma_start3A_751 = tpu.memref_slice %arg9[%dma_start3A_747, %dma_start3A_749, %dma_start3A_750] : memref<3x100x128xf32, #tpu.memory_space<vmem>> -> memref<1x100x128xf32, #tpu.memory_space<vmem>>
    %dma_start3A_752 = tpu.memref_squeeze %dma_start3A_751 : memref<1x100x128xf32, #tpu.memory_space<vmem>> -> memref<100x128xf32, #tpu.memory_space<vmem>>
    %dma_start3A_753 = arith.constant 0 : i32
    %dma_start3A_754 = tpu.memref_slice %arg7[%dma_start3A_746, %dma_start3A_753] : memref<20x100xi32, #tpu.memory_space<vmem>> -> memref<1x100xi32, #tpu.memory_space<vmem>>
    %dma_start3A_755 = tpu.memref_squeeze %dma_start3A_754 : memref<1x100xi32, #tpu.memory_space<vmem>> -> memref<100xi32, #tpu.memory_space<vmem>>
    %dma_start3A_756 = arith.constant 0 : i32
    %dma_start3A_757 = arith.constant 0 : i32
    %dma_start3A_758 = tpu.memref_slice %arg2[%dma_start3A_756, %dma_start3A_757] : memref<80000x128xf32, #tpu.memory_space<hbm>> -> memref<80000x128xf32, #tpu.memory_space<hbm>>
    %dma_start3A_759 = tpu.memref_slice %arg11[%dma_start3A_748] : memref<3x!tpu.dma_semaphore, #tpu.memory_space<semaphore_mem>> -> memref<1x!tpu.dma_semaphore, #tpu.memory_space<semaphore_mem>>
    %dma_start3A_760 = tpu.memref_squeeze %dma_start3A_759 : memref<1x!tpu.dma_semaphore, #tpu.memory_space<semaphore_mem>> -> memref<!tpu.dma_semaphore, #tpu.memory_space<semaphore_mem>>
    tpu.enqueue_indirect_dma source(%dma_start3A_758 : memref<80000x128xf32, #tpu.memory_space<hbm>>) target(%dma_start3A_752 : memref<100x128xf32, #tpu.memory_space<vmem>>) offsets(%dma_start3A_755 : memref<100xi32, #tpu.memory_space<vmem>>) semaphore(%dma_start3A_760 : memref<!tpu.dma_semaphore, #tpu.memory_space<semaphore_mem>>)
    %dma_wait3A_761 = arith.constant 2 : i32
    %dma_wait3A_762 = arith.constant 2 : i32
    %dma_wait3A_763 = arith.constant 0 : i32
    %dma_wait3A_764 = arith.constant 0 : i32
    %dma_wait3A_765 = tpu.memref_slice %arg9[%dma_wait3A_761, %dma_wait3A_763, %dma_wait3A_764] : memref<3x100x128xf32, #tpu.memory_space<vmem>> -> memref<1x100x128xf32, #tpu.memory_space<vmem>>
    %dma_wait3A_766 = tpu.memref_squeeze %dma_wait3A_765 : memref<1x100x128xf32, #tpu.memory_space<vmem>> -> memref<100x128xf32, #tpu.memory_space<vmem>>
    %dma_wait3A_767 = tpu.memref_slice %arg11[%dma_wait3A_762] : memref<3x!tpu.dma_semaphore, #tpu.memory_space<semaphore_mem>> -> memref<1x!tpu.dma_semaphore, #tpu.memory_space<semaphore_mem>>
    %dma_wait3A_768 = tpu.memref_squeeze %dma_wait3A_767 : memref<1x!tpu.dma_semaphore, #tpu.memory_space<semaphore_mem>> -> memref<!tpu.dma_semaphore, #tpu.memory_space<semaphore_mem>>
    %dma_wait3A_769 = arith.constant 0 : i32
    %dma_wait3A_770 = arith.constant 0 : i32
    %dma_wait3A_771 = tpu.memref_slice %arg9[%dma_wait3A_761, %dma_wait3A_769, %dma_wait3A_770] : memref<3x100x128xf32, #tpu.memory_space<vmem>> -> memref<1x100x128xf32, #tpu.memory_space<vmem>>
    %dma_wait3A_772 = tpu.memref_squeeze %dma_wait3A_771 : memref<1x100x128xf32, #tpu.memory_space<vmem>> -> memref<100x128xf32, #tpu.memory_space<vmem>>
    tpu.wait_dma2 semaphore(%dma_wait3A_768 : memref<!tpu.dma_semaphore, #tpu.memory_space<semaphore_mem>>) src(%arg5 : memref<100x128xf32, #tpu.memory_space<hbm>>) dst(%dma_wait3A_772 : memref<100x128xf32, #tpu.memory_space<vmem>>)
    %run_scoped3A_773 = arith.constant 2 : i32
    %run_scoped3A_774 = arith.constant 17 : i32
    "tpu.region"() ({
      %run_scoped3A_806 = tpu.sem_alloc : memref<!tpu.dma_semaphore, #tpu.memory_space<semaphore_mem>>
      %dma_start3A_807 = arith.constant 0 : i32
      %dma_start3A_808 = arith.constant 0 : i32
      %dma_start3A_809 = tpu.memref_slice %arg9[%run_scoped3A_773, %dma_start3A_807, %dma_start3A_808] : memref<3x100x128xf32, #tpu.memory_space<vmem>> -> memref<1x100x128xf32, #tpu.memory_space<vmem>>
      %dma_start3A_810 = tpu.memref_squeeze %dma_start3A_809 : memref<1x100x128xf32, #tpu.memory_space<vmem>> -> memref<100x128xf32, #tpu.memory_space<vmem>>
      %dma_start3A_811 = arith.constant 0 : i32
      %dma_start3A_812 = tpu.memref_slice %arg8[%run_scoped3A_774, %dma_start3A_811] : memref<20x100xi32, #tpu.memory_space<vmem>> -> memref<1x100xi32, #tpu.memory_space<vmem>>
      %dma_start3A_813 = tpu.memref_squeeze %dma_start3A_812 : memref<1x100xi32, #tpu.memory_space<vmem>> -> memref<100xi32, #tpu.memory_space<vmem>>
      %dma_start3A_814 = arith.constant 0 : i32
      %dma_start3A_815 = arith.constant 0 : i32
      %dma_start3A_816 = tpu.memref_slice %arg10[%dma_start3A_814, %dma_start3A_815] : memref<10000x128xf32, #tpu.memory_space<vmem_shared>> -> memref<10000x128xf32, #tpu.memory_space<vmem_shared>>
      tpu.enqueue_indirect_dma source(%dma_start3A_810 : memref<100x128xf32, #tpu.memory_space<vmem>>) target(%dma_start3A_816 : memref<10000x128xf32, #tpu.memory_space<vmem_shared>>) offsets(%dma_start3A_813 : memref<100xi32, #tpu.memory_space<vmem>>) semaphore(%run_scoped3A_806 : memref<!tpu.dma_semaphore, #tpu.memory_space<semaphore_mem>>) {add = true}
      %dma_wait3A_817 = arith.constant 0 : i32
      %dma_wait3A_818 = arith.constant 0 : i32
      %dma_wait3A_819 = tpu.memref_slice %arg9[%run_scoped3A_773, %dma_wait3A_817, %dma_wait3A_818] : memref<3x100x128xf32, #tpu.memory_space<vmem>> -> memref<1x100x128xf32, #tpu.memory_space<vmem>>
      %dma_wait3A_820 = tpu.memref_squeeze %dma_wait3A_819 : memref<1x100x128xf32, #tpu.memory_space<vmem>> -> memref<100x128xf32, #tpu.memory_space<vmem>>
      %dma_wait3A_821 = arith.constant 0 : i32
      %dma_wait3A_822 = tpu.memref_slice %arg8[%run_scoped3A_774, %dma_wait3A_821] : memref<20x100xi32, #tpu.memory_space<vmem>> -> memref<1x100xi32, #tpu.memory_space<vmem>>
      %dma_wait3A_823 = tpu.memref_squeeze %dma_wait3A_822 : memref<1x100xi32, #tpu.memory_space<vmem>> -> memref<100xi32, #tpu.memory_space<vmem>>
      %dma_wait3A_824 = arith.constant 0 : i32
      %dma_wait3A_825 = arith.constant 0 : i32
      %dma_wait3A_826 = tpu.memref_slice %arg10[%dma_wait3A_824, %dma_wait3A_825] : memref<10000x128xf32, #tpu.memory_space<vmem_shared>> -> memref<10000x128xf32, #tpu.memory_space<vmem_shared>>
      tpu.wait_indirect_dma semaphore(%run_scoped3A_806 : memref<!tpu.dma_semaphore, #tpu.memory_space<semaphore_mem>>) src(%dma_wait3A_820 : memref<100x128xf32, #tpu.memory_space<vmem>>) dst(%dma_wait3A_826 : memref<10000x128xf32, #tpu.memory_space<vmem_shared>>)
      tpu.yield
    }) : () -> ()
    %dma_wait3A_775 = arith.constant 0 : i32
    %dma_wait3A_776 = arith.constant 0 : i32
    %dma_wait3A_777 = arith.constant 0 : i32
    %dma_wait3A_778 = arith.constant 0 : i32
    %dma_wait3A_779 = tpu.memref_slice %arg9[%dma_wait3A_775, %dma_wait3A_777, %dma_wait3A_778] : memref<3x100x128xf32, #tpu.memory_space<vmem>> -> memref<1x100x128xf32, #tpu.memory_space<vmem>>
    %dma_wait3A_780 = tpu.memref_squeeze %dma_wait3A_779 : memref<1x100x128xf32, #tpu.memory_space<vmem>> -> memref<100x128xf32, #tpu.memory_space<vmem>>
    %dma_wait3A_781 = tpu.memref_slice %arg11[%dma_wait3A_776] : memref<3x!tpu.dma_semaphore, #tpu.memory_space<semaphore_mem>> -> memref<1x!tpu.dma_semaphore, #tpu.memory_space<semaphore_mem>>
    %dma_wait3A_782 = tpu.memref_squeeze %dma_wait3A_781 : memref<1x!tpu.dma_semaphore, #tpu.memory_space<semaphore_mem>> -> memref<!tpu.dma_semaphore, #tpu.memory_space<semaphore_mem>>
    %dma_wait3A_783 = arith.constant 0 : i32
    %dma_wait3A_784 = arith.constant 0 : i32
    %dma_wait3A_785 = tpu.memref_slice %arg9[%dma_wait3A_775, %dma_wait3A_783, %dma_wait3A_784] : memref<3x100x128xf32, #tpu.memory_space<vmem>> -> memref<1x100x128xf32, #tpu.memory_space<vmem>>
    %dma_wait3A_786 = tpu.memref_squeeze %dma_wait3A_785 : memref<1x100x128xf32, #tpu.memory_space<vmem>> -> memref<100x128xf32, #tpu.memory_space<vmem>>
    tpu.wait_dma2 semaphore(%dma_wait3A_782 : memref<!tpu.dma_semaphore, #tpu.memory_space<semaphore_mem>>) src(%arg5 : memref<100x128xf32, #tpu.memory_space<hbm>>) dst(%dma_wait3A_786 : memref<100x128xf32, #tpu.memory_space<vmem>>)
    %run_scoped3A_787 = arith.constant 0 : i32
    %run_scoped3A_788 = arith.constant 18 : i32
    "tpu.region"() ({
      %run_scoped3A_806 = tpu.sem_alloc : memref<!tpu.dma_semaphore, #tpu.memory_space<semaphore_mem>>
      %dma_start3A_807 = arith.constant 0 : i32
      %dma_start3A_808 = arith.constant 0 : i32
      %dma_start3A_809 = tpu.memref_slice %arg9[%run_scoped3A_787, %dma_start3A_807, %dma_start3A_808] : memref<3x100x128xf32, #tpu.memory_space<vmem>> -> memref<1x100x128xf32, #tpu.memory_space<vmem>>
      %dma_start3A_810 = tpu.memref_squeeze %dma_start3A_809 : memref<1x100x128xf32, #tpu.memory_space<vmem>> -> memref<100x128xf32, #tpu.memory_space<vmem>>
      %dma_start3A_811 = arith.constant 0 : i32
      %dma_start3A_812 = tpu.memref_slice %arg8[%run_scoped3A_788, %dma_start3A_811] : memref<20x100xi32, #tpu.memory_space<vmem>> -> memref<1x100xi32, #tpu.memory_space<vmem>>
      %dma_start3A_813 = tpu.memref_squeeze %dma_start3A_812 : memref<1x100xi32, #tpu.memory_space<vmem>> -> memref<100xi32, #tpu.memory_space<vmem>>
      %dma_start3A_814 = arith.constant 0 : i32
      %dma_start3A_815 = arith.constant 0 : i32
      %dma_start3A_816 = tpu.memref_slice %arg10[%dma_start3A_814, %dma_start3A_815] : memref<10000x128xf32, #tpu.memory_space<vmem_shared>> -> memref<10000x128xf32, #tpu.memory_space<vmem_shared>>
      tpu.enqueue_indirect_dma source(%dma_start3A_810 : memref<100x128xf32, #tpu.memory_space<vmem>>) target(%dma_start3A_816 : memref<10000x128xf32, #tpu.memory_space<vmem_shared>>) offsets(%dma_start3A_813 : memref<100xi32, #tpu.memory_space<vmem>>) semaphore(%run_scoped3A_806 : memref<!tpu.dma_semaphore, #tpu.memory_space<semaphore_mem>>) {add = true}
      %dma_wait3A_817 = arith.constant 0 : i32
      %dma_wait3A_818 = arith.constant 0 : i32
      %dma_wait3A_819 = tpu.memref_slice %arg9[%run_scoped3A_787, %dma_wait3A_817, %dma_wait3A_818] : memref<3x100x128xf32, #tpu.memory_space<vmem>> -> memref<1x100x128xf32, #tpu.memory_space<vmem>>
      %dma_wait3A_820 = tpu.memref_squeeze %dma_wait3A_819 : memref<1x100x128xf32, #tpu.memory_space<vmem>> -> memref<100x128xf32, #tpu.memory_space<vmem>>
      %dma_wait3A_821 = arith.constant 0 : i32
      %dma_wait3A_822 = tpu.memref_slice %arg8[%run_scoped3A_788, %dma_wait3A_821] : memref<20x100xi32, #tpu.memory_space<vmem>> -> memref<1x100xi32, #tpu.memory_space<vmem>>
      %dma_wait3A_823 = tpu.memref_squeeze %dma_wait3A_822 : memref<1x100xi32, #tpu.memory_space<vmem>> -> memref<100xi32, #tpu.memory_space<vmem>>
      %dma_wait3A_824 = arith.constant 0 : i32
      %dma_wait3A_825 = arith.constant 0 : i32
      %dma_wait3A_826 = tpu.memref_slice %arg10[%dma_wait3A_824, %dma_wait3A_825] : memref<10000x128xf32, #tpu.memory_space<vmem_shared>> -> memref<10000x128xf32, #tpu.memory_space<vmem_shared>>
      tpu.wait_indirect_dma semaphore(%run_scoped3A_806 : memref<!tpu.dma_semaphore, #tpu.memory_space<semaphore_mem>>) src(%dma_wait3A_820 : memref<100x128xf32, #tpu.memory_space<vmem>>) dst(%dma_wait3A_826 : memref<10000x128xf32, #tpu.memory_space<vmem_shared>>)
      tpu.yield
    }) : () -> ()
    %dma_wait3A_789 = arith.constant 1 : i32
    %dma_wait3A_790 = arith.constant 1 : i32
    %dma_wait3A_791 = arith.constant 0 : i32
    %dma_wait3A_792 = arith.constant 0 : i32
    %dma_wait3A_793 = tpu.memref_slice %arg9[%dma_wait3A_789, %dma_wait3A_791, %dma_wait3A_792] : memref<3x100x128xf32, #tpu.memory_space<vmem>> -> memref<1x100x128xf32, #tpu.memory_space<vmem>>
    %dma_wait3A_794 = tpu.memref_squeeze %dma_wait3A_793 : memref<1x100x128xf32, #tpu.memory_space<vmem>> -> memref<100x128xf32, #tpu.memory_space<vmem>>
    %dma_wait3A_795 = tpu.memref_slice %arg11[%dma_wait3A_790] : memref<3x!tpu.dma_semaphore, #tpu.memory_space<semaphore_mem>> -> memref<1x!tpu.dma_semaphore, #tpu.memory_space<semaphore_mem>>
    %dma_wait3A_796 = tpu.memref_squeeze %dma_wait3A_795 : memref<1x!tpu.dma_semaphore, #tpu.memory_space<semaphore_mem>> -> memref<!tpu.dma_semaphore, #tpu.memory_space<semaphore_mem>>
    %dma_wait3A_797 = arith.constant 0 : i32
    %dma_wait3A_798 = arith.constant 0 : i32
    %dma_wait3A_799 = tpu.memref_slice %arg9[%dma_wait3A_789, %dma_wait3A_797, %dma_wait3A_798] : memref<3x100x128xf32, #tpu.memory_space<vmem>> -> memref<1x100x128xf32, #tpu.memory_space<vmem>>
    %dma_wait3A_800 = tpu.memref_squeeze %dma_wait3A_799 : memref<1x100x128xf32, #tpu.memory_space<vmem>> -> memref<100x128xf32, #tpu.memory_space<vmem>>
    tpu.wait_dma2 semaphore(%dma_wait3A_796 : memref<!tpu.dma_semaphore, #tpu.memory_space<semaphore_mem>>) src(%arg5 : memref<100x128xf32, #tpu.memory_space<hbm>>) dst(%dma_wait3A_800 : memref<100x128xf32, #tpu.memory_space<vmem>>)
    %run_scoped3A_801 = arith.constant 1 : i32
    %run_scoped3A_802 = arith.constant 19 : i32
    "tpu.region"() ({
      %run_scoped3A_806 = tpu.sem_alloc : memref<!tpu.dma_semaphore, #tpu.memory_space<semaphore_mem>>
      %dma_start3A_807 = arith.constant 0 : i32
      %dma_start3A_808 = arith.constant 0 : i32
      %dma_start3A_809 = tpu.memref_slice %arg9[%run_scoped3A_801, %dma_start3A_807, %dma_start3A_808] : memref<3x100x128xf32, #tpu.memory_space<vmem>> -> memref<1x100x128xf32, #tpu.memory_space<vmem>>
      %dma_start3A_810 = tpu.memref_squeeze %dma_start3A_809 : memref<1x100x128xf32, #tpu.memory_space<vmem>> -> memref<100x128xf32, #tpu.memory_space<vmem>>
      %dma_start3A_811 = arith.constant 0 : i32
      %dma_start3A_812 = tpu.memref_slice %arg8[%run_scoped3A_802, %dma_start3A_811] : memref<20x100xi32, #tpu.memory_space<vmem>> -> memref<1x100xi32, #tpu.memory_space<vmem>>
      %dma_start3A_813 = tpu.memref_squeeze %dma_start3A_812 : memref<1x100xi32, #tpu.memory_space<vmem>> -> memref<100xi32, #tpu.memory_space<vmem>>
      %dma_start3A_814 = arith.constant 0 : i32
      %dma_start3A_815 = arith.constant 0 : i32
      %dma_start3A_816 = tpu.memref_slice %arg10[%dma_start3A_814, %dma_start3A_815] : memref<10000x128xf32, #tpu.memory_space<vmem_shared>> -> memref<10000x128xf32, #tpu.memory_space<vmem_shared>>
      tpu.enqueue_indirect_dma source(%dma_start3A_810 : memref<100x128xf32, #tpu.memory_space<vmem>>) target(%dma_start3A_816 : memref<10000x128xf32, #tpu.memory_space<vmem_shared>>) offsets(%dma_start3A_813 : memref<100xi32, #tpu.memory_space<vmem>>) semaphore(%run_scoped3A_806 : memref<!tpu.dma_semaphore, #tpu.memory_space<semaphore_mem>>) {add = true}
      %dma_wait3A_817 = arith.constant 0 : i32
      %dma_wait3A_818 = arith.constant 0 : i32
      %dma_wait3A_819 = tpu.memref_slice %arg9[%run_scoped3A_801, %dma_wait3A_817, %dma_wait3A_818] : memref<3x100x128xf32, #tpu.memory_space<vmem>> -> memref<1x100x128xf32, #tpu.memory_space<vmem>>
      %dma_wait3A_820 = tpu.memref_squeeze %dma_wait3A_819 : memref<1x100x128xf32, #tpu.memory_space<vmem>> -> memref<100x128xf32, #tpu.memory_space<vmem>>
      %dma_wait3A_821 = arith.constant 0 : i32
      %dma_wait3A_822 = tpu.memref_slice %arg8[%run_scoped3A_802, %dma_wait3A_821] : memref<20x100xi32, #tpu.memory_space<vmem>> -> memref<1x100xi32, #tpu.memory_space<vmem>>
      %dma_wait3A_823 = tpu.memref_squeeze %dma_wait3A_822 : memref<1x100xi32, #tpu.memory_space<vmem>> -> memref<100xi32, #tpu.memory_space<vmem>>
      %dma_wait3A_824 = arith.constant 0 : i32
      %dma_wait3A_825 = arith.constant 0 : i32
      %dma_wait3A_826 = tpu.memref_slice %arg10[%dma_wait3A_824, %dma_wait3A_825] : memref<10000x128xf32, #tpu.memory_space<vmem_shared>> -> memref<10000x128xf32, #tpu.memory_space<vmem_shared>>
      tpu.wait_indirect_dma semaphore(%run_scoped3A_806 : memref<!tpu.dma_semaphore, #tpu.memory_space<semaphore_mem>>) src(%dma_wait3A_820 : memref<100x128xf32, #tpu.memory_space<vmem>>) dst(%dma_wait3A_826 : memref<10000x128xf32, #tpu.memory_space<vmem_shared>>)
      tpu.yield
    }) : () -> ()
    %barrier3A_803 = arith.constant 0 : index
    tpu.barrier barrier_id(%barrier3A_803)
    %mul3A_804 = arith.constant 625 : i32
    %mul3A_805 = arith.muli %arg1, %mul3A_804 : i32
    "tpu.region"() ({
      %run_scoped3A_806 = tpu.sem_alloc : memref<!tpu.dma_semaphore, #tpu.memory_space<semaphore_mem>>
      %dma_start3A_807 = arith.constant 0 : i32
      %dma_start3A_808 = arith.constant 0 : i32
      %dma_start3A_809 = tpu.memref_slice %arg6[%arg0, %arg1, %dma_start3A_807, %dma_start3A_808] : memref<2x16x625x128xf32, #tpu.memory_space<hbm>> -> memref<1x1x625x128xf32, #tpu.memory_space<hbm>>
      %dma_start3A_810 = tpu.memref_squeeze %dma_start3A_809 : memref<1x1x625x128xf32, #tpu.memory_space<hbm>> -> memref<625x128xf32, #tpu.memory_space<hbm>>
      %dma_start3A_811 = arith.constant 0 : i32
      %dma_start3A_812 = tpu.memref_slice %arg10[%mul3A_805, %dma_start3A_811] : memref<10000x128xf32, #tpu.memory_space<vmem_shared>> -> memref<625x128xf32, #tpu.memory_space<vmem_shared>>
      tpu.enqueue_dma source(%dma_start3A_812 : memref<625x128xf32, #tpu.memory_space<vmem_shared>>) target(%dma_start3A_810 : memref<625x128xf32, #tpu.memory_space<hbm>>) target_semaphore(%run_scoped3A_806 : memref<!tpu.dma_semaphore, #tpu.memory_space<semaphore_mem>>)
      %dma_wait3A_813 = arith.constant 0 : i32
      %dma_wait3A_814 = arith.constant 0 : i32
      %dma_wait3A_815 = tpu.memref_slice %arg6[%arg0, %arg1, %dma_wait3A_813, %dma_wait3A_814] : memref<2x16x625x128xf32, #tpu.memory_space<hbm>> -> memref<1x1x625x128xf32, #tpu.memory_space<hbm>>
      %dma_wait3A_816 = tpu.memref_squeeze %dma_wait3A_815 : memref<1x1x625x128xf32, #tpu.memory_space<hbm>> -> memref<625x128xf32, #tpu.memory_space<hbm>>
      %dma_wait3A_817 = arith.constant 0 : i32
      %dma_wait3A_818 = tpu.memref_slice %arg10[%mul3A_805, %dma_wait3A_817] : memref<10000x128xf32, #tpu.memory_space<vmem_shared>> -> memref<625x128xf32, #tpu.memory_space<vmem_shared>>
      tpu.wait_dma2 semaphore(%run_scoped3A_806 : memref<!tpu.dma_semaphore, #tpu.memory_space<semaphore_mem>>) src(%dma_wait3A_818 : memref<625x128xf32, #tpu.memory_space<vmem_shared>>) dst(%dma_wait3A_816 : memref<625x128xf32, #tpu.memory_space<hbm>>)
      tpu.yield
    }) : () -> ()
    return
  }
}

module attributes {stable_mosaic.version = 14 : i64} {
  func.func @_ci_body(%arg0: memref<2500x128xi32, #tpu.memory_space<vmem>>, %arg1: memref<2500x128xi32, #tpu.memory_space<vmem>>, %arg2: memref<2500x128xi32, #tpu.memory_space<vmem>>) attributes {dimension_semantics = [], scalar_prefetch = 0 : i64, scratch_operands = 0 : i64, tpu.core_type = #tpu.core_type<tc>} {
    %get3A = arith.constant 0 : index
    %get3A_0 = arith.constant 0 : index
    %get3A_1 = vector.load %arg1[%get3A, %get3A_0] : memref<2500x128xi32, #tpu.memory_space<vmem>>, vector<2500x128xi32>
    %mul3A = arith.constant 10000 : i32
    %mul3A_2 = vector.broadcast %mul3A : i32 to vector<2500x128xi32>
    %mul3A_3 = arith.muli %get3A_1, %mul3A_2 : vector<2500x128xi32>
    %get3A_4 = arith.constant 0 : index
    %get3A_5 = arith.constant 0 : index
    %get3A_6 = vector.load %arg0[%get3A_4, %get3A_5] : memref<2500x128xi32, #tpu.memory_space<vmem>>, vector<2500x128xi32>
    %add3A = arith.addi %mul3A_3, %get3A_6 : vector<2500x128xi32>
    %swap3A = arith.constant 0 : index
    %swap3A_7 = arith.constant 0 : index
    %swap3A_8 = vector.load %arg2[%swap3A, %swap3A_7] : memref<2500x128xi32, #tpu.memory_space<vmem>>, vector<2500x128xi32>
    tpu.vector_store %arg2[%swap3A, %swap3A_7], %add3A {strides = array<i32>} : memref<2500x128xi32, #tpu.memory_space<vmem>>, vector<2500x128xi32>,
    return
  }
}

module attributes {stable_mosaic.version = 14 : i64} {
  func.func @_table_body(%arg0: i32, %arg1: memref<10000x128xf32, #tpu.memory_space<vmem>>, %arg2: memref<8x128xf32, #tpu.memory_space<vmem>>, %arg3: memref<10000x128xf32, #tpu.memory_space<vmem>>) attributes {dimension_semantics = [#tpu.dimension_semantics<arbitrary>], iteration_bounds = array<i64: 8>, scalar_prefetch = 0 : i64, scratch_operands = 0 : i64, tpu.core_type = #tpu.core_type<tc>, window_params = [{pipeline_mode = #tpu.pipeline_mode<synchronous>, transform_indices = @transform_0, window_bounds = array<i64: 10000, 128>}, {pipeline_mode = #tpu.pipeline_mode<synchronous>, transform_indices = @transform_1, window_bounds = array<i64: 8, 128>}, {transform_indices = @transform_2, window_bounds = array<i64: 10000, 128>}]} {
    %get3A = arith.constant 0 : index
    %get3A_0 = arith.constant 0 : index
    %get3A_1 = vector.load %arg1[%get3A, %get3A_0] : memref<10000x128xf32, #tpu.memory_space<vmem>>, vector<10000x128xf32>
    %get3A_2 = arith.index_cast %arg0 : i32 to index
    %get3A_3 = arith.constant 0 : index
    %get3A_4 = vector.load %arg2[%get3A_2, %get3A_3] : memref<8x128xf32, #tpu.memory_space<vmem>>, vector<1x128xf32>
    %get3A_5 = vector.shape_cast %get3A_4 : vector<1x128xf32> to vector<128xf32>
    %broadcast_in_dim3A = vector.shape_cast %get3A_5 : vector<128xf32> to vector<1x128xf32>
    %mul3A = vector.broadcast %broadcast_in_dim3A : vector<1x128xf32> to vector<10000x128xf32>
    %mul3A_6 = arith.mulf %get3A_1, %mul3A : vector<10000x128xf32>
    %swap3A = arith.constant 0 : index
    %swap3A_7 = arith.constant 0 : index
    %swap3A_8 = vector.load %arg3[%swap3A, %swap3A_7] : memref<10000x128xf32, #tpu.memory_space<vmem>>, vector<10000x128xf32>
    tpu.vector_store %arg3[%swap3A, %swap3A_7], %mul3A_6 {strides = array<i32>} : memref<10000x128xf32, #tpu.memory_space<vmem>>, vector<10000x128xf32>,
    return
  }
  func.func @transform_0(%arg0: i32) -> (i32, i32) {
    %c0_i32 = arith.constant 0 : i32
    %c0_i32_0 = arith.constant 0 : i32
    %c0_i32_1 = arith.constant 0 : i32
    return %c0_i32, %c0_i32_0 : i32, i32
  }
  func.func @transform_1(%arg0: i32) -> (i32, i32) {
    %c0_i32 = arith.constant 0 : i32
    %c0_i32_0 = arith.constant 0 : i32
    %c0_i32_1 = arith.constant 0 : i32
    return %c0_i32, %c0_i32_0 : i32, i32
  }
  func.func @transform_2(%arg0: i32) -> (i32, i32) {
    %c0_i32 = arith.constant 0 : i32
    %c0_i32_0 = arith.constant 0 : i32
    return %arg0, %c0_i32 : i32, i32
  }
}

module attributes {stable_mosaic.version = 14 : i64} {
  func.func @_out_body(%arg0: i32, %arg1: memref<2x2000x128xf32, #tpu.memory_space<vmem>>, %arg2: memref<2000x128xf32, #tpu.memory_space<vmem>>, %arg3: memref<128x128xf32, #tpu.memory_space<vmem>>, %arg4: memref<128x128xf32, #tpu.memory_space<vmem>>, %arg5: memref<2000x128xf32, #tpu.memory_space<vmem>>) attributes {dimension_semantics = [#tpu.dimension_semantics<arbitrary>], iteration_bounds = array<i64: 5>, scalar_prefetch = 0 : i64, scratch_operands = 0 : i64, tpu.core_type = #tpu.core_type<tc>, window_params = [{transform_indices = @transform_0, window_bounds = array<i64: 2, 2000, 128>}, {transform_indices = @transform_1, window_bounds = array<i64: 2000, 128>}, {pipeline_mode = #tpu.pipeline_mode<synchronous>, transform_indices = @transform_2, window_bounds = array<i64: 128, 128>}, {pipeline_mode = #tpu.pipeline_mode<synchronous>, transform_indices = @transform_3, window_bounds = array<i64: 128, 128>}, {transform_indices = @transform_4, window_bounds = array<i64: 2000, 128>}]} {
    %get3A = arith.constant 0 : index
    %get3A_0 = arith.constant 0 : index
    %get3A_1 = arith.constant 0 : index
    %get3A_2 = vector.load %arg1[%get3A, %get3A_0, %get3A_1] : memref<2x2000x128xf32, #tpu.memory_space<vmem>>, vector<1x2000x128xf32>
    %get3A_3 = vector.shape_cast %get3A_2 : vector<1x2000x128xf32> to vector<2000x128xf32>
    %get3A_4 = arith.constant 1 : index
    %get3A_5 = arith.constant 0 : index
    %get3A_6 = arith.constant 0 : index
    %get3A_7 = vector.load %arg1[%get3A_4, %get3A_5, %get3A_6] : memref<2x2000x128xf32, #tpu.memory_space<vmem>>, vector<1x2000x128xf32>
    %get3A_8 = vector.shape_cast %get3A_7 : vector<1x2000x128xf32> to vector<2000x128xf32>
    %add3A = arith.addf %get3A_3, %get3A_8 : vector<2000x128xf32>
    %get3A_9 = arith.constant 0 : index
    %get3A_10 = arith.constant 0 : index
    %get3A_11 = vector.load %arg3[%get3A_9, %get3A_10] : memref<128x128xf32, #tpu.memory_space<vmem>>, vector<128x128xf32>
    %dot_general3A = arith.constant dense<0.000000e+00> : vector<2000x128xf32>
    %dot_general3A_12 = tpu.matmul %add3A, %get3A_11, %dot_general3A {dimension_numbers = #tpu.dot_dimension_numbers<[1], [0], [0], [1], [0, 0, 1, 1], [], []>, transpose_lhs_hint = false} : vector<2000x128xf32>, vector<128x128xf32>, vector<2000x128xf32> -> vector<2000x128xf32>
    %get3A_13 = arith.constant 0 : index
    %get3A_14 = arith.constant 0 : index
    %get3A_15 = vector.load %arg2[%get3A_13, %get3A_14] : memref<2000x128xf32, #tpu.memory_space<vmem>>, vector<2000x128xf32>
    %get3A_16 = arith.constant 0 : index
    %get3A_17 = arith.constant 0 : index
    %get3A_18 = vector.load %arg4[%get3A_16, %get3A_17] : memref<128x128xf32, #tpu.memory_space<vmem>>, vector<128x128xf32>
    %dot_general3A_19 = arith.constant dense<0.000000e+00> : vector<2000x128xf32>
    %dot_general3A_20 = tpu.matmul %get3A_15, %get3A_18, %dot_general3A_19 {dimension_numbers = #tpu.dot_dimension_numbers<[1], [0], [0], [1], [0, 0, 1, 1], [], []>, transpose_lhs_hint = false} : vector<2000x128xf32>, vector<128x128xf32>, vector<2000x128xf32> -> vector<2000x128xf32>
    %add3A_21 = arith.addf %dot_general3A_12, %dot_general3A_20 : vector<2000x128xf32>
    %swap3A = arith.constant 0 : index
    %swap3A_22 = arith.constant 0 : index
    %swap3A_23 = vector.load %arg5[%swap3A, %swap3A_22] : memref<2000x128xf32, #tpu.memory_space<vmem>>, vector<2000x128xf32>
    tpu.vector_store %arg5[%swap3A, %swap3A_22], %add3A_21 {strides = array<i32>} : memref<2000x128xf32, #tpu.memory_space<vmem>>, vector<2000x128xf32>,
    return
  }
  func.func @transform_0(%arg0: i32) -> (i32, i32, i32) {
    %c0_i32 = arith.constant 0 : i32
    %c0_i32_0 = arith.constant 0 : i32
    %c0_i32_1 = arith.constant 0 : i32
    return %c0_i32, %arg0, %c0_i32_0 : i32, i32, i32
  }
  func.func @transform_1(%arg0: i32) -> (i32, i32) {
    %c0_i32 = arith.constant 0 : i32
    %c0_i32_0 = arith.constant 0 : i32
    return %arg0, %c0_i32 : i32, i32
  }
  func.func @transform_2(%arg0: i32) -> (i32, i32) {
    %c0_i32 = arith.constant 0 : i32
    %c0_i32_0 = arith.constant 0 : i32
    %c0_i32_1 = arith.constant 0 : i32
    return %c0_i32, %c0_i32_0 : i32, i32
  }
  func.func @transform_3(%arg0: i32) -> (i32, i32) {
    %c0_i32 = arith.constant 0 : i32
    %c0_i32_0 = arith.constant 0 : i32
    %c0_i32_1 = arith.constant 0 : i32
    return %c0_i32, %c0_i32_0 : i32, i32
  }
  func.func @transform_4(%arg0: i32) -> (i32, i32) {
    %c0_i32 = arith.constant 0 : i32
    %c0_i32_0 = arith.constant 0 : i32
    return %arg0, %c0_i32 : i32, i32
  }
}

</mosaic_0001>

<sc_bundles>
// kernel: kernel.6.cloned.1.call-start
scs
__scs_entry_jumppad:
0x0: {  	(pc) =	sbr.rel $0x88, $3  }
0x1: {  	(tag) =	ssettag $0x0;
	lr =	simm.s32 $0x1  }
0x2: {  	[smem:$0x3F9B] =	sst lr;
	_ =	strace $0xD0000000  }
0x3: {  	_ = 	snop  }
0x4: {  	_ = 	snop  }
0x5: {  	_ = 	snop  }
0x6: {  	_ = 	snop  }
0x7: {  	_ = 	snop  }
__scs_overlays_trampoline_lowered:
0x8: {  	[smem:$0x3FAA] =	sst s0  }
0x9: {  	[smem:$0x3FAB] =	sst s1  }
0xa: {  	[smem:$0x3FAC] =	sst s2  }
0xb: {  	[smem:$0x3FAD] =	sst s3  }
0xc: {  	[smem:$0x3FAE] =	sst s4  }
0xd: {  	[smem:$0x3FAF] =	sst s5  }
0xe: {  	[smem:$0x3FB0] =	sst s6  }
0xf: {  	[smem:$0x3FB1] =	sst s7  }
0x10: {  	[smem:$0x3FB2] =	sst s8  }
0x11: {  	[smem:$0x3FB3] =	sst s9;
	s0 =	simm.s32 @!p0 $0x0  }
0x12: {  	s1 =	sld [smem:$0x3F99];
	s0 =	simm.s32 @p0 $0x1  }
0x13: {  	[smem:$0x3FB4] =	sst s0;
	s0 =	simm.s32 @!p1 $0x0  }
0x14: {  	s2 =	sld [smem:$0x3F98];
	s0 =	simm.s32 @p1 $0x1  }
0x15: {  	[smem:$0x3FB5] =	sst s0;
	s0 =	simm.s32 @!p2 $0x0  }
0x16: {  	s3 =	sld [smem:$0x3FDB];
	s0 =	simm.s32 @p2 $0x1  }
0x17: {  	s4 =	simm.s32 $0x1BF5;
	[smem:$0x3FB7] =	sst s0  }
0x18: {  	s0 =	sld [smem:$0x3F9A];
	_ =	swait.ge [sflag:s4], $0x0  }
0x19: {  	s7 =	sld [smem:$0x3F9B]  }
0x1a: {  	s8 =	sadd.s32 $0xFFFFE003, lr  }
0x1b: {  	s9 =	sadd.s32 $0xFFFFFEF7, lr;
	s5 =	simm.s32 $0xFFFFFFFF;
	p2 =	slt.u32 s8, $0xFFFFF086  }
0x1c: {  	p1 =	slt.u32 s9, $0xF7A;
	s5 =	simm.s32 @!p2 $0x0  }
0x1d: {  	s5 =	simm.s32 @p1 $0x1;
	p0 =	seq.s32 s7, s2  }
0x1e: {  	s7 =	smul.u32 @!p0 $0xF7A, s2;
	p2 =	seq.s32 @!p0 s5, $0x0  }
0x1f: {  	s9 =	smul.u32 $0xF7A, s1;
	s8 =	simm.s32 @!p0 $0x1BF5;
	p2 =	por !p2, p0  }
0x20: {  	[sflag:s8] =	ssyncset.s32 @!p0 $0xFFFFF086;
	s6 =	sadd.s32 @!p0 s3, s7;
	s7 =	simm.s32 @!p0 $0x108  }
0x21: {  	s3 =	sadd.s32 s3, s9;
	s6 =	sadd.s32 @!p0 $0x88, s6;
	s7 =	simm.s32 @p2 $0x1082  }
0x22: {  	[simem:s7], [sflag:s8] =	dma.local @!p0 [hbm:s6], $0xF7A  }
0x23: {  	s9 =	sor.u32 $0xD0000000, s2;
	s6 =	simm.s32 $0x108;
	_ =	swait.ge @!p0 [sflag:s8], $0x0  }
0x24: {  	s3 =	sadd.s32 $0x88, s3;
	s6 =	simm.s32 @!p1 $0x1082;
	[sflag:s4] =	ssyncset.s32 $0xFFFFF086  }
0x25: {  	[simem:s6], [sflag:s4] =	dma.local [hbm:s3], $0xF7A  }
0x26: {  	[smem:$0x3F9B] =	sst s1;
	(tag) =	ssettag s2;
	_ =	strace s9  }
0x27: {  	s1 =	sld [smem:$0x3FAB]  }
0x28: {  	s2 =	sld [smem:$0x3FAC]  }
0x29: {  	s4 =	sld [smem:$0x3FAE]  }
0x2a: {  	p0 =	seq.s32 s5, $0x0;
	s5 =	sld [smem:$0x3FAF]  }
0x2b: {  	s6 =	sld [smem:$0x3FB0]  }
0x2c: {  	s7 =	sld [smem:$0x3FB1]  }
0x2d: {  	s3 =	simm.s32 $0x108;
	s8 =	sld [smem:$0x3FB2]  }
0x2e: {  	s3 =	simm.s32 @!p0 $0x1082;
	s9 =	sld [smem:$0x3FB3]  }
0x2f: {  	lr =	sadd.s32 s0, s3;
	s0 =	sld [smem:$0x3FAA]  }
0x30: {  	s3 =	sld [smem:$0x3FAD]  }
0x31: {  	[smem:$0x3FB6] =	sst s10  }
0x32: {  	s10 =	sld [smem:$0x3FB4];
	_ =	sdelay $0x3  }
0x33: {  	p0 =	seq.s32 s10, $0x1;
	s10 =	sld [smem:$0x3FB6];
	_ =	sdelay $0x3  }
0x34: {  	[smem:$0x3FB6] =	sst s10  }
0x35: {  	s10 =	sld [smem:$0x3FB5];
	_ =	sdelay $0x3  }
0x36: {  	p1 =	seq.s32 s10, $0x1;
	s10 =	sld [smem:$0x3FB6];
	_ =	sdelay $0x3  }
0x37: {  	[smem:$0x3FB6] =	sst s10  }
0x38: {  	s10 =	sld [smem:$0x3FB7]  }
0x39: {  	_ = 	snop;
	(pc) =	sbr.ind lr, $3  }
0x3a: {  	_ = 	snop  }
0x3b: {  	_ = 	snop  }
0x3c: {  	p2 =	seq.s32 s10, $0x1;
	s10 =	sld [smem:$0x3FB6]  }
0x3d: {  	_ =	shalt  }
0x3e: {  	_ =	shalt  }
0x3f: {  	_ =	shalt  }
0x40: {  	_ =	shalt  }
0x41: {  	_ =	shalt  }
0x42: {  	_ =	shalt  }
0x43: {  	_ =	shalt  }
0x44: {  	_ =	shalt  }
0x45: {  	_ =	shalt  }
0x46: {  	_ =	shalt  }
0x47: {  	_ =	shalt  }
0x48: {  	_ =	shalt  }
0x49: {  	_ =	shalt  }
0x4a: {  	_ =	shalt  }
0x4b: {  	_ =	shalt  }
0x4c: {  	_ =	shalt  }
0x4d: {  	_ =	shalt  }
0x4e: {  	_ =	shalt  }
0x4f: {  	_ =	shalt  }
0x50: {  	_ =	shalt  }
0x51: {  	_ =	shalt  }
0x52: {  	_ =	shalt  }
0x53: {  	_ =	shalt  }
0x54: {  	_ =	shalt  }
0x55: {  	_ =	shalt  }
0x56: {  	_ =	shalt  }
0x57: {  	_ =	shalt  }
0x58: {  	_ =	shalt  }
0x59: {  	_ =	shalt  }
0x5a: {  	_ =	shalt  }
0x5b: {  	_ =	shalt  }
0x5c: {  	_ =	shalt  }
0x5d: {  	_ =	shalt  }
0x5e: {  	_ =	shalt  }
0x5f: {  	_ =	shalt  }
0x60: {  	_ =	shalt  }
0x61: {  	_ =	shalt  }
0x62: {  	_ =	shalt  }
0x63: {  	_ =	shalt  }
0x64: {  	_ =	shalt  }
0x65: {  	_ =	shalt  }
0x66: {  	_ =	shalt  }
0x67: {  	_ =	shalt  }
0x68: {  	_ =	shalt  }
0x69: {  	_ =	shalt  }
0x6a: {  	_ =	shalt  }
0x6b: {  	_ =	shalt  }
0x6c: {  	_ =	shalt  }
0x6d: {  	_ =	shalt  }
0x6e: {  	_ =	shalt  }
0x6f: {  	_ =	shalt  }
0x70: {  	_ =	shalt  }
0x71: {  	_ =	shalt  }
0x72: {  	_ =	shalt  }
0x73: {  	_ =	shalt  }
0x74: {  	_ =	shalt  }
0x75: {  	_ =	shalt  }
0x76: {  	_ =	shalt  }
0x77: {  	_ =	shalt  }
0x78: {  	_ =	shalt  }
0x79: {  	_ =	shalt  }
0x7a: {  	_ =	shalt  }
0x7b: {  	_ =	shalt  }
0x7c: {  	_ =	shalt  }
0x7d: {  	_ =	shalt  }
0x7e: {  	_ =	shalt  }
0x7f: {  	_ =	shalt  }
0x80: {  	_ =	shalt  }
0x81: {  	_ =	shalt  }
0x82: {  	_ =	shalt  }
0x83: {  	_ =	shalt  }
0x84: {  	_ =	shalt  }
0x85: {  	_ =	shalt  }
0x86: {  	_ =	shalt  }
0x87: {  	_ =	shalt  }
.Lfunc_end0:
.L_simem_size_0:
called_computation_lowered:
.L_overlay_start_0:
0x88: {  	s2 =	sld [smem:$0x3FD9]  }
0x89: {  	s3 =	sld [smem:$0x3FFE];
	_ =	sdelay $0x1  }
0x8a: {  	s1 =	srdreg.scid  }
0x8b: {  	s0 =	sand.u32 $0x1, s1  }
0x8c: {  	s17 =	sshll.u32 s0, $0xA;
	s2 =	sadd.s32 s3, s2  }
0x8d: {  	s2 =	sadd.s32 s2, s17  }
0x8e: {  	[smem:$0x3FC2] =	sst s2  }
0x8f: {  	_ = 	snop  }
0x90: {  	s2 =	sld [smem:$0x3FD0];
	(tm) =	ssettm $0x1  }
0x91: {  	s18 =	sld [smem:$0x3FFB];
	_ =	sdelay $0x3  }
0x92: {  	_ =	strace s18  }
0x93: {  	s3 =	sld [smem:$0x3FFC];
	_ =	sdelay $0x3  }
0x94: {  	_ =	strace s3  }
0x95: {  	s3 =	sld [smem:$0x3FFD];
	_ =	sdelay $0x3  }
0x96: {  	_ =	strace s3  }
0x97: {  	_ =	strace $0x8FFFFFFF  }
0x98: {  	s19 =	sld [smem:$0x3FDB];
	_ =	sdelay $0x1  }
0x99: {  	s4 =	simm.s32 $_scs_section_size  }
0x9a: {  	s5 =	simm.s32 $_size__tile_overlayer_lowered;
	s6 =	simm.s32 $_tile_overlayer_lowered  }
0x9b: {  	s22 =	simm.s32 $0x1BFF;
	s21 =	sshll.u32 s6, $0x1;
	s3 =	sadd.s32 s4, s19  }
0x9c: {  	s7 =	simm.s32 $0x0;
	s20 =	sshll.u32 s5, $0x1;
	s5 =	sadd.s32 s21, s3  }
0x9d: {  	[timem:s7], [sflag:s22] =	dma.local [hbm:s5], s20  }
0x9e: {  	_ =	swait.ge [sflag:s22], s20  }
0x9f: {  	s4 =	ssub.s32 $0x0, s20;
	[sflag:s22] =	ssyncset.done $0x0  }
0xa0: {  	[sflag:s22] =	ssyncadd.s32 s4;
	_ =	sdelay $0x1  }
0xa1: {  	s23 =	simm.s32 $0x1B8B  }
0xa2: {  	_ =	swait.ge [sflag:s23], $0x1  }
0xa3: {  	[sflag:s23] =	ssyncset.done $0x0  }
0xa4: {  	s25 =	simm.s32 $0x1B8E;
	s24 =	sld [smem:$0x3FFE];
	[sflag:s23] =	ssyncadd.s32 $0xFFFFFFFF  }
0xa5: {  	s26 =	simm.s32 $execute0_lowered;
	[smem:$0x3FD2] =	sst s25  }
0xa6: {  	s5 =	sshll.u32 s26, $0x1;
	_ =	strace $0x80000046;
	[dreg:$0x1] =	wrdreg $0xFFFFFFFF  }
0xa7: {  	s28 =	simm.s32 $_size_execute0_lowered;
	s3 =	sadd.s32 s3, s5;
	[dreg:$0x0] =	wrdreg $0x0  }
0xa8: {  	s5 =	sshll.u32 s28, $0x1;
	[dreg:$0x2] =	wrdreg s3  }
0xa9: {  	[dreg:$0x3] =	wrdreg s5  }
0xaa: {  	[dreg:$0x4] =	wrdreg $0xC0  }
0xab: {  	_ =	task [dreg:s7], $0x5FFFF  }
0xac: {  	[dreg:$0x1] =	wrdreg $0xFFFFFFFF  }
0xad: {  	[dreg:$0x0] =	wrdreg $0x60  }
0xae: {  	[dreg:$0x2] =	wrdreg s24  }
0xaf: {  	[dreg:$0x3] =	wrdreg s2  }
0xb0: {  	[dreg:$0x4] =	wrdreg $0xB4000  }
0xb1: {  	[dreg:$0x5] =	wrdreg $0x9  }
0xb2: {  	_ =	task.clear_ibuf [dreg:s7], $0x6FFFF;
	_ =	strace $0x90000046  }
0xb3: {  	s29 =	simm.s32 $0x9;
	_ =	strace $0x80000048  }
0xb4: {  	_ =	swait.ge [sflag:s29], $0x1  }
0xb5: {  	[sflag:s29] =	ssyncadd.s32 $0xFFFFFFFF  }
0xb6: {  	_ =	strace $0x90000048  }
0xb7: {  	_ =	sfence  }
0xb8: {  	s30 =	sld [smem:$0x0];
	_ =	sdelay $0x2  }
0xb9: {  	s31 =	sshll.u32 s1, $0xD;
	s1 =	sshrl.u32 s1, $0x2  }
0xba: {  	s3 =	sand.u32 $0x4000, s31;
	s1 =	sadd.s32 s1, s30  }
0xbb: {  	s0 =	sor.u32 s3, s0;
	s1 =	sshll.u32 s1, $0x11  }
0xbc: {  	s0 =	sor.u32 s1, s0  }
0xbd: {  	s0 =	sadd.s32 $0x8F2B, s0  }
0xbe: {  	[sflag:s0] =	ssyncadd.remote.s32 $0x1  }
0xbf: {  	_ =	sfence.sel $0xFFFF  }
0xc0: {  	[dreg:$0x0] =	wrdreg $0xFFFFFFFF;
	(pc) =	sbr.abs _section_cstart, $3  }
0xc1: {  	[dreg:$0x1] =	wrdreg $0xFFFFFFFF  }
0xc2: {  	_ =	task.clear_ibuf [dreg:s7], $0x2FFFF;
	_ =	strace $0x9FFFFFFF  }
0xc3: {  	(tm) =	ssettm $0x7FFFFFFF  }
tec
execute0_lowered:
.L_overlay_start_1:
0x0: {  	(tag) =	ssettag $0x1  }
0x1: {  	s0 =	rddreg [dreg:$0x0]  }
0x2: {  	s1 =	rddreg [dreg:$0x1]  }
0x3: {  	s3 =	srdreg.scid;
	s9 =	stileid.u32  }
0x4: {  	s2 =	rddreg [dreg:$0x2];
	s23 =	simm.s32 $0x0;
	s7 =	smul.u32 $0x4E200, s9  }
0x5: {  	s28 =	simm.s32 $0x64;
	s30 =	simm.s32 $0x4C00;
	s5 =	sand.u32 $0x1, s3  }
0x6: {  	s6 =	smul.u32 $0x13C00, s9;
	[smem:$0x7FF] =	sst s23;
	s26 =	sshrl.u32 s7, $0x2  }
0x7: {  	s24 =	sshll.u32 s9, $0x1;
	s4 =	smul.u32 $0x13C000, s5;
	s10 =	sadd.s32 s26, s2  }
0x8: {  	_ =	strace $0x80000047;
	s9 =	sadd.s32 $0x3200, s10;
	[dreg:$0x4] =	wrdreg s10  }
0x9: {  	s25 =	ssub.s32 $0x2, s5;
	s11 =	sadd.s32 $0x6400, s10;
	[dreg:$0x5] =	wrdreg s9  }
0xa: {  	s5 =	sor.u32 s5, s24;
	s12 =	sadd.s32 $0x9600, s10;
	[dreg:$0x6] =	wrdreg s11  }
0xb: {  	s31 =	sshrl.u32 s25, $0x1;
	s13 =	sadd.s32 $0xC800, s10;
	[dreg:$0x7] =	wrdreg s12  }
0xc: {  	s5 =	smul.u32 $0x3C00, s5;
	s14 =	sadd.s32 $0xFA00, s10;
	[dreg:$0x8] =	wrdreg s13  }
0xd: {  	s3 =	ssub.s32 s25, s31;
	s15 =	sadd.s32 $0x12C00, s10;
	[dreg:$0x9] =	wrdreg s14  }
0xe: {  	s5 =	sshrl.u32 s5, $0x3;
	s31 =	smax.u32 s3, $0x1;
	[dreg:$0xa] =	wrdreg s15  }
0xf: {  	s8 =	sadd.s32 $0xC00, s0;
	s16 =	sadd.s32 s1, s5;
	[dreg:$0x16] =	wrdreg s31  }
0x10: {  	s17 =	sadd.s32 s8, s5;
	s18 =	sadd.s32 $0x180, s5;
	[dreg:$0xb] =	wrdreg s16  }
0x11: {  	s6 =	sadd.s32 s6, s4;
	[dreg:$0xc] =	wrdreg s17;
	s20 =	sadd.s32 s1, s18  }
0x12: {  	s19 =	sadd.s32 $0x300, s5;
	s7 =	sadd.s32 s8, s18;
	[dreg:$0xd] =	wrdreg s20  }
0x13: {  	s4 =	sadd.s32 $0xFC00, s0;
	s21 =	sadd.s32 s1, s19;
	[dreg:$0xe] =	wrdreg s7  }
0x14: {  	s24 =	sadd.s32 $0x480, s5;
	s22 =	sadd.s32 s8, s19;
	[dreg:$0xf] =	wrdreg s21  }
0x15: {  	s5 =	sadd.s32 $0x600, s5;
	s25 =	sadd.s32 s1, s24;
	[dreg:$0x10] =	wrdreg s22  }
0x16: {  	s6 =	sshrl.u32 s6, $0x3;
	s1 =	sadd.s32 s1, s5;
	[dreg:$0x11] =	wrdreg s25  }
0x17: {  	s0 =	sadd.s32 s6, s0;
	s26 =	sadd.s32 s8, s5;
	[dreg:$0x13] =	wrdreg s1  }
0x18: {  	s29 =	simm.s32 $0x0;
	s0 =	sadd.s32 $0x148C00, s0;
	[dreg:$0x14] =	wrdreg s26  }
0x19: {  	s10 =	simm.s32 $0x3;
	s7 =	sadd.s32 s8, s24;
	[dreg:$0x15] =	wrdreg s0  }
0x1a: {  	s24 =	simm.s32 $0x1800;
	s25 =	simm.s32 $0x4;
	s0 =	simm.s32 $0x8000  }
0x1b: {  	v0 =	vimm.f32 $0.0e+00;
	s1 =	simm.s32 $0x1;
	[dreg:$0x12] =	wrdreg s7;
	s7 =	simm.s32 $0x2  }
.LBB2_1:
0x1c: {  	s31 =	simm.s32 $0x0;
	s6 =	simm.s32 $0x200  }
.LBB2_2:
0x1d: {  	p0 =	sne.s32 s6, $0xC600;
	[tilespmem:s31+$0x1870] =	vst v0  }
0x1e: {  	[tilespmem:s31+$0x1800] =	vst v0  }
0x1f: {  	[tilespmem:s31+$0x1810] =	vst v0  }
.Ltmp0:
0x20: {  	[tilespmem:s31+$0x1820] =	vst v0;
	(pc) =	sbr.rel @p0 .LBB2_2-.Ltmp0, $4  }
0x21: {  	[tilespmem:s31+$0x1830] =	vst v0  }
0x22: {  	[tilespmem:s31+$0x1840] =	vst v0  }
0x23: {  	[tilespmem:s31+$0x1850] =	vst v0  }
0x24: {  	[tilespmem:s31+$0x1860] =	vst v0;
	s31 =	sshra.s32 s6, $0x2;
	s6 =	sadd.s32 $0x200, s6  }
0x25: {  	[tilespmem:s31+$0x1870] =	vst v0  }
0x26: {  	[tilespmem:s31+$0x1800] =	vst v0  }
0x27: {  	[tilespmem:s31+$0x1810] =	vst v0  }
0x28: {  	[tilespmem:s31+$0x1820] =	vst v0  }
0x29: {  	[tilespmem:s31+$0x1830] =	vst v0  }
0x2a: {  	[tilespmem:s31+$0x1840] =	vst v0  }
0x2b: {  	[tilespmem:s31+$0x1850] =	vst v0  }
0x2c: {  	[tilespmem:s31+$0x1860] =	vst v0;
	s5 =	rddreg [dreg:$0x4]  }
0x2d: {  	[spmem:s5] =	stream.linear.scatter [tilespmem:s24], [sflag:$0x4], $0x3200, $0x38;
	[tilespmem:$0x1EC80] =	vst v63  }
0x2e: {  	_ =	swait.ge [sflag:s25], $0x3200  }
0x2f: {  	[sflag:s25] =	ssyncset.done $0x0  }
0x30: {  	s6 =	rddreg [dreg:$0x5];
	[sflag:s25] =	ssyncadd.s32 $0xFFFFCE00  }
0x31: {  	[spmem:s6] =	stream.linear.scatter [tilespmem:s24], [sflag:$0x4], $0x3200, $0x38;
	[tilespmem:$0x1EC80] =	vst v63  }
0x32: {  	_ =	swait.ge [sflag:s25], $0x3200  }
0x33: {  	[sflag:s25] =	ssyncset.done $0x0  }
0x34: {  	s22 =	rddreg [dreg:$0x6];
	[sflag:s25] =	ssyncadd.s32 $0xFFFFCE00  }
0x35: {  	[spmem:s22] =	stream.linear.scatter [tilespmem:s24], [sflag:$0x4], $0x3200, $0x38;
	[tilespmem:$0x1EC80] =	vst v63  }
0x36: {  	_ =	swait.ge [sflag:s25], $0x3200  }
0x37: {  	[sflag:s25] =	ssyncset.done $0x0  }
0x38: {  	s26 =	rddreg [dreg:$0x7];
	[sflag:s25] =	ssyncadd.s32 $0xFFFFCE00  }
0x39: {  	[spmem:s26] =	stream.linear.scatter [tilespmem:s24], [sflag:$0x4], $0x3200, $0x38;
	[tilespmem:$0x1EC80] =	vst v63  }
0x3a: {  	_ =	swait.ge [sflag:s25], $0x3200  }
0x3b: {  	[sflag:s25] =	ssyncset.done $0x0  }
0x3c: {  	s31 =	rddreg [dreg:$0x8];
	[sflag:s25] =	ssyncadd.s32 $0xFFFFCE00  }
0x3d: {  	[spmem:s31] =	stream.linear.scatter [tilespmem:s24], [sflag:$0x4], $0x3200, $0x38;
	[tilespmem:$0x1EC80] =	vst v63  }
0x3e: {  	_ =	swait.ge [sflag:s25], $0x3200  }
0x3f: {  	[sflag:s25] =	ssyncset.done $0x0  }
0x40: {  	s3 =	rddreg [dreg:$0x9];
	[sflag:s25] =	ssyncadd.s32 $0xFFFFCE00  }
0x41: {  	[spmem:s3] =	stream.linear.scatter [tilespmem:s24], [sflag:$0x4], $0x3200, $0x38;
	[tilespmem:$0x1EC80] =	vst v63  }
0x42: {  	_ =	swait.ge [sflag:s25], $0x3200  }
0x43: {  	[sflag:s25] =	ssyncset.done $0x0  }
0x44: {  	s5 =	rddreg [dreg:$0xa];
	[sflag:s25] =	ssyncadd.s32 $0xFFFFCE00  }
0x45: {  	[spmem:s5] =	stream.linear.scatter [tilespmem:s24], [sflag:$0x4], $0xC80, $0x38;
	[tilespmem:$0x1EC80] =	vst v63  }
0x46: {  	_ =	swait.ge [sflag:s25], $0xC80  }
0x47: {  	[sflag:s25] =	ssyncset.done $0x0  }
0x48: {  	[sflag:s25] =	ssyncadd.s32 $0xFFFFF380  }
0x49: {  	[bflag:$0x0] =	sbarrier.arrive $0xFFFF  }
0x4a: {  	s8 =	rddreg [dreg:$0xb]  }
0x4b: {  	[tilespmem:s23], [sflag:$0x4] =	stream.linear.gather [hbm4b:s8+s23], $0xA00, $0x38;
	[tilespmem:$0x1EC80] =	vst v63  }
0x4c: {  	_ =	swait.ge [sflag:s25], $0xA00  }
0x4d: {  	[sflag:s25] =	ssyncset.done $0x0  }
0x4e: {  	s3 =	simm.s32 $0xC00;
	s9 =	rddreg [dreg:$0xc];
	[sflag:s25] =	ssyncadd.s32 $0xFFFFF600  }
0x4f: {  	[tilespmem:s3], [sflag:$0x4] =	stream.linear.gather [hbm4b:s9+s23], $0xA00, $0x38;
	[tilespmem:$0x1EC80] =	vst v63  }
0x50: {  	_ =	swait.ge [sflag:s25], $0xA00  }
0x51: {  	[sflag:s25] =	ssyncset.done $0x0  }
0x52: {  	[sflag:s25] =	ssyncadd.s32 $0xFFFFF600  }
0x53: {  	[tilespmem:s24], [sflag:$0x1] =	stream.indirect.gather [hbm4b:s4+s28], $0x80, s23, s28, $0xb8;
	[tilespmem:$0x1EC80] =	vst v63  }
0x54: {  	s11 =	simm.s32 $0x80  }
0x55: {  	[tilespmem:s30], [sflag:$0x2] =	stream.indirect.gather [hbm4b:s4+s28], $0x80, s11, s28, $0xb8;
	[tilespmem:$0x1EC80] =	vst v63  }
0x56: {  	s12 =	simm.s32 $0x100  }
0x57: {  	[tilespmem:s0], [sflag:$0x3] =	stream.indirect.gather [hbm4b:s4+s28], $0x80, s12, s28, $0xb8;
	[tilespmem:$0x1EC80] =	vst v63  }
0x58: {  	_ =	swait.ge [sflag:s1], $0x3200  }
0x59: {  	[sflag:s1] =	ssyncset.done $0x0  }
0x5a: {  	[sflag:s1] =	ssyncadd.s32 $0xFFFFCE00  }
0x5b: {  	[spmem:s2] =	stream.indirect.scatter.add.f32 [tilespmem:s24], [sflag:$0x4], $0x80, s3, s28, $0xb8;
	[tilespmem:$0x1EC80] =	vst v63  }
0x5c: {  	_ =	swait.ge [sflag:s25], $0x3200  }
0x5d: {  	[sflag:s25] =	ssyncset.done $0x0  }
0x5e: {  	s13 =	simm.s32 $0x180;
	[sflag:s25] =	ssyncadd.s32 $0xFFFFCE00  }
0x5f: {  	[tilespmem:s24], [sflag:$0x1] =	stream.indirect.gather [hbm4b:s4+s28], $0x80, s13, s28, $0xb8;
	[tilespmem:$0x1EC80] =	vst v63  }
0x60: {  	_ =	swait.ge [sflag:s7], $0x3200  }
0x61: {  	[sflag:s7] =	ssyncset.done $0x0  }
0x62: {  	s14 =	simm.s32 $0xC80;
	[sflag:s7] =	ssyncadd.s32 $0xFFFFCE00  }
0x63: {  	[spmem:s2] =	stream.indirect.scatter.add.f32 [tilespmem:s30], [sflag:$0x4], $0x80, s14, s28, $0xb8;
	[tilespmem:$0x1EC80] =	vst v63  }
0x64: {  	_ =	swait.ge [sflag:s25], $0x3200  }
0x65: {  	[sflag:s25] =	ssyncset.done $0x0  }
0x66: {  	s15 =	simm.s32 $0x200;
	[sflag:s25] =	ssyncadd.s32 $0xFFFFCE00  }
0x67: {  	[tilespmem:s30], [sflag:$0x2] =	stream.indirect.gather [hbm4b:s4+s28], $0x80, s15, s28, $0xb8;
	[tilespmem:$0x1EC80] =	vst v63  }
0x68: {  	_ =	swait.ge [sflag:s10], $0x3200  }
0x69: {  	[sflag:s10] =	ssyncset.done $0x0  }
0x6a: {  	s16 =	simm.s32 $0xD00;
	[sflag:s10] =	ssyncadd.s32 $0xFFFFCE00  }
0x6b: {  	[spmem:s2] =	stream.indirect.scatter.add.f32 [tilespmem:s0], [sflag:$0x4], $0x80, s16, s28, $0xb8;
	[tilespmem:$0x1EC80] =	vst v63  }
0x6c: {  	_ =	swait.ge [sflag:s25], $0x3200  }
0x6d: {  	[sflag:s25] =	ssyncset.done $0x0  }
0x6e: {  	s17 =	simm.s32 $0x280;
	[sflag:s25] =	ssyncadd.s32 $0xFFFFCE00  }
0x6f: {  	[tilespmem:s0], [sflag:$0x3] =	stream.indirect.gather [hbm4b:s4+s28], $0x80, s17, s28, $0xb8;
	[tilespmem:$0x1EC80] =	vst v63  }
0x70: {  	_ =	swait.ge [sflag:s1], $0x3200  }
0x71: {  	[sflag:s1] =	ssyncset.done $0x0  }
0x72: {  	s18 =	simm.s32 $0xD80;
	[sflag:s1] =	ssyncadd.s32 $0xFFFFCE00  }
0x73: {  	[spmem:s2] =	stream.indirect.scatter.add.f32 [tilespmem:s24], [sflag:$0x4], $0x80, s18, s28, $0xb8;
	[tilespmem:$0x1EC80] =	vst v63  }
0x74: {  	_ =	swait.ge [sflag:s25], $0x3200  }
0x75: {  	[sflag:s25] =	ssyncset.done $0x0  }
0x76: {  	s19 =	simm.s32 $0x300;
	[sflag:s25] =	ssyncadd.s32 $0xFFFFCE00  }
0x77: {  	[tilespmem:s24], [sflag:$0x1] =	stream.indirect.gather [hbm4b:s4+s28], $0x80, s19, s28, $0xb8;
	[tilespmem:$0x1EC80] =	vst v63  }
0x78: {  	_ =	swait.ge [sflag:s7], $0x3200  }
0x79: {  	[sflag:s7] =	ssyncset.done $0x0  }
0x7a: {  	s20 =	simm.s32 $0xE00;
	[sflag:s7] =	ssyncadd.s32 $0xFFFFCE00  }
0x7b: {  	[spmem:s2] =	stream.indirect.scatter.add.f32 [tilespmem:s30], [sflag:$0x4], $0x80, s20, s28, $0xb8;
	[tilespmem:$0x1EC80] =	vst v63  }
0x7c: {  	_ =	swait.ge [sflag:s25], $0x3200  }
0x7d: {  	[sflag:s25] =	ssyncset.done $0x0  }
0x7e: {  	s21 =	simm.s32 $0x380;
	[sflag:s25] =	ssyncadd.s32 $0xFFFFCE00  }
0x7f: {  	[tilespmem:s30], [sflag:$0x2] =	stream.indirect.gather [hbm4b:s4+s28], $0x80, s21, s28, $0xb8;
	[tilespmem:$0x1EC80] =	vst v63  }
0x80: {  	_ =	swait.ge [sflag:s10], $0x3200  }
0x81: {  	[sflag:s10] =	ssyncset.done $0x0  }
0x82: {  	s22 =	simm.s32 $0xE80;
	[sflag:s10] =	ssyncadd.s32 $0xFFFFCE00  }
0x83: {  	[spmem:s2] =	stream.indirect.scatter.add.f32 [tilespmem:s0], [sflag:$0x4], $0x80, s22, s28, $0xb8;
	[tilespmem:$0x1EC80] =	vst v63  }
0x84: {  	_ =	swait.ge [sflag:s25], $0x3200  }
0x85: {  	[sflag:s25] =	ssyncset.done $0x0  }
0x86: {  	s26 =	simm.s32 $0x400;
	[sflag:s25] =	ssyncadd.s32 $0xFFFFCE00  }
0x87: {  	[tilespmem:s0], [sflag:$0x3] =	stream.indirect.gather [hbm4b:s4+s28], $0x80, s26, s28, $0xb8;
	[tilespmem:$0x1EC80] =	vst v63  }
0x88: {  	_ =	swait.ge [sflag:s1], $0x3200  }
0x89: {  	[sflag:s1] =	ssyncset.done $0x0  }
0x8a: {  	s31 =	simm.s32 $0xF00;
	[sflag:s1] =	ssyncadd.s32 $0xFFFFCE00  }
0x8b: {  	[spmem:s2] =	stream.indirect.scatter.add.f32 [tilespmem:s24], [sflag:$0x4], $0x80, s31, s28, $0xb8;
	[tilespmem:$0x1EC80] =	vst v63  }
0x8c: {  	_ =	swait.ge [sflag:s25], $0x3200  }
0x8d: {  	[sflag:s25] =	ssyncset.done $0x0  }
0x8e: {  	s6 =	simm.s32 $0x480;
	[sflag:s25] =	ssyncadd.s32 $0xFFFFCE00  }
0x8f: {  	[tilespmem:s24], [sflag:$0x1] =	stream.indirect.gather [hbm4b:s4+s28], $0x80, s6, s28, $0xb8;
	[tilespmem:$0x1EC80] =	vst v63  }
0x90: {  	_ =	swait.ge [sflag:s7], $0x3200  }
0x91: {  	[sflag:s7] =	ssyncset.done $0x0  }
0x92: {  	s8 =	simm.s32 $0xF80;
	[sflag:s7] =	ssyncadd.s32 $0xFFFFCE00  }
0x93: {  	[spmem:s2] =	stream.indirect.scatter.add.f32 [tilespmem:s30], [sflag:$0x4], $0x80, s8, s28, $0xb8;
	[tilespmem:$0x1EC80] =	vst v63  }
0x94: {  	_ =	swait.ge [sflag:s25], $0x3200  }
0x95: {  	[sflag:s25] =	ssyncset.done $0x0  }
0x96: {  	s9 =	simm.s32 $0x500;
	[sflag:s25] =	ssyncadd.s32 $0xFFFFCE00  }
0x97: {  	[tilespmem:s30], [sflag:$0x2] =	stream.indirect.gather [hbm4b:s4+s28], $0x80, s9, s28, $0xb8;
	[tilespmem:$0x1EC80] =	vst v63  }
0x98: {  	_ =	swait.ge [sflag:s10], $0x3200  }
0x99: {  	[sflag:s10] =	ssyncset.done $0x0  }
0x9a: {  	s11 =	simm.s32 $0x1000;
	[sflag:s10] =	ssyncadd.s32 $0xFFFFCE00  }
0x9b: {  	[spmem:s2] =	stream.indirect.scatter.add.f32 [tilespmem:s0], [sflag:$0x4], $0x80, s11, s28, $0xb8;
	[tilespmem:$0x1EC80] =	vst v63  }
0x9c: {  	_ =	swait.ge [sflag:s25], $0x3200  }
0x9d: {  	[sflag:s25] =	ssyncset.done $0x0  }
0x9e: {  	s12 =	simm.s32 $0x580;
	[sflag:s25] =	ssyncadd.s32 $0xFFFFCE00  }
0x9f: {  	[tilespmem:s0], [sflag:$0x3] =	stream.indirect.gather [hbm4b:s4+s28], $0x80, s12, s28, $0xb8;
	[tilespmem:$0x1EC80] =	vst v63  }
0xa0: {  	_ =	swait.ge [sflag:s1], $0x3200  }
0xa1: {  	[sflag:s1] =	ssyncset.done $0x0  }
0xa2: {  	s13 =	simm.s32 $0x1080;
	[sflag:s1] =	ssyncadd.s32 $0xFFFFCE00  }
0xa3: {  	[spmem:s2] =	stream.indirect.scatter.add.f32 [tilespmem:s24], [sflag:$0x4], $0x80, s13, s28, $0xb8;
	[tilespmem:$0x1EC80] =	vst v63  }
0xa4: {  	_ =	swait.ge [sflag:s25], $0x3200  }
0xa5: {  	[sflag:s25] =	ssyncset.done $0x0  }
0xa6: {  	s14 =	simm.s32 $0x600;
	[sflag:s25] =	ssyncadd.s32 $0xFFFFCE00  }
0xa7: {  	[tilespmem:s24], [sflag:$0x1] =	stream.indirect.gather [hbm4b:s4+s28], $0x80, s14, s28, $0xb8;
	[tilespmem:$0x1EC80] =	vst v63  }
0xa8: {  	_ =	swait.ge [sflag:s7], $0x3200  }
0xa9: {  	[sflag:s7] =	ssyncset.done $0x0  }
0xaa: {  	s15 =	simm.s32 $0x1100;
	[sflag:s7] =	ssyncadd.s32 $0xFFFFCE00  }
0xab: {  	[spmem:s2] =	stream.indirect.scatter.add.f32 [tilespmem:s30], [sflag:$0x4], $0x80, s15, s28, $0xb8;
	[tilespmem:$0x1EC80] =	vst v63  }
0xac: {  	_ =	swait.ge [sflag:s25], $0x3200  }
0xad: {  	[sflag:s25] =	ssyncset.done $0x0  }
0xae: {  	s16 =	simm.s32 $0x680;
	[sflag:s25] =	ssyncadd.s32 $0xFFFFCE00  }
0xaf: {  	[tilespmem:s30], [sflag:$0x2] =	stream.indirect.gather [hbm4b:s4+s28], $0x80, s16, s28, $0xb8;
	[tilespmem:$0x1EC80] =	vst v63  }
0xb0: {  	_ =	swait.ge [sflag:s10], $0x3200  }
0xb1: {  	[sflag:s10] =	ssyncset.done $0x0  }
0xb2: {  	s17 =	simm.s32 $0x1180;
	[sflag:s10] =	ssyncadd.s32 $0xFFFFCE00  }
0xb3: {  	[spmem:s2] =	stream.indirect.scatter.add.f32 [tilespmem:s0], [sflag:$0x4], $0x80, s17, s28, $0xb8;
	[tilespmem:$0x1EC80] =	vst v63  }
0xb4: {  	_ =	swait.ge [sflag:s25], $0x3200  }
0xb5: {  	[sflag:s25] =	ssyncset.done $0x0  }
0xb6: {  	s18 =	simm.s32 $0x700;
	[sflag:s25] =	ssyncadd.s32 $0xFFFFCE00  }
0xb7: {  	[tilespmem:s0], [sflag:$0x3] =	stream.indirect.gather [hbm4b:s4+s28], $0x80, s18, s28, $0xb8;
	[tilespmem:$0x1EC80] =	vst v63  }
0xb8: {  	_ =	swait.ge [sflag:s1], $0x3200  }
0xb9: {  	[sflag:s1] =	ssyncset.done $0x0  }
0xba: {  	s19 =	simm.s32 $0x1200;
	[sflag:s1] =	ssyncadd.s32 $0xFFFFCE00  }
0xbb: {  	[spmem:s2] =	stream.indirect.scatter.add.f32 [tilespmem:s24], [sflag:$0x4], $0x80, s19, s28, $0xb8;
	[tilespmem:$0x1EC80] =	vst v63  }
0xbc: {  	_ =	swait.ge [sflag:s25], $0x3200  }
0xbd: {  	[sflag:s25] =	ssyncset.done $0x0  }
0xbe: {  	s20 =	simm.s32 $0x780;
	[sflag:s25] =	ssyncadd.s32 $0xFFFFCE00  }
0xbf: {  	[tilespmem:s24], [sflag:$0x1] =	stream.indirect.gather [hbm4b:s4+s28], $0x80, s20, s28, $0xb8;
	[tilespmem:$0x1EC80] =	vst v63  }
0xc0: {  	_ =	swait.ge [sflag:s7], $0x3200  }
0xc1: {  	[sflag:s7] =	ssyncset.done $0x0  }
0xc2: {  	s21 =	simm.s32 $0x1280;
	[sflag:s7] =	ssyncadd.s32 $0xFFFFCE00  }
0xc3: {  	[spmem:s2] =	stream.indirect.scatter.add.f32 [tilespmem:s30], [sflag:$0x4], $0x80, s21, s28, $0xb8;
	[tilespmem:$0x1EC80] =	vst v63  }
0xc4: {  	_ =	swait.ge [sflag:s25], $0x3200  }
0xc5: {  	[sflag:s25] =	ssyncset.done $0x0  }
0xc6: {  	s22 =	simm.s32 $0x800;
	[sflag:s25] =	ssyncadd.s32 $0xFFFFCE00  }
0xc7: {  	[tilespmem:s30], [sflag:$0x2] =	stream.indirect.gather [hbm4b:s4+s28], $0x80, s22, s28, $0xb8;
	[tilespmem:$0x1EC80] =	vst v63  }
0xc8: {  	_ =	swait.ge [sflag:s10], $0x3200  }
0xc9: {  	[sflag:s10] =	ssyncset.done $0x0  }
0xca: {  	s26 =	simm.s32 $0x1300;
	[sflag:s10] =	ssyncadd.s32 $0xFFFFCE00  }
0xcb: {  	[spmem:s2] =	stream.indirect.scatter.add.f32 [tilespmem:s0], [sflag:$0x4], $0x80, s26, s28, $0xb8;
	[tilespmem:$0x1EC80] =	vst v63  }
0xcc: {  	_ =	swait.ge [sflag:s25], $0x3200  }
0xcd: {  	[sflag:s25] =	ssyncset.done $0x0  }
0xce: {  	s5 =	simm.s32 $0x880;
	[sflag:s25] =	ssyncadd.s32 $0xFFFFCE00  }
0xcf: {  	[tilespmem:s0], [sflag:$0x3] =	stream.indirect.gather [hbm4b:s4+s28], $0x80, s5, s28, $0xb8;
	[tilespmem:$0x1EC80] =	vst v63  }
0xd0: {  	_ =	swait.ge [sflag:s1], $0x3200  }
0xd1: {  	[sflag:s1] =	ssyncset.done $0x0  }
0xd2: {  	s8 =	simm.s32 $0x1380;
	[sflag:s1] =	ssyncadd.s32 $0xFFFFCE00  }
0xd3: {  	[spmem:s2] =	stream.indirect.scatter.add.f32 [tilespmem:s24], [sflag:$0x4], $0x80, s8, s28, $0xb8;
	[tilespmem:$0x1EC80] =	vst v63  }
0xd4: {  	_ =	swait.ge [sflag:s25], $0x3200  }
0xd5: {  	[sflag:s25] =	ssyncset.done $0x0  }
0xd6: {  	s9 =	simm.s32 $0x900;
	[sflag:s25] =	ssyncadd.s32 $0xFFFFCE00  }
0xd7: {  	[tilespmem:s24], [sflag:$0x1] =	stream.indirect.gather [hbm4b:s4+s28], $0x80, s9, s28, $0xb8;
	[tilespmem:$0x1EC80] =	vst v63  }
0xd8: {  	_ =	swait.ge [sflag:s7], $0x3200  }
0xd9: {  	[sflag:s7] =	ssyncset.done $0x0  }
0xda: {  	s11 =	simm.s32 $0x1400;
	[sflag:s7] =	ssyncadd.s32 $0xFFFFCE00  }
0xdb: {  	[spmem:s2] =	stream.indirect.scatter.add.f32 [tilespmem:s30], [sflag:$0x4], $0x80, s11, s28, $0xb8;
	[tilespmem:$0x1EC80] =	vst v63  }
0xdc: {  	_ =	swait.ge [sflag:s25], $0x3200  }
0xdd: {  	[sflag:s25] =	ssyncset.done $0x0  }
0xde: {  	s12 =	simm.s32 $0x980;
	[sflag:s25] =	ssyncadd.s32 $0xFFFFCE00  }
0xdf: {  	[tilespmem:s30], [sflag:$0x2] =	stream.indirect.gather [hbm4b:s4+s28], $0x80, s12, s28, $0xb8;
	[tilespmem:$0x1EC80] =	vst v63  }
0xe0: {  	_ =	swait.ge [sflag:s10], $0x3200  }
0xe1: {  	[sflag:s10] =	ssyncset.done $0x0  }
0xe2: {  	s13 =	simm.s32 $0x1480;
	[sflag:s10] =	ssyncadd.s32 $0xFFFFCE00  }
0xe3: {  	[spmem:s2] =	stream.indirect.scatter.add.f32 [tilespmem:s0], [sflag:$0x4], $0x80, s13, s28, $0xb8;
	[tilespmem:$0x1EC80] =	vst v63  }
0xe4: {  	_ =	swait.ge [sflag:s25], $0x3200  }
0xe5: {  	[sflag:s25] =	ssyncset.done $0x0  }
0xe6: {  	[sflag:s25] =	ssyncadd.s32 $0xFFFFCE00  }
0xe7: {  	_ =	swait.ge [sflag:s1], $0x3200  }
0xe8: {  	[sflag:s1] =	ssyncset.done $0x0  }
0xe9: {  	s14 =	simm.s32 $0x1500;
	[sflag:s1] =	ssyncadd.s32 $0xFFFFCE00  }
0xea: {  	[spmem:s2] =	stream.indirect.scatter.add.f32 [tilespmem:s24], [sflag:$0x4], $0x80, s14, s28, $0xb8;
	[tilespmem:$0x1EC80] =	vst v63  }
0xeb: {  	_ =	swait.ge [sflag:s25], $0x3200  }
0xec: {  	[sflag:s25] =	ssyncset.done $0x0  }
0xed: {  	[sflag:s25] =	ssyncadd.s32 $0xFFFFCE00  }
0xee: {  	_ =	swait.ge [sflag:s7], $0x3200  }
0xef: {  	[sflag:s7] =	ssyncset.done $0x0  }
0xf0: {  	s15 =	simm.s32 $0x1580;
	[sflag:s7] =	ssyncadd.s32 $0xFFFFCE00  }
0xf1: {  	[spmem:s2] =	stream.indirect.scatter.add.f32 [tilespmem:s30], [sflag:$0x4], $0x80, s15, s28, $0xb8;
	[tilespmem:$0x1EC80] =	vst v63  }
0xf2: {  	_ =	swait.ge [sflag:s25], $0x3200  }
0xf3: {  	[sflag:s25] =	ssyncset.done $0x0  }
0xf4: {  	s16 =	rddreg [dreg:$0xd];
	[sflag:s25] =	ssyncadd.s32 $0xFFFFCE00  }
0xf5: {  	[tilespmem:s23], [sflag:$0x4] =	stream.linear.gather [hbm4b:s16+s23], $0xA00, $0x38;
	[tilespmem:$0x1EC80] =	vst v63  }
0xf6: {  	_ =	swait.ge [sflag:s25], $0xA00  }
0xf7: {  	[sflag:s25] =	ssyncset.done $0x0  }
0xf8: {  	s17 =	rddreg [dreg:$0xe];
	[sflag:s25] =	ssyncadd.s32 $0xFFFFF600  }
0xf9: {  	[tilespmem:s3], [sflag:$0x4] =	stream.linear.gather [hbm4b:s17+s23], $0xA00, $0x38;
	[tilespmem:$0x1EC80] =	vst v63  }
0xfa: {  	_ =	swait.ge [sflag:s25], $0xA00  }
0xfb: {  	[sflag:s25] =	ssyncset.done $0x0  }
0xfc: {  	[sflag:s25] =	ssyncadd.s32 $0xFFFFF600  }
0xfd: {  	[tilespmem:s24], [sflag:$0x1] =	stream.indirect.gather [hbm4b:s4+s28], $0x80, s23, s28, $0xb8;
	[tilespmem:$0x1EC80] =	vst v63  }
0xfe: {  	s26 =	simm.s32 $0x80  }
0xff: {  	[tilespmem:s30], [sflag:$0x2] =	stream.indirect.gather [hbm4b:s4+s28], $0x80, s26, s28, $0xb8;
	[tilespmem:$0x1EC80] =	vst v63  }
0x100: {  	s8 =	simm.s32 $0x100  }
0x101: {  	[tilespmem:s0], [sflag:$0x3] =	stream.indirect.gather [hbm4b:s4+s28], $0x80, s8, s28, $0xb8;
	[tilespmem:$0x1EC80] =	vst v63  }
0x102: {  	_ =	swait.ge [sflag:s1], $0x3200  }
0x103: {  	[sflag:s1] =	ssyncset.done $0x0  }
0x104: {  	[sflag:s1] =	ssyncadd.s32 $0xFFFFCE00  }
0x105: {  	[spmem:s2] =	stream.indirect.scatter.add.f32 [tilespmem:s24], [sflag:$0x4], $0x80, s3, s28, $0xb8;
	[tilespmem:$0x1EC80] =	vst v63  }
0x106: {  	_ =	swait.ge [sflag:s25], $0x3200  }
0x107: {  	[sflag:s25] =	ssyncset.done $0x0  }
0x108: {  	s9 =	simm.s32 $0x180;
	[sflag:s25] =	ssyncadd.s32 $0xFFFFCE00  }
0x109: {  	[tilespmem:s24], [sflag:$0x1] =	stream.indirect.gather [hbm4b:s4+s28], $0x80, s9, s28, $0xb8;
	[tilespmem:$0x1EC80] =	vst v63  }
0x10a: {  	_ =	swait.ge [sflag:s7], $0x3200  }
0x10b: {  	[sflag:s7] =	ssyncset.done $0x0  }
0x10c: {  	s11 =	simm.s32 $0xC80;
	[sflag:s7] =	ssyncadd.s32 $0xFFFFCE00  }
0x10d: {  	[spmem:s2] =	stream.indirect.scatter.add.f32 [tilespmem:s30], [sflag:$0x4], $0x80, s11, s28, $0xb8;
	[tilespmem:$0x1EC80] =	vst v63  }
0x10e: {  	_ =	swait.ge [sflag:s25], $0x3200  }
0x10f: {  	[sflag:s25] =	ssyncset.done $0x0  }
0x110: {  	s12 =	simm.s32 $0x200;
	[sflag:s25] =	ssyncadd.s32 $0xFFFFCE00  }
0x111: {  	[tilespmem:s30], [sflag:$0x2] =	stream.indirect.gather [hbm4b:s4+s28], $0x80, s12, s28, $0xb8;
	[tilespmem:$0x1EC80] =	vst v63  }
0x112: {  	_ =	swait.ge [sflag:s10], $0x3200  }
0x113: {  	[sflag:s10] =	ssyncset.done $0x0  }
0x114: {  	s13 =	simm.s32 $0xD00;
	[sflag:s10] =	ssyncadd.s32 $0xFFFFCE00  }
0x115: {  	[spmem:s2] =	stream.indirect.scatter.add.f32 [tilespmem:s0], [sflag:$0x4], $0x80, s13, s28, $0xb8;
	[tilespmem:$0x1EC80] =	vst v63  }
0x116: {  	_ =	swait.ge [sflag:s25], $0x3200  }
0x117: {  	[sflag:s25] =	ssyncset.done $0x0  }
0x118: {  	s14 =	simm.s32 $0x280;
	[sflag:s25] =	ssyncadd.s32 $0xFFFFCE00  }
0x119: {  	[tilespmem:s0], [sflag:$0x3] =	stream.indirect.gather [hbm4b:s4+s28], $0x80, s14, s28, $0xb8;
	[tilespmem:$0x1EC80] =	vst v63  }
0x11a: {  	_ =	swait.ge [sflag:s1], $0x3200  }
0x11b: {  	[sflag:s1] =	ssyncset.done $0x0  }
0x11c: {  	s15 =	simm.s32 $0xD80;
	[sflag:s1] =	ssyncadd.s32 $0xFFFFCE00  }
0x11d: {  	[spmem:s2] =	stream.indirect.scatter.add.f32 [tilespmem:s24], [sflag:$0x4], $0x80, s15, s28, $0xb8;
	[tilespmem:$0x1EC80] =	vst v63  }
0x11e: {  	_ =	swait.ge [sflag:s25], $0x3200  }
0x11f: {  	[sflag:s25] =	ssyncset.done $0x0  }
0x120: {  	s16 =	simm.s32 $0x300;
	[sflag:s25] =	ssyncadd.s32 $0xFFFFCE00  }
0x121: {  	[tilespmem:s24], [sflag:$0x1] =	stream.indirect.gather [hbm4b:s4+s28], $0x80, s16, s28, $0xb8;
	[tilespmem:$0x1EC80] =	vst v63  }
0x122: {  	_ =	swait.ge [sflag:s7], $0x3200  }
0x123: {  	[sflag:s7] =	ssyncset.done $0x0  }
0x124: {  	s17 =	simm.s32 $0xE00;
	[sflag:s7] =	ssyncadd.s32 $0xFFFFCE00  }
0x125: {  	[spmem:s2] =	stream.indirect.scatter.add.f32 [tilespmem:s30], [sflag:$0x4], $0x80, s17, s28, $0xb8;
	[tilespmem:$0x1EC80] =	vst v63  }
0x126: {  	_ =	swait.ge [sflag:s25], $0x3200  }
0x127: {  	[sflag:s25] =	ssyncset.done $0x0  }
0x128: {  	s18 =	simm.s32 $0x380;
	[sflag:s25] =	ssyncadd.s32 $0xFFFFCE00  }
0x129: {  	[tilespmem:s30], [sflag:$0x2] =	stream.indirect.gather [hbm4b:s4+s28], $0x80, s18, s28, $0xb8;
	[tilespmem:$0x1EC80] =	vst v63  }
0x12a: {  	_ =	swait.ge [sflag:s10], $0x3200  }
0x12b: {  	[sflag:s10] =	ssyncset.done $0x0  }
0x12c: {  	s19 =	simm.s32 $0xE80;
	[sflag:s10] =	ssyncadd.s32 $0xFFFFCE00  }
0x12d: {  	[spmem:s2] =	stream.indirect.scatter.add.f32 [tilespmem:s0], [sflag:$0x4], $0x80, s19, s28, $0xb8;
	[tilespmem:$0x1EC80] =	vst v63  }
0x12e: {  	_ =	swait.ge [sflag:s25], $0x3200  }
0x12f: {  	[sflag:s25] =	ssyncset.done $0x0  }
0x130: {  	s20 =	simm.s32 $0x400;
	[sflag:s25] =	ssyncadd.s32 $0xFFFFCE00  }
0x131: {  	[tilespmem:s0], [sflag:$0x3] =	stream.indirect.gather [hbm4b:s4+s28], $0x80, s20, s28, $0xb8;
	[tilespmem:$0x1EC80] =	vst v63  }
0x132: {  	_ =	swait.ge [sflag:s1], $0x3200  }
0x133: {  	[sflag:s1] =	ssyncset.done $0x0  }
0x134: {  	s21 =	simm.s32 $0xF00;
	[sflag:s1] =	ssyncadd.s32 $0xFFFFCE00  }
0x135: {  	[spmem:s2] =	stream.indirect.scatter.add.f32 [tilespmem:s24], [sflag:$0x4], $0x80, s21, s28, $0xb8;
	[tilespmem:$0x1EC80] =	vst v63  }
0x136: {  	_ =	swait.ge [sflag:s25], $0x3200  }
0x137: {  	[sflag:s25] =	ssyncset.done $0x0  }
0x138: {  	s22 =	simm.s32 $0x480;
	[sflag:s25] =	ssyncadd.s32 $0xFFFFCE00  }
0x139: {  	[tilespmem:s24], [sflag:$0x1] =	stream.indirect.gather [hbm4b:s4+s28], $0x80, s22, s28, $0xb8;
	[tilespmem:$0x1EC80] =	vst v63  }
0x13a: {  	_ =	swait.ge [sflag:s7], $0x3200  }
0x13b: {  	[sflag:s7] =	ssyncset.done $0x0  }
0x13c: {  	s5 =	simm.s32 $0xF80;
	[sflag:s7] =	ssyncadd.s32 $0xFFFFCE00  }
0x13d: {  	[spmem:s2] =	stream.indirect.scatter.add.f32 [tilespmem:s30], [sflag:$0x4], $0x80, s5, s28, $0xb8;
	[tilespmem:$0x1EC80] =	vst v63  }
0x13e: {  	_ =	swait.ge [sflag:s25], $0x3200  }
0x13f: {  	[sflag:s25] =	ssyncset.done $0x0  }
0x140: {  	s6 =	simm.s32 $0x500;
	[sflag:s25] =	ssyncadd.s32 $0xFFFFCE00  }
0x141: {  	[tilespmem:s30], [sflag:$0x2] =	stream.indirect.gather [hbm4b:s4+s28], $0x80, s6, s28, $0xb8;
	[tilespmem:$0x1EC80] =	vst v63  }
0x142: {  	_ =	swait.ge [sflag:s10], $0x3200  }
0x143: {  	[sflag:s10] =	ssyncset.done $0x0  }
0x144: {  	s6 =	simm.s32 $0x1000;
	[sflag:s10] =	ssyncadd.s32 $0xFFFFCE00  }
0x145: {  	[spmem:s2] =	stream.indirect.scatter.add.f32 [tilespmem:s0], [sflag:$0x4], $0x80, s6, s28, $0xb8;
	[tilespmem:$0x1EC80] =	vst v63  }
0x146: {  	_ =	swait.ge [sflag:s25], $0x3200  }
0x147: {  	[sflag:s25] =	ssyncset.done $0x0  }
0x148: {  	s6 =	simm.s32 $0x580;
	[sflag:s25] =	ssyncadd.s32 $0xFFFFCE00  }
0x149: {  	[tilespmem:s0], [sflag:$0x3] =	stream.indirect.gather [hbm4b:s4+s28], $0x80, s6, s28, $0xb8;
	[tilespmem:$0x1EC80] =	vst v63  }
0x14a: {  	_ =	swait.ge [sflag:s1], $0x3200  }
0x14b: {  	[sflag:s1] =	ssyncset.done $0x0  }
0x14c: {  	s6 =	simm.s32 $0x1080;
	[sflag:s1] =	ssyncadd.s32 $0xFFFFCE00  }
0x14d: {  	[spmem:s2] =	stream.indirect.scatter.add.f32 [tilespmem:s24], [sflag:$0x4], $0x80, s6, s28, $0xb8;
	[tilespmem:$0x1EC80] =	vst v63  }
0x14e: {  	_ =	swait.ge [sflag:s25], $0x3200  }
0x14f: {  	[sflag:s25] =	ssyncset.done $0x0  }
0x150: {  	s31 =	simm.s32 $0x600;
	[sflag:s25] =	ssyncadd.s32 $0xFFFFCE00  }
0x151: {  	[tilespmem:s24], [sflag:$0x1] =	stream.indirect.gather [hbm4b:s4+s28], $0x80, s31, s28, $0xb8;
	[tilespmem:$0x1EC80] =	vst v63  }
0x152: {  	_ =	swait.ge [sflag:s7], $0x3200  }
0x153: {  	[sflag:s7] =	ssyncset.done $0x0  }
0x154: {  	s6 =	simm.s32 $0x1100;
	[sflag:s7] =	ssyncadd.s32 $0xFFFFCE00  }
0x155: {  	[spmem:s2] =	stream.indirect.scatter.add.f32 [tilespmem:s30], [sflag:$0x4], $0x80, s6, s28, $0xb8;
	[tilespmem:$0x1EC80] =	vst v63  }
0x156: {  	_ =	swait.ge [sflag:s25], $0x3200  }
0x157: {  	[sflag:s25] =	ssyncset.done $0x0  }
0x158: {  	s6 =	simm.s32 $0x680;
	[sflag:s25] =	ssyncadd.s32 $0xFFFFCE00  }
0x159: {  	[tilespmem:s30], [sflag:$0x2] =	stream.indirect.gather [hbm4b:s4+s28], $0x80, s6, s28, $0xb8;
	[tilespmem:$0x1EC80] =	vst v63  }
0x15a: {  	_ =	swait.ge [sflag:s10], $0x3200  }
0x15b: {  	[sflag:s10] =	ssyncset.done $0x0  }
0x15c: {  	s6 =	simm.s32 $0x1180;
	[sflag:s10] =	ssyncadd.s32 $0xFFFFCE00  }
0x15d: {  	[spmem:s2] =	stream.indirect.scatter.add.f32 [tilespmem:s0], [sflag:$0x4], $0x80, s6, s28, $0xb8;
	[tilespmem:$0x1EC80] =	vst v63  }
0x15e: {  	_ =	swait.ge [sflag:s25], $0x3200  }
0x15f: {  	[sflag:s25] =	ssyncset.done $0x0  }
0x160: {  	s6 =	simm.s32 $0x700;
	[sflag:s25] =	ssyncadd.s32 $0xFFFFCE00  }
0x161: {  	[tilespmem:s0], [sflag:$0x3] =	stream.indirect.gather [hbm4b:s4+s28], $0x80, s6, s28, $0xb8;
	[tilespmem:$0x1EC80] =	vst v63  }
0x162: {  	_ =	swait.ge [sflag:s1], $0x3200  }
0x163: {  	[sflag:s1] =	ssyncset.done $0x0  }
0x164: {  	s6 =	simm.s32 $0x1200;
	[sflag:s1] =	ssyncadd.s32 $0xFFFFCE00  }
0x165: {  	[spmem:s2] =	stream.indirect.scatter.add.f32 [tilespmem:s24], [sflag:$0x4], $0x80, s6, s28, $0xb8;
	[tilespmem:$0x1EC80] =	vst v63  }
0x166: {  	_ =	swait.ge [sflag:s25], $0x3200  }
0x167: {  	[sflag:s25] =	ssyncset.done $0x0  }
0x168: {  	s6 =	simm.s32 $0x780;
	[sflag:s25] =	ssyncadd.s32 $0xFFFFCE00  }
0x169: {  	[tilespmem:s24], [sflag:$0x1] =	stream.indirect.gather [hbm4b:s4+s28], $0x80, s6, s28, $0xb8;
	[tilespmem:$0x1EC80] =	vst v63  }
0x16a: {  	_ =	swait.ge [sflag:s7], $0x3200  }
0x16b: {  	[sflag:s7] =	ssyncset.done $0x0  }
0x16c: {  	s6 =	simm.s32 $0x1280;
	[sflag:s7] =	ssyncadd.s32 $0xFFFFCE00  }
0x16d: {  	[spmem:s2] =	stream.indirect.scatter.add.f32 [tilespmem:s30], [sflag:$0x4], $0x80, s6, s28, $0xb8;
	[tilespmem:$0x1EC80] =	vst v63  }
0x16e: {  	_ =	swait.ge [sflag:s25], $0x3200  }
0x16f: {  	[sflag:s25] =	ssyncset.done $0x0  }
0x170: {  	s6 =	simm.s32 $0x800;
	[sflag:s25] =	ssyncadd.s32 $0xFFFFCE00  }
0x171: {  	[tilespmem:s30], [sflag:$0x2] =	stream.indirect.gather [hbm4b:s4+s28], $0x80, s6, s28, $0xb8;
	[tilespmem:$0x1EC80] =	vst v63  }
0x172: {  	_ =	swait.ge [sflag:s10], $0x3200  }
0x173: {  	[sflag:s10] =	ssyncset.done $0x0  }
0x174: {  	s6 =	simm.s32 $0x1300;
	[sflag:s10] =	ssyncadd.s32 $0xFFFFCE00  }
0x175: {  	[spmem:s2] =	stream.indirect.scatter.add.f32 [tilespmem:s0], [sflag:$0x4], $0x80, s6, s28, $0xb8;
	[tilespmem:$0x1EC80] =	vst v63  }
0x176: {  	_ =	swait.ge [sflag:s25], $0x3200  }
0x177: {  	[sflag:s25] =	ssyncset.done $0x0  }
0x178: {  	s6 =	simm.s32 $0x880;
	[sflag:s25] =	ssyncadd.s32 $0xFFFFCE00  }
0x179: {  	[tilespmem:s0], [sflag:$0x3] =	stream.indirect.gather [hbm4b:s4+s28], $0x80, s6, s28, $0xb8;
	[tilespmem:$0x1EC80] =	vst v63  }
0x17a: {  	_ =	swait.ge [sflag:s1], $0x3200  }
0x17b: {  	[sflag:s1] =	ssyncset.done $0x0  }
0x17c: {  	s6 =	simm.s32 $0x1380;
	[sflag:s1] =	ssyncadd.s32 $0xFFFFCE00  }
0x17d: {  	[spmem:s2] =	stream.indirect.scatter.add.f32 [tilespmem:s24], [sflag:$0x4], $0x80, s6, s28, $0xb8;
	[tilespmem:$0x1EC80] =	vst v63  }
0x17e: {  	_ =	swait.ge [sflag:s25], $0x3200  }
0x17f: {  	[sflag:s25] =	ssyncset.done $0x0  }
0x180: {  	s6 =	simm.s32 $0x900;
	[sflag:s25] =	ssyncadd.s32 $0xFFFFCE00  }
0x181: {  	[tilespmem:s24], [sflag:$0x1] =	stream.indirect.gather [hbm4b:s4+s28], $0x80, s6, s28, $0xb8;
	[tilespmem:$0x1EC80] =	vst v63  }
0x182: {  	_ =	swait.ge [sflag:s7], $0x3200  }
0x183: {  	[sflag:s7] =	ssyncset.done $0x0  }
0x184: {  	s6 =	simm.s32 $0x1400;
	[sflag:s7] =	ssyncadd.s32 $0xFFFFCE00  }
0x185: {  	[spmem:s2] =	stream.indirect.scatter.add.f32 [tilespmem:s30], [sflag:$0x4], $0x80, s6, s28, $0xb8;
	[tilespmem:$0x1EC80] =	vst v63  }
0x186: {  	_ =	swait.ge [sflag:s25], $0x3200  }
0x187: {  	[sflag:s25] =	ssyncset.done $0x0  }
0x188: {  	s6 =	simm.s32 $0x980;
	[sflag:s25] =	ssyncadd.s32 $0xFFFFCE00  }
0x189: {  	[tilespmem:s30], [sflag:$0x2] =	stream.indirect.gather [hbm4b:s4+s28], $0x80, s6, s28, $0xb8;
	[tilespmem:$0x1EC80] =	vst v63  }
0x18a: {  	_ =	swait.ge [sflag:s10], $0x3200  }
0x18b: {  	[sflag:s10] =	ssyncset.done $0x0  }
0x18c: {  	s6 =	simm.s32 $0x1480;
	[sflag:s10] =	ssyncadd.s32 $0xFFFFCE00  }
0x18d: {  	[spmem:s2] =	stream.indirect.scatter.add.f32 [tilespmem:s0], [sflag:$0x4], $0x80, s6, s28, $0xb8;
	[tilespmem:$0x1EC80] =	vst v63  }
0x18e: {  	_ =	swait.ge [sflag:s25], $0x3200  }
0x18f: {  	[sflag:s25] =	ssyncset.done $0x0  }
0x190: {  	[sflag:s25] =	ssyncadd.s32 $0xFFFFCE00  }
0x191: {  	_ =	swait.ge [sflag:s1], $0x3200  }
0x192: {  	[sflag:s1] =	ssyncset.done $0x0  }
0x193: {  	s6 =	simm.s32 $0x1500;
	[sflag:s1] =	ssyncadd.s32 $0xFFFFCE00  }
0x194: {  	[spmem:s2] =	stream.indirect.scatter.add.f32 [tilespmem:s24], [sflag:$0x4], $0x80, s6, s28, $0xb8;
	[tilespmem:$0x1EC80] =	vst v63  }
0x195: {  	_ =	swait.ge [sflag:s25], $0x3200  }
0x196: {  	[sflag:s25] =	ssyncset.done $0x0  }
0x197: {  	[sflag:s25] =	ssyncadd.s32 $0xFFFFCE00  }
0x198: {  	_ =	swait.ge [sflag:s7], $0x3200  }
0x199: {  	[sflag:s7] =	ssyncset.done $0x0  }
0x19a: {  	s6 =	simm.s32 $0x1580;
	[sflag:s7] =	ssyncadd.s32 $0xFFFFCE00  }
0x19b: {  	[spmem:s2] =	stream.indirect.scatter.add.f32 [tilespmem:s30], [sflag:$0x4], $0x80, s6, s28, $0xb8;
	[tilespmem:$0x1EC80] =	vst v63  }
0x19c: {  	_ =	swait.ge [sflag:s25], $0x3200  }
0x19d: {  	[sflag:s25] =	ssyncset.done $0x0  }
0x19e: {  	s6 =	rddreg [dreg:$0xf];
	[sflag:s25] =	ssyncadd.s32 $0xFFFFCE00  }
0x19f: {  	[tilespmem:s23], [sflag:$0x4] =	stream.linear.gather [hbm4b:s6+s23], $0xA00, $0x38;
	[tilespmem:$0x1EC80] =	vst v63  }
0x1a0: {  	_ =	swait.ge [sflag:s25], $0xA00  }
0x1a1: {  	[sflag:s25] =	ssyncset.done $0x0  }
0x1a2: {  	s6 =	rddreg [dreg:$0x10];
	[sflag:s25] =	ssyncadd.s32 $0xFFFFF600  }
0x1a3: {  	[tilespmem:s3], [sflag:$0x4] =	stream.linear.gather [hbm4b:s6+s23], $0xA00, $0x38;
	[tilespmem:$0x1EC80] =	vst v63  }
0x1a4: {  	_ =	swait.ge [sflag:s25], $0xA00  }
0x1a5: {  	[sflag:s25] =	ssyncset.done $0x0  }
0x1a6: {  	[sflag:s25] =	ssyncadd.s32 $0xFFFFF600  }
0x1a7: {  	[tilespmem:s24], [sflag:$0x1] =	stream.indirect.gather [hbm4b:s4+s28], $0x80, s23, s28, $0xb8;
	[tilespmem:$0x1EC80] =	vst v63  }
0x1a8: {  	_ = 	snop  }
0x1a9: {  	[tilespmem:s30], [sflag:$0x2] =	stream.indirect.gather [hbm4b:s4+s28], $0x80, s26, s28, $0xb8;
	[tilespmem:$0x1EC80] =	vst v63  }
0x1aa: {  	_ = 	snop  }
0x1ab: {  	[tilespmem:s0], [sflag:$0x3] =	stream.indirect.gather [hbm4b:s4+s28], $0x80, s8, s28, $0xb8;
	[tilespmem:$0x1EC80] =	vst v63  }
0x1ac: {  	_ =	swait.ge [sflag:s1], $0x3200  }
0x1ad: {  	[sflag:s1] =	ssyncset.done $0x0  }
0x1ae: {  	[sflag:s1] =	ssyncadd.s32 $0xFFFFCE00  }
0x1af: {  	[spmem:s2] =	stream.indirect.scatter.add.f32 [tilespmem:s24], [sflag:$0x4], $0x80, s3, s28, $0xb8;
	[tilespmem:$0x1EC80] =	vst v63  }
0x1b0: {  	_ =	swait.ge [sflag:s25], $0x3200  }
0x1b1: {  	[sflag:s25] =	ssyncset.done $0x0  }
0x1b2: {  	[sflag:s25] =	ssyncadd.s32 $0xFFFFCE00  }
0x1b3: {  	[tilespmem:s24], [sflag:$0x1] =	stream.indirect.gather [hbm4b:s4+s28], $0x80, s9, s28, $0xb8;
	[tilespmem:$0x1EC80] =	vst v63  }
0x1b4: {  	_ =	swait.ge [sflag:s7], $0x3200  }
0x1b5: {  	[sflag:s7] =	ssyncset.done $0x0  }
0x1b6: {  	[sflag:s7] =	ssyncadd.s32 $0xFFFFCE00  }
0x1b7: {  	[spmem:s2] =	stream.indirect.scatter.add.f32 [tilespmem:s30], [sflag:$0x4], $0x80, s11, s28, $0xb8;
	[tilespmem:$0x1EC80] =	vst v63  }
0x1b8: {  	_ =	swait.ge [sflag:s25], $0x3200  }
0x1b9: {  	[sflag:s25] =	ssyncset.done $0x0  }
0x1ba: {  	[sflag:s25] =	ssyncadd.s32 $0xFFFFCE00  }
0x1bb: {  	[tilespmem:s30], [sflag:$0x2] =	stream.indirect.gather [hbm4b:s4+s28], $0x80, s12, s28, $0xb8;
	[tilespmem:$0x1EC80] =	vst v63  }
0x1bc: {  	_ =	swait.ge [sflag:s10], $0x3200  }
0x1bd: {  	[sflag:s10] =	ssyncset.done $0x0  }
0x1be: {  	[sflag:s10] =	ssyncadd.s32 $0xFFFFCE00  }
0x1bf: {  	[spmem:s2] =	stream.indirect.scatter.add.f32 [tilespmem:s0], [sflag:$0x4], $0x80, s13, s28, $0xb8;
	[tilespmem:$0x1EC80] =	vst v63  }
0x1c0: {  	_ =	swait.ge [sflag:s25], $0x3200  }
0x1c1: {  	[sflag:s25] =	ssyncset.done $0x0  }
0x1c2: {  	[sflag:s25] =	ssyncadd.s32 $0xFFFFCE00  }
0x1c3: {  	[tilespmem:s0], [sflag:$0x3] =	stream.indirect.gather [hbm4b:s4+s28], $0x80, s14, s28, $0xb8;
	[tilespmem:$0x1EC80] =	vst v63  }
0x1c4: {  	_ =	swait.ge [sflag:s1], $0x3200  }
0x1c5: {  	[sflag:s1] =	ssyncset.done $0x0  }
0x1c6: {  	[sflag:s1] =	ssyncadd.s32 $0xFFFFCE00  }
0x1c7: {  	[spmem:s2] =	stream.indirect.scatter.add.f32 [tilespmem:s24], [sflag:$0x4], $0x80, s15, s28, $0xb8;
	[tilespmem:$0x1EC80] =	vst v63  }
0x1c8: {  	_ =	swait.ge [sflag:s25], $0x3200  }
0x1c9: {  	[sflag:s25] =	ssyncset.done $0x0  }
0x1ca: {  	[sflag:s25] =	ssyncadd.s32 $0xFFFFCE00  }
0x1cb: {  	[tilespmem:s24], [sflag:$0x1] =	stream.indirect.gather [hbm4b:s4+s28], $0x80, s16, s28, $0xb8;
	[tilespmem:$0x1EC80] =	vst v63  }
0x1cc: {  	_ =	swait.ge [sflag:s7], $0x3200  }
0x1cd: {  	[sflag:s7] =	ssyncset.done $0x0  }
0x1ce: {  	[sflag:s7] =	ssyncadd.s32 $0xFFFFCE00  }
0x1cf: {  	[spmem:s2] =	stream.indirect.scatter.add.f32 [tilespmem:s30], [sflag:$0x4], $0x80, s17, s28, $0xb8;
	[tilespmem:$0x1EC80] =	vst v63  }
0x1d0: {  	_ =	swait.ge [sflag:s25], $0x3200  }
0x1d1: {  	[sflag:s25] =	ssyncset.done $0x0  }
0x1d2: {  	[sflag:s25] =	ssyncadd.s32 $0xFFFFCE00  }
0x1d3: {  	[tilespmem:s30], [sflag:$0x2] =	stream.indirect.gather [hbm4b:s4+s28], $0x80, s18, s28, $0xb8;
	[tilespmem:$0x1EC80] =	vst v63  }
0x1d4: {  	_ =	swait.ge [sflag:s10], $0x3200  }
0x1d5: {  	[sflag:s10] =	ssyncset.done $0x0  }
0x1d6: {  	[sflag:s10] =	ssyncadd.s32 $0xFFFFCE00  }
0x1d7: {  	[spmem:s2] =	stream.indirect.scatter.add.f32 [tilespmem:s0], [sflag:$0x4], $0x80, s19, s28, $0xb8;
	[tilespmem:$0x1EC80] =	vst v63  }
0x1d8: {  	_ =	swait.ge [sflag:s25], $0x3200  }
0x1d9: {  	[sflag:s25] =	ssyncset.done $0x0  }
0x1da: {  	[sflag:s25] =	ssyncadd.s32 $0xFFFFCE00  }
0x1db: {  	[tilespmem:s0], [sflag:$0x3] =	stream.indirect.gather [hbm4b:s4+s28], $0x80, s20, s28, $0xb8;
	[tilespmem:$0x1EC80] =	vst v63  }
0x1dc: {  	_ =	swait.ge [sflag:s1], $0x3200  }
0x1dd: {  	[sflag:s1] =	ssyncset.done $0x0  }
0x1de: {  	[sflag:s1] =	ssyncadd.s32 $0xFFFFCE00  }
0x1df: {  	[spmem:s2] =	stream.indirect.scatter.add.f32 [tilespmem:s24], [sflag:$0x4], $0x80, s21, s28, $0xb8;
	[tilespmem:$0x1EC80] =	vst v63  }
0x1e0: {  	_ =	swait.ge [sflag:s25], $0x3200  }
0x1e1: {  	[sflag:s25] =	ssyncset.done $0x0  }
0x1e2: {  	[sflag:s25] =	ssyncadd.s32 $0xFFFFCE00  }
0x1e3: {  	[tilespmem:s24], [sflag:$0x1] =	stream.indirect.gather [hbm4b:s4+s28], $0x80, s22, s28, $0xb8;
	[tilespmem:$0x1EC80] =	vst v63  }
0x1e4: {  	_ =	swait.ge [sflag:s7], $0x3200  }
0x1e5: {  	[sflag:s7] =	ssyncset.done $0x0  }
0x1e6: {  	[sflag:s7] =	ssyncadd.s32 $0xFFFFCE00  }
0x1e7: {  	[spmem:s2] =	stream.indirect.scatter.add.f32 [tilespmem:s30], [sflag:$0x4], $0x80, s5, s28, $0xb8;
	[tilespmem:$0x1EC80] =	vst v63  }
0x1e8: {  	_ =	swait.ge [sflag:s25], $0x3200  }
0x1e9: {  	[sflag:s25] =	ssyncset.done $0x0  }
0x1ea: {  	s18 =	simm.s32 $0x500;
	[sflag:s25] =	ssyncadd.s32 $0xFFFFCE00  }
0x1eb: {  	[tilespmem:s30], [sflag:$0x2] =	stream.indirect.gather [hbm4b:s4+s28], $0x80, s18, s28, $0xb8;
	[tilespmem:$0x1EC80] =	vst v63  }
0x1ec: {  	_ =	swait.ge [sflag:s10], $0x3200  }
0x1ed: {  	[sflag:s10] =	ssyncset.done $0x0  }
0x1ee: {  	s19 =	simm.s32 $0x1000;
	[sflag:s10] =	ssyncadd.s32 $0xFFFFCE00  }
0x1ef: {  	[spmem:s2] =	stream.indirect.scatter.add.f32 [tilespmem:s0], [sflag:$0x4], $0x80, s19, s28, $0xb8;
	[tilespmem:$0x1EC80] =	vst v63  }
0x1f0: {  	_ =	swait.ge [sflag:s25], $0x3200  }
0x1f1: {  	[sflag:s25] =	ssyncset.done $0x0  }
0x1f2: {  	s20 =	simm.s32 $0x580;
	[sflag:s25] =	ssyncadd.s32 $0xFFFFCE00  }
0x1f3: {  	[tilespmem:s0], [sflag:$0x3] =	stream.indirect.gather [hbm4b:s4+s28], $0x80, s20, s28, $0xb8;
	[tilespmem:$0x1EC80] =	vst v63  }
0x1f4: {  	_ =	swait.ge [sflag:s1], $0x3200  }
0x1f5: {  	[sflag:s1] =	ssyncset.done $0x0  }
0x1f6: {  	s21 =	simm.s32 $0x1080;
	[sflag:s1] =	ssyncadd.s32 $0xFFFFCE00  }
0x1f7: {  	[spmem:s2] =	stream.indirect.scatter.add.f32 [tilespmem:s24], [sflag:$0x4], $0x80, s21, s28, $0xb8;
	[tilespmem:$0x1EC80] =	vst v63  }
0x1f8: {  	_ =	swait.ge [sflag:s25], $0x3200  }
0x1f9: {  	[sflag:s25] =	ssyncset.done $0x0  }
0x1fa: {  	s31 =	simm.s32 $0x600;
	[sflag:s25] =	ssyncadd.s32 $0xFFFFCE00  }
0x1fb: {  	[tilespmem:s24], [sflag:$0x1] =	stream.indirect.gather [hbm4b:s4+s28], $0x80, s31, s28, $0xb8;
	[tilespmem:$0x1EC80] =	vst v63  }
0x1fc: {  	_ =	swait.ge [sflag:s7], $0x3200  }
0x1fd: {  	[sflag:s7] =	ssyncset.done $0x0  }
0x1fe: {  	s22 =	simm.s32 $0x1100;
	[sflag:s7] =	ssyncadd.s32 $0xFFFFCE00  }
0x1ff: {  	[spmem:s2] =	stream.indirect.scatter.add.f32 [tilespmem:s30], [sflag:$0x4], $0x80, s22, s28, $0xb8;
	[tilespmem:$0x1EC80] =	vst v63  }
0x200: {  	_ =	swait.ge [sflag:s25], $0x3200  }
0x201: {  	[sflag:s25] =	ssyncset.done $0x0  }
0x202: {  	s31 =	simm.s32 $0x680;
	[sflag:s25] =	ssyncadd.s32 $0xFFFFCE00  }
0x203: {  	[tilespmem:s30], [sflag:$0x2] =	stream.indirect.gather [hbm4b:s4+s28], $0x80, s31, s28, $0xb8;
	[tilespmem:$0x1EC80] =	vst v63  }
0x204: {  	_ =	swait.ge [sflag:s10], $0x3200  }
0x205: {  	[sflag:s10] =	ssyncset.done $0x0  }
0x206: {  	s6 =	simm.s32 $0x1180;
	[sflag:s10] =	ssyncadd.s32 $0xFFFFCE00  }
0x207: {  	[spmem:s2] =	stream.indirect.scatter.add.f32 [tilespmem:s0], [sflag:$0x4], $0x80, s6, s28, $0xb8;
	[tilespmem:$0x1EC80] =	vst v63  }
0x208: {  	_ =	swait.ge [sflag:s25], $0x3200  }
0x209: {  	[sflag:s25] =	ssyncset.done $0x0  }
0x20a: {  	s9 =	simm.s32 $0x700;
	[sflag:s25] =	ssyncadd.s32 $0xFFFFCE00  }
0x20b: {  	[tilespmem:s0], [sflag:$0x3] =	stream.indirect.gather [hbm4b:s4+s28], $0x80, s9, s28, $0xb8;
	[tilespmem:$0x1EC80] =	vst v63  }
0x20c: {  	_ =	swait.ge [sflag:s1], $0x3200  }
0x20d: {  	[sflag:s1] =	ssyncset.done $0x0  }
0x20e: {  	s11 =	simm.s32 $0x1200;
	[sflag:s1] =	ssyncadd.s32 $0xFFFFCE00  }
0x20f: {  	[spmem:s2] =	stream.indirect.scatter.add.f32 [tilespmem:s24], [sflag:$0x4], $0x80, s11, s28, $0xb8;
	[tilespmem:$0x1EC80] =	vst v63  }
0x210: {  	_ =	swait.ge [sflag:s25], $0x3200  }
0x211: {  	[sflag:s25] =	ssyncset.done $0x0  }
0x212: {  	s12 =	simm.s32 $0x780;
	[sflag:s25] =	ssyncadd.s32 $0xFFFFCE00  }
0x213: {  	[tilespmem:s24], [sflag:$0x1] =	stream.indirect.gather [hbm4b:s4+s28], $0x80, s12, s28, $0xb8;
	[tilespmem:$0x1EC80] =	vst v63  }
0x214: {  	_ =	swait.ge [sflag:s7], $0x3200  }
0x215: {  	[sflag:s7] =	ssyncset.done $0x0  }
0x216: {  	s13 =	simm.s32 $0x1280;
	[sflag:s7] =	ssyncadd.s32 $0xFFFFCE00  }
0x217: {  	[spmem:s2] =	stream.indirect.scatter.add.f32 [tilespmem:s30], [sflag:$0x4], $0x80, s13, s28, $0xb8;
	[tilespmem:$0x1EC80] =	vst v63  }
0x218: {  	_ =	swait.ge [sflag:s25], $0x3200  }
0x219: {  	[sflag:s25] =	ssyncset.done $0x0  }
0x21a: {  	s14 =	simm.s32 $0x800;
	[sflag:s25] =	ssyncadd.s32 $0xFFFFCE00  }
0x21b: {  	[tilespmem:s30], [sflag:$0x2] =	stream.indirect.gather [hbm4b:s4+s28], $0x80, s14, s28, $0xb8;
	[tilespmem:$0x1EC80] =	vst v63  }
0x21c: {  	_ =	swait.ge [sflag:s10], $0x3200  }
0x21d: {  	[sflag:s10] =	ssyncset.done $0x0  }
0x21e: {  	s15 =	simm.s32 $0x1300;
	[sflag:s10] =	ssyncadd.s32 $0xFFFFCE00  }
0x21f: {  	[spmem:s2] =	stream.indirect.scatter.add.f32 [tilespmem:s0], [sflag:$0x4], $0x80, s15, s28, $0xb8;
	[tilespmem:$0x1EC80] =	vst v63  }
0x220: {  	_ =	swait.ge [sflag:s25], $0x3200  }
0x221: {  	[sflag:s25] =	ssyncset.done $0x0  }
0x222: {  	s16 =	simm.s32 $0x880;
	[sflag:s25] =	ssyncadd.s32 $0xFFFFCE00  }
0x223: {  	[tilespmem:s0], [sflag:$0x3] =	stream.indirect.gather [hbm4b:s4+s28], $0x80, s16, s28, $0xb8;
	[tilespmem:$0x1EC80] =	vst v63  }
0x224: {  	_ =	swait.ge [sflag:s1], $0x3200  }
0x225: {  	[sflag:s1] =	ssyncset.done $0x0  }
0x226: {  	s17 =	simm.s32 $0x1380;
	[sflag:s1] =	ssyncadd.s32 $0xFFFFCE00  }
0x227: {  	[spmem:s2] =	stream.indirect.scatter.add.f32 [tilespmem:s24], [sflag:$0x4], $0x80, s17, s28, $0xb8;
	[tilespmem:$0x1EC80] =	vst v63  }
0x228: {  	_ =	swait.ge [sflag:s25], $0x3200  }
0x229: {  	[sflag:s25] =	ssyncset.done $0x0  }
0x22a: {  	s18 =	simm.s32 $0x900;
	[sflag:s25] =	ssyncadd.s32 $0xFFFFCE00  }
0x22b: {  	[tilespmem:s24], [sflag:$0x1] =	stream.indirect.gather [hbm4b:s4+s28], $0x80, s18, s28, $0xb8;
	[tilespmem:$0x1EC80] =	vst v63  }
0x22c: {  	_ =	swait.ge [sflag:s7], $0x3200  }
0x22d: {  	[sflag:s7] =	ssyncset.done $0x0  }
0x22e: {  	s19 =	simm.s32 $0x1400;
	[sflag:s7] =	ssyncadd.s32 $0xFFFFCE00  }
0x22f: {  	[spmem:s2] =	stream.indirect.scatter.add.f32 [tilespmem:s30], [sflag:$0x4], $0x80, s19, s28, $0xb8;
	[tilespmem:$0x1EC80] =	vst v63  }
0x230: {  	_ =	swait.ge [sflag:s25], $0x3200  }
0x231: {  	[sflag:s25] =	ssyncset.done $0x0  }
0x232: {  	s20 =	simm.s32 $0x980;
	[sflag:s25] =	ssyncadd.s32 $0xFFFFCE00  }
0x233: {  	[tilespmem:s30], [sflag:$0x2] =	stream.indirect.gather [hbm4b:s4+s28], $0x80, s20, s28, $0xb8;
	[tilespmem:$0x1EC80] =	vst v63  }
0x234: {  	_ =	swait.ge [sflag:s10], $0x3200  }
0x235: {  	[sflag:s10] =	ssyncset.done $0x0  }
0x236: {  	s21 =	simm.s32 $0x1480;
	[sflag:s10] =	ssyncadd.s32 $0xFFFFCE00  }
0x237: {  	[spmem:s2] =	stream.indirect.scatter.add.f32 [tilespmem:s0], [sflag:$0x4], $0x80, s21, s28, $0xb8;
	[tilespmem:$0x1EC80] =	vst v63  }
0x238: {  	_ =	swait.ge [sflag:s25], $0x3200  }
0x239: {  	[sflag:s25] =	ssyncset.done $0x0  }
0x23a: {  	[sflag:s25] =	ssyncadd.s32 $0xFFFFCE00  }
0x23b: {  	_ =	swait.ge [sflag:s1], $0x3200  }
0x23c: {  	[sflag:s1] =	ssyncset.done $0x0  }
0x23d: {  	s22 =	simm.s32 $0x1500;
	[sflag:s1] =	ssyncadd.s32 $0xFFFFCE00  }
0x23e: {  	[spmem:s2] =	stream.indirect.scatter.add.f32 [tilespmem:s24], [sflag:$0x4], $0x80, s22, s28, $0xb8;
	[tilespmem:$0x1EC80] =	vst v63  }
0x23f: {  	_ =	swait.ge [sflag:s25], $0x3200  }
0x240: {  	[sflag:s25] =	ssyncset.done $0x0  }
0x241: {  	[sflag:s25] =	ssyncadd.s32 $0xFFFFCE00  }
0x242: {  	_ =	swait.ge [sflag:s7], $0x3200  }
0x243: {  	[sflag:s7] =	ssyncset.done $0x0  }
0x244: {  	s31 =	simm.s32 $0x1580;
	[sflag:s7] =	ssyncadd.s32 $0xFFFFCE00  }
0x245: {  	[spmem:s2] =	stream.indirect.scatter.add.f32 [tilespmem:s30], [sflag:$0x4], $0x80, s31, s28, $0xb8;
	[tilespmem:$0x1EC80] =	vst v63  }
0x246: {  	_ =	swait.ge [sflag:s25], $0x3200  }
0x247: {  	[sflag:s25] =	ssyncset.done $0x0  }
0x248: {  	s5 =	rddreg [dreg:$0x11];
	[sflag:s25] =	ssyncadd.s32 $0xFFFFCE00  }
0x249: {  	[tilespmem:s23], [sflag:$0x4] =	stream.linear.gather [hbm4b:s5+s23], $0xA00, $0x38;
	[tilespmem:$0x1EC80] =	vst v63  }
0x24a: {  	_ =	swait.ge [sflag:s25], $0xA00  }
0x24b: {  	[sflag:s25] =	ssyncset.done $0x0  }
0x24c: {  	s9 =	rddreg [dreg:$0x12];
	[sflag:s25] =	ssyncadd.s32 $0xFFFFF600  }
0x24d: {  	[tilespmem:s3], [sflag:$0x4] =	stream.linear.gather [hbm4b:s9+s23], $0xA00, $0x38;
	[tilespmem:$0x1EC80] =	vst v63  }
0x24e: {  	_ =	swait.ge [sflag:s25], $0xA00  }
0x24f: {  	[sflag:s25] =	ssyncset.done $0x0  }
0x250: {  	[sflag:s25] =	ssyncadd.s32 $0xFFFFF600  }
0x251: {  	[tilespmem:s24], [sflag:$0x1] =	stream.indirect.gather [hbm4b:s4+s28], $0x80, s23, s28, $0xb8;
	[tilespmem:$0x1EC80] =	vst v63  }
0x252: {  	s26 =	simm.s32 $0x80  }
0x253: {  	[tilespmem:s30], [sflag:$0x2] =	stream.indirect.gather [hbm4b:s4+s28], $0x80, s26, s28, $0xb8;
	[tilespmem:$0x1EC80] =	vst v63  }
0x254: {  	s11 =	simm.s32 $0x100  }
0x255: {  	[tilespmem:s0], [sflag:$0x3] =	stream.indirect.gather [hbm4b:s4+s28], $0x80, s11, s28, $0xb8;
	[tilespmem:$0x1EC80] =	vst v63  }
0x256: {  	_ =	swait.ge [sflag:s1], $0x3200  }
0x257: {  	[sflag:s1] =	ssyncset.done $0x0  }
0x258: {  	[sflag:s1] =	ssyncadd.s32 $0xFFFFCE00  }
0x259: {  	[spmem:s2] =	stream.indirect.scatter.add.f32 [tilespmem:s24], [sflag:$0x4], $0x80, s3, s28, $0xb8;
	[tilespmem:$0x1EC80] =	vst v63  }
0x25a: {  	_ =	swait.ge [sflag:s25], $0x3200  }
0x25b: {  	[sflag:s25] =	ssyncset.done $0x0  }
0x25c: {  	s12 =	simm.s32 $0x180;
	[sflag:s25] =	ssyncadd.s32 $0xFFFFCE00  }
0x25d: {  	[tilespmem:s24], [sflag:$0x1] =	stream.indirect.gather [hbm4b:s4+s28], $0x80, s12, s28, $0xb8;
	[tilespmem:$0x1EC80] =	vst v63  }
0x25e: {  	_ =	swait.ge [sflag:s7], $0x3200  }
0x25f: {  	[sflag:s7] =	ssyncset.done $0x0  }
0x260: {  	s13 =	simm.s32 $0xC80;
	[sflag:s7] =	ssyncadd.s32 $0xFFFFCE00  }
0x261: {  	[spmem:s2] =	stream.indirect.scatter.add.f32 [tilespmem:s30], [sflag:$0x4], $0x80, s13, s28, $0xb8;
	[tilespmem:$0x1EC80] =	vst v63  }
0x262: {  	_ =	swait.ge [sflag:s25], $0x3200  }
0x263: {  	[sflag:s25] =	ssyncset.done $0x0  }
0x264: {  	s14 =	simm.s32 $0x200;
	[sflag:s25] =	ssyncadd.s32 $0xFFFFCE00  }
0x265: {  	[tilespmem:s30], [sflag:$0x2] =	stream.indirect.gather [hbm4b:s4+s28], $0x80, s14, s28, $0xb8;
	[tilespmem:$0x1EC80] =	vst v63  }
0x266: {  	_ =	swait.ge [sflag:s10], $0x3200  }
0x267: {  	[sflag:s10] =	ssyncset.done $0x0  }
0x268: {  	s15 =	simm.s32 $0xD00;
	[sflag:s10] =	ssyncadd.s32 $0xFFFFCE00  }
0x269: {  	[spmem:s2] =	stream.indirect.scatter.add.f32 [tilespmem:s0], [sflag:$0x4], $0x80, s15, s28, $0xb8;
	[tilespmem:$0x1EC80] =	vst v63  }
0x26a: {  	_ =	swait.ge [sflag:s25], $0x3200  }
0x26b: {  	[sflag:s25] =	ssyncset.done $0x0  }
0x26c: {  	s16 =	simm.s32 $0x280;
	[sflag:s25] =	ssyncadd.s32 $0xFFFFCE00  }
0x26d: {  	[tilespmem:s0], [sflag:$0x3] =	stream.indirect.gather [hbm4b:s4+s28], $0x80, s16, s28, $0xb8;
	[tilespmem:$0x1EC80] =	vst v63  }
0x26e: {  	_ =	swait.ge [sflag:s1], $0x3200  }
0x26f: {  	[sflag:s1] =	ssyncset.done $0x0  }
0x270: {  	s17 =	simm.s32 $0xD80;
	[sflag:s1] =	ssyncadd.s32 $0xFFFFCE00  }
0x271: {  	[spmem:s2] =	stream.indirect.scatter.add.f32 [tilespmem:s24], [sflag:$0x4], $0x80, s17, s28, $0xb8;
	[tilespmem:$0x1EC80] =	vst v63  }
0x272: {  	_ =	swait.ge [sflag:s25], $0x3200  }
0x273: {  	[sflag:s25] =	ssyncset.done $0x0  }
0x274: {  	s18 =	simm.s32 $0x300;
	[sflag:s25] =	ssyncadd.s32 $0xFFFFCE00  }
0x275: {  	[tilespmem:s24], [sflag:$0x1] =	stream.indirect.gather [hbm4b:s4+s28], $0x80, s18, s28, $0xb8;
	[tilespmem:$0x1EC80] =	vst v63  }
0x276: {  	_ =	swait.ge [sflag:s7], $0x3200  }
0x277: {  	[sflag:s7] =	ssyncset.done $0x0  }
0x278: {  	s19 =	simm.s32 $0xE00;
	[sflag:s7] =	ssyncadd.s32 $0xFFFFCE00  }
0x279: {  	[spmem:s2] =	stream.indirect.scatter.add.f32 [tilespmem:s30], [sflag:$0x4], $0x80, s19, s28, $0xb8;
	[tilespmem:$0x1EC80] =	vst v63  }
0x27a: {  	_ =	swait.ge [sflag:s25], $0x3200  }
0x27b: {  	[sflag:s25] =	ssyncset.done $0x0  }
0x27c: {  	s20 =	simm.s32 $0x380;
	[sflag:s25] =	ssyncadd.s32 $0xFFFFCE00  }
0x27d: {  	[tilespmem:s30], [sflag:$0x2] =	stream.indirect.gather [hbm4b:s4+s28], $0x80, s20, s28, $0xb8;
	[tilespmem:$0x1EC80] =	vst v63  }
0x27e: {  	_ =	swait.ge [sflag:s10], $0x3200  }
0x27f: {  	[sflag:s10] =	ssyncset.done $0x0  }
0x280: {  	s21 =	simm.s32 $0xE80;
	[sflag:s10] =	ssyncadd.s32 $0xFFFFCE00  }
0x281: {  	[spmem:s2] =	stream.indirect.scatter.add.f32 [tilespmem:s0], [sflag:$0x4], $0x80, s21, s28, $0xb8;
	[tilespmem:$0x1EC80] =	vst v63  }
0x282: {  	_ =	swait.ge [sflag:s25], $0x3200  }
0x283: {  	[sflag:s25] =	ssyncset.done $0x0  }
0x284: {  	s22 =	simm.s32 $0x400;
	[sflag:s25] =	ssyncadd.s32 $0xFFFFCE00  }
0x285: {  	[tilespmem:s0], [sflag:$0x3] =	stream.indirect.gather [hbm4b:s4+s28], $0x80, s22, s28, $0xb8;
	[tilespmem:$0x1EC80] =	vst v63  }
0x286: {  	_ =	swait.ge [sflag:s1], $0x3200  }
0x287: {  	[sflag:s1] =	ssyncset.done $0x0  }
0x288: {  	s26 =	simm.s32 $0xF00;
	[sflag:s1] =	ssyncadd.s32 $0xFFFFCE00  }
0x289: {  	[spmem:s2] =	stream.indirect.scatter.add.f32 [tilespmem:s24], [sflag:$0x4], $0x80, s26, s28, $0xb8;
	[tilespmem:$0x1EC80] =	vst v63  }
0x28a: {  	_ =	swait.ge [sflag:s25], $0x3200  }
0x28b: {  	[sflag:s25] =	ssyncset.done $0x0  }
0x28c: {  	s31 =	simm.s32 $0x480;
	[sflag:s25] =	ssyncadd.s32 $0xFFFFCE00  }
0x28d: {  	[tilespmem:s24], [sflag:$0x1] =	stream.indirect.gather [hbm4b:s4+s28], $0x80, s31, s28, $0xb8;
	[tilespmem:$0x1EC80] =	vst v63  }
0x28e: {  	_ =	swait.ge [sflag:s7], $0x3200  }
0x28f: {  	[sflag:s7] =	ssyncset.done $0x0  }
0x290: {  	s8 =	simm.s32 $0xF80;
	[sflag:s7] =	ssyncadd.s32 $0xFFFFCE00  }
0x291: {  	[spmem:s2] =	stream.indirect.scatter.add.f32 [tilespmem:s30], [sflag:$0x4], $0x80, s8, s28, $0xb8;
	[tilespmem:$0x1EC80] =	vst v63  }
0x292: {  	_ =	swait.ge [sflag:s25], $0x3200  }
0x293: {  	[sflag:s25] =	ssyncset.done $0x0  }
0x294: {  	s8 =	simm.s32 $0x500;
	[sflag:s25] =	ssyncadd.s32 $0xFFFFCE00  }
0x295: {  	[tilespmem:s30], [sflag:$0x2] =	stream.indirect.gather [hbm4b:s4+s28], $0x80, s8, s28, $0xb8;
	[tilespmem:$0x1EC80] =	vst v63  }
0x296: {  	_ =	swait.ge [sflag:s10], $0x3200  }
0x297: {  	[sflag:s10] =	ssyncset.done $0x0  }
0x298: {  	s8 =	simm.s32 $0x1000;
	[sflag:s10] =	ssyncadd.s32 $0xFFFFCE00  }
0x299: {  	[spmem:s2] =	stream.indirect.scatter.add.f32 [tilespmem:s0], [sflag:$0x4], $0x80, s8, s28, $0xb8;
	[tilespmem:$0x1EC80] =	vst v63  }
0x29a: {  	_ =	swait.ge [sflag:s25], $0x3200  }
0x29b: {  	[sflag:s25] =	ssyncset.done $0x0  }
0x29c: {  	s6 =	simm.s32 $0x580;
	[sflag:s25] =	ssyncadd.s32 $0xFFFFCE00  }
0x29d: {  	[tilespmem:s0], [sflag:$0x3] =	stream.indirect.gather [hbm4b:s4+s28], $0x80, s6, s28, $0xb8;
	[tilespmem:$0x1EC80] =	vst v63  }
0x29e: {  	_ =	swait.ge [sflag:s1], $0x3200  }
0x29f: {  	[sflag:s1] =	ssyncset.done $0x0  }
0x2a0: {  	s6 =	simm.s32 $0x1080;
	[sflag:s1] =	ssyncadd.s32 $0xFFFFCE00  }
0x2a1: {  	[spmem:s2] =	stream.indirect.scatter.add.f32 [tilespmem:s24], [sflag:$0x4], $0x80, s6, s28, $0xb8;
	[tilespmem:$0x1EC80] =	vst v63  }
0x2a2: {  	_ =	swait.ge [sflag:s25], $0x3200  }
0x2a3: {  	[sflag:s25] =	ssyncset.done $0x0  }
0x2a4: {  	s6 =	simm.s32 $0x600;
	[sflag:s25] =	ssyncadd.s32 $0xFFFFCE00  }
0x2a5: {  	[tilespmem:s24], [sflag:$0x1] =	stream.indirect.gather [hbm4b:s4+s28], $0x80, s6, s28, $0xb8;
	[tilespmem:$0x1EC80] =	vst v63  }
0x2a6: {  	_ =	swait.ge [sflag:s7], $0x3200  }
0x2a7: {  	[sflag:s7] =	ssyncset.done $0x0  }
0x2a8: {  	s6 =	simm.s32 $0x1100;
	[sflag:s7] =	ssyncadd.s32 $0xFFFFCE00  }
0x2a9: {  	[spmem:s2] =	stream.indirect.scatter.add.f32 [tilespmem:s30], [sflag:$0x4], $0x80, s6, s28, $0xb8;
	[tilespmem:$0x1EC80] =	vst v63  }
0x2aa: {  	_ =	swait.ge [sflag:s25], $0x3200  }
0x2ab: {  	[sflag:s25] =	ssyncset.done $0x0  }
0x2ac: {  	s6 =	simm.s32 $0x680;
	[sflag:s25] =	ssyncadd.s32 $0xFFFFCE00  }
0x2ad: {  	[tilespmem:s30], [sflag:$0x2] =	stream.indirect.gather [hbm4b:s4+s28], $0x80, s6, s28, $0xb8;
	[tilespmem:$0x1EC80] =	vst v63  }
0x2ae: {  	_ =	swait.ge [sflag:s10], $0x3200  }
0x2af: {  	[sflag:s10] =	ssyncset.done $0x0  }
0x2b0: {  	s6 =	simm.s32 $0x1180;
	[sflag:s10] =	ssyncadd.s32 $0xFFFFCE00  }
0x2b1: {  	[spmem:s2] =	stream.indirect.scatter.add.f32 [tilespmem:s0], [sflag:$0x4], $0x80, s6, s28, $0xb8;
	[tilespmem:$0x1EC80] =	vst v63  }
0x2b2: {  	_ =	swait.ge [sflag:s25], $0x3200  }
0x2b3: {  	[sflag:s25] =	ssyncset.done $0x0  }
0x2b4: {  	s6 =	simm.s32 $0x700;
	[sflag:s25] =	ssyncadd.s32 $0xFFFFCE00  }
0x2b5: {  	[tilespmem:s0], [sflag:$0x3] =	stream.indirect.gather [hbm4b:s4+s28], $0x80, s6, s28, $0xb8;
	[tilespmem:$0x1EC80] =	vst v63  }
0x2b6: {  	_ =	swait.ge [sflag:s1], $0x3200  }
0x2b7: {  	[sflag:s1] =	ssyncset.done $0x0  }
0x2b8: {  	s6 =	simm.s32 $0x1200;
	[sflag:s1] =	ssyncadd.s32 $0xFFFFCE00  }
0x2b9: {  	[spmem:s2] =	stream.indirect.scatter.add.f32 [tilespmem:s24], [sflag:$0x4], $0x80, s6, s28, $0xb8;
	[tilespmem:$0x1EC80] =	vst v63  }
0x2ba: {  	_ =	swait.ge [sflag:s25], $0x3200  }
0x2bb: {  	[sflag:s25] =	ssyncset.done $0x0  }
0x2bc: {  	s6 =	simm.s32 $0x780;
	[sflag:s25] =	ssyncadd.s32 $0xFFFFCE00  }
0x2bd: {  	[tilespmem:s24], [sflag:$0x1] =	stream.indirect.gather [hbm4b:s4+s28], $0x80, s6, s28, $0xb8;
	[tilespmem:$0x1EC80] =	vst v63  }
0x2be: {  	_ =	swait.ge [sflag:s7], $0x3200  }
0x2bf: {  	[sflag:s7] =	ssyncset.done $0x0  }
0x2c0: {  	s6 =	simm.s32 $0x1280;
	[sflag:s7] =	ssyncadd.s32 $0xFFFFCE00  }
0x2c1: {  	[spmem:s2] =	stream.indirect.scatter.add.f32 [tilespmem:s30], [sflag:$0x4], $0x80, s6, s28, $0xb8;
	[tilespmem:$0x1EC80] =	vst v63  }
0x2c2: {  	_ =	swait.ge [sflag:s25], $0x3200  }
0x2c3: {  	[sflag:s25] =	ssyncset.done $0x0  }
0x2c4: {  	s6 =	simm.s32 $0x800;
	[sflag:s25] =	ssyncadd.s32 $0xFFFFCE00  }
0x2c5: {  	[tilespmem:s30], [sflag:$0x2] =	stream.indirect.gather [hbm4b:s4+s28], $0x80, s6, s28, $0xb8;
	[tilespmem:$0x1EC80] =	vst v63  }
0x2c6: {  	_ =	swait.ge [sflag:s10], $0x3200  }
0x2c7: {  	[sflag:s10] =	ssyncset.done $0x0  }
0x2c8: {  	s6 =	simm.s32 $0x1300;
	[sflag:s10] =	ssyncadd.s32 $0xFFFFCE00  }
0x2c9: {  	[spmem:s2] =	stream.indirect.scatter.add.f32 [tilespmem:s0], [sflag:$0x4], $0x80, s6, s28, $0xb8;
	[tilespmem:$0x1EC80] =	vst v63  }
0x2ca: {  	_ =	swait.ge [sflag:s25], $0x3200  }
0x2cb: {  	[sflag:s25] =	ssyncset.done $0x0  }
0x2cc: {  	s6 =	simm.s32 $0x880;
	[sflag:s25] =	ssyncadd.s32 $0xFFFFCE00  }
0x2cd: {  	[tilespmem:s0], [sflag:$0x3] =	stream.indirect.gather [hbm4b:s4+s28], $0x80, s6, s28, $0xb8;
	[tilespmem:$0x1EC80] =	vst v63  }
0x2ce: {  	_ =	swait.ge [sflag:s1], $0x3200  }
0x2cf: {  	[sflag:s1] =	ssyncset.done $0x0  }
0x2d0: {  	s6 =	simm.s32 $0x1380;
	[sflag:s1] =	ssyncadd.s32 $0xFFFFCE00  }
0x2d1: {  	[spmem:s2] =	stream.indirect.scatter.add.f32 [tilespmem:s24], [sflag:$0x4], $0x80, s6, s28, $0xb8;
	[tilespmem:$0x1EC80] =	vst v63  }
0x2d2: {  	_ =	swait.ge [sflag:s25], $0x3200  }
0x2d3: {  	[sflag:s25] =	ssyncset.done $0x0  }
0x2d4: {  	s6 =	simm.s32 $0x900;
	[sflag:s25] =	ssyncadd.s32 $0xFFFFCE00  }
0x2d5: {  	[tilespmem:s24], [sflag:$0x1] =	stream.indirect.gather [hbm4b:s4+s28], $0x80, s6, s28, $0xb8;
	[tilespmem:$0x1EC80] =	vst v63  }
0x2d6: {  	_ =	swait.ge [sflag:s7], $0x3200  }
0x2d7: {  	[sflag:s7] =	ssyncset.done $0x0  }
0x2d8: {  	s6 =	simm.s32 $0x1400;
	[sflag:s7] =	ssyncadd.s32 $0xFFFFCE00  }
0x2d9: {  	[spmem:s2] =	stream.indirect.scatter.add.f32 [tilespmem:s30], [sflag:$0x4], $0x80, s6, s28, $0xb8;
	[tilespmem:$0x1EC80] =	vst v63  }
0x2da: {  	_ =	swait.ge [sflag:s25], $0x3200  }
0x2db: {  	[sflag:s25] =	ssyncset.done $0x0  }
0x2dc: {  	s6 =	simm.s32 $0x980;
	[sflag:s25] =	ssyncadd.s32 $0xFFFFCE00  }
0x2dd: {  	[tilespmem:s30], [sflag:$0x2] =	stream.indirect.gather [hbm4b:s4+s28], $0x80, s6, s28, $0xb8;
	[tilespmem:$0x1EC80] =	vst v63  }
0x2de: {  	_ =	swait.ge [sflag:s10], $0x3200  }
0x2df: {  	[sflag:s10] =	ssyncset.done $0x0  }
0x2e0: {  	s6 =	simm.s32 $0x1480;
	[sflag:s10] =	ssyncadd.s32 $0xFFFFCE00  }
0x2e1: {  	[spmem:s2] =	stream.indirect.scatter.add.f32 [tilespmem:s0], [sflag:$0x4], $0x80, s6, s28, $0xb8;
	[tilespmem:$0x1EC80] =	vst v63  }
0x2e2: {  	_ =	swait.ge [sflag:s25], $0x3200  }
0x2e3: {  	[sflag:s25] =	ssyncset.done $0x0  }
0x2e4: {  	[sflag:s25] =	ssyncadd.s32 $0xFFFFCE00  }
0x2e5: {  	_ =	swait.ge [sflag:s1], $0x3200  }
0x2e6: {  	[sflag:s1] =	ssyncset.done $0x0  }
0x2e7: {  	s6 =	simm.s32 $0x1500;
	[sflag:s1] =	ssyncadd.s32 $0xFFFFCE00  }
0x2e8: {  	[spmem:s2] =	stream.indirect.scatter.add.f32 [tilespmem:s24], [sflag:$0x4], $0x80, s6, s28, $0xb8;
	[tilespmem:$0x1EC80] =	vst v63  }
0x2e9: {  	_ =	swait.ge [sflag:s25], $0x3200  }
0x2ea: {  	[sflag:s25] =	ssyncset.done $0x0  }
0x2eb: {  	[sflag:s25] =	ssyncadd.s32 $0xFFFFCE00  }
0x2ec: {  	_ =	swait.ge [sflag:s7], $0x3200  }
0x2ed: {  	[sflag:s7] =	ssyncset.done $0x0  }
0x2ee: {  	s6 =	simm.s32 $0x1580;
	[sflag:s7] =	ssyncadd.s32 $0xFFFFCE00  }
0x2ef: {  	[spmem:s2] =	stream.indirect.scatter.add.f32 [tilespmem:s30], [sflag:$0x4], $0x80, s6, s28, $0xb8;
	[tilespmem:$0x1EC80] =	vst v63  }
0x2f0: {  	_ =	swait.ge [sflag:s25], $0x3200  }
0x2f1: {  	[sflag:s25] =	ssyncset.done $0x0  }
0x2f2: {  	s6 =	rddreg [dreg:$0x13];
	[sflag:s25] =	ssyncadd.s32 $0xFFFFCE00  }
0x2f3: {  	[tilespmem:s23], [sflag:$0x4] =	stream.linear.gather [hbm4b:s6+s23], $0xA00, $0x38;
	[tilespmem:$0x1EC80] =	vst v63  }
0x2f4: {  	_ =	swait.ge [sflag:s25], $0xA00  }
0x2f5: {  	[sflag:s25] =	ssyncset.done $0x0  }
0x2f6: {  	s6 =	rddreg [dreg:$0x14];
	[sflag:s25] =	ssyncadd.s32 $0xFFFFF600  }
0x2f7: {  	[tilespmem:s3], [sflag:$0x4] =	stream.linear.gather [hbm4b:s6+s23], $0xA00, $0x38;
	[tilespmem:$0x1EC80] =	vst v63  }
0x2f8: {  	_ =	swait.ge [sflag:s25], $0xA00  }
0x2f9: {  	[sflag:s25] =	ssyncset.done $0x0  }
0x2fa: {  	[sflag:s25] =	ssyncadd.s32 $0xFFFFF600  }
0x2fb: {  	[tilespmem:s24], [sflag:$0x1] =	stream.indirect.gather [hbm4b:s4+s28], $0x80, s23, s28, $0xb8;
	[tilespmem:$0x1EC80] =	vst v63  }
0x2fc: {  	s5 =	simm.s32 $0x80  }
0x2fd: {  	[tilespmem:s30], [sflag:$0x2] =	stream.indirect.gather [hbm4b:s4+s28], $0x80, s5, s28, $0xb8;
	[tilespmem:$0x1EC80] =	vst v63  }
0x2fe: {  	s9 =	simm.s32 $0x100  }
0x2ff: {  	[tilespmem:s0], [sflag:$0x3] =	stream.indirect.gather [hbm4b:s4+s28], $0x80, s9, s28, $0xb8;
	[tilespmem:$0x1EC80] =	vst v63  }
0x300: {  	_ =	swait.ge [sflag:s1], $0x3200  }
0x301: {  	[sflag:s1] =	ssyncset.done $0x0  }
0x302: {  	[sflag:s1] =	ssyncadd.s32 $0xFFFFCE00  }
0x303: {  	[spmem:s2] =	stream.indirect.scatter.add.f32 [tilespmem:s24], [sflag:$0x4], $0x80, s3, s28, $0xb8;
	[tilespmem:$0x1EC80] =	vst v63  }
0x304: {  	_ =	swait.ge [sflag:s25], $0x3200  }
0x305: {  	[sflag:s25] =	ssyncset.done $0x0  }
0x306: {  	s11 =	simm.s32 $0x180;
	[sflag:s25] =	ssyncadd.s32 $0xFFFFCE00  }
0x307: {  	[tilespmem:s24], [sflag:$0x1] =	stream.indirect.gather [hbm4b:s4+s28], $0x80, s11, s28, $0xb8;
	[tilespmem:$0x1EC80] =	vst v63  }
0x308: {  	_ =	swait.ge [sflag:s7], $0x3200  }
0x309: {  	[sflag:s7] =	ssyncset.done $0x0  }
0x30a: {  	s12 =	simm.s32 $0xC80;
	[sflag:s7] =	ssyncadd.s32 $0xFFFFCE00  }
0x30b: {  	[spmem:s2] =	stream.indirect.scatter.add.f32 [tilespmem:s30], [sflag:$0x4], $0x80, s12, s28, $0xb8;
	[tilespmem:$0x1EC80] =	vst v63  }
0x30c: {  	_ =	swait.ge [sflag:s25], $0x3200  }
0x30d: {  	[sflag:s25] =	ssyncset.done $0x0  }
0x30e: {  	s13 =	simm.s32 $0x200;
	[sflag:s25] =	ssyncadd.s32 $0xFFFFCE00  }
0x30f: {  	[tilespmem:s30], [sflag:$0x2] =	stream.indirect.gather [hbm4b:s4+s28], $0x80, s13, s28, $0xb8;
	[tilespmem:$0x1EC80] =	vst v63  }
0x310: {  	_ =	swait.ge [sflag:s10], $0x3200  }
0x311: {  	[sflag:s10] =	ssyncset.done $0x0  }
0x312: {  	s14 =	simm.s32 $0xD00;
	[sflag:s10] =	ssyncadd.s32 $0xFFFFCE00  }
0x313: {  	[spmem:s2] =	stream.indirect.scatter.add.f32 [tilespmem:s0], [sflag:$0x4], $0x80, s14, s28, $0xb8;
	[tilespmem:$0x1EC80] =	vst v63  }
0x314: {  	_ =	swait.ge [sflag:s25], $0x3200  }
0x315: {  	[sflag:s25] =	ssyncset.done $0x0  }
0x316: {  	s15 =	simm.s32 $0x280;
	[sflag:s25] =	ssyncadd.s32 $0xFFFFCE00  }
0x317: {  	[tilespmem:s0], [sflag:$0x3] =	stream.indirect.gather [hbm4b:s4+s28], $0x80, s15, s28, $0xb8;
	[tilespmem:$0x1EC80] =	vst v63  }
0x318: {  	_ =	swait.ge [sflag:s1], $0x3200  }
0x319: {  	[sflag:s1] =	ssyncset.done $0x0  }
0x31a: {  	s16 =	simm.s32 $0xD80;
	[sflag:s1] =	ssyncadd.s32 $0xFFFFCE00  }
0x31b: {  	[spmem:s2] =	stream.indirect.scatter.add.f32 [tilespmem:s24], [sflag:$0x4], $0x80, s16, s28, $0xb8;
	[tilespmem:$0x1EC80] =	vst v63  }
0x31c: {  	_ =	swait.ge [sflag:s25], $0x3200  }
0x31d: {  	[sflag:s25] =	ssyncset.done $0x0  }
0x31e: {  	s17 =	simm.s32 $0x300;
	[sflag:s25] =	ssyncadd.s32 $0xFFFFCE00  }
0x31f: {  	[tilespmem:s24], [sflag:$0x1] =	stream.indirect.gather [hbm4b:s4+s28], $0x80, s17, s28, $0xb8;
	[tilespmem:$0x1EC80] =	vst v63  }
0x320: {  	_ =	swait.ge [sflag:s7], $0x3200  }
0x321: {  	[sflag:s7] =	ssyncset.done $0x0  }
0x322: {  	s18 =	simm.s32 $0xE00;
	[sflag:s7] =	ssyncadd.s32 $0xFFFFCE00  }
0x323: {  	[spmem:s2] =	stream.indirect.scatter.add.f32 [tilespmem:s30], [sflag:$0x4], $0x80, s18, s28, $0xb8;
	[tilespmem:$0x1EC80] =	vst v63  }
0x324: {  	_ =	swait.ge [sflag:s25], $0x3200  }
0x325: {  	[sflag:s25] =	ssyncset.done $0x0  }
0x326: {  	s19 =	simm.s32 $0x380;
	[sflag:s25] =	ssyncadd.s32 $0xFFFFCE00  }
0x327: {  	[tilespmem:s30], [sflag:$0x2] =	stream.indirect.gather [hbm4b:s4+s28], $0x80, s19, s28, $0xb8;
	[tilespmem:$0x1EC80] =	vst v63  }
0x328: {  	_ =	swait.ge [sflag:s10], $0x3200  }
0x329: {  	[sflag:s10] =	ssyncset.done $0x0  }
0x32a: {  	s20 =	simm.s32 $0xE80;
	[sflag:s10] =	ssyncadd.s32 $0xFFFFCE00  }
0x32b: {  	[spmem:s2] =	stream.indirect.scatter.add.f32 [tilespmem:s0], [sflag:$0x4], $0x80, s20, s28, $0xb8;
	[tilespmem:$0x1EC80] =	vst v63  }
0x32c: {  	_ =	swait.ge [sflag:s25], $0x3200  }
0x32d: {  	[sflag:s25] =	ssyncset.done $0x0  }
0x32e: {  	s21 =	simm.s32 $0x400;
	[sflag:s25] =	ssyncadd.s32 $0xFFFFCE00  }
0x32f: {  	[tilespmem:s0], [sflag:$0x3] =	stream.indirect.gather [hbm4b:s4+s28], $0x80, s21, s28, $0xb8;
	[tilespmem:$0x1EC80] =	vst v63  }
0x330: {  	_ =	swait.ge [sflag:s1], $0x3200  }
0x331: {  	[sflag:s1] =	ssyncset.done $0x0  }
0x332: {  	s22 =	simm.s32 $0xF00;
	[sflag:s1] =	ssyncadd.s32 $0xFFFFCE00  }
0x333: {  	[spmem:s2] =	stream.indirect.scatter.add.f32 [tilespmem:s24], [sflag:$0x4], $0x80, s22, s28, $0xb8;
	[tilespmem:$0x1EC80] =	vst v63  }
0x334: {  	_ =	swait.ge [sflag:s25], $0x3200  }
0x335: {  	[sflag:s25] =	ssyncset.done $0x0  }
0x336: {  	s31 =	simm.s32 $0x480;
	[sflag:s25] =	ssyncadd.s32 $0xFFFFCE00  }
0x337: {  	[tilespmem:s24], [sflag:$0x1] =	stream.indirect.gather [hbm4b:s4+s28], $0x80, s31, s28, $0xb8;
	[tilespmem:$0x1EC80] =	vst v63  }
0x338: {  	_ =	swait.ge [sflag:s7], $0x3200  }
0x339: {  	[sflag:s7] =	ssyncset.done $0x0  }
0x33a: {  	s26 =	simm.s32 $0xF80;
	[sflag:s7] =	ssyncadd.s32 $0xFFFFCE00  }
0x33b: {  	[spmem:s2] =	stream.indirect.scatter.add.f32 [tilespmem:s30], [sflag:$0x4], $0x80, s26, s28, $0xb8;
	[tilespmem:$0x1EC80] =	vst v63  }
0x33c: {  	_ =	swait.ge [sflag:s25], $0x3200  }
0x33d: {  	[sflag:s25] =	ssyncset.done $0x0  }
0x33e: {  	s17 =	simm.s32 $0x500;
	[sflag:s25] =	ssyncadd.s32 $0xFFFFCE00  }
0x33f: {  	[tilespmem:s30], [sflag:$0x2] =	stream.indirect.gather [hbm4b:s4+s28], $0x80, s17, s28, $0xb8;
	[tilespmem:$0x1EC80] =	vst v63  }
0x340: {  	_ =	swait.ge [sflag:s10], $0x3200  }
0x341: {  	[sflag:s10] =	ssyncset.done $0x0  }
0x342: {  	s8 =	simm.s32 $0x1000;
	[sflag:s10] =	ssyncadd.s32 $0xFFFFCE00  }
0x343: {  	[spmem:s2] =	stream.indirect.scatter.add.f32 [tilespmem:s0], [sflag:$0x4], $0x80, s8, s28, $0xb8;
	[tilespmem:$0x1EC80] =	vst v63  }
0x344: {  	_ =	swait.ge [sflag:s25], $0x3200  }
0x345: {  	[sflag:s25] =	ssyncset.done $0x0  }
0x346: {  	s18 =	simm.s32 $0x580;
	[sflag:s25] =	ssyncadd.s32 $0xFFFFCE00  }
0x347: {  	[tilespmem:s0], [sflag:$0x3] =	stream.indirect.gather [hbm4b:s4+s28], $0x80, s18, s28, $0xb8;
	[tilespmem:$0x1EC80] =	vst v63  }
0x348: {  	_ =	swait.ge [sflag:s1], $0x3200  }
0x349: {  	[sflag:s1] =	ssyncset.done $0x0  }
0x34a: {  	s19 =	simm.s32 $0x1080;
	[sflag:s1] =	ssyncadd.s32 $0xFFFFCE00  }
0x34b: {  	[spmem:s2] =	stream.indirect.scatter.add.f32 [tilespmem:s24], [sflag:$0x4], $0x80, s19, s28, $0xb8;
	[tilespmem:$0x1EC80] =	vst v63  }
0x34c: {  	_ =	swait.ge [sflag:s25], $0x3200  }
0x34d: {  	[sflag:s25] =	ssyncset.done $0x0  }
0x34e: {  	s20 =	simm.s32 $0x600;
	[sflag:s25] =	ssyncadd.s32 $0xFFFFCE00  }
0x34f: {  	[tilespmem:s24], [sflag:$0x1] =	stream.indirect.gather [hbm4b:s4+s28], $0x80, s20, s28, $0xb8;
	[tilespmem:$0x1EC80] =	vst v63  }
0x350: {  	_ =	swait.ge [sflag:s7], $0x3200  }
0x351: {  	[sflag:s7] =	ssyncset.done $0x0  }
0x352: {  	s21 =	simm.s32 $0x1100;
	[sflag:s7] =	ssyncadd.s32 $0xFFFFCE00  }
0x353: {  	[spmem:s2] =	stream.indirect.scatter.add.f32 [tilespmem:s30], [sflag:$0x4], $0x80, s21, s28, $0xb8;
	[tilespmem:$0x1EC80] =	vst v63  }
0x354: {  	_ =	swait.ge [sflag:s25], $0x3200  }
0x355: {  	[sflag:s25] =	ssyncset.done $0x0  }
0x356: {  	s22 =	simm.s32 $0x680;
	[sflag:s25] =	ssyncadd.s32 $0xFFFFCE00  }
0x357: {  	[tilespmem:s30], [sflag:$0x2] =	stream.indirect.gather [hbm4b:s4+s28], $0x80, s22, s28, $0xb8;
	[tilespmem:$0x1EC80] =	vst v63  }
0x358: {  	_ =	swait.ge [sflag:s10], $0x3200  }
0x359: {  	[sflag:s10] =	ssyncset.done $0x0  }
0x35a: {  	s26 =	simm.s32 $0x1180;
	[sflag:s10] =	ssyncadd.s32 $0xFFFFCE00  }
0x35b: {  	[spmem:s2] =	stream.indirect.scatter.add.f32 [tilespmem:s0], [sflag:$0x4], $0x80, s26, s28, $0xb8;
	[tilespmem:$0x1EC80] =	vst v63  }
0x35c: {  	_ =	swait.ge [sflag:s25], $0x3200  }
0x35d: {  	[sflag:s25] =	ssyncset.done $0x0  }
0x35e: {  	s31 =	simm.s32 $0x700;
	[sflag:s25] =	ssyncadd.s32 $0xFFFFCE00  }
0x35f: {  	[tilespmem:s0], [sflag:$0x3] =	stream.indirect.gather [hbm4b:s4+s28], $0x80, s31, s28, $0xb8;
	[tilespmem:$0x1EC80] =	vst v63  }
0x360: {  	_ =	swait.ge [sflag:s1], $0x3200  }
0x361: {  	[sflag:s1] =	ssyncset.done $0x0  }
0x362: {  	s5 =	simm.s32 $0x1200;
	[sflag:s1] =	ssyncadd.s32 $0xFFFFCE00  }
0x363: {  	[spmem:s2] =	stream.indirect.scatter.add.f32 [tilespmem:s24], [sflag:$0x4], $0x80, s5, s28, $0xb8;
	[tilespmem:$0x1EC80] =	vst v63  }
0x364: {  	_ =	swait.ge [sflag:s25], $0x3200  }
0x365: {  	[sflag:s25] =	ssyncset.done $0x0  }
0x366: {  	s6 =	simm.s32 $0x780;
	[sflag:s25] =	ssyncadd.s32 $0xFFFFCE00  }
0x367: {  	[tilespmem:s24], [sflag:$0x1] =	stream.indirect.gather [hbm4b:s4+s28], $0x80, s6, s28, $0xb8;
	[tilespmem:$0x1EC80] =	vst v63  }
0x368: {  	_ =	swait.ge [sflag:s7], $0x3200  }
0x369: {  	[sflag:s7] =	ssyncset.done $0x0  }
0x36a: {  	s8 =	simm.s32 $0x1280;
	[sflag:s7] =	ssyncadd.s32 $0xFFFFCE00  }
0x36b: {  	[spmem:s2] =	stream.indirect.scatter.add.f32 [tilespmem:s30], [sflag:$0x4], $0x80, s8, s28, $0xb8;
	[tilespmem:$0x1EC80] =	vst v63  }
0x36c: {  	_ =	swait.ge [sflag:s25], $0x3200  }
0x36d: {  	[sflag:s25] =	ssyncset.done $0x0  }
0x36e: {  	s9 =	simm.s32 $0x800;
	[sflag:s25] =	ssyncadd.s32 $0xFFFFCE00  }
0x36f: {  	[tilespmem:s30], [sflag:$0x2] =	stream.indirect.gather [hbm4b:s4+s28], $0x80, s9, s28, $0xb8;
	[tilespmem:$0x1EC80] =	vst v63  }
0x370: {  	_ =	swait.ge [sflag:s10], $0x3200  }
0x371: {  	[sflag:s10] =	ssyncset.done $0x0  }
0x372: {  	s11 =	simm.s32 $0x1300;
	[sflag:s10] =	ssyncadd.s32 $0xFFFFCE00  }
0x373: {  	[spmem:s2] =	stream.indirect.scatter.add.f32 [tilespmem:s0], [sflag:$0x4], $0x80, s11, s28, $0xb8;
	[tilespmem:$0x1EC80] =	vst v63  }
0x374: {  	_ =	swait.ge [sflag:s25], $0x3200  }
0x375: {  	[sflag:s25] =	ssyncset.done $0x0  }
0x376: {  	s12 =	simm.s32 $0x880;
	[sflag:s25] =	ssyncadd.s32 $0xFFFFCE00  }
0x377: {  	[tilespmem:s0], [sflag:$0x3] =	stream.indirect.gather [hbm4b:s4+s28], $0x80, s12, s28, $0xb8;
	[tilespmem:$0x1EC80] =	vst v63  }
0x378: {  	_ =	swait.ge [sflag:s1], $0x3200  }
0x379: {  	[sflag:s1] =	ssyncset.done $0x0  }
0x37a: {  	s13 =	simm.s32 $0x1380;
	[sflag:s1] =	ssyncadd.s32 $0xFFFFCE00  }
0x37b: {  	[spmem:s2] =	stream.indirect.scatter.add.f32 [tilespmem:s24], [sflag:$0x4], $0x80, s13, s28, $0xb8;
	[tilespmem:$0x1EC80] =	vst v63  }
0x37c: {  	_ =	swait.ge [sflag:s25], $0x3200  }
0x37d: {  	[sflag:s25] =	ssyncset.done $0x0  }
0x37e: {  	s14 =	simm.s32 $0x900;
	[sflag:s25] =	ssyncadd.s32 $0xFFFFCE00  }
0x37f: {  	[tilespmem:s24], [sflag:$0x1] =	stream.indirect.gather [hbm4b:s4+s28], $0x80, s14, s28, $0xb8;
	[tilespmem:$0x1EC80] =	vst v63  }
0x380: {  	_ =	swait.ge [sflag:s7], $0x3200  }
0x381: {  	[sflag:s7] =	ssyncset.done $0x0  }
0x382: {  	s15 =	simm.s32 $0x1400;
	[sflag:s7] =	ssyncadd.s32 $0xFFFFCE00  }
0x383: {  	[spmem:s2] =	stream.indirect.scatter.add.f32 [tilespmem:s30], [sflag:$0x4], $0x80, s15, s28, $0xb8;
	[tilespmem:$0x1EC80] =	vst v63  }
0x384: {  	_ =	swait.ge [sflag:s25], $0x3200  }
0x385: {  	[sflag:s25] =	ssyncset.done $0x0  }
0x386: {  	s16 =	simm.s32 $0x980;
	[sflag:s25] =	ssyncadd.s32 $0xFFFFCE00  }
0x387: {  	[tilespmem:s30], [sflag:$0x2] =	stream.indirect.gather [hbm4b:s4+s28], $0x80, s16, s28, $0xb8;
	[tilespmem:$0x1EC80] =	vst v63  }
0x388: {  	_ =	swait.ge [sflag:s10], $0x3200  }
0x389: {  	[sflag:s10] =	ssyncset.done $0x0  }
0x38a: {  	s17 =	simm.s32 $0x1480;
	[sflag:s10] =	ssyncadd.s32 $0xFFFFCE00  }
0x38b: {  	[spmem:s2] =	stream.indirect.scatter.add.f32 [tilespmem:s0], [sflag:$0x4], $0x80, s17, s28, $0xb8;
	[tilespmem:$0x1EC80] =	vst v63  }
0x38c: {  	_ =	swait.ge [sflag:s25], $0x3200  }
0x38d: {  	[sflag:s25] =	ssyncset.done $0x0  }
0x38e: {  	[sflag:s25] =	ssyncadd.s32 $0xFFFFCE00  }
0x38f: {  	_ =	swait.ge [sflag:s1], $0x3200  }
0x390: {  	[sflag:s1] =	ssyncset.done $0x0  }
0x391: {  	s18 =	simm.s32 $0x1500;
	[sflag:s1] =	ssyncadd.s32 $0xFFFFCE00  }
0x392: {  	[spmem:s2] =	stream.indirect.scatter.add.f32 [tilespmem:s24], [sflag:$0x4], $0x80, s18, s28, $0xb8;
	[tilespmem:$0x1EC80] =	vst v63  }
0x393: {  	_ =	swait.ge [sflag:s25], $0x3200  }
0x394: {  	[sflag:s25] =	ssyncset.done $0x0  }
0x395: {  	[sflag:s25] =	ssyncadd.s32 $0xFFFFCE00  }
0x396: {  	_ =	swait.ge [sflag:s7], $0x3200  }
0x397: {  	[sflag:s7] =	ssyncset.done $0x0  }
0x398: {  	s19 =	simm.s32 $0x1580;
	[sflag:s7] =	ssyncadd.s32 $0xFFFFCE00  }
0x399: {  	[spmem:s2] =	stream.indirect.scatter.add.f32 [tilespmem:s30], [sflag:$0x4], $0x80, s19, s28, $0xb8;
	[tilespmem:$0x1EC80] =	vst v63  }
0x39a: {  	_ =	swait.ge [sflag:s25], $0x3200  }
0x39b: {  	[sflag:s25] =	ssyncset.done $0x0  }
0x39c: {  	[sflag:s25] =	ssyncadd.s32 $0xFFFFCE00  }
0x39d: {  	s20 =	stileid.u32;
	[bflag:$0x0] =	sbarrier.arrive $0xFFFF  }
0x39e: {  	s6 =	sshll.u32 s20, $0x6;
	s21 =	rddreg [dreg:$0x4]  }
0x39f: {  	s6 =	sor.u32 $0x1C04, s6;
	s26 =	rddreg [dreg:$0x15];
	s22 =	sshrl.u32 s21, $0x3  }
0x3a0: {  	[hbm:s26], [sflag:s6] =	dma.local [spmem:s22], $0x2710  }
0x3a1: {  	_ =	swait.ge [sflag:s25], $0x2710  }
0x3a2: {  	s29 =	sadd.s32 $0x1, s29;
	s31 =	rddreg [dreg:$0x16]  }
0x3a3: {  	p0 =	sne.s32 s29, s31  }
.Ltmp1:
0x3a4: {  	_ = 	snop;
	(pc) =	sbr.rel @p0 .LBB2_1-.Ltmp1, $3  }
0x3a5: {  	_ =	sdelay $0x1  }
0x3a6: {  	[sflag:s25] =	ssyncset.done $0x0  }
0x3a7: {  	[sflag:s25] =	ssyncadd.s32 $0xFFFFD8F0  }
0x3a8: {  	_ =	sfence.sel $0x180000  }
0x3a9: {  	[bflag:$0x0] =	sbarrier.arrive $0xFFFF  }
0x3aa: {  	_ =	strace $0x90000047  }
0x3ab: {  	s0 =	stileid.u32;
	[bflag:$0x2] =	sbarrier.arrive $0xFFFF  }
0x3ac: {  	p0 =	sne.s32 s0, $0x0;
	s0 =	rddreg [dreg:$0x3]  }
0x3ad: {  	s0 =	sadd.s32 @!p0 $0x100000, s0  }
0x3ae: {  	[sflag:s0] =	ssyncadd.tile.s32 @!p0 $0x1;
	_ =	shalt  }
.Lfunc_end2:
_tile_overlayer_lowered:
.L_overlay_start_2:
0x3af: {  	(tag) =	ssettag $0x2  }
0x3b0: {  	s0 =	rddreg [dreg:$0x0];
	s2 =	stileid.u32  }
0x3b1: {  	s1 =	rddreg [dreg:$0x1];
	p0 =	sne.s32 s2, $0x0  }
0x3b2: {  	s3 =	rddreg [dreg:$0x2];
	[bflag:$0x3] =	sbarrier.arrive $0xFFFF;
	s2 =	simm.s32 @!p0 $0x1C04  }
0x3b3: {  	[timem:s3], [sflag:s2] =	dma.local @!p0 [hbm:s0], s1  }
0x3b4: {  	s0 =	simm.s32 @!p0 $0x4  }
0x3b5: {  	_ =	swait.ge @!p0 [sflag:s0], s1  }
0x3b6: {  	s1 =	ssub.s32 @!p0 $0x0, s1;
	[sflag:s0] =	ssyncset.done @!p0 $0x0  }
0x3b7: {  	[sflag:s0] =	ssyncadd.s32 @!p0 s1  }
0x3b8: {  	[bflag:$0x3] =	sbarrier.arrive $0xFFFF  }
0x3b9: {  	_ =	shalt  }

</sc_bundles>
